<compile_context>
chip_gen: v7x
topology: tpu7x:2x2x1
jax: 0.10.2.dev20260603
libtpu: 0.0.44.dev20260713+nightly
codegen_flags: <defaults>
</compile_context>

<pallas_src>
import functools

import jax
import jax.numpy as jnp
from jax import lax
from jax.experimental import pallas as pl
from jax.experimental.pallas import tpu as pltpu
from jax.experimental.pallas import tpu_sc as plsc

_DIM = 4096
_E = 64
_R = 8
_IN = 2 * _DIM
_BZ = 4
_SEQ = 2048
_ROWS = 512
_NSTEPS = _BZ * _SEQ // _ROWS
_NC = 2
_NS = 16
_L = 16
_NEG = -1e30

_sc_mesh = plsc.VectorSubcoreMesh(
    core_axis_name="c", subcore_axis_name="s", num_cores=_NC, num_subcores=_NS)


def _vsum(v):
    return plsc.cumsum(v)[_L - 1]


def _vmax(v):
    return plsc.cummax(v)[_L - 1]


def _vmin_i32(v):
    return -plsc.cummax(-v)[_L - 1]


@functools.partial(
    pl.kernel,
    out_type=jax.ShapeDtypeStruct((_NC * _BZ * _E,), jnp.float32),
    mesh=_sc_mesh,
    compiler_params=pltpu.CompilerParams(needs_layout_passes=False),
    scratch_types=[
        pltpu.VMEM((256, 128), jnp.float32),
        pltpu.VMEM((256, 128), jnp.float32),
        pltpu.VMEM((_IN,), jnp.float32),
        pltpu.VMEM((_IN,), jnp.float32),
        pltpu.VMEM((_L,), jnp.float32),
        pltpu.VMEM((_L,), jnp.float32),
        pltpu.VMEM((4 * _E,), jnp.float32),
        pltpu.VMEM((_NS * _L,), jnp.float32),
        pltpu.VMEM((_E,), jnp.float32),
        pltpu.VMEM_SHARED((4 * _E,), jnp.float32),
        pltpu.VMEM_SHARED((_NS * _L,), jnp.float32),
        pltpu.SemaphoreType.DMA,
        pltpu.SemaphoreType.DMA,
    ],
)
def _sc_gate2(wp_hbm, la_hbm, x_hbm, out_hbm, xbuf0, xbuf1, buf0, buf1,
              stage16, a16, wp_local, a_local, orow, wp_sh, a_sh,
              sem0, sem1):
    c = lax.axis_index("c")
    t = lax.axis_index("s")
    iota = lax.iota(jnp.int32, _L)
    bufs = (buf0, buf1)
    sems = (sem0, sem1)

    def src_wp(p):
        e = 4 * t + p // 4
        r = 4 * c + (p % 4)
        return wp_hbm.at[e, pl.ds(r * _IN, _IN)]

    def src_la():
        b = t // 4
        r = 4 * c + (t % 4)
        return la_hbm.at[b, r, :]

    def reduce_buf(buf):
        zero = jnp.zeros((_L,), jnp.float32)

        def step(i, accs):
            a0, a1, a2, a3 = accs
            base = i * 256
            for j in range(4):
                a0 = a0 + buf[pl.ds(base + j * 64, _L)]
                a1 = a1 + buf[pl.ds(base + j * 64 + 16, _L)]
                a2 = a2 + buf[pl.ds(base + j * 64 + 32, _L)]
                a3 = a3 + buf[pl.ds(base + j * 64 + 48, _L)]
            return (a0, a1, a2, a3)

        a0, a1, a2, a3 = lax.fori_loop(0, _IN // 256, step, (zero,) * 4)
        return _vsum(a0 + a1 + a2 + a3)

    cp = pltpu.async_copy(src_wp(0), buf0, sem0)
    stage = jnp.zeros((_L,), jnp.float32)
    for p in range(16):
        cur = bufs[p % 2]
        nxt = bufs[(p + 1) % 2]
        nsem = sems[(p + 1) % 2]
        ncp = pltpu.async_copy(src_wp(p + 1) if p < 15 else src_la(),
                               nxt, nsem)
        cp.wait()
        stage = jnp.where(iota == p, reduce_buf(cur), stage)
        cp = ncp
    stage16[...] = stage
    pltpu.sync_copy(stage16, wp_sh.at[pl.ds(_L * t, _L)])
    cp.wait()
    a16[...] = jnp.full((_L,), reduce_buf(bufs[0]), jnp.float32)
    pltpu.sync_copy(a16, a_sh.at[pl.ds(_L * t, _L)])

    wid = c * _NS + t
    f0 = 2048 + (wid % 16) * 128
    rbase = (wid // 16) * 1024
    xbufs = (xbuf0, xbuf1)

    def xsrc(q):
        return x_hbm.at[q // 4, pl.ds(rbase + (q % 4) * 256, 256),
                        pl.ds(f0, 128)]

    xcp = pltpu.async_copy(xsrc(0), xbuf0, sem0)
    for q in range(16):
        if q < 15:
            nxcp = pltpu.async_copy(xsrc(q + 1), xbufs[(q + 1) % 2],
                                    sems[(q + 1) % 2])
        xcp.wait()
        if q < 15:
            xcp = nxcp
    plsc.subcore_barrier()

    @pl.when(t < _BZ)
    def _():
        b = t
        pltpu.sync_copy(wp_sh, wp_local)
        pltpu.sync_copy(a_sh, a_local)
        acc = [jnp.zeros((_L,), jnp.float32) for _ in range(4)]
        for rl in range(4):
            a = a_local[pl.ds((b * 4 + rl) * _L, _L)][0]
            l2 = [a * plsc.load_gather(wp_local, [(iota + _L * k) * 4 + rl])
                  for k in range(4)]
            m = _vmax(jnp.maximum(jnp.maximum(l2[0], l2[1]),
                                  jnp.maximum(l2[2], l2[3])))
            ex = [jnp.exp(v - m) for v in l2]
            tot = _vsum(ex[0] + ex[1] + ex[2] + ex[3])
            acc = [acc[k] + ex[k] / tot for k in range(4)]
        for k in range(4):
            orow[pl.ds(_L * k, _L)] = acc[k]
        pltpu.sync_copy(orow, out_hbm.at[pl.ds((c * _BZ + b) * _E, _E)])


@functools.partial(
    pl.kernel,
    out_type=jax.ShapeDtypeStruct((_BZ * _L,), jnp.int32),
    mesh=_sc_mesh,
    compiler_params=pltpu.CompilerParams(needs_layout_passes=False),
    scratch_types=[
        pltpu.VMEM((_E,), jnp.float32),
        pltpu.VMEM((_E,), jnp.float32),
        pltpu.VMEM((_E,), jnp.float32),
        pltpu.VMEM((_L,), jnp.int32),
    ],
)
def _sc_topk(s1_hbm, s2_hbm, out_hbm, v1b, h0b, h1b, ob):
    c = lax.axis_index("c")
    t = lax.axis_index("s")
    iota = lax.iota(jnp.int32, _L)

    @pl.when((c == 0) & (t < _BZ))
    def _():
        b = t
        pltpu.sync_copy(s1_hbm.at[b, :], v1b)
        pltpu.sync_copy(s2_hbm.at[pl.ds(b * _E, _E)], h0b)
        pltpu.sync_copy(s2_hbm.at[pl.ds((_BZ + b) * _E, _E)], h1b)
        s2 = [h0b[pl.ds(_L * k, _L)] + h1b[pl.ds(_L * k, _L)]
              for k in range(4)]
        m = _vmax(jnp.maximum(jnp.maximum(s2[0], s2[1]),
                              jnp.maximum(s2[2], s2[3])))
        ex = [jnp.exp(v - m) for v in s2]
        tot = _vsum(ex[0] + ex[1] + ex[2] + ex[3])
        vals = [v1b[pl.ds(_L * k, _L)] + ex[k] / tot for k in range(4)]
        iotas = [iota + _L * k for k in range(4)]
        outv = jnp.zeros((_L,), jnp.int32)
        for kk in range(_R):
            m2 = _vmax(jnp.maximum(jnp.maximum(vals[0], vals[1]),
                                   jnp.maximum(vals[2], vals[3])))
            cand = [jnp.where(vals[k] >= m2, iotas[k], _E) for k in range(4)]
            idx = _vmin_i32(jnp.minimum(jnp.minimum(cand[0], cand[1]),
                                        jnp.minimum(cand[2], cand[3])))
            outv = jnp.where(iota == kk, idx, outv)
            vals = [jnp.where(iotas[k] == idx, _NEG, vals[k])
                    for k in range(4)]
        ob[...] = outv
        pltpu.sync_copy(ob, out_hbm.at[pl.ds(b * _L, _L)])


def _softmax_lanes(x):
    m = jnp.max(x, axis=-1, keepdims=True)
    e = jnp.exp(x - m)
    return e / jnp.sum(e, axis=-1, keepdims=True)


def _dot_t(a, b):
    return jax.lax.dot_general(
        a, b, (((1,), (1,)), ((), ())), preferred_element_type=jnp.float32)


def _tc_body(x_ref, wb_ref, instr_ref, out_ref, acc_ref):
    s = pl.program_id(0)

    @pl.when(s == 0)
    def _():
        acc_ref[...] = jnp.zeros_like(acc_ref)

    blk = x_ref[...]
    ones = jnp.ones((1, _ROWS), jnp.float32)
    partial = jnp.dot(ones, blk, preferred_element_type=jnp.float32)
    b = s // (_SEQ // _ROWS)
    acc_ref[pl.ds(b, 1), :] += partial

    @pl.when(s == _NSTEPS - 1)
    def _():
        mean = acc_ref[...] * (1.0 / _SEQ)
        wb = wb_ref[...]
        l1 = _dot_t(instr_ref[...], wb[:, :_DIM]) + _dot_t(mean, wb[:, _DIM:])
        out_ref[...] = _softmax_lanes(l1)


@jax.jit
def kernel(input_x, instr_x, lora_A_param, W_B, W_P):
    s2h = _sc_gate2(W_P, lora_A_param, input_x)
    s1 = pl.pallas_call(
        _tc_body,
        grid=(_NSTEPS,),
        in_specs=[
            pl.BlockSpec((_ROWS, _DIM), lambda s: (s, 0)),
            pl.BlockSpec((_E, _IN), lambda s: (0, 0)),
            pl.BlockSpec((_BZ, _DIM), lambda s: (0, 0)),
        ],
        out_specs=pl.BlockSpec((_BZ, _E), lambda s: (0, 0)),
        out_shape=jax.ShapeDtypeStruct((_BZ, _E), jnp.float32),
        scratch_shapes=[pltpu.VMEM((_BZ, _DIM), jnp.float32)],
    )(input_x.reshape(_BZ * _SEQ, _DIM), W_B, instr_x)
    idx = _sc_topk(s1, s2h)
    return idx.reshape(_BZ, _L)[:, :_R]

# --- scband reference (transcript-rebuilt; emitter-appended) ---
"""Pipeline reference for scband-cmo-alo-ra2-b-selector-64390149701866 (READ-ONLY COPY).

The authoritative reference and input builder live on the scoring server;
editing this copy changes nothing except your own understanding.
"""

import jax, jax.numpy as jnp
import numpy as np

DIM = 4096
NUM_EXPERTS = 64
R = 8
IN_DIM = 2 * DIM  # instr (dim) + input mean (dim)
IFS_WEIGHT = 1.0


def setup_inputs(seed: int = 0) -> dict:
    key = jax.random.key(seed)
    k1, k2, k3, k4, k5 = jax.random.split(key, 5)
    input_x = jax.random.normal(k1, (4, 2048, DIM), dtype=jnp.float32)
    instr_x = jax.random.normal(k2, (4, DIM), dtype=jnp.float32)
    lora_A_param = jax.random.normal(k3, (4, R, IN_DIM), dtype=jnp.float32)
    # nn.Linear(in_dim, num_experts, bias=False) weight: [E, in_dim]
    W_B = jax.random.normal(k4, (NUM_EXPERTS, IN_DIM), dtype=jnp.float32) * (1.0 / np.sqrt(IN_DIM))
    # nn.Linear(r * in_dim, num_experts, bias=False) weight: [E, r * in_dim]
    W_P = jax.random.normal(k5, (NUM_EXPERTS, R * IN_DIM), dtype=jnp.float32) * (1.0 / np.sqrt(R * IN_DIM))
    return {"input_x": input_x, "instr_x": instr_x, "lora_A_param": lora_A_param, "W_B": W_B, "W_P": W_P}


def reference(input_x, instr_x, lora_A_param, W_B, W_P):
    # cond_type order in forward: INSTRUCTION -> INPUT
    x = instr_x
    x = jnp.concatenate([x, jnp.mean(input_x, axis=1)], axis=-1)  # [bz, 2*dim]
    x = x.astype(input_x.dtype)
    loraB_logits1 = x @ W_B.T  # [bz, E]
    # 'lora_a_param' branch: rearrange(W_P, 'E (r dim) -> r dim E')
    Wr = W_P.reshape(NUM_EXPERTS, R, IN_DIM).transpose(1, 2, 0)  # [r, in_dim, E]
    # faithful to original einsum 'brd,rfe->bre' (d and f summed independently)
    loraB_logits2 = jnp.einsum('brd,rfe->bre', lora_A_param, Wr)  # [bz, r, E]
    loraB_logits2 = jax.nn.softmax(loraB_logits2, axis=-1)
    loraB_logits2 = loraB_logits2.sum(axis=1)  # [bz, E]
    # select(logits1, logits2, output_score=False)
    logits = jax.nn.softmax(loraB_logits1, axis=-1) + IFS_WEIGHT * jax.nn.softmax(loraB_logits2, axis=-1)
    _, topk_indices = jax.lax.top_k(logits, R)
    topk_indices = topk_indices.reshape(-1, R)
    # forward returns (norm_score=None, topk_indices); we return the tensor output
    return topk_indices

if __name__ == "__main__":
    import jax
    _d = setup_inputs()
    print(jax.jit(kernel)(*tuple(_d.values())))

</pallas_src>

<mosaic_0001>
#map = affine_map<(d0, d1) -> (0, 0)>
#map1 = affine_map<(d0, d1) -> (0, 0, 0)>
#map2 = affine_map<(d0, d1) -> (0)>
module attributes {stable_mosaic.version = 14 : i64} {
  func.func @_sc_gate2(%arg0: i32, %arg1: i32, %arg2: memref<64x65536xf32, #tpu.memory_space<hbm>>, %arg3: memref<4x8x8192xf32, #tpu.memory_space<hbm>>, %arg4: memref<4x2048x4096xf32, #tpu.memory_space<hbm>>, %arg5: memref<512xf32, #tpu.memory_space<hbm>>, %arg6: memref<256x128xf32, #tpu.memory_space<vmem>>, %arg7: memref<256x128xf32, #tpu.memory_space<vmem>>, %arg8: memref<8192xf32, #tpu.memory_space<vmem>>, %arg9: memref<8192xf32, #tpu.memory_space<vmem>>, %arg10: memref<16xf32, #tpu.memory_space<vmem>>, %arg11: memref<16xf32, #tpu.memory_space<vmem>>, %arg12: memref<256xf32, #tpu.memory_space<vmem>>, %arg13: memref<256xf32, #tpu.memory_space<vmem>>, %arg14: memref<64xf32, #tpu.memory_space<vmem>>, %arg15: memref<256xf32, #tpu.memory_space<vmem_shared>>, %arg16: memref<256xf32, #tpu.memory_space<vmem_shared>>, %arg17: memref<!tpu.dma_semaphore, #tpu.memory_space<semaphore_mem>>, %arg18: memref<!tpu.dma_semaphore, #tpu.memory_space<semaphore_mem>>) attributes {dimension_semantics = [#tpu.dimension_semantics<core_parallel>, #tpu.dimension_semantics<subcore_parallel>], iteration_bounds = array<i64: 2, 16>, scalar_prefetch = 0 : i64, scratch_operands = 13 : i64, tpu.core_type = #tpu.core_type<sc_vector_subcore>, window_params = [{transform_indices = #map}, {transform_indices = #map1}, {transform_indices = #map1}, {transform_indices = #map2}]} {
    %iota3A = tpu.iota {dimensions = array<i32: 0>} : vector<16xi32>
    %mul3A = arith.constant 4 : i32
    %mul3A_0 = arith.muli %mul3A, %arg1 : i32
    %add3A = arith.constant 0 : i32
    %add3A_1 = arith.addi %mul3A_0, %add3A : i32
    %mul3A_2 = arith.constant 4 : i32
    %mul3A_3 = arith.muli %mul3A_2, %arg0 : i32
    %add3A_4 = arith.constant 0 : i32
    %add3A_5 = arith.addi %mul3A_3, %add3A_4 : i32
    %mul3A_6 = arith.constant 8192 : i32
    %mul3A_7 = arith.muli %add3A_5, %mul3A_6 : i32
    %dma_start3A = tpu.memref_slice %arg2[%add3A_1, %mul3A_7] : memref<64x65536xf32, #tpu.memory_space<hbm>> -> memref<1x8192xf32, #tpu.memory_space<hbm>>
    %dma_start3A_8 = tpu.memref_squeeze %dma_start3A : memref<1x8192xf32, #tpu.memory_space<hbm>> -> memref<8192xf32, #tpu.memory_space<hbm>>
    %dma_start3A_9 = tpu.memref_slice %arg2[%add3A_1, %mul3A_7] : memref<64x65536xf32, #tpu.memory_space<hbm>> -> memref<1x8192xf32, #tpu.memory_space<hbm>>
    %dma_start3A_10 = tpu.memref_squeeze %dma_start3A_9 : memref<1x8192xf32, #tpu.memory_space<hbm>> -> memref<8192xf32, #tpu.memory_space<hbm>>
    tpu.enqueue_dma source(%dma_start3A_10 : memref<8192xf32, #tpu.memory_space<hbm>>) target(%arg8 : memref<8192xf32, #tpu.memory_space<vmem>>) target_semaphore(%arg17 : memref<!tpu.dma_semaphore, #tpu.memory_space<semaphore_mem>>)
    %broadcast_in_dim3A = arith.constant 0.000000e+00 : f32
    %broadcast_in_dim3A_11 = vector.broadcast %broadcast_in_dim3A : f32 to vector<16xf32>
    %mul3A_12 = arith.constant 4 : i32
    %mul3A_13 = arith.muli %mul3A_12, %arg1 : i32
    %add3A_14 = arith.constant 0 : i32
    %add3A_15 = arith.addi %mul3A_13, %add3A_14 : i32
    %mul3A_16 = arith.constant 4 : i32
    %mul3A_17 = arith.muli %mul3A_16, %arg0 : i32
    %add3A_18 = arith.constant 1 : i32
    %add3A_19 = arith.addi %mul3A_17, %add3A_18 : i32
    %mul3A_20 = arith.constant 8192 : i32
    %mul3A_21 = arith.muli %add3A_19, %mul3A_20 : i32
    %dma_start3A_22 = tpu.memref_slice %arg2[%add3A_15, %mul3A_21] : memref<64x65536xf32, #tpu.memory_space<hbm>> -> memref<1x8192xf32, #tpu.memory_space<hbm>>
    %dma_start3A_23 = tpu.memref_squeeze %dma_start3A_22 : memref<1x8192xf32, #tpu.memory_space<hbm>> -> memref<8192xf32, #tpu.memory_space<hbm>>
    %dma_start3A_24 = tpu.memref_slice %arg2[%add3A_15, %mul3A_21] : memref<64x65536xf32, #tpu.memory_space<hbm>> -> memref<1x8192xf32, #tpu.memory_space<hbm>>
    %dma_start3A_25 = tpu.memref_squeeze %dma_start3A_24 : memref<1x8192xf32, #tpu.memory_space<hbm>> -> memref<8192xf32, #tpu.memory_space<hbm>>
    tpu.enqueue_dma source(%dma_start3A_25 : memref<8192xf32, #tpu.memory_space<hbm>>) target(%arg9 : memref<8192xf32, #tpu.memory_space<vmem>>) target_semaphore(%arg18 : memref<!tpu.dma_semaphore, #tpu.memory_space<semaphore_mem>>)
    %dma_wait3A = tpu.memref_slice %arg2[%add3A_1, %mul3A_7] : memref<64x65536xf32, #tpu.memory_space<hbm>> -> memref<1x8192xf32, #tpu.memory_space<hbm>>
    %dma_wait3A_26 = tpu.memref_squeeze %dma_wait3A : memref<1x8192xf32, #tpu.memory_space<hbm>> -> memref<8192xf32, #tpu.memory_space<hbm>>
    %dma_wait3A_27 = tpu.memref_slice %arg2[%add3A_1, %mul3A_7] : memref<64x65536xf32, #tpu.memory_space<hbm>> -> memref<1x8192xf32, #tpu.memory_space<hbm>>
    %dma_wait3A_28 = tpu.memref_squeeze %dma_wait3A_27 : memref<1x8192xf32, #tpu.memory_space<hbm>> -> memref<8192xf32, #tpu.memory_space<hbm>>
    tpu.wait_dma2 semaphore(%arg17 : memref<!tpu.dma_semaphore, #tpu.memory_space<semaphore_mem>>) src(%dma_wait3A_28 : memref<8192xf32, #tpu.memory_space<hbm>>) dst(%arg8 : memref<8192xf32, #tpu.memory_space<vmem>>)
    %eq3A = arith.constant 0 : i32
    %eq3A_29 = vector.broadcast %eq3A : i32 to vector<16xi32>
    %eq3A_30 = arith.cmpi eq, %iota3A, %eq3A_29 : vector<16xi32>
    %broadcast_in_dim3A_31 = arith.constant 0.000000e+00 : f32
    %broadcast_in_dim3A_32 = vector.broadcast %broadcast_in_dim3A_31 : f32 to vector<16xf32>
    %scan3A = arith.constant 0 : i32
    %scan3A_33 = arith.constant 32 : i32
    %scan3A_34 = arith.addi %scan3A, %scan3A_33 : i32
    %scan3A_35 = arith.constant 1 : i32
    %scan3A_36:4 = scf.for %scan3A_930 = %scan3A to %scan3A_34 step %scan3A_35 iter_args(%scan3A_931 = %broadcast_in_dim3A_32, %scan3A_932 = %broadcast_in_dim3A_32, %scan3A_933 = %broadcast_in_dim3A_32, %scan3A_934 = %broadcast_in_dim3A_32) -> (vector<16xf32>, vector<16xf32>, vector<16xf32>, vector<16xf32>)  : i32 {
      %mul3A_935 = arith.constant 256 : i32
      %mul3A_936 = arith.muli %scan3A_930, %mul3A_935 : i32
      %add3A_937 = arith.constant 0 : i32
      %add3A_938 = arith.addi %mul3A_936, %add3A_937 : i32
      %get3A = arith.index_cast %add3A_938 : i32 to index
      %get3A_939 = tpu.vector_load %arg8[%get3A] {strides = array<i32>} : memref<8192xf32, #tpu.memory_space<vmem>>, vector<16xf32>,
      %add3A_940 = arith.addf %scan3A_931, %get3A_939 : vector<16xf32>
      %add3A_941 = arith.constant 0 : i32
      %add3A_942 = arith.addi %mul3A_936, %add3A_941 : i32
      %add3A_943 = arith.constant 16 : i32
      %add3A_944 = arith.addi %add3A_942, %add3A_943 : i32
      %get3A_945 = arith.index_cast %add3A_944 : i32 to index
      %get3A_946 = tpu.vector_load %arg8[%get3A_945] {strides = array<i32>} : memref<8192xf32, #tpu.memory_space<vmem>>, vector<16xf32>,
      %add3A_947 = arith.addf %scan3A_932, %get3A_946 : vector<16xf32>
      %add3A_948 = arith.constant 0 : i32
      %add3A_949 = arith.addi %mul3A_936, %add3A_948 : i32
      %add3A_950 = arith.constant 32 : i32
      %add3A_951 = arith.addi %add3A_949, %add3A_950 : i32
      %get3A_952 = arith.index_cast %add3A_951 : i32 to index
      %get3A_953 = tpu.vector_load %arg8[%get3A_952] {strides = array<i32>} : memref<8192xf32, #tpu.memory_space<vmem>>, vector<16xf32>,
      %add3A_954 = arith.addf %scan3A_933, %get3A_953 : vector<16xf32>
      %add3A_955 = arith.constant 0 : i32
      %add3A_956 = arith.addi %mul3A_936, %add3A_955 : i32
      %add3A_957 = arith.constant 48 : i32
      %add3A_958 = arith.addi %add3A_956, %add3A_957 : i32
      %get3A_959 = arith.index_cast %add3A_958 : i32 to index
      %get3A_960 = tpu.vector_load %arg8[%get3A_959] {strides = array<i32>} : memref<8192xf32, #tpu.memory_space<vmem>>, vector<16xf32>,
      %add3A_961 = arith.addf %scan3A_934, %get3A_960 : vector<16xf32>
      %add3A_962 = arith.constant 64 : i32
      %add3A_963 = arith.addi %mul3A_936, %add3A_962 : i32
      %get3A_964 = arith.index_cast %add3A_963 : i32 to index
      %get3A_965 = tpu.vector_load %arg8[%get3A_964] {strides = array<i32>} : memref<8192xf32, #tpu.memory_space<vmem>>, vector<16xf32>,
      %add3A_966 = arith.addf %add3A_940, %get3A_965 : vector<16xf32>
      %add3A_967 = arith.constant 64 : i32
      %add3A_968 = arith.addi %mul3A_936, %add3A_967 : i32
      %add3A_969 = arith.constant 16 : i32
      %add3A_970 = arith.addi %add3A_968, %add3A_969 : i32
      %get3A_971 = arith.index_cast %add3A_970 : i32 to index
      %get3A_972 = tpu.vector_load %arg8[%get3A_971] {strides = array<i32>} : memref<8192xf32, #tpu.memory_space<vmem>>, vector<16xf32>,
      %add3A_973 = arith.addf %add3A_947, %get3A_972 : vector<16xf32>
      %add3A_974 = arith.constant 64 : i32
      %add3A_975 = arith.addi %mul3A_936, %add3A_974 : i32
      %add3A_976 = arith.constant 32 : i32
      %add3A_977 = arith.addi %add3A_975, %add3A_976 : i32
      %get3A_978 = arith.index_cast %add3A_977 : i32 to index
      %get3A_979 = tpu.vector_load %arg8[%get3A_978] {strides = array<i32>} : memref<8192xf32, #tpu.memory_space<vmem>>, vector<16xf32>,
      %add3A_980 = arith.addf %add3A_954, %get3A_979 : vector<16xf32>
      %add3A_981 = arith.constant 64 : i32
      %add3A_982 = arith.addi %mul3A_936, %add3A_981 : i32
      %add3A_983 = arith.constant 48 : i32
      %add3A_984 = arith.addi %add3A_982, %add3A_983 : i32
      %get3A_985 = arith.index_cast %add3A_984 : i32 to index
      %get3A_986 = tpu.vector_load %arg8[%get3A_985] {strides = array<i32>} : memref<8192xf32, #tpu.memory_space<vmem>>, vector<16xf32>,
      %add3A_987 = arith.addf %add3A_961, %get3A_986 : vector<16xf32>
      %add3A_988 = arith.constant 128 : i32
      %add3A_989 = arith.addi %mul3A_936, %add3A_988 : i32
      %get3A_990 = arith.index_cast %add3A_989 : i32 to index
      %get3A_991 = tpu.vector_load %arg8[%get3A_990] {strides = array<i32>} : memref<8192xf32, #tpu.memory_space<vmem>>, vector<16xf32>,
      %add3A_992 = arith.addf %add3A_966, %get3A_991 : vector<16xf32>
      %add3A_993 = arith.constant 128 : i32
      %add3A_994 = arith.addi %mul3A_936, %add3A_993 : i32
      %add3A_995 = arith.constant 16 : i32
      %add3A_996 = arith.addi %add3A_994, %add3A_995 : i32
      %get3A_997 = arith.index_cast %add3A_996 : i32 to index
      %get3A_998 = tpu.vector_load %arg8[%get3A_997] {strides = array<i32>} : memref<8192xf32, #tpu.memory_space<vmem>>, vector<16xf32>,
      %add3A_999 = arith.addf %add3A_973, %get3A_998 : vector<16xf32>
      %add3A_1000 = arith.constant 128 : i32
      %add3A_1001 = arith.addi %mul3A_936, %add3A_1000 : i32
      %add3A_1002 = arith.constant 32 : i32
      %add3A_1003 = arith.addi %add3A_1001, %add3A_1002 : i32
      %get3A_1004 = arith.index_cast %add3A_1003 : i32 to index
      %get3A_1005 = tpu.vector_load %arg8[%get3A_1004] {strides = array<i32>} : memref<8192xf32, #tpu.memory_space<vmem>>, vector<16xf32>,
      %add3A_1006 = arith.addf %add3A_980, %get3A_1005 : vector<16xf32>
      %add3A_1007 = arith.constant 128 : i32
      %add3A_1008 = arith.addi %mul3A_936, %add3A_1007 : i32
      %add3A_1009 = arith.constant 48 : i32
      %add3A_1010 = arith.addi %add3A_1008, %add3A_1009 : i32
      %get3A_1011 = arith.index_cast %add3A_1010 : i32 to index
      %get3A_1012 = tpu.vector_load %arg8[%get3A_1011] {strides = array<i32>} : memref<8192xf32, #tpu.memory_space<vmem>>, vector<16xf32>,
      %add3A_1013 = arith.addf %add3A_987, %get3A_1012 : vector<16xf32>
      %add3A_1014 = arith.constant 192 : i32
      %add3A_1015 = arith.addi %mul3A_936, %add3A_1014 : i32
      %get3A_1016 = arith.index_cast %add3A_1015 : i32 to index
      %get3A_1017 = tpu.vector_load %arg8[%get3A_1016] {strides = array<i32>} : memref<8192xf32, #tpu.memory_space<vmem>>, vector<16xf32>,
      %add3A_1018 = arith.addf %add3A_992, %get3A_1017 : vector<16xf32>
      %add3A_1019 = arith.constant 192 : i32
      %add3A_1020 = arith.addi %mul3A_936, %add3A_1019 : i32
      %add3A_1021 = arith.constant 16 : i32
      %add3A_1022 = arith.addi %add3A_1020, %add3A_1021 : i32
      %get3A_1023 = arith.index_cast %add3A_1022 : i32 to index
      %get3A_1024 = tpu.vector_load %arg8[%get3A_1023] {strides = array<i32>} : memref<8192xf32, #tpu.memory_space<vmem>>, vector<16xf32>,
      %add3A_1025 = arith.addf %add3A_999, %get3A_1024 : vector<16xf32>
      %add3A_1026 = arith.constant 192 : i32
      %add3A_1027 = arith.addi %mul3A_936, %add3A_1026 : i32
      %add3A_1028 = arith.constant 32 : i32
      %add3A_1029 = arith.addi %add3A_1027, %add3A_1028 : i32
      %get3A_1030 = arith.index_cast %add3A_1029 : i32 to index
      %get3A_1031 = tpu.vector_load %arg8[%get3A_1030] {strides = array<i32>} : memref<8192xf32, #tpu.memory_space<vmem>>, vector<16xf32>,
      %add3A_1032 = arith.addf %add3A_1006, %get3A_1031 : vector<16xf32>
      %add3A_1033 = arith.constant 192 : i32
      %add3A_1034 = arith.addi %mul3A_936, %add3A_1033 : i32
      %add3A_1035 = arith.constant 48 : i32
      %add3A_1036 = arith.addi %add3A_1034, %add3A_1035 : i32
      %get3A_1037 = arith.index_cast %add3A_1036 : i32 to index
      %get3A_1038 = tpu.vector_load %arg8[%get3A_1037] {strides = array<i32>} : memref<8192xf32, #tpu.memory_space<vmem>>, vector<16xf32>,
      %add3A_1039 = arith.addf %add3A_1013, %get3A_1038 : vector<16xf32>
      scf.yield %add3A_1018, %add3A_1025, %add3A_1032, %add3A_1039 : vector<16xf32>, vector<16xf32>, vector<16xf32>, vector<16xf32>
    }
    %scan3A_37 = arith.constant 32 : i32
    %add3A_38 = arith.addf %scan3A_36#0, %scan3A_36#1 : vector<16xf32>
    %add3A_39 = arith.addf %add3A_38, %scan3A_36#2 : vector<16xf32>
    %add3A_40 = arith.addf %add3A_39, %scan3A_36#3 : vector<16xf32>
    %broadcast_in_dim3A_41 = arith.constant true
    %broadcast_in_dim3A_42 = vector.broadcast %broadcast_in_dim3A_41 : i1 to vector<16xi1>
    %masked_cumsum3A = tpu.scan <sum>, %add3A_40 masked %broadcast_in_dim3A_42 : vector<16xf32>, vector<16xi1> -> vector<16xf32>
    %slice3A = vector.extract_strided_slice %masked_cumsum3A {offsets = [15], sizes = [1], strides = [1]} : vector<16xf32> to vector<1xf32>
    %squeeze3A = vector.extract %slice3A[0] : f32 from vector<1xf32>
    %broadcast_in_dim3A_43 = vector.broadcast %squeeze3A : f32 to vector<16xf32>
    %select_n3A = arith.select %eq3A_30, %broadcast_in_dim3A_43, %broadcast_in_dim3A_11 : vector<16xi1>, vector<16xf32>
    %mul3A_44 = arith.constant 4 : i32
    %mul3A_45 = arith.muli %mul3A_44, %arg1 : i32
    %add3A_46 = arith.constant 0 : i32
    %add3A_47 = arith.addi %mul3A_45, %add3A_46 : i32
    %mul3A_48 = arith.constant 4 : i32
    %mul3A_49 = arith.muli %mul3A_48, %arg0 : i32
    %add3A_50 = arith.constant 2 : i32
    %add3A_51 = arith.addi %mul3A_49, %add3A_50 : i32
    %mul3A_52 = arith.constant 8192 : i32
    %mul3A_53 = arith.muli %add3A_51, %mul3A_52 : i32
    %dma_start3A_54 = tpu.memref_slice %arg2[%add3A_47, %mul3A_53] : memref<64x65536xf32, #tpu.memory_space<hbm>> -> memref<1x8192xf32, #tpu.memory_space<hbm>>
    %dma_start3A_55 = tpu.memref_squeeze %dma_start3A_54 : memref<1x8192xf32, #tpu.memory_space<hbm>> -> memref<8192xf32, #tpu.memory_space<hbm>>
    %dma_start3A_56 = tpu.memref_slice %arg2[%add3A_47, %mul3A_53] : memref<64x65536xf32, #tpu.memory_space<hbm>> -> memref<1x8192xf32, #tpu.memory_space<hbm>>
    %dma_start3A_57 = tpu.memref_squeeze %dma_start3A_56 : memref<1x8192xf32, #tpu.memory_space<hbm>> -> memref<8192xf32, #tpu.memory_space<hbm>>
    tpu.enqueue_dma source(%dma_start3A_57 : memref<8192xf32, #tpu.memory_space<hbm>>) target(%arg8 : memref<8192xf32, #tpu.memory_space<vmem>>) target_semaphore(%arg17 : memref<!tpu.dma_semaphore, #tpu.memory_space<semaphore_mem>>)
    %dma_wait3A_58 = tpu.memref_slice %arg2[%add3A_15, %mul3A_21] : memref<64x65536xf32, #tpu.memory_space<hbm>> -> memref<1x8192xf32, #tpu.memory_space<hbm>>
    %dma_wait3A_59 = tpu.memref_squeeze %dma_wait3A_58 : memref<1x8192xf32, #tpu.memory_space<hbm>> -> memref<8192xf32, #tpu.memory_space<hbm>>
    %dma_wait3A_60 = tpu.memref_slice %arg2[%add3A_15, %mul3A_21] : memref<64x65536xf32, #tpu.memory_space<hbm>> -> memref<1x8192xf32, #tpu.memory_space<hbm>>
    %dma_wait3A_61 = tpu.memref_squeeze %dma_wait3A_60 : memref<1x8192xf32, #tpu.memory_space<hbm>> -> memref<8192xf32, #tpu.memory_space<hbm>>
    tpu.wait_dma2 semaphore(%arg18 : memref<!tpu.dma_semaphore, #tpu.memory_space<semaphore_mem>>) src(%dma_wait3A_61 : memref<8192xf32, #tpu.memory_space<hbm>>) dst(%arg9 : memref<8192xf32, #tpu.memory_space<vmem>>)
    %eq3A_62 = arith.constant 1 : i32
    %eq3A_63 = vector.broadcast %eq3A_62 : i32 to vector<16xi32>
    %eq3A_64 = arith.cmpi eq, %iota3A, %eq3A_63 : vector<16xi32>
    %broadcast_in_dim3A_65 = arith.constant 0.000000e+00 : f32
    %broadcast_in_dim3A_66 = vector.broadcast %broadcast_in_dim3A_65 : f32 to vector<16xf32>
    %scan3A_67 = arith.constant 0 : i32
    %scan3A_68 = arith.constant 32 : i32
    %scan3A_69 = arith.addi %scan3A_67, %scan3A_68 : i32
    %scan3A_70 = arith.constant 1 : i32
    %scan3A_71:4 = scf.for %scan3A_930 = %scan3A_67 to %scan3A_69 step %scan3A_70 iter_args(%scan3A_931 = %broadcast_in_dim3A_66, %scan3A_932 = %broadcast_in_dim3A_66, %scan3A_933 = %broadcast_in_dim3A_66, %scan3A_934 = %broadcast_in_dim3A_66) -> (vector<16xf32>, vector<16xf32>, vector<16xf32>, vector<16xf32>)  : i32 {
      %mul3A_935 = arith.constant 256 : i32
      %mul3A_936 = arith.muli %scan3A_930, %mul3A_935 : i32
      %add3A_937 = arith.constant 0 : i32
      %add3A_938 = arith.addi %mul3A_936, %add3A_937 : i32
      %get3A = arith.index_cast %add3A_938 : i32 to index
      %get3A_939 = tpu.vector_load %arg9[%get3A] {strides = array<i32>} : memref<8192xf32, #tpu.memory_space<vmem>>, vector<16xf32>,
      %add3A_940 = arith.addf %scan3A_931, %get3A_939 : vector<16xf32>
      %add3A_941 = arith.constant 0 : i32
      %add3A_942 = arith.addi %mul3A_936, %add3A_941 : i32
      %add3A_943 = arith.constant 16 : i32
      %add3A_944 = arith.addi %add3A_942, %add3A_943 : i32
      %get3A_945 = arith.index_cast %add3A_944 : i32 to index
      %get3A_946 = tpu.vector_load %arg9[%get3A_945] {strides = array<i32>} : memref<8192xf32, #tpu.memory_space<vmem>>, vector<16xf32>,
      %add3A_947 = arith.addf %scan3A_932, %get3A_946 : vector<16xf32>
      %add3A_948 = arith.constant 0 : i32
      %add3A_949 = arith.addi %mul3A_936, %add3A_948 : i32
      %add3A_950 = arith.constant 32 : i32
      %add3A_951 = arith.addi %add3A_949, %add3A_950 : i32
      %get3A_952 = arith.index_cast %add3A_951 : i32 to index
      %get3A_953 = tpu.vector_load %arg9[%get3A_952] {strides = array<i32>} : memref<8192xf32, #tpu.memory_space<vmem>>, vector<16xf32>,
      %add3A_954 = arith.addf %scan3A_933, %get3A_953 : vector<16xf32>
      %add3A_955 = arith.constant 0 : i32
      %add3A_956 = arith.addi %mul3A_936, %add3A_955 : i32
      %add3A_957 = arith.constant 48 : i32
      %add3A_958 = arith.addi %add3A_956, %add3A_957 : i32
      %get3A_959 = arith.index_cast %add3A_958 : i32 to index
      %get3A_960 = tpu.vector_load %arg9[%get3A_959] {strides = array<i32>} : memref<8192xf32, #tpu.memory_space<vmem>>, vector<16xf32>,
      %add3A_961 = arith.addf %scan3A_934, %get3A_960 : vector<16xf32>
      %add3A_962 = arith.constant 64 : i32
      %add3A_963 = arith.addi %mul3A_936, %add3A_962 : i32
      %get3A_964 = arith.index_cast %add3A_963 : i32 to index
      %get3A_965 = tpu.vector_load %arg9[%get3A_964] {strides = array<i32>} : memref<8192xf32, #tpu.memory_space<vmem>>, vector<16xf32>,
      %add3A_966 = arith.addf %add3A_940, %get3A_965 : vector<16xf32>
      %add3A_967 = arith.constant 64 : i32
      %add3A_968 = arith.addi %mul3A_936, %add3A_967 : i32
      %add3A_969 = arith.constant 16 : i32
      %add3A_970 = arith.addi %add3A_968, %add3A_969 : i32
      %get3A_971 = arith.index_cast %add3A_970 : i32 to index
      %get3A_972 = tpu.vector_load %arg9[%get3A_971] {strides = array<i32>} : memref<8192xf32, #tpu.memory_space<vmem>>, vector<16xf32>,
      %add3A_973 = arith.addf %add3A_947, %get3A_972 : vector<16xf32>
      %add3A_974 = arith.constant 64 : i32
      %add3A_975 = arith.addi %mul3A_936, %add3A_974 : i32
      %add3A_976 = arith.constant 32 : i32
      %add3A_977 = arith.addi %add3A_975, %add3A_976 : i32
      %get3A_978 = arith.index_cast %add3A_977 : i32 to index
      %get3A_979 = tpu.vector_load %arg9[%get3A_978] {strides = array<i32>} : memref<8192xf32, #tpu.memory_space<vmem>>, vector<16xf32>,
      %add3A_980 = arith.addf %add3A_954, %get3A_979 : vector<16xf32>
      %add3A_981 = arith.constant 64 : i32
      %add3A_982 = arith.addi %mul3A_936, %add3A_981 : i32
      %add3A_983 = arith.constant 48 : i32
      %add3A_984 = arith.addi %add3A_982, %add3A_983 : i32
      %get3A_985 = arith.index_cast %add3A_984 : i32 to index
      %get3A_986 = tpu.vector_load %arg9[%get3A_985] {strides = array<i32>} : memref<8192xf32, #tpu.memory_space<vmem>>, vector<16xf32>,
      %add3A_987 = arith.addf %add3A_961, %get3A_986 : vector<16xf32>
      %add3A_988 = arith.constant 128 : i32
      %add3A_989 = arith.addi %mul3A_936, %add3A_988 : i32
      %get3A_990 = arith.index_cast %add3A_989 : i32 to index
      %get3A_991 = tpu.vector_load %arg9[%get3A_990] {strides = array<i32>} : memref<8192xf32, #tpu.memory_space<vmem>>, vector<16xf32>,
      %add3A_992 = arith.addf %add3A_966, %get3A_991 : vector<16xf32>
      %add3A_993 = arith.constant 128 : i32
      %add3A_994 = arith.addi %mul3A_936, %add3A_993 : i32
      %add3A_995 = arith.constant 16 : i32
      %add3A_996 = arith.addi %add3A_994, %add3A_995 : i32
      %get3A_997 = arith.index_cast %add3A_996 : i32 to index
      %get3A_998 = tpu.vector_load %arg9[%get3A_997] {strides = array<i32>} : memref<8192xf32, #tpu.memory_space<vmem>>, vector<16xf32>,
      %add3A_999 = arith.addf %add3A_973, %get3A_998 : vector<16xf32>
      %add3A_1000 = arith.constant 128 : i32
      %add3A_1001 = arith.addi %mul3A_936, %add3A_1000 : i32
      %add3A_1002 = arith.constant 32 : i32
      %add3A_1003 = arith.addi %add3A_1001, %add3A_1002 : i32
      %get3A_1004 = arith.index_cast %add3A_1003 : i32 to index
      %get3A_1005 = tpu.vector_load %arg9[%get3A_1004] {strides = array<i32>} : memref<8192xf32, #tpu.memory_space<vmem>>, vector<16xf32>,
      %add3A_1006 = arith.addf %add3A_980, %get3A_1005 : vector<16xf32>
      %add3A_1007 = arith.constant 128 : i32
      %add3A_1008 = arith.addi %mul3A_936, %add3A_1007 : i32
      %add3A_1009 = arith.constant 48 : i32
      %add3A_1010 = arith.addi %add3A_1008, %add3A_1009 : i32
      %get3A_1011 = arith.index_cast %add3A_1010 : i32 to index
      %get3A_1012 = tpu.vector_load %arg9[%get3A_1011] {strides = array<i32>} : memref<8192xf32, #tpu.memory_space<vmem>>, vector<16xf32>,
      %add3A_1013 = arith.addf %add3A_987, %get3A_1012 : vector<16xf32>
      %add3A_1014 = arith.constant 192 : i32
      %add3A_1015 = arith.addi %mul3A_936, %add3A_1014 : i32
      %get3A_1016 = arith.index_cast %add3A_1015 : i32 to index
      %get3A_1017 = tpu.vector_load %arg9[%get3A_1016] {strides = array<i32>} : memref<8192xf32, #tpu.memory_space<vmem>>, vector<16xf32>,
      %add3A_1018 = arith.addf %add3A_992, %get3A_1017 : vector<16xf32>
      %add3A_1019 = arith.constant 192 : i32
      %add3A_1020 = arith.addi %mul3A_936, %add3A_1019 : i32
      %add3A_1021 = arith.constant 16 : i32
      %add3A_1022 = arith.addi %add3A_1020, %add3A_1021 : i32
      %get3A_1023 = arith.index_cast %add3A_1022 : i32 to index
      %get3A_1024 = tpu.vector_load %arg9[%get3A_1023] {strides = array<i32>} : memref<8192xf32, #tpu.memory_space<vmem>>, vector<16xf32>,
      %add3A_1025 = arith.addf %add3A_999, %get3A_1024 : vector<16xf32>
      %add3A_1026 = arith.constant 192 : i32
      %add3A_1027 = arith.addi %mul3A_936, %add3A_1026 : i32
      %add3A_1028 = arith.constant 32 : i32
      %add3A_1029 = arith.addi %add3A_1027, %add3A_1028 : i32
      %get3A_1030 = arith.index_cast %add3A_1029 : i32 to index
      %get3A_1031 = tpu.vector_load %arg9[%get3A_1030] {strides = array<i32>} : memref<8192xf32, #tpu.memory_space<vmem>>, vector<16xf32>,
      %add3A_1032 = arith.addf %add3A_1006, %get3A_1031 : vector<16xf32>
      %add3A_1033 = arith.constant 192 : i32
      %add3A_1034 = arith.addi %mul3A_936, %add3A_1033 : i32
      %add3A_1035 = arith.constant 48 : i32
      %add3A_1036 = arith.addi %add3A_1034, %add3A_1035 : i32
      %get3A_1037 = arith.index_cast %add3A_1036 : i32 to index
      %get3A_1038 = tpu.vector_load %arg9[%get3A_1037] {strides = array<i32>} : memref<8192xf32, #tpu.memory_space<vmem>>, vector<16xf32>,
      %add3A_1039 = arith.addf %add3A_1013, %get3A_1038 : vector<16xf32>
      scf.yield %add3A_1018, %add3A_1025, %add3A_1032, %add3A_1039 : vector<16xf32>, vector<16xf32>, vector<16xf32>, vector<16xf32>
    }
    %scan3A_72 = arith.constant 32 : i32
    %add3A_73 = arith.addf %scan3A_71#0, %scan3A_71#1 : vector<16xf32>
    %add3A_74 = arith.addf %add3A_73, %scan3A_71#2 : vector<16xf32>
    %add3A_75 = arith.addf %add3A_74, %scan3A_71#3 : vector<16xf32>
    %broadcast_in_dim3A_76 = arith.constant true
    %broadcast_in_dim3A_77 = vector.broadcast %broadcast_in_dim3A_76 : i1 to vector<16xi1>
    %masked_cumsum3A_78 = tpu.scan <sum>, %add3A_75 masked %broadcast_in_dim3A_77 : vector<16xf32>, vector<16xi1> -> vector<16xf32>
    %slice3A_79 = vector.extract_strided_slice %masked_cumsum3A_78 {offsets = [15], sizes = [1], strides = [1]} : vector<16xf32> to vector<1xf32>
    %squeeze3A_80 = vector.extract %slice3A_79[0] : f32 from vector<1xf32>
    %broadcast_in_dim3A_81 = vector.broadcast %squeeze3A_80 : f32 to vector<16xf32>
    %select_n3A_82 = arith.select %eq3A_64, %broadcast_in_dim3A_81, %select_n3A : vector<16xi1>, vector<16xf32>
    %mul3A_83 = arith.constant 4 : i32
    %mul3A_84 = arith.muli %mul3A_83, %arg1 : i32
    %add3A_85 = arith.constant 0 : i32
    %add3A_86 = arith.addi %mul3A_84, %add3A_85 : i32
    %mul3A_87 = arith.constant 4 : i32
    %mul3A_88 = arith.muli %mul3A_87, %arg0 : i32
    %add3A_89 = arith.constant 3 : i32
    %add3A_90 = arith.addi %mul3A_88, %add3A_89 : i32
    %mul3A_91 = arith.constant 8192 : i32
    %mul3A_92 = arith.muli %add3A_90, %mul3A_91 : i32
    %dma_start3A_93 = tpu.memref_slice %arg2[%add3A_86, %mul3A_92] : memref<64x65536xf32, #tpu.memory_space<hbm>> -> memref<1x8192xf32, #tpu.memory_space<hbm>>
    %dma_start3A_94 = tpu.memref_squeeze %dma_start3A_93 : memref<1x8192xf32, #tpu.memory_space<hbm>> -> memref<8192xf32, #tpu.memory_space<hbm>>
    %dma_start3A_95 = tpu.memref_slice %arg2[%add3A_86, %mul3A_92] : memref<64x65536xf32, #tpu.memory_space<hbm>> -> memref<1x8192xf32, #tpu.memory_space<hbm>>
    %dma_start3A_96 = tpu.memref_squeeze %dma_start3A_95 : memref<1x8192xf32, #tpu.memory_space<hbm>> -> memref<8192xf32, #tpu.memory_space<hbm>>
    tpu.enqueue_dma source(%dma_start3A_96 : memref<8192xf32, #tpu.memory_space<hbm>>) target(%arg9 : memref<8192xf32, #tpu.memory_space<vmem>>) target_semaphore(%arg18 : memref<!tpu.dma_semaphore, #tpu.memory_space<semaphore_mem>>)
    %dma_wait3A_97 = tpu.memref_slice %arg2[%add3A_47, %mul3A_53] : memref<64x65536xf32, #tpu.memory_space<hbm>> -> memref<1x8192xf32, #tpu.memory_space<hbm>>
    %dma_wait3A_98 = tpu.memref_squeeze %dma_wait3A_97 : memref<1x8192xf32, #tpu.memory_space<hbm>> -> memref<8192xf32, #tpu.memory_space<hbm>>
    %dma_wait3A_99 = tpu.memref_slice %arg2[%add3A_47, %mul3A_53] : memref<64x65536xf32, #tpu.memory_space<hbm>> -> memref<1x8192xf32, #tpu.memory_space<hbm>>
    %dma_wait3A_100 = tpu.memref_squeeze %dma_wait3A_99 : memref<1x8192xf32, #tpu.memory_space<hbm>> -> memref<8192xf32, #tpu.memory_space<hbm>>
    tpu.wait_dma2 semaphore(%arg17 : memref<!tpu.dma_semaphore, #tpu.memory_space<semaphore_mem>>) src(%dma_wait3A_100 : memref<8192xf32, #tpu.memory_space<hbm>>) dst(%arg8 : memref<8192xf32, #tpu.memory_space<vmem>>)
    %eq3A_101 = arith.constant 2 : i32
    %eq3A_102 = vector.broadcast %eq3A_101 : i32 to vector<16xi32>
    %eq3A_103 = arith.cmpi eq, %iota3A, %eq3A_102 : vector<16xi32>
    %broadcast_in_dim3A_104 = arith.constant 0.000000e+00 : f32
    %broadcast_in_dim3A_105 = vector.broadcast %broadcast_in_dim3A_104 : f32 to vector<16xf32>
    %scan3A_106 = arith.constant 0 : i32
    %scan3A_107 = arith.constant 32 : i32
    %scan3A_108 = arith.addi %scan3A_106, %scan3A_107 : i32
    %scan3A_109 = arith.constant 1 : i32
    %scan3A_110:4 = scf.for %scan3A_930 = %scan3A_106 to %scan3A_108 step %scan3A_109 iter_args(%scan3A_931 = %broadcast_in_dim3A_105, %scan3A_932 = %broadcast_in_dim3A_105, %scan3A_933 = %broadcast_in_dim3A_105, %scan3A_934 = %broadcast_in_dim3A_105) -> (vector<16xf32>, vector<16xf32>, vector<16xf32>, vector<16xf32>)  : i32 {
      %mul3A_935 = arith.constant 256 : i32
      %mul3A_936 = arith.muli %scan3A_930, %mul3A_935 : i32
      %add3A_937 = arith.constant 0 : i32
      %add3A_938 = arith.addi %mul3A_936, %add3A_937 : i32
      %get3A = arith.index_cast %add3A_938 : i32 to index
      %get3A_939 = tpu.vector_load %arg8[%get3A] {strides = array<i32>} : memref<8192xf32, #tpu.memory_space<vmem>>, vector<16xf32>,
      %add3A_940 = arith.addf %scan3A_931, %get3A_939 : vector<16xf32>
      %add3A_941 = arith.constant 0 : i32
      %add3A_942 = arith.addi %mul3A_936, %add3A_941 : i32
      %add3A_943 = arith.constant 16 : i32
      %add3A_944 = arith.addi %add3A_942, %add3A_943 : i32
      %get3A_945 = arith.index_cast %add3A_944 : i32 to index
      %get3A_946 = tpu.vector_load %arg8[%get3A_945] {strides = array<i32>} : memref<8192xf32, #tpu.memory_space<vmem>>, vector<16xf32>,
      %add3A_947 = arith.addf %scan3A_932, %get3A_946 : vector<16xf32>
      %add3A_948 = arith.constant 0 : i32
      %add3A_949 = arith.addi %mul3A_936, %add3A_948 : i32
      %add3A_950 = arith.constant 32 : i32
      %add3A_951 = arith.addi %add3A_949, %add3A_950 : i32
      %get3A_952 = arith.index_cast %add3A_951 : i32 to index
      %get3A_953 = tpu.vector_load %arg8[%get3A_952] {strides = array<i32>} : memref<8192xf32, #tpu.memory_space<vmem>>, vector<16xf32>,
      %add3A_954 = arith.addf %scan3A_933, %get3A_953 : vector<16xf32>
      %add3A_955 = arith.constant 0 : i32
      %add3A_956 = arith.addi %mul3A_936, %add3A_955 : i32
      %add3A_957 = arith.constant 48 : i32
      %add3A_958 = arith.addi %add3A_956, %add3A_957 : i32
      %get3A_959 = arith.index_cast %add3A_958 : i32 to index
      %get3A_960 = tpu.vector_load %arg8[%get3A_959] {strides = array<i32>} : memref<8192xf32, #tpu.memory_space<vmem>>, vector<16xf32>,
      %add3A_961 = arith.addf %scan3A_934, %get3A_960 : vector<16xf32>
      %add3A_962 = arith.constant 64 : i32
      %add3A_963 = arith.addi %mul3A_936, %add3A_962 : i32
      %get3A_964 = arith.index_cast %add3A_963 : i32 to index
      %get3A_965 = tpu.vector_load %arg8[%get3A_964] {strides = array<i32>} : memref<8192xf32, #tpu.memory_space<vmem>>, vector<16xf32>,
      %add3A_966 = arith.addf %add3A_940, %get3A_965 : vector<16xf32>
      %add3A_967 = arith.constant 64 : i32
      %add3A_968 = arith.addi %mul3A_936, %add3A_967 : i32
      %add3A_969 = arith.constant 16 : i32
      %add3A_970 = arith.addi %add3A_968, %add3A_969 : i32
      %get3A_971 = arith.index_cast %add3A_970 : i32 to index
      %get3A_972 = tpu.vector_load %arg8[%get3A_971] {strides = array<i32>} : memref<8192xf32, #tpu.memory_space<vmem>>, vector<16xf32>,
      %add3A_973 = arith.addf %add3A_947, %get3A_972 : vector<16xf32>
      %add3A_974 = arith.constant 64 : i32
      %add3A_975 = arith.addi %mul3A_936, %add3A_974 : i32
      %add3A_976 = arith.constant 32 : i32
      %add3A_977 = arith.addi %add3A_975, %add3A_976 : i32
      %get3A_978 = arith.index_cast %add3A_977 : i32 to index
      %get3A_979 = tpu.vector_load %arg8[%get3A_978] {strides = array<i32>} : memref<8192xf32, #tpu.memory_space<vmem>>, vector<16xf32>,
      %add3A_980 = arith.addf %add3A_954, %get3A_979 : vector<16xf32>
      %add3A_981 = arith.constant 64 : i32
      %add3A_982 = arith.addi %mul3A_936, %add3A_981 : i32
      %add3A_983 = arith.constant 48 : i32
      %add3A_984 = arith.addi %add3A_982, %add3A_983 : i32
      %get3A_985 = arith.index_cast %add3A_984 : i32 to index
      %get3A_986 = tpu.vector_load %arg8[%get3A_985] {strides = array<i32>} : memref<8192xf32, #tpu.memory_space<vmem>>, vector<16xf32>,
      %add3A_987 = arith.addf %add3A_961, %get3A_986 : vector<16xf32>
      %add3A_988 = arith.constant 128 : i32
      %add3A_989 = arith.addi %mul3A_936, %add3A_988 : i32
      %get3A_990 = arith.index_cast %add3A_989 : i32 to index
      %get3A_991 = tpu.vector_load %arg8[%get3A_990] {strides = array<i32>} : memref<8192xf32, #tpu.memory_space<vmem>>, vector<16xf32>,
      %add3A_992 = arith.addf %add3A_966, %get3A_991 : vector<16xf32>
      %add3A_993 = arith.constant 128 : i32
      %add3A_994 = arith.addi %mul3A_936, %add3A_993 : i32
      %add3A_995 = arith.constant 16 : i32
      %add3A_996 = arith.addi %add3A_994, %add3A_995 : i32
      %get3A_997 = arith.index_cast %add3A_996 : i32 to index
      %get3A_998 = tpu.vector_load %arg8[%get3A_997] {strides = array<i32>} : memref<8192xf32, #tpu.memory_space<vmem>>, vector<16xf32>,
      %add3A_999 = arith.addf %add3A_973, %get3A_998 : vector<16xf32>
      %add3A_1000 = arith.constant 128 : i32
      %add3A_1001 = arith.addi %mul3A_936, %add3A_1000 : i32
      %add3A_1002 = arith.constant 32 : i32
      %add3A_1003 = arith.addi %add3A_1001, %add3A_1002 : i32
      %get3A_1004 = arith.index_cast %add3A_1003 : i32 to index
      %get3A_1005 = tpu.vector_load %arg8[%get3A_1004] {strides = array<i32>} : memref<8192xf32, #tpu.memory_space<vmem>>, vector<16xf32>,
      %add3A_1006 = arith.addf %add3A_980, %get3A_1005 : vector<16xf32>
      %add3A_1007 = arith.constant 128 : i32
      %add3A_1008 = arith.addi %mul3A_936, %add3A_1007 : i32
      %add3A_1009 = arith.constant 48 : i32
      %add3A_1010 = arith.addi %add3A_1008, %add3A_1009 : i32
      %get3A_1011 = arith.index_cast %add3A_1010 : i32 to index
      %get3A_1012 = tpu.vector_load %arg8[%get3A_1011] {strides = array<i32>} : memref<8192xf32, #tpu.memory_space<vmem>>, vector<16xf32>,
      %add3A_1013 = arith.addf %add3A_987, %get3A_1012 : vector<16xf32>
      %add3A_1014 = arith.constant 192 : i32
      %add3A_1015 = arith.addi %mul3A_936, %add3A_1014 : i32
      %get3A_1016 = arith.index_cast %add3A_1015 : i32 to index
      %get3A_1017 = tpu.vector_load %arg8[%get3A_1016] {strides = array<i32>} : memref<8192xf32, #tpu.memory_space<vmem>>, vector<16xf32>,
      %add3A_1018 = arith.addf %add3A_992, %get3A_1017 : vector<16xf32>
      %add3A_1019 = arith.constant 192 : i32
      %add3A_1020 = arith.addi %mul3A_936, %add3A_1019 : i32
      %add3A_1021 = arith.constant 16 : i32
      %add3A_1022 = arith.addi %add3A_1020, %add3A_1021 : i32
      %get3A_1023 = arith.index_cast %add3A_1022 : i32 to index
      %get3A_1024 = tpu.vector_load %arg8[%get3A_1023] {strides = array<i32>} : memref<8192xf32, #tpu.memory_space<vmem>>, vector<16xf32>,
      %add3A_1025 = arith.addf %add3A_999, %get3A_1024 : vector<16xf32>
      %add3A_1026 = arith.constant 192 : i32
      %add3A_1027 = arith.addi %mul3A_936, %add3A_1026 : i32
      %add3A_1028 = arith.constant 32 : i32
      %add3A_1029 = arith.addi %add3A_1027, %add3A_1028 : i32
      %get3A_1030 = arith.index_cast %add3A_1029 : i32 to index
      %get3A_1031 = tpu.vector_load %arg8[%get3A_1030] {strides = array<i32>} : memref<8192xf32, #tpu.memory_space<vmem>>, vector<16xf32>,
      %add3A_1032 = arith.addf %add3A_1006, %get3A_1031 : vector<16xf32>
      %add3A_1033 = arith.constant 192 : i32
      %add3A_1034 = arith.addi %mul3A_936, %add3A_1033 : i32
      %add3A_1035 = arith.constant 48 : i32
      %add3A_1036 = arith.addi %add3A_1034, %add3A_1035 : i32
      %get3A_1037 = arith.index_cast %add3A_1036 : i32 to index
      %get3A_1038 = tpu.vector_load %arg8[%get3A_1037] {strides = array<i32>} : memref<8192xf32, #tpu.memory_space<vmem>>, vector<16xf32>,
      %add3A_1039 = arith.addf %add3A_1013, %get3A_1038 : vector<16xf32>
      scf.yield %add3A_1018, %add3A_1025, %add3A_1032, %add3A_1039 : vector<16xf32>, vector<16xf32>, vector<16xf32>, vector<16xf32>
    }
    %scan3A_111 = arith.constant 32 : i32
    %add3A_112 = arith.addf %scan3A_110#0, %scan3A_110#1 : vector<16xf32>
    %add3A_113 = arith.addf %add3A_112, %scan3A_110#2 : vector<16xf32>
    %add3A_114 = arith.addf %add3A_113, %scan3A_110#3 : vector<16xf32>
    %broadcast_in_dim3A_115 = arith.constant true
    %broadcast_in_dim3A_116 = vector.broadcast %broadcast_in_dim3A_115 : i1 to vector<16xi1>
    %masked_cumsum3A_117 = tpu.scan <sum>, %add3A_114 masked %broadcast_in_dim3A_116 : vector<16xf32>, vector<16xi1> -> vector<16xf32>
    %slice3A_118 = vector.extract_strided_slice %masked_cumsum3A_117 {offsets = [15], sizes = [1], strides = [1]} : vector<16xf32> to vector<1xf32>
    %squeeze3A_119 = vector.extract %slice3A_118[0] : f32 from vector<1xf32>
    %broadcast_in_dim3A_120 = vector.broadcast %squeeze3A_119 : f32 to vector<16xf32>
    %select_n3A_121 = arith.select %eq3A_103, %broadcast_in_dim3A_120, %select_n3A_82 : vector<16xi1>, vector<16xf32>
    %mul3A_122 = arith.constant 4 : i32
    %mul3A_123 = arith.muli %mul3A_122, %arg1 : i32
    %add3A_124 = arith.constant 1 : i32
    %add3A_125 = arith.addi %mul3A_123, %add3A_124 : i32
    %mul3A_126 = arith.constant 4 : i32
    %mul3A_127 = arith.muli %mul3A_126, %arg0 : i32
    %add3A_128 = arith.constant 0 : i32
    %add3A_129 = arith.addi %mul3A_127, %add3A_128 : i32
    %mul3A_130 = arith.constant 8192 : i32
    %mul3A_131 = arith.muli %add3A_129, %mul3A_130 : i32
    %dma_start3A_132 = tpu.memref_slice %arg2[%add3A_125, %mul3A_131] : memref<64x65536xf32, #tpu.memory_space<hbm>> -> memref<1x8192xf32, #tpu.memory_space<hbm>>
    %dma_start3A_133 = tpu.memref_squeeze %dma_start3A_132 : memref<1x8192xf32, #tpu.memory_space<hbm>> -> memref<8192xf32, #tpu.memory_space<hbm>>
    %dma_start3A_134 = tpu.memref_slice %arg2[%add3A_125, %mul3A_131] : memref<64x65536xf32, #tpu.memory_space<hbm>> -> memref<1x8192xf32, #tpu.memory_space<hbm>>
    %dma_start3A_135 = tpu.memref_squeeze %dma_start3A_134 : memref<1x8192xf32, #tpu.memory_space<hbm>> -> memref<8192xf32, #tpu.memory_space<hbm>>
    tpu.enqueue_dma source(%dma_start3A_135 : memref<8192xf32, #tpu.memory_space<hbm>>) target(%arg8 : memref<8192xf32, #tpu.memory_space<vmem>>) target_semaphore(%arg17 : memref<!tpu.dma_semaphore, #tpu.memory_space<semaphore_mem>>)
    %dma_wait3A_136 = tpu.memref_slice %arg2[%add3A_86, %mul3A_92] : memref<64x65536xf32, #tpu.memory_space<hbm>> -> memref<1x8192xf32, #tpu.memory_space<hbm>>
    %dma_wait3A_137 = tpu.memref_squeeze %dma_wait3A_136 : memref<1x8192xf32, #tpu.memory_space<hbm>> -> memref<8192xf32, #tpu.memory_space<hbm>>
    %dma_wait3A_138 = tpu.memref_slice %arg2[%add3A_86, %mul3A_92] : memref<64x65536xf32, #tpu.memory_space<hbm>> -> memref<1x8192xf32, #tpu.memory_space<hbm>>
    %dma_wait3A_139 = tpu.memref_squeeze %dma_wait3A_138 : memref<1x8192xf32, #tpu.memory_space<hbm>> -> memref<8192xf32, #tpu.memory_space<hbm>>
    tpu.wait_dma2 semaphore(%arg18 : memref<!tpu.dma_semaphore, #tpu.memory_space<semaphore_mem>>) src(%dma_wait3A_139 : memref<8192xf32, #tpu.memory_space<hbm>>) dst(%arg9 : memref<8192xf32, #tpu.memory_space<vmem>>)
    %eq3A_140 = arith.constant 3 : i32
    %eq3A_141 = vector.broadcast %eq3A_140 : i32 to vector<16xi32>
    %eq3A_142 = arith.cmpi eq, %iota3A, %eq3A_141 : vector<16xi32>
    %broadcast_in_dim3A_143 = arith.constant 0.000000e+00 : f32
    %broadcast_in_dim3A_144 = vector.broadcast %broadcast_in_dim3A_143 : f32 to vector<16xf32>
    %scan3A_145 = arith.constant 0 : i32
    %scan3A_146 = arith.constant 32 : i32
    %scan3A_147 = arith.addi %scan3A_145, %scan3A_146 : i32
    %scan3A_148 = arith.constant 1 : i32
    %scan3A_149:4 = scf.for %scan3A_930 = %scan3A_145 to %scan3A_147 step %scan3A_148 iter_args(%scan3A_931 = %broadcast_in_dim3A_144, %scan3A_932 = %broadcast_in_dim3A_144, %scan3A_933 = %broadcast_in_dim3A_144, %scan3A_934 = %broadcast_in_dim3A_144) -> (vector<16xf32>, vector<16xf32>, vector<16xf32>, vector<16xf32>)  : i32 {
      %mul3A_935 = arith.constant 256 : i32
      %mul3A_936 = arith.muli %scan3A_930, %mul3A_935 : i32
      %add3A_937 = arith.constant 0 : i32
      %add3A_938 = arith.addi %mul3A_936, %add3A_937 : i32
      %get3A = arith.index_cast %add3A_938 : i32 to index
      %get3A_939 = tpu.vector_load %arg9[%get3A] {strides = array<i32>} : memref<8192xf32, #tpu.memory_space<vmem>>, vector<16xf32>,
      %add3A_940 = arith.addf %scan3A_931, %get3A_939 : vector<16xf32>
      %add3A_941 = arith.constant 0 : i32
      %add3A_942 = arith.addi %mul3A_936, %add3A_941 : i32
      %add3A_943 = arith.constant 16 : i32
      %add3A_944 = arith.addi %add3A_942, %add3A_943 : i32
      %get3A_945 = arith.index_cast %add3A_944 : i32 to index
      %get3A_946 = tpu.vector_load %arg9[%get3A_945] {strides = array<i32>} : memref<8192xf32, #tpu.memory_space<vmem>>, vector<16xf32>,
      %add3A_947 = arith.addf %scan3A_932, %get3A_946 : vector<16xf32>
      %add3A_948 = arith.constant 0 : i32
      %add3A_949 = arith.addi %mul3A_936, %add3A_948 : i32
      %add3A_950 = arith.constant 32 : i32
      %add3A_951 = arith.addi %add3A_949, %add3A_950 : i32
      %get3A_952 = arith.index_cast %add3A_951 : i32 to index
      %get3A_953 = tpu.vector_load %arg9[%get3A_952] {strides = array<i32>} : memref<8192xf32, #tpu.memory_space<vmem>>, vector<16xf32>,
      %add3A_954 = arith.addf %scan3A_933, %get3A_953 : vector<16xf32>
      %add3A_955 = arith.constant 0 : i32
      %add3A_956 = arith.addi %mul3A_936, %add3A_955 : i32
      %add3A_957 = arith.constant 48 : i32
      %add3A_958 = arith.addi %add3A_956, %add3A_957 : i32
      %get3A_959 = arith.index_cast %add3A_958 : i32 to index
      %get3A_960 = tpu.vector_load %arg9[%get3A_959] {strides = array<i32>} : memref<8192xf32, #tpu.memory_space<vmem>>, vector<16xf32>,
      %add3A_961 = arith.addf %scan3A_934, %get3A_960 : vector<16xf32>
      %add3A_962 = arith.constant 64 : i32
      %add3A_963 = arith.addi %mul3A_936, %add3A_962 : i32
      %get3A_964 = arith.index_cast %add3A_963 : i32 to index
      %get3A_965 = tpu.vector_load %arg9[%get3A_964] {strides = array<i32>} : memref<8192xf32, #tpu.memory_space<vmem>>, vector<16xf32>,
      %add3A_966 = arith.addf %add3A_940, %get3A_965 : vector<16xf32>
      %add3A_967 = arith.constant 64 : i32
      %add3A_968 = arith.addi %mul3A_936, %add3A_967 : i32
      %add3A_969 = arith.constant 16 : i32
      %add3A_970 = arith.addi %add3A_968, %add3A_969 : i32
      %get3A_971 = arith.index_cast %add3A_970 : i32 to index
      %get3A_972 = tpu.vector_load %arg9[%get3A_971] {strides = array<i32>} : memref<8192xf32, #tpu.memory_space<vmem>>, vector<16xf32>,
      %add3A_973 = arith.addf %add3A_947, %get3A_972 : vector<16xf32>
      %add3A_974 = arith.constant 64 : i32
      %add3A_975 = arith.addi %mul3A_936, %add3A_974 : i32
      %add3A_976 = arith.constant 32 : i32
      %add3A_977 = arith.addi %add3A_975, %add3A_976 : i32
      %get3A_978 = arith.index_cast %add3A_977 : i32 to index
      %get3A_979 = tpu.vector_load %arg9[%get3A_978] {strides = array<i32>} : memref<8192xf32, #tpu.memory_space<vmem>>, vector<16xf32>,
      %add3A_980 = arith.addf %add3A_954, %get3A_979 : vector<16xf32>
      %add3A_981 = arith.constant 64 : i32
      %add3A_982 = arith.addi %mul3A_936, %add3A_981 : i32
      %add3A_983 = arith.constant 48 : i32
      %add3A_984 = arith.addi %add3A_982, %add3A_983 : i32
      %get3A_985 = arith.index_cast %add3A_984 : i32 to index
      %get3A_986 = tpu.vector_load %arg9[%get3A_985] {strides = array<i32>} : memref<8192xf32, #tpu.memory_space<vmem>>, vector<16xf32>,
      %add3A_987 = arith.addf %add3A_961, %get3A_986 : vector<16xf32>
      %add3A_988 = arith.constant 128 : i32
      %add3A_989 = arith.addi %mul3A_936, %add3A_988 : i32
      %get3A_990 = arith.index_cast %add3A_989 : i32 to index
      %get3A_991 = tpu.vector_load %arg9[%get3A_990] {strides = array<i32>} : memref<8192xf32, #tpu.memory_space<vmem>>, vector<16xf32>,
      %add3A_992 = arith.addf %add3A_966, %get3A_991 : vector<16xf32>
      %add3A_993 = arith.constant 128 : i32
      %add3A_994 = arith.addi %mul3A_936, %add3A_993 : i32
      %add3A_995 = arith.constant 16 : i32
      %add3A_996 = arith.addi %add3A_994, %add3A_995 : i32
      %get3A_997 = arith.index_cast %add3A_996 : i32 to index
      %get3A_998 = tpu.vector_load %arg9[%get3A_997] {strides = array<i32>} : memref<8192xf32, #tpu.memory_space<vmem>>, vector<16xf32>,
      %add3A_999 = arith.addf %add3A_973, %get3A_998 : vector<16xf32>
      %add3A_1000 = arith.constant 128 : i32
      %add3A_1001 = arith.addi %mul3A_936, %add3A_1000 : i32
      %add3A_1002 = arith.constant 32 : i32
      %add3A_1003 = arith.addi %add3A_1001, %add3A_1002 : i32
      %get3A_1004 = arith.index_cast %add3A_1003 : i32 to index
      %get3A_1005 = tpu.vector_load %arg9[%get3A_1004] {strides = array<i32>} : memref<8192xf32, #tpu.memory_space<vmem>>, vector<16xf32>,
      %add3A_1006 = arith.addf %add3A_980, %get3A_1005 : vector<16xf32>
      %add3A_1007 = arith.constant 128 : i32
      %add3A_1008 = arith.addi %mul3A_936, %add3A_1007 : i32
      %add3A_1009 = arith.constant 48 : i32
      %add3A_1010 = arith.addi %add3A_1008, %add3A_1009 : i32
      %get3A_1011 = arith.index_cast %add3A_1010 : i32 to index
      %get3A_1012 = tpu.vector_load %arg9[%get3A_1011] {strides = array<i32>} : memref<8192xf32, #tpu.memory_space<vmem>>, vector<16xf32>,
      %add3A_1013 = arith.addf %add3A_987, %get3A_1012 : vector<16xf32>
      %add3A_1014 = arith.constant 192 : i32
      %add3A_1015 = arith.addi %mul3A_936, %add3A_1014 : i32
      %get3A_1016 = arith.index_cast %add3A_1015 : i32 to index
      %get3A_1017 = tpu.vector_load %arg9[%get3A_1016] {strides = array<i32>} : memref<8192xf32, #tpu.memory_space<vmem>>, vector<16xf32>,
      %add3A_1018 = arith.addf %add3A_992, %get3A_1017 : vector<16xf32>
      %add3A_1019 = arith.constant 192 : i32
      %add3A_1020 = arith.addi %mul3A_936, %add3A_1019 : i32
      %add3A_1021 = arith.constant 16 : i32
      %add3A_1022 = arith.addi %add3A_1020, %add3A_1021 : i32
      %get3A_1023 = arith.index_cast %add3A_1022 : i32 to index
      %get3A_1024 = tpu.vector_load %arg9[%get3A_1023] {strides = array<i32>} : memref<8192xf32, #tpu.memory_space<vmem>>, vector<16xf32>,
      %add3A_1025 = arith.addf %add3A_999, %get3A_1024 : vector<16xf32>
      %add3A_1026 = arith.constant 192 : i32
      %add3A_1027 = arith.addi %mul3A_936, %add3A_1026 : i32
      %add3A_1028 = arith.constant 32 : i32
      %add3A_1029 = arith.addi %add3A_1027, %add3A_1028 : i32
      %get3A_1030 = arith.index_cast %add3A_1029 : i32 to index
      %get3A_1031 = tpu.vector_load %arg9[%get3A_1030] {strides = array<i32>} : memref<8192xf32, #tpu.memory_space<vmem>>, vector<16xf32>,
      %add3A_1032 = arith.addf %add3A_1006, %get3A_1031 : vector<16xf32>
      %add3A_1033 = arith.constant 192 : i32
      %add3A_1034 = arith.addi %mul3A_936, %add3A_1033 : i32
      %add3A_1035 = arith.constant 48 : i32
      %add3A_1036 = arith.addi %add3A_1034, %add3A_1035 : i32
      %get3A_1037 = arith.index_cast %add3A_1036 : i32 to index
      %get3A_1038 = tpu.vector_load %arg9[%get3A_1037] {strides = array<i32>} : memref<8192xf32, #tpu.memory_space<vmem>>, vector<16xf32>,
      %add3A_1039 = arith.addf %add3A_1013, %get3A_1038 : vector<16xf32>
      scf.yield %add3A_1018, %add3A_1025, %add3A_1032, %add3A_1039 : vector<16xf32>, vector<16xf32>, vector<16xf32>, vector<16xf32>
    }
    %scan3A_150 = arith.constant 32 : i32
    %add3A_151 = arith.addf %scan3A_149#0, %scan3A_149#1 : vector<16xf32>
    %add3A_152 = arith.addf %add3A_151, %scan3A_149#2 : vector<16xf32>
    %add3A_153 = arith.addf %add3A_152, %scan3A_149#3 : vector<16xf32>
    %broadcast_in_dim3A_154 = arith.constant true
    %broadcast_in_dim3A_155 = vector.broadcast %broadcast_in_dim3A_154 : i1 to vector<16xi1>
    %masked_cumsum3A_156 = tpu.scan <sum>, %add3A_153 masked %broadcast_in_dim3A_155 : vector<16xf32>, vector<16xi1> -> vector<16xf32>
    %slice3A_157 = vector.extract_strided_slice %masked_cumsum3A_156 {offsets = [15], sizes = [1], strides = [1]} : vector<16xf32> to vector<1xf32>
    %squeeze3A_158 = vector.extract %slice3A_157[0] : f32 from vector<1xf32>
    %broadcast_in_dim3A_159 = vector.broadcast %squeeze3A_158 : f32 to vector<16xf32>
    %select_n3A_160 = arith.select %eq3A_142, %broadcast_in_dim3A_159, %select_n3A_121 : vector<16xi1>, vector<16xf32>
    %mul3A_161 = arith.constant 4 : i32
    %mul3A_162 = arith.muli %mul3A_161, %arg1 : i32
    %add3A_163 = arith.constant 1 : i32
    %add3A_164 = arith.addi %mul3A_162, %add3A_163 : i32
    %mul3A_165 = arith.constant 4 : i32
    %mul3A_166 = arith.muli %mul3A_165, %arg0 : i32
    %add3A_167 = arith.constant 1 : i32
    %add3A_168 = arith.addi %mul3A_166, %add3A_167 : i32
    %mul3A_169 = arith.constant 8192 : i32
    %mul3A_170 = arith.muli %add3A_168, %mul3A_169 : i32
    %dma_start3A_171 = tpu.memref_slice %arg2[%add3A_164, %mul3A_170] : memref<64x65536xf32, #tpu.memory_space<hbm>> -> memref<1x8192xf32, #tpu.memory_space<hbm>>
    %dma_start3A_172 = tpu.memref_squeeze %dma_start3A_171 : memref<1x8192xf32, #tpu.memory_space<hbm>> -> memref<8192xf32, #tpu.memory_space<hbm>>
    %dma_start3A_173 = tpu.memref_slice %arg2[%add3A_164, %mul3A_170] : memref<64x65536xf32, #tpu.memory_space<hbm>> -> memref<1x8192xf32, #tpu.memory_space<hbm>>
    %dma_start3A_174 = tpu.memref_squeeze %dma_start3A_173 : memref<1x8192xf32, #tpu.memory_space<hbm>> -> memref<8192xf32, #tpu.memory_space<hbm>>
    tpu.enqueue_dma source(%dma_start3A_174 : memref<8192xf32, #tpu.memory_space<hbm>>) target(%arg9 : memref<8192xf32, #tpu.memory_space<vmem>>) target_semaphore(%arg18 : memref<!tpu.dma_semaphore, #tpu.memory_space<semaphore_mem>>)
    %dma_wait3A_175 = tpu.memref_slice %arg2[%add3A_125, %mul3A_131] : memref<64x65536xf32, #tpu.memory_space<hbm>> -> memref<1x8192xf32, #tpu.memory_space<hbm>>
    %dma_wait3A_176 = tpu.memref_squeeze %dma_wait3A_175 : memref<1x8192xf32, #tpu.memory_space<hbm>> -> memref<8192xf32, #tpu.memory_space<hbm>>
    %dma_wait3A_177 = tpu.memref_slice %arg2[%add3A_125, %mul3A_131] : memref<64x65536xf32, #tpu.memory_space<hbm>> -> memref<1x8192xf32, #tpu.memory_space<hbm>>
    %dma_wait3A_178 = tpu.memref_squeeze %dma_wait3A_177 : memref<1x8192xf32, #tpu.memory_space<hbm>> -> memref<8192xf32, #tpu.memory_space<hbm>>
    tpu.wait_dma2 semaphore(%arg17 : memref<!tpu.dma_semaphore, #tpu.memory_space<semaphore_mem>>) src(%dma_wait3A_178 : memref<8192xf32, #tpu.memory_space<hbm>>) dst(%arg8 : memref<8192xf32, #tpu.memory_space<vmem>>)
    %eq3A_179 = arith.constant 4 : i32
    %eq3A_180 = vector.broadcast %eq3A_179 : i32 to vector<16xi32>
    %eq3A_181 = arith.cmpi eq, %iota3A, %eq3A_180 : vector<16xi32>
    %broadcast_in_dim3A_182 = arith.constant 0.000000e+00 : f32
    %broadcast_in_dim3A_183 = vector.broadcast %broadcast_in_dim3A_182 : f32 to vector<16xf32>
    %scan3A_184 = arith.constant 0 : i32
    %scan3A_185 = arith.constant 32 : i32
    %scan3A_186 = arith.addi %scan3A_184, %scan3A_185 : i32
    %scan3A_187 = arith.constant 1 : i32
    %scan3A_188:4 = scf.for %scan3A_930 = %scan3A_184 to %scan3A_186 step %scan3A_187 iter_args(%scan3A_931 = %broadcast_in_dim3A_183, %scan3A_932 = %broadcast_in_dim3A_183, %scan3A_933 = %broadcast_in_dim3A_183, %scan3A_934 = %broadcast_in_dim3A_183) -> (vector<16xf32>, vector<16xf32>, vector<16xf32>, vector<16xf32>)  : i32 {
      %mul3A_935 = arith.constant 256 : i32
      %mul3A_936 = arith.muli %scan3A_930, %mul3A_935 : i32
      %add3A_937 = arith.constant 0 : i32
      %add3A_938 = arith.addi %mul3A_936, %add3A_937 : i32
      %get3A = arith.index_cast %add3A_938 : i32 to index
      %get3A_939 = tpu.vector_load %arg8[%get3A] {strides = array<i32>} : memref<8192xf32, #tpu.memory_space<vmem>>, vector<16xf32>,
      %add3A_940 = arith.addf %scan3A_931, %get3A_939 : vector<16xf32>
      %add3A_941 = arith.constant 0 : i32
      %add3A_942 = arith.addi %mul3A_936, %add3A_941 : i32
      %add3A_943 = arith.constant 16 : i32
      %add3A_944 = arith.addi %add3A_942, %add3A_943 : i32
      %get3A_945 = arith.index_cast %add3A_944 : i32 to index
      %get3A_946 = tpu.vector_load %arg8[%get3A_945] {strides = array<i32>} : memref<8192xf32, #tpu.memory_space<vmem>>, vector<16xf32>,
      %add3A_947 = arith.addf %scan3A_932, %get3A_946 : vector<16xf32>
      %add3A_948 = arith.constant 0 : i32
      %add3A_949 = arith.addi %mul3A_936, %add3A_948 : i32
      %add3A_950 = arith.constant 32 : i32
      %add3A_951 = arith.addi %add3A_949, %add3A_950 : i32
      %get3A_952 = arith.index_cast %add3A_951 : i32 to index
      %get3A_953 = tpu.vector_load %arg8[%get3A_952] {strides = array<i32>} : memref<8192xf32, #tpu.memory_space<vmem>>, vector<16xf32>,
      %add3A_954 = arith.addf %scan3A_933, %get3A_953 : vector<16xf32>
      %add3A_955 = arith.constant 0 : i32
      %add3A_956 = arith.addi %mul3A_936, %add3A_955 : i32
      %add3A_957 = arith.constant 48 : i32
      %add3A_958 = arith.addi %add3A_956, %add3A_957 : i32
      %get3A_959 = arith.index_cast %add3A_958 : i32 to index
      %get3A_960 = tpu.vector_load %arg8[%get3A_959] {strides = array<i32>} : memref<8192xf32, #tpu.memory_space<vmem>>, vector<16xf32>,
      %add3A_961 = arith.addf %scan3A_934, %get3A_960 : vector<16xf32>
      %add3A_962 = arith.constant 64 : i32
      %add3A_963 = arith.addi %mul3A_936, %add3A_962 : i32
      %get3A_964 = arith.index_cast %add3A_963 : i32 to index
      %get3A_965 = tpu.vector_load %arg8[%get3A_964] {strides = array<i32>} : memref<8192xf32, #tpu.memory_space<vmem>>, vector<16xf32>,
      %add3A_966 = arith.addf %add3A_940, %get3A_965 : vector<16xf32>
      %add3A_967 = arith.constant 64 : i32
      %add3A_968 = arith.addi %mul3A_936, %add3A_967 : i32
      %add3A_969 = arith.constant 16 : i32
      %add3A_970 = arith.addi %add3A_968, %add3A_969 : i32
      %get3A_971 = arith.index_cast %add3A_970 : i32 to index
      %get3A_972 = tpu.vector_load %arg8[%get3A_971] {strides = array<i32>} : memref<8192xf32, #tpu.memory_space<vmem>>, vector<16xf32>,
      %add3A_973 = arith.addf %add3A_947, %get3A_972 : vector<16xf32>
      %add3A_974 = arith.constant 64 : i32
      %add3A_975 = arith.addi %mul3A_936, %add3A_974 : i32
      %add3A_976 = arith.constant 32 : i32
      %add3A_977 = arith.addi %add3A_975, %add3A_976 : i32
      %get3A_978 = arith.index_cast %add3A_977 : i32 to index
      %get3A_979 = tpu.vector_load %arg8[%get3A_978] {strides = array<i32>} : memref<8192xf32, #tpu.memory_space<vmem>>, vector<16xf32>,
      %add3A_980 = arith.addf %add3A_954, %get3A_979 : vector<16xf32>
      %add3A_981 = arith.constant 64 : i32
      %add3A_982 = arith.addi %mul3A_936, %add3A_981 : i32
      %add3A_983 = arith.constant 48 : i32
      %add3A_984 = arith.addi %add3A_982, %add3A_983 : i32
      %get3A_985 = arith.index_cast %add3A_984 : i32 to index
      %get3A_986 = tpu.vector_load %arg8[%get3A_985] {strides = array<i32>} : memref<8192xf32, #tpu.memory_space<vmem>>, vector<16xf32>,
      %add3A_987 = arith.addf %add3A_961, %get3A_986 : vector<16xf32>
      %add3A_988 = arith.constant 128 : i32
      %add3A_989 = arith.addi %mul3A_936, %add3A_988 : i32
      %get3A_990 = arith.index_cast %add3A_989 : i32 to index
      %get3A_991 = tpu.vector_load %arg8[%get3A_990] {strides = array<i32>} : memref<8192xf32, #tpu.memory_space<vmem>>, vector<16xf32>,
      %add3A_992 = arith.addf %add3A_966, %get3A_991 : vector<16xf32>
      %add3A_993 = arith.constant 128 : i32
      %add3A_994 = arith.addi %mul3A_936, %add3A_993 : i32
      %add3A_995 = arith.constant 16 : i32
      %add3A_996 = arith.addi %add3A_994, %add3A_995 : i32
      %get3A_997 = arith.index_cast %add3A_996 : i32 to index
      %get3A_998 = tpu.vector_load %arg8[%get3A_997] {strides = array<i32>} : memref<8192xf32, #tpu.memory_space<vmem>>, vector<16xf32>,
      %add3A_999 = arith.addf %add3A_973, %get3A_998 : vector<16xf32>
      %add3A_1000 = arith.constant 128 : i32
      %add3A_1001 = arith.addi %mul3A_936, %add3A_1000 : i32
      %add3A_1002 = arith.constant 32 : i32
      %add3A_1003 = arith.addi %add3A_1001, %add3A_1002 : i32
      %get3A_1004 = arith.index_cast %add3A_1003 : i32 to index
      %get3A_1005 = tpu.vector_load %arg8[%get3A_1004] {strides = array<i32>} : memref<8192xf32, #tpu.memory_space<vmem>>, vector<16xf32>,
      %add3A_1006 = arith.addf %add3A_980, %get3A_1005 : vector<16xf32>
      %add3A_1007 = arith.constant 128 : i32
      %add3A_1008 = arith.addi %mul3A_936, %add3A_1007 : i32
      %add3A_1009 = arith.constant 48 : i32
      %add3A_1010 = arith.addi %add3A_1008, %add3A_1009 : i32
      %get3A_1011 = arith.index_cast %add3A_1010 : i32 to index
      %get3A_1012 = tpu.vector_load %arg8[%get3A_1011] {strides = array<i32>} : memref<8192xf32, #tpu.memory_space<vmem>>, vector<16xf32>,
      %add3A_1013 = arith.addf %add3A_987, %get3A_1012 : vector<16xf32>
      %add3A_1014 = arith.constant 192 : i32
      %add3A_1015 = arith.addi %mul3A_936, %add3A_1014 : i32
      %get3A_1016 = arith.index_cast %add3A_1015 : i32 to index
      %get3A_1017 = tpu.vector_load %arg8[%get3A_1016] {strides = array<i32>} : memref<8192xf32, #tpu.memory_space<vmem>>, vector<16xf32>,
      %add3A_1018 = arith.addf %add3A_992, %get3A_1017 : vector<16xf32>
      %add3A_1019 = arith.constant 192 : i32
      %add3A_1020 = arith.addi %mul3A_936, %add3A_1019 : i32
      %add3A_1021 = arith.constant 16 : i32
      %add3A_1022 = arith.addi %add3A_1020, %add3A_1021 : i32
      %get3A_1023 = arith.index_cast %add3A_1022 : i32 to index
      %get3A_1024 = tpu.vector_load %arg8[%get3A_1023] {strides = array<i32>} : memref<8192xf32, #tpu.memory_space<vmem>>, vector<16xf32>,
      %add3A_1025 = arith.addf %add3A_999, %get3A_1024 : vector<16xf32>
      %add3A_1026 = arith.constant 192 : i32
      %add3A_1027 = arith.addi %mul3A_936, %add3A_1026 : i32
      %add3A_1028 = arith.constant 32 : i32
      %add3A_1029 = arith.addi %add3A_1027, %add3A_1028 : i32
      %get3A_1030 = arith.index_cast %add3A_1029 : i32 to index
      %get3A_1031 = tpu.vector_load %arg8[%get3A_1030] {strides = array<i32>} : memref<8192xf32, #tpu.memory_space<vmem>>, vector<16xf32>,
      %add3A_1032 = arith.addf %add3A_1006, %get3A_1031 : vector<16xf32>
      %add3A_1033 = arith.constant 192 : i32
      %add3A_1034 = arith.addi %mul3A_936, %add3A_1033 : i32
      %add3A_1035 = arith.constant 48 : i32
      %add3A_1036 = arith.addi %add3A_1034, %add3A_1035 : i32
      %get3A_1037 = arith.index_cast %add3A_1036 : i32 to index
      %get3A_1038 = tpu.vector_load %arg8[%get3A_1037] {strides = array<i32>} : memref<8192xf32, #tpu.memory_space<vmem>>, vector<16xf32>,
      %add3A_1039 = arith.addf %add3A_1013, %get3A_1038 : vector<16xf32>
      scf.yield %add3A_1018, %add3A_1025, %add3A_1032, %add3A_1039 : vector<16xf32>, vector<16xf32>, vector<16xf32>, vector<16xf32>
    }
    %scan3A_189 = arith.constant 32 : i32
    %add3A_190 = arith.addf %scan3A_188#0, %scan3A_188#1 : vector<16xf32>
    %add3A_191 = arith.addf %add3A_190, %scan3A_188#2 : vector<16xf32>
    %add3A_192 = arith.addf %add3A_191, %scan3A_188#3 : vector<16xf32>
    %broadcast_in_dim3A_193 = arith.constant true
    %broadcast_in_dim3A_194 = vector.broadcast %broadcast_in_dim3A_193 : i1 to vector<16xi1>
    %masked_cumsum3A_195 = tpu.scan <sum>, %add3A_192 masked %broadcast_in_dim3A_194 : vector<16xf32>, vector<16xi1> -> vector<16xf32>
    %slice3A_196 = vector.extract_strided_slice %masked_cumsum3A_195 {offsets = [15], sizes = [1], strides = [1]} : vector<16xf32> to vector<1xf32>
    %squeeze3A_197 = vector.extract %slice3A_196[0] : f32 from vector<1xf32>
    %broadcast_in_dim3A_198 = vector.broadcast %squeeze3A_197 : f32 to vector<16xf32>
    %select_n3A_199 = arith.select %eq3A_181, %broadcast_in_dim3A_198, %select_n3A_160 : vector<16xi1>, vector<16xf32>
    %mul3A_200 = arith.constant 4 : i32
    %mul3A_201 = arith.muli %mul3A_200, %arg1 : i32
    %add3A_202 = arith.constant 1 : i32
    %add3A_203 = arith.addi %mul3A_201, %add3A_202 : i32
    %mul3A_204 = arith.constant 4 : i32
    %mul3A_205 = arith.muli %mul3A_204, %arg0 : i32
    %add3A_206 = arith.constant 2 : i32
    %add3A_207 = arith.addi %mul3A_205, %add3A_206 : i32
    %mul3A_208 = arith.constant 8192 : i32
    %mul3A_209 = arith.muli %add3A_207, %mul3A_208 : i32
    %dma_start3A_210 = tpu.memref_slice %arg2[%add3A_203, %mul3A_209] : memref<64x65536xf32, #tpu.memory_space<hbm>> -> memref<1x8192xf32, #tpu.memory_space<hbm>>
    %dma_start3A_211 = tpu.memref_squeeze %dma_start3A_210 : memref<1x8192xf32, #tpu.memory_space<hbm>> -> memref<8192xf32, #tpu.memory_space<hbm>>
    %dma_start3A_212 = tpu.memref_slice %arg2[%add3A_203, %mul3A_209] : memref<64x65536xf32, #tpu.memory_space<hbm>> -> memref<1x8192xf32, #tpu.memory_space<hbm>>
    %dma_start3A_213 = tpu.memref_squeeze %dma_start3A_212 : memref<1x8192xf32, #tpu.memory_space<hbm>> -> memref<8192xf32, #tpu.memory_space<hbm>>
    tpu.enqueue_dma source(%dma_start3A_213 : memref<8192xf32, #tpu.memory_space<hbm>>) target(%arg8 : memref<8192xf32, #tpu.memory_space<vmem>>) target_semaphore(%arg17 : memref<!tpu.dma_semaphore, #tpu.memory_space<semaphore_mem>>)
    %dma_wait3A_214 = tpu.memref_slice %arg2[%add3A_164, %mul3A_170] : memref<64x65536xf32, #tpu.memory_space<hbm>> -> memref<1x8192xf32, #tpu.memory_space<hbm>>
    %dma_wait3A_215 = tpu.memref_squeeze %dma_wait3A_214 : memref<1x8192xf32, #tpu.memory_space<hbm>> -> memref<8192xf32, #tpu.memory_space<hbm>>
    %dma_wait3A_216 = tpu.memref_slice %arg2[%add3A_164, %mul3A_170] : memref<64x65536xf32, #tpu.memory_space<hbm>> -> memref<1x8192xf32, #tpu.memory_space<hbm>>
    %dma_wait3A_217 = tpu.memref_squeeze %dma_wait3A_216 : memref<1x8192xf32, #tpu.memory_space<hbm>> -> memref<8192xf32, #tpu.memory_space<hbm>>
    tpu.wait_dma2 semaphore(%arg18 : memref<!tpu.dma_semaphore, #tpu.memory_space<semaphore_mem>>) src(%dma_wait3A_217 : memref<8192xf32, #tpu.memory_space<hbm>>) dst(%arg9 : memref<8192xf32, #tpu.memory_space<vmem>>)
    %eq3A_218 = arith.constant 5 : i32
    %eq3A_219 = vector.broadcast %eq3A_218 : i32 to vector<16xi32>
    %eq3A_220 = arith.cmpi eq, %iota3A, %eq3A_219 : vector<16xi32>
    %broadcast_in_dim3A_221 = arith.constant 0.000000e+00 : f32
    %broadcast_in_dim3A_222 = vector.broadcast %broadcast_in_dim3A_221 : f32 to vector<16xf32>
    %scan3A_223 = arith.constant 0 : i32
    %scan3A_224 = arith.constant 32 : i32
    %scan3A_225 = arith.addi %scan3A_223, %scan3A_224 : i32
    %scan3A_226 = arith.constant 1 : i32
    %scan3A_227:4 = scf.for %scan3A_930 = %scan3A_223 to %scan3A_225 step %scan3A_226 iter_args(%scan3A_931 = %broadcast_in_dim3A_222, %scan3A_932 = %broadcast_in_dim3A_222, %scan3A_933 = %broadcast_in_dim3A_222, %scan3A_934 = %broadcast_in_dim3A_222) -> (vector<16xf32>, vector<16xf32>, vector<16xf32>, vector<16xf32>)  : i32 {
      %mul3A_935 = arith.constant 256 : i32
      %mul3A_936 = arith.muli %scan3A_930, %mul3A_935 : i32
      %add3A_937 = arith.constant 0 : i32
      %add3A_938 = arith.addi %mul3A_936, %add3A_937 : i32
      %get3A = arith.index_cast %add3A_938 : i32 to index
      %get3A_939 = tpu.vector_load %arg9[%get3A] {strides = array<i32>} : memref<8192xf32, #tpu.memory_space<vmem>>, vector<16xf32>,
      %add3A_940 = arith.addf %scan3A_931, %get3A_939 : vector<16xf32>
      %add3A_941 = arith.constant 0 : i32
      %add3A_942 = arith.addi %mul3A_936, %add3A_941 : i32
      %add3A_943 = arith.constant 16 : i32
      %add3A_944 = arith.addi %add3A_942, %add3A_943 : i32
      %get3A_945 = arith.index_cast %add3A_944 : i32 to index
      %get3A_946 = tpu.vector_load %arg9[%get3A_945] {strides = array<i32>} : memref<8192xf32, #tpu.memory_space<vmem>>, vector<16xf32>,
      %add3A_947 = arith.addf %scan3A_932, %get3A_946 : vector<16xf32>
      %add3A_948 = arith.constant 0 : i32
      %add3A_949 = arith.addi %mul3A_936, %add3A_948 : i32
      %add3A_950 = arith.constant 32 : i32
      %add3A_951 = arith.addi %add3A_949, %add3A_950 : i32
      %get3A_952 = arith.index_cast %add3A_951 : i32 to index
      %get3A_953 = tpu.vector_load %arg9[%get3A_952] {strides = array<i32>} : memref<8192xf32, #tpu.memory_space<vmem>>, vector<16xf32>,
      %add3A_954 = arith.addf %scan3A_933, %get3A_953 : vector<16xf32>
      %add3A_955 = arith.constant 0 : i32
      %add3A_956 = arith.addi %mul3A_936, %add3A_955 : i32
      %add3A_957 = arith.constant 48 : i32
      %add3A_958 = arith.addi %add3A_956, %add3A_957 : i32
      %get3A_959 = arith.index_cast %add3A_958 : i32 to index
      %get3A_960 = tpu.vector_load %arg9[%get3A_959] {strides = array<i32>} : memref<8192xf32, #tpu.memory_space<vmem>>, vector<16xf32>,
      %add3A_961 = arith.addf %scan3A_934, %get3A_960 : vector<16xf32>
      %add3A_962 = arith.constant 64 : i32
      %add3A_963 = arith.addi %mul3A_936, %add3A_962 : i32
      %get3A_964 = arith.index_cast %add3A_963 : i32 to index
      %get3A_965 = tpu.vector_load %arg9[%get3A_964] {strides = array<i32>} : memref<8192xf32, #tpu.memory_space<vmem>>, vector<16xf32>,
      %add3A_966 = arith.addf %add3A_940, %get3A_965 : vector<16xf32>
      %add3A_967 = arith.constant 64 : i32
      %add3A_968 = arith.addi %mul3A_936, %add3A_967 : i32
      %add3A_969 = arith.constant 16 : i32
      %add3A_970 = arith.addi %add3A_968, %add3A_969 : i32
      %get3A_971 = arith.index_cast %add3A_970 : i32 to index
      %get3A_972 = tpu.vector_load %arg9[%get3A_971] {strides = array<i32>} : memref<8192xf32, #tpu.memory_space<vmem>>, vector<16xf32>,
      %add3A_973 = arith.addf %add3A_947, %get3A_972 : vector<16xf32>
      %add3A_974 = arith.constant 64 : i32
      %add3A_975 = arith.addi %mul3A_936, %add3A_974 : i32
      %add3A_976 = arith.constant 32 : i32
      %add3A_977 = arith.addi %add3A_975, %add3A_976 : i32
      %get3A_978 = arith.index_cast %add3A_977 : i32 to index
      %get3A_979 = tpu.vector_load %arg9[%get3A_978] {strides = array<i32>} : memref<8192xf32, #tpu.memory_space<vmem>>, vector<16xf32>,
      %add3A_980 = arith.addf %add3A_954, %get3A_979 : vector<16xf32>
      %add3A_981 = arith.constant 64 : i32
      %add3A_982 = arith.addi %mul3A_936, %add3A_981 : i32
      %add3A_983 = arith.constant 48 : i32
      %add3A_984 = arith.addi %add3A_982, %add3A_983 : i32
      %get3A_985 = arith.index_cast %add3A_984 : i32 to index
      %get3A_986 = tpu.vector_load %arg9[%get3A_985] {strides = array<i32>} : memref<8192xf32, #tpu.memory_space<vmem>>, vector<16xf32>,
      %add3A_987 = arith.addf %add3A_961, %get3A_986 : vector<16xf32>
      %add3A_988 = arith.constant 128 : i32
      %add3A_989 = arith.addi %mul3A_936, %add3A_988 : i32
      %get3A_990 = arith.index_cast %add3A_989 : i32 to index
      %get3A_991 = tpu.vector_load %arg9[%get3A_990] {strides = array<i32>} : memref<8192xf32, #tpu.memory_space<vmem>>, vector<16xf32>,
      %add3A_992 = arith.addf %add3A_966, %get3A_991 : vector<16xf32>
      %add3A_993 = arith.constant 128 : i32
      %add3A_994 = arith.addi %mul3A_936, %add3A_993 : i32
      %add3A_995 = arith.constant 16 : i32
      %add3A_996 = arith.addi %add3A_994, %add3A_995 : i32
      %get3A_997 = arith.index_cast %add3A_996 : i32 to index
      %get3A_998 = tpu.vector_load %arg9[%get3A_997] {strides = array<i32>} : memref<8192xf32, #tpu.memory_space<vmem>>, vector<16xf32>,
      %add3A_999 = arith.addf %add3A_973, %get3A_998 : vector<16xf32>
      %add3A_1000 = arith.constant 128 : i32
      %add3A_1001 = arith.addi %mul3A_936, %add3A_1000 : i32
      %add3A_1002 = arith.constant 32 : i32
      %add3A_1003 = arith.addi %add3A_1001, %add3A_1002 : i32
      %get3A_1004 = arith.index_cast %add3A_1003 : i32 to index
      %get3A_1005 = tpu.vector_load %arg9[%get3A_1004] {strides = array<i32>} : memref<8192xf32, #tpu.memory_space<vmem>>, vector<16xf32>,
      %add3A_1006 = arith.addf %add3A_980, %get3A_1005 : vector<16xf32>
      %add3A_1007 = arith.constant 128 : i32
      %add3A_1008 = arith.addi %mul3A_936, %add3A_1007 : i32
      %add3A_1009 = arith.constant 48 : i32
      %add3A_1010 = arith.addi %add3A_1008, %add3A_1009 : i32
      %get3A_1011 = arith.index_cast %add3A_1010 : i32 to index
      %get3A_1012 = tpu.vector_load %arg9[%get3A_1011] {strides = array<i32>} : memref<8192xf32, #tpu.memory_space<vmem>>, vector<16xf32>,
      %add3A_1013 = arith.addf %add3A_987, %get3A_1012 : vector<16xf32>
      %add3A_1014 = arith.constant 192 : i32
      %add3A_1015 = arith.addi %mul3A_936, %add3A_1014 : i32
      %get3A_1016 = arith.index_cast %add3A_1015 : i32 to index
      %get3A_1017 = tpu.vector_load %arg9[%get3A_1016] {strides = array<i32>} : memref<8192xf32, #tpu.memory_space<vmem>>, vector<16xf32>,
      %add3A_1018 = arith.addf %add3A_992, %get3A_1017 : vector<16xf32>
      %add3A_1019 = arith.constant 192 : i32
      %add3A_1020 = arith.addi %mul3A_936, %add3A_1019 : i32
      %add3A_1021 = arith.constant 16 : i32
      %add3A_1022 = arith.addi %add3A_1020, %add3A_1021 : i32
      %get3A_1023 = arith.index_cast %add3A_1022 : i32 to index
      %get3A_1024 = tpu.vector_load %arg9[%get3A_1023] {strides = array<i32>} : memref<8192xf32, #tpu.memory_space<vmem>>, vector<16xf32>,
      %add3A_1025 = arith.addf %add3A_999, %get3A_1024 : vector<16xf32>
      %add3A_1026 = arith.constant 192 : i32
      %add3A_1027 = arith.addi %mul3A_936, %add3A_1026 : i32
      %add3A_1028 = arith.constant 32 : i32
      %add3A_1029 = arith.addi %add3A_1027, %add3A_1028 : i32
      %get3A_1030 = arith.index_cast %add3A_1029 : i32 to index
      %get3A_1031 = tpu.vector_load %arg9[%get3A_1030] {strides = array<i32>} : memref<8192xf32, #tpu.memory_space<vmem>>, vector<16xf32>,
      %add3A_1032 = arith.addf %add3A_1006, %get3A_1031 : vector<16xf32>
      %add3A_1033 = arith.constant 192 : i32
      %add3A_1034 = arith.addi %mul3A_936, %add3A_1033 : i32
      %add3A_1035 = arith.constant 48 : i32
      %add3A_1036 = arith.addi %add3A_1034, %add3A_1035 : i32
      %get3A_1037 = arith.index_cast %add3A_1036 : i32 to index
      %get3A_1038 = tpu.vector_load %arg9[%get3A_1037] {strides = array<i32>} : memref<8192xf32, #tpu.memory_space<vmem>>, vector<16xf32>,
      %add3A_1039 = arith.addf %add3A_1013, %get3A_1038 : vector<16xf32>
      scf.yield %add3A_1018, %add3A_1025, %add3A_1032, %add3A_1039 : vector<16xf32>, vector<16xf32>, vector<16xf32>, vector<16xf32>
    }
    %scan3A_228 = arith.constant 32 : i32
    %add3A_229 = arith.addf %scan3A_227#0, %scan3A_227#1 : vector<16xf32>
    %add3A_230 = arith.addf %add3A_229, %scan3A_227#2 : vector<16xf32>
    %add3A_231 = arith.addf %add3A_230, %scan3A_227#3 : vector<16xf32>
    %broadcast_in_dim3A_232 = arith.constant true
    %broadcast_in_dim3A_233 = vector.broadcast %broadcast_in_dim3A_232 : i1 to vector<16xi1>
    %masked_cumsum3A_234 = tpu.scan <sum>, %add3A_231 masked %broadcast_in_dim3A_233 : vector<16xf32>, vector<16xi1> -> vector<16xf32>
    %slice3A_235 = vector.extract_strided_slice %masked_cumsum3A_234 {offsets = [15], sizes = [1], strides = [1]} : vector<16xf32> to vector<1xf32>
    %squeeze3A_236 = vector.extract %slice3A_235[0] : f32 from vector<1xf32>
    %broadcast_in_dim3A_237 = vector.broadcast %squeeze3A_236 : f32 to vector<16xf32>
    %select_n3A_238 = arith.select %eq3A_220, %broadcast_in_dim3A_237, %select_n3A_199 : vector<16xi1>, vector<16xf32>
    %mul3A_239 = arith.constant 4 : i32
    %mul3A_240 = arith.muli %mul3A_239, %arg1 : i32
    %add3A_241 = arith.constant 1 : i32
    %add3A_242 = arith.addi %mul3A_240, %add3A_241 : i32
    %mul3A_243 = arith.constant 4 : i32
    %mul3A_244 = arith.muli %mul3A_243, %arg0 : i32
    %add3A_245 = arith.constant 3 : i32
    %add3A_246 = arith.addi %mul3A_244, %add3A_245 : i32
    %mul3A_247 = arith.constant 8192 : i32
    %mul3A_248 = arith.muli %add3A_246, %mul3A_247 : i32
    %dma_start3A_249 = tpu.memref_slice %arg2[%add3A_242, %mul3A_248] : memref<64x65536xf32, #tpu.memory_space<hbm>> -> memref<1x8192xf32, #tpu.memory_space<hbm>>
    %dma_start3A_250 = tpu.memref_squeeze %dma_start3A_249 : memref<1x8192xf32, #tpu.memory_space<hbm>> -> memref<8192xf32, #tpu.memory_space<hbm>>
    %dma_start3A_251 = tpu.memref_slice %arg2[%add3A_242, %mul3A_248] : memref<64x65536xf32, #tpu.memory_space<hbm>> -> memref<1x8192xf32, #tpu.memory_space<hbm>>
    %dma_start3A_252 = tpu.memref_squeeze %dma_start3A_251 : memref<1x8192xf32, #tpu.memory_space<hbm>> -> memref<8192xf32, #tpu.memory_space<hbm>>
    tpu.enqueue_dma source(%dma_start3A_252 : memref<8192xf32, #tpu.memory_space<hbm>>) target(%arg9 : memref<8192xf32, #tpu.memory_space<vmem>>) target_semaphore(%arg18 : memref<!tpu.dma_semaphore, #tpu.memory_space<semaphore_mem>>)
    %dma_wait3A_253 = tpu.memref_slice %arg2[%add3A_203, %mul3A_209] : memref<64x65536xf32, #tpu.memory_space<hbm>> -> memref<1x8192xf32, #tpu.memory_space<hbm>>
    %dma_wait3A_254 = tpu.memref_squeeze %dma_wait3A_253 : memref<1x8192xf32, #tpu.memory_space<hbm>> -> memref<8192xf32, #tpu.memory_space<hbm>>
    %dma_wait3A_255 = tpu.memref_slice %arg2[%add3A_203, %mul3A_209] : memref<64x65536xf32, #tpu.memory_space<hbm>> -> memref<1x8192xf32, #tpu.memory_space<hbm>>
    %dma_wait3A_256 = tpu.memref_squeeze %dma_wait3A_255 : memref<1x8192xf32, #tpu.memory_space<hbm>> -> memref<8192xf32, #tpu.memory_space<hbm>>
    tpu.wait_dma2 semaphore(%arg17 : memref<!tpu.dma_semaphore, #tpu.memory_space<semaphore_mem>>) src(%dma_wait3A_256 : memref<8192xf32, #tpu.memory_space<hbm>>) dst(%arg8 : memref<8192xf32, #tpu.memory_space<vmem>>)
    %eq3A_257 = arith.constant 6 : i32
    %eq3A_258 = vector.broadcast %eq3A_257 : i32 to vector<16xi32>
    %eq3A_259 = arith.cmpi eq, %iota3A, %eq3A_258 : vector<16xi32>
    %broadcast_in_dim3A_260 = arith.constant 0.000000e+00 : f32
    %broadcast_in_dim3A_261 = vector.broadcast %broadcast_in_dim3A_260 : f32 to vector<16xf32>
    %scan3A_262 = arith.constant 0 : i32
    %scan3A_263 = arith.constant 32 : i32
    %scan3A_264 = arith.addi %scan3A_262, %scan3A_263 : i32
    %scan3A_265 = arith.constant 1 : i32
    %scan3A_266:4 = scf.for %scan3A_930 = %scan3A_262 to %scan3A_264 step %scan3A_265 iter_args(%scan3A_931 = %broadcast_in_dim3A_261, %scan3A_932 = %broadcast_in_dim3A_261, %scan3A_933 = %broadcast_in_dim3A_261, %scan3A_934 = %broadcast_in_dim3A_261) -> (vector<16xf32>, vector<16xf32>, vector<16xf32>, vector<16xf32>)  : i32 {
      %mul3A_935 = arith.constant 256 : i32
      %mul3A_936 = arith.muli %scan3A_930, %mul3A_935 : i32
      %add3A_937 = arith.constant 0 : i32
      %add3A_938 = arith.addi %mul3A_936, %add3A_937 : i32
      %get3A = arith.index_cast %add3A_938 : i32 to index
      %get3A_939 = tpu.vector_load %arg8[%get3A] {strides = array<i32>} : memref<8192xf32, #tpu.memory_space<vmem>>, vector<16xf32>,
      %add3A_940 = arith.addf %scan3A_931, %get3A_939 : vector<16xf32>
      %add3A_941 = arith.constant 0 : i32
      %add3A_942 = arith.addi %mul3A_936, %add3A_941 : i32
      %add3A_943 = arith.constant 16 : i32
      %add3A_944 = arith.addi %add3A_942, %add3A_943 : i32
      %get3A_945 = arith.index_cast %add3A_944 : i32 to index
      %get3A_946 = tpu.vector_load %arg8[%get3A_945] {strides = array<i32>} : memref<8192xf32, #tpu.memory_space<vmem>>, vector<16xf32>,
      %add3A_947 = arith.addf %scan3A_932, %get3A_946 : vector<16xf32>
      %add3A_948 = arith.constant 0 : i32
      %add3A_949 = arith.addi %mul3A_936, %add3A_948 : i32
      %add3A_950 = arith.constant 32 : i32
      %add3A_951 = arith.addi %add3A_949, %add3A_950 : i32
      %get3A_952 = arith.index_cast %add3A_951 : i32 to index
      %get3A_953 = tpu.vector_load %arg8[%get3A_952] {strides = array<i32>} : memref<8192xf32, #tpu.memory_space<vmem>>, vector<16xf32>,
      %add3A_954 = arith.addf %scan3A_933, %get3A_953 : vector<16xf32>
      %add3A_955 = arith.constant 0 : i32
      %add3A_956 = arith.addi %mul3A_936, %add3A_955 : i32
      %add3A_957 = arith.constant 48 : i32
      %add3A_958 = arith.addi %add3A_956, %add3A_957 : i32
      %get3A_959 = arith.index_cast %add3A_958 : i32 to index
      %get3A_960 = tpu.vector_load %arg8[%get3A_959] {strides = array<i32>} : memref<8192xf32, #tpu.memory_space<vmem>>, vector<16xf32>,
      %add3A_961 = arith.addf %scan3A_934, %get3A_960 : vector<16xf32>
      %add3A_962 = arith.constant 64 : i32
      %add3A_963 = arith.addi %mul3A_936, %add3A_962 : i32
      %get3A_964 = arith.index_cast %add3A_963 : i32 to index
      %get3A_965 = tpu.vector_load %arg8[%get3A_964] {strides = array<i32>} : memref<8192xf32, #tpu.memory_space<vmem>>, vector<16xf32>,
      %add3A_966 = arith.addf %add3A_940, %get3A_965 : vector<16xf32>
      %add3A_967 = arith.constant 64 : i32
      %add3A_968 = arith.addi %mul3A_936, %add3A_967 : i32
      %add3A_969 = arith.constant 16 : i32
      %add3A_970 = arith.addi %add3A_968, %add3A_969 : i32
      %get3A_971 = arith.index_cast %add3A_970 : i32 to index
      %get3A_972 = tpu.vector_load %arg8[%get3A_971] {strides = array<i32>} : memref<8192xf32, #tpu.memory_space<vmem>>, vector<16xf32>,
      %add3A_973 = arith.addf %add3A_947, %get3A_972 : vector<16xf32>
      %add3A_974 = arith.constant 64 : i32
      %add3A_975 = arith.addi %mul3A_936, %add3A_974 : i32
      %add3A_976 = arith.constant 32 : i32
      %add3A_977 = arith.addi %add3A_975, %add3A_976 : i32
      %get3A_978 = arith.index_cast %add3A_977 : i32 to index
      %get3A_979 = tpu.vector_load %arg8[%get3A_978] {strides = array<i32>} : memref<8192xf32, #tpu.memory_space<vmem>>, vector<16xf32>,
      %add3A_980 = arith.addf %add3A_954, %get3A_979 : vector<16xf32>
      %add3A_981 = arith.constant 64 : i32
      %add3A_982 = arith.addi %mul3A_936, %add3A_981 : i32
      %add3A_983 = arith.constant 48 : i32
      %add3A_984 = arith.addi %add3A_982, %add3A_983 : i32
      %get3A_985 = arith.index_cast %add3A_984 : i32 to index
      %get3A_986 = tpu.vector_load %arg8[%get3A_985] {strides = array<i32>} : memref<8192xf32, #tpu.memory_space<vmem>>, vector<16xf32>,
      %add3A_987 = arith.addf %add3A_961, %get3A_986 : vector<16xf32>
      %add3A_988 = arith.constant 128 : i32
      %add3A_989 = arith.addi %mul3A_936, %add3A_988 : i32
      %get3A_990 = arith.index_cast %add3A_989 : i32 to index
      %get3A_991 = tpu.vector_load %arg8[%get3A_990] {strides = array<i32>} : memref<8192xf32, #tpu.memory_space<vmem>>, vector<16xf32>,
      %add3A_992 = arith.addf %add3A_966, %get3A_991 : vector<16xf32>
      %add3A_993 = arith.constant 128 : i32
      %add3A_994 = arith.addi %mul3A_936, %add3A_993 : i32
      %add3A_995 = arith.constant 16 : i32
      %add3A_996 = arith.addi %add3A_994, %add3A_995 : i32
      %get3A_997 = arith.index_cast %add3A_996 : i32 to index
      %get3A_998 = tpu.vector_load %arg8[%get3A_997] {strides = array<i32>} : memref<8192xf32, #tpu.memory_space<vmem>>, vector<16xf32>,
      %add3A_999 = arith.addf %add3A_973, %get3A_998 : vector<16xf32>
      %add3A_1000 = arith.constant 128 : i32
      %add3A_1001 = arith.addi %mul3A_936, %add3A_1000 : i32
      %add3A_1002 = arith.constant 32 : i32
      %add3A_1003 = arith.addi %add3A_1001, %add3A_1002 : i32
      %get3A_1004 = arith.index_cast %add3A_1003 : i32 to index
      %get3A_1005 = tpu.vector_load %arg8[%get3A_1004] {strides = array<i32>} : memref<8192xf32, #tpu.memory_space<vmem>>, vector<16xf32>,
      %add3A_1006 = arith.addf %add3A_980, %get3A_1005 : vector<16xf32>
      %add3A_1007 = arith.constant 128 : i32
      %add3A_1008 = arith.addi %mul3A_936, %add3A_1007 : i32
      %add3A_1009 = arith.constant 48 : i32
      %add3A_1010 = arith.addi %add3A_1008, %add3A_1009 : i32
      %get3A_1011 = arith.index_cast %add3A_1010 : i32 to index
      %get3A_1012 = tpu.vector_load %arg8[%get3A_1011] {strides = array<i32>} : memref<8192xf32, #tpu.memory_space<vmem>>, vector<16xf32>,
      %add3A_1013 = arith.addf %add3A_987, %get3A_1012 : vector<16xf32>
      %add3A_1014 = arith.constant 192 : i32
      %add3A_1015 = arith.addi %mul3A_936, %add3A_1014 : i32
      %get3A_1016 = arith.index_cast %add3A_1015 : i32 to index
      %get3A_1017 = tpu.vector_load %arg8[%get3A_1016] {strides = array<i32>} : memref<8192xf32, #tpu.memory_space<vmem>>, vector<16xf32>,
      %add3A_1018 = arith.addf %add3A_992, %get3A_1017 : vector<16xf32>
      %add3A_1019 = arith.constant 192 : i32
      %add3A_1020 = arith.addi %mul3A_936, %add3A_1019 : i32
      %add3A_1021 = arith.constant 16 : i32
      %add3A_1022 = arith.addi %add3A_1020, %add3A_1021 : i32
      %get3A_1023 = arith.index_cast %add3A_1022 : i32 to index
      %get3A_1024 = tpu.vector_load %arg8[%get3A_1023] {strides = array<i32>} : memref<8192xf32, #tpu.memory_space<vmem>>, vector<16xf32>,
      %add3A_1025 = arith.addf %add3A_999, %get3A_1024 : vector<16xf32>
      %add3A_1026 = arith.constant 192 : i32
      %add3A_1027 = arith.addi %mul3A_936, %add3A_1026 : i32
      %add3A_1028 = arith.constant 32 : i32
      %add3A_1029 = arith.addi %add3A_1027, %add3A_1028 : i32
      %get3A_1030 = arith.index_cast %add3A_1029 : i32 to index
      %get3A_1031 = tpu.vector_load %arg8[%get3A_1030] {strides = array<i32>} : memref<8192xf32, #tpu.memory_space<vmem>>, vector<16xf32>,
      %add3A_1032 = arith.addf %add3A_1006, %get3A_1031 : vector<16xf32>
      %add3A_1033 = arith.constant 192 : i32
      %add3A_1034 = arith.addi %mul3A_936, %add3A_1033 : i32
      %add3A_1035 = arith.constant 48 : i32
      %add3A_1036 = arith.addi %add3A_1034, %add3A_1035 : i32
      %get3A_1037 = arith.index_cast %add3A_1036 : i32 to index
      %get3A_1038 = tpu.vector_load %arg8[%get3A_1037] {strides = array<i32>} : memref<8192xf32, #tpu.memory_space<vmem>>, vector<16xf32>,
      %add3A_1039 = arith.addf %add3A_1013, %get3A_1038 : vector<16xf32>
      scf.yield %add3A_1018, %add3A_1025, %add3A_1032, %add3A_1039 : vector<16xf32>, vector<16xf32>, vector<16xf32>, vector<16xf32>
    }
    %scan3A_267 = arith.constant 32 : i32
    %add3A_268 = arith.addf %scan3A_266#0, %scan3A_266#1 : vector<16xf32>
    %add3A_269 = arith.addf %add3A_268, %scan3A_266#2 : vector<16xf32>
    %add3A_270 = arith.addf %add3A_269, %scan3A_266#3 : vector<16xf32>
    %broadcast_in_dim3A_271 = arith.constant true
    %broadcast_in_dim3A_272 = vector.broadcast %broadcast_in_dim3A_271 : i1 to vector<16xi1>
    %masked_cumsum3A_273 = tpu.scan <sum>, %add3A_270 masked %broadcast_in_dim3A_272 : vector<16xf32>, vector<16xi1> -> vector<16xf32>
    %slice3A_274 = vector.extract_strided_slice %masked_cumsum3A_273 {offsets = [15], sizes = [1], strides = [1]} : vector<16xf32> to vector<1xf32>
    %squeeze3A_275 = vector.extract %slice3A_274[0] : f32 from vector<1xf32>
    %broadcast_in_dim3A_276 = vector.broadcast %squeeze3A_275 : f32 to vector<16xf32>
    %select_n3A_277 = arith.select %eq3A_259, %broadcast_in_dim3A_276, %select_n3A_238 : vector<16xi1>, vector<16xf32>
    %mul3A_278 = arith.constant 4 : i32
    %mul3A_279 = arith.muli %mul3A_278, %arg1 : i32
    %add3A_280 = arith.constant 2 : i32
    %add3A_281 = arith.addi %mul3A_279, %add3A_280 : i32
    %mul3A_282 = arith.constant 4 : i32
    %mul3A_283 = arith.muli %mul3A_282, %arg0 : i32
    %add3A_284 = arith.constant 0 : i32
    %add3A_285 = arith.addi %mul3A_283, %add3A_284 : i32
    %mul3A_286 = arith.constant 8192 : i32
    %mul3A_287 = arith.muli %add3A_285, %mul3A_286 : i32
    %dma_start3A_288 = tpu.memref_slice %arg2[%add3A_281, %mul3A_287] : memref<64x65536xf32, #tpu.memory_space<hbm>> -> memref<1x8192xf32, #tpu.memory_space<hbm>>
    %dma_start3A_289 = tpu.memref_squeeze %dma_start3A_288 : memref<1x8192xf32, #tpu.memory_space<hbm>> -> memref<8192xf32, #tpu.memory_space<hbm>>
    %dma_start3A_290 = tpu.memref_slice %arg2[%add3A_281, %mul3A_287] : memref<64x65536xf32, #tpu.memory_space<hbm>> -> memref<1x8192xf32, #tpu.memory_space<hbm>>
    %dma_start3A_291 = tpu.memref_squeeze %dma_start3A_290 : memref<1x8192xf32, #tpu.memory_space<hbm>> -> memref<8192xf32, #tpu.memory_space<hbm>>
    tpu.enqueue_dma source(%dma_start3A_291 : memref<8192xf32, #tpu.memory_space<hbm>>) target(%arg8 : memref<8192xf32, #tpu.memory_space<vmem>>) target_semaphore(%arg17 : memref<!tpu.dma_semaphore, #tpu.memory_space<semaphore_mem>>)
    %dma_wait3A_292 = tpu.memref_slice %arg2[%add3A_242, %mul3A_248] : memref<64x65536xf32, #tpu.memory_space<hbm>> -> memref<1x8192xf32, #tpu.memory_space<hbm>>
    %dma_wait3A_293 = tpu.memref_squeeze %dma_wait3A_292 : memref<1x8192xf32, #tpu.memory_space<hbm>> -> memref<8192xf32, #tpu.memory_space<hbm>>
    %dma_wait3A_294 = tpu.memref_slice %arg2[%add3A_242, %mul3A_248] : memref<64x65536xf32, #tpu.memory_space<hbm>> -> memref<1x8192xf32, #tpu.memory_space<hbm>>
    %dma_wait3A_295 = tpu.memref_squeeze %dma_wait3A_294 : memref<1x8192xf32, #tpu.memory_space<hbm>> -> memref<8192xf32, #tpu.memory_space<hbm>>
    tpu.wait_dma2 semaphore(%arg18 : memref<!tpu.dma_semaphore, #tpu.memory_space<semaphore_mem>>) src(%dma_wait3A_295 : memref<8192xf32, #tpu.memory_space<hbm>>) dst(%arg9 : memref<8192xf32, #tpu.memory_space<vmem>>)
    %eq3A_296 = arith.constant 7 : i32
    %eq3A_297 = vector.broadcast %eq3A_296 : i32 to vector<16xi32>
    %eq3A_298 = arith.cmpi eq, %iota3A, %eq3A_297 : vector<16xi32>
    %broadcast_in_dim3A_299 = arith.constant 0.000000e+00 : f32
    %broadcast_in_dim3A_300 = vector.broadcast %broadcast_in_dim3A_299 : f32 to vector<16xf32>
    %scan3A_301 = arith.constant 0 : i32
    %scan3A_302 = arith.constant 32 : i32
    %scan3A_303 = arith.addi %scan3A_301, %scan3A_302 : i32
    %scan3A_304 = arith.constant 1 : i32
    %scan3A_305:4 = scf.for %scan3A_930 = %scan3A_301 to %scan3A_303 step %scan3A_304 iter_args(%scan3A_931 = %broadcast_in_dim3A_300, %scan3A_932 = %broadcast_in_dim3A_300, %scan3A_933 = %broadcast_in_dim3A_300, %scan3A_934 = %broadcast_in_dim3A_300) -> (vector<16xf32>, vector<16xf32>, vector<16xf32>, vector<16xf32>)  : i32 {
      %mul3A_935 = arith.constant 256 : i32
      %mul3A_936 = arith.muli %scan3A_930, %mul3A_935 : i32
      %add3A_937 = arith.constant 0 : i32
      %add3A_938 = arith.addi %mul3A_936, %add3A_937 : i32
      %get3A = arith.index_cast %add3A_938 : i32 to index
      %get3A_939 = tpu.vector_load %arg9[%get3A] {strides = array<i32>} : memref<8192xf32, #tpu.memory_space<vmem>>, vector<16xf32>,
      %add3A_940 = arith.addf %scan3A_931, %get3A_939 : vector<16xf32>
      %add3A_941 = arith.constant 0 : i32
      %add3A_942 = arith.addi %mul3A_936, %add3A_941 : i32
      %add3A_943 = arith.constant 16 : i32
      %add3A_944 = arith.addi %add3A_942, %add3A_943 : i32
      %get3A_945 = arith.index_cast %add3A_944 : i32 to index
      %get3A_946 = tpu.vector_load %arg9[%get3A_945] {strides = array<i32>} : memref<8192xf32, #tpu.memory_space<vmem>>, vector<16xf32>,
      %add3A_947 = arith.addf %scan3A_932, %get3A_946 : vector<16xf32>
      %add3A_948 = arith.constant 0 : i32
      %add3A_949 = arith.addi %mul3A_936, %add3A_948 : i32
      %add3A_950 = arith.constant 32 : i32
      %add3A_951 = arith.addi %add3A_949, %add3A_950 : i32
      %get3A_952 = arith.index_cast %add3A_951 : i32 to index
      %get3A_953 = tpu.vector_load %arg9[%get3A_952] {strides = array<i32>} : memref<8192xf32, #tpu.memory_space<vmem>>, vector<16xf32>,
      %add3A_954 = arith.addf %scan3A_933, %get3A_953 : vector<16xf32>
      %add3A_955 = arith.constant 0 : i32
      %add3A_956 = arith.addi %mul3A_936, %add3A_955 : i32
      %add3A_957 = arith.constant 48 : i32
      %add3A_958 = arith.addi %add3A_956, %add3A_957 : i32
      %get3A_959 = arith.index_cast %add3A_958 : i32 to index
      %get3A_960 = tpu.vector_load %arg9[%get3A_959] {strides = array<i32>} : memref<8192xf32, #tpu.memory_space<vmem>>, vector<16xf32>,
      %add3A_961 = arith.addf %scan3A_934, %get3A_960 : vector<16xf32>
      %add3A_962 = arith.constant 64 : i32
      %add3A_963 = arith.addi %mul3A_936, %add3A_962 : i32
      %get3A_964 = arith.index_cast %add3A_963 : i32 to index
      %get3A_965 = tpu.vector_load %arg9[%get3A_964] {strides = array<i32>} : memref<8192xf32, #tpu.memory_space<vmem>>, vector<16xf32>,
      %add3A_966 = arith.addf %add3A_940, %get3A_965 : vector<16xf32>
      %add3A_967 = arith.constant 64 : i32
      %add3A_968 = arith.addi %mul3A_936, %add3A_967 : i32
      %add3A_969 = arith.constant 16 : i32
      %add3A_970 = arith.addi %add3A_968, %add3A_969 : i32
      %get3A_971 = arith.index_cast %add3A_970 : i32 to index
      %get3A_972 = tpu.vector_load %arg9[%get3A_971] {strides = array<i32>} : memref<8192xf32, #tpu.memory_space<vmem>>, vector<16xf32>,
      %add3A_973 = arith.addf %add3A_947, %get3A_972 : vector<16xf32>
      %add3A_974 = arith.constant 64 : i32
      %add3A_975 = arith.addi %mul3A_936, %add3A_974 : i32
      %add3A_976 = arith.constant 32 : i32
      %add3A_977 = arith.addi %add3A_975, %add3A_976 : i32
      %get3A_978 = arith.index_cast %add3A_977 : i32 to index
      %get3A_979 = tpu.vector_load %arg9[%get3A_978] {strides = array<i32>} : memref<8192xf32, #tpu.memory_space<vmem>>, vector<16xf32>,
      %add3A_980 = arith.addf %add3A_954, %get3A_979 : vector<16xf32>
      %add3A_981 = arith.constant 64 : i32
      %add3A_982 = arith.addi %mul3A_936, %add3A_981 : i32
      %add3A_983 = arith.constant 48 : i32
      %add3A_984 = arith.addi %add3A_982, %add3A_983 : i32
      %get3A_985 = arith.index_cast %add3A_984 : i32 to index
      %get3A_986 = tpu.vector_load %arg9[%get3A_985] {strides = array<i32>} : memref<8192xf32, #tpu.memory_space<vmem>>, vector<16xf32>,
      %add3A_987 = arith.addf %add3A_961, %get3A_986 : vector<16xf32>
      %add3A_988 = arith.constant 128 : i32
      %add3A_989 = arith.addi %mul3A_936, %add3A_988 : i32
      %get3A_990 = arith.index_cast %add3A_989 : i32 to index
      %get3A_991 = tpu.vector_load %arg9[%get3A_990] {strides = array<i32>} : memref<8192xf32, #tpu.memory_space<vmem>>, vector<16xf32>,
      %add3A_992 = arith.addf %add3A_966, %get3A_991 : vector<16xf32>
      %add3A_993 = arith.constant 128 : i32
      %add3A_994 = arith.addi %mul3A_936, %add3A_993 : i32
      %add3A_995 = arith.constant 16 : i32
      %add3A_996 = arith.addi %add3A_994, %add3A_995 : i32
      %get3A_997 = arith.index_cast %add3A_996 : i32 to index
      %get3A_998 = tpu.vector_load %arg9[%get3A_997] {strides = array<i32>} : memref<8192xf32, #tpu.memory_space<vmem>>, vector<16xf32>,
      %add3A_999 = arith.addf %add3A_973, %get3A_998 : vector<16xf32>
      %add3A_1000 = arith.constant 128 : i32
      %add3A_1001 = arith.addi %mul3A_936, %add3A_1000 : i32
      %add3A_1002 = arith.constant 32 : i32
      %add3A_1003 = arith.addi %add3A_1001, %add3A_1002 : i32
      %get3A_1004 = arith.index_cast %add3A_1003 : i32 to index
      %get3A_1005 = tpu.vector_load %arg9[%get3A_1004] {strides = array<i32>} : memref<8192xf32, #tpu.memory_space<vmem>>, vector<16xf32>,
      %add3A_1006 = arith.addf %add3A_980, %get3A_1005 : vector<16xf32>
      %add3A_1007 = arith.constant 128 : i32
      %add3A_1008 = arith.addi %mul3A_936, %add3A_1007 : i32
      %add3A_1009 = arith.constant 48 : i32
      %add3A_1010 = arith.addi %add3A_1008, %add3A_1009 : i32
      %get3A_1011 = arith.index_cast %add3A_1010 : i32 to index
      %get3A_1012 = tpu.vector_load %arg9[%get3A_1011] {strides = array<i32>} : memref<8192xf32, #tpu.memory_space<vmem>>, vector<16xf32>,
      %add3A_1013 = arith.addf %add3A_987, %get3A_1012 : vector<16xf32>
      %add3A_1014 = arith.constant 192 : i32
      %add3A_1015 = arith.addi %mul3A_936, %add3A_1014 : i32
      %get3A_1016 = arith.index_cast %add3A_1015 : i32 to index
      %get3A_1017 = tpu.vector_load %arg9[%get3A_1016] {strides = array<i32>} : memref<8192xf32, #tpu.memory_space<vmem>>, vector<16xf32>,
      %add3A_1018 = arith.addf %add3A_992, %get3A_1017 : vector<16xf32>
      %add3A_1019 = arith.constant 192 : i32
      %add3A_1020 = arith.addi %mul3A_936, %add3A_1019 : i32
      %add3A_1021 = arith.constant 16 : i32
      %add3A_1022 = arith.addi %add3A_1020, %add3A_1021 : i32
      %get3A_1023 = arith.index_cast %add3A_1022 : i32 to index
      %get3A_1024 = tpu.vector_load %arg9[%get3A_1023] {strides = array<i32>} : memref<8192xf32, #tpu.memory_space<vmem>>, vector<16xf32>,
      %add3A_1025 = arith.addf %add3A_999, %get3A_1024 : vector<16xf32>
      %add3A_1026 = arith.constant 192 : i32
      %add3A_1027 = arith.addi %mul3A_936, %add3A_1026 : i32
      %add3A_1028 = arith.constant 32 : i32
      %add3A_1029 = arith.addi %add3A_1027, %add3A_1028 : i32
      %get3A_1030 = arith.index_cast %add3A_1029 : i32 to index
      %get3A_1031 = tpu.vector_load %arg9[%get3A_1030] {strides = array<i32>} : memref<8192xf32, #tpu.memory_space<vmem>>, vector<16xf32>,
      %add3A_1032 = arith.addf %add3A_1006, %get3A_1031 : vector<16xf32>
      %add3A_1033 = arith.constant 192 : i32
      %add3A_1034 = arith.addi %mul3A_936, %add3A_1033 : i32
      %add3A_1035 = arith.constant 48 : i32
      %add3A_1036 = arith.addi %add3A_1034, %add3A_1035 : i32
      %get3A_1037 = arith.index_cast %add3A_1036 : i32 to index
      %get3A_1038 = tpu.vector_load %arg9[%get3A_1037] {strides = array<i32>} : memref<8192xf32, #tpu.memory_space<vmem>>, vector<16xf32>,
      %add3A_1039 = arith.addf %add3A_1013, %get3A_1038 : vector<16xf32>
      scf.yield %add3A_1018, %add3A_1025, %add3A_1032, %add3A_1039 : vector<16xf32>, vector<16xf32>, vector<16xf32>, vector<16xf32>
    }
    %scan3A_306 = arith.constant 32 : i32
    %add3A_307 = arith.addf %scan3A_305#0, %scan3A_305#1 : vector<16xf32>
    %add3A_308 = arith.addf %add3A_307, %scan3A_305#2 : vector<16xf32>
    %add3A_309 = arith.addf %add3A_308, %scan3A_305#3 : vector<16xf32>
    %broadcast_in_dim3A_310 = arith.constant true
    %broadcast_in_dim3A_311 = vector.broadcast %broadcast_in_dim3A_310 : i1 to vector<16xi1>
    %masked_cumsum3A_312 = tpu.scan <sum>, %add3A_309 masked %broadcast_in_dim3A_311 : vector<16xf32>, vector<16xi1> -> vector<16xf32>
    %slice3A_313 = vector.extract_strided_slice %masked_cumsum3A_312 {offsets = [15], sizes = [1], strides = [1]} : vector<16xf32> to vector<1xf32>
    %squeeze3A_314 = vector.extract %slice3A_313[0] : f32 from vector<1xf32>
    %broadcast_in_dim3A_315 = vector.broadcast %squeeze3A_314 : f32 to vector<16xf32>
    %select_n3A_316 = arith.select %eq3A_298, %broadcast_in_dim3A_315, %select_n3A_277 : vector<16xi1>, vector<16xf32>
    %mul3A_317 = arith.constant 4 : i32
    %mul3A_318 = arith.muli %mul3A_317, %arg1 : i32
    %add3A_319 = arith.constant 2 : i32
    %add3A_320 = arith.addi %mul3A_318, %add3A_319 : i32
    %mul3A_321 = arith.constant 4 : i32
    %mul3A_322 = arith.muli %mul3A_321, %arg0 : i32
    %add3A_323 = arith.constant 1 : i32
    %add3A_324 = arith.addi %mul3A_322, %add3A_323 : i32
    %mul3A_325 = arith.constant 8192 : i32
    %mul3A_326 = arith.muli %add3A_324, %mul3A_325 : i32
    %dma_start3A_327 = tpu.memref_slice %arg2[%add3A_320, %mul3A_326] : memref<64x65536xf32, #tpu.memory_space<hbm>> -> memref<1x8192xf32, #tpu.memory_space<hbm>>
    %dma_start3A_328 = tpu.memref_squeeze %dma_start3A_327 : memref<1x8192xf32, #tpu.memory_space<hbm>> -> memref<8192xf32, #tpu.memory_space<hbm>>
    %dma_start3A_329 = tpu.memref_slice %arg2[%add3A_320, %mul3A_326] : memref<64x65536xf32, #tpu.memory_space<hbm>> -> memref<1x8192xf32, #tpu.memory_space<hbm>>
    %dma_start3A_330 = tpu.memref_squeeze %dma_start3A_329 : memref<1x8192xf32, #tpu.memory_space<hbm>> -> memref<8192xf32, #tpu.memory_space<hbm>>
    tpu.enqueue_dma source(%dma_start3A_330 : memref<8192xf32, #tpu.memory_space<hbm>>) target(%arg9 : memref<8192xf32, #tpu.memory_space<vmem>>) target_semaphore(%arg18 : memref<!tpu.dma_semaphore, #tpu.memory_space<semaphore_mem>>)
    %dma_wait3A_331 = tpu.memref_slice %arg2[%add3A_281, %mul3A_287] : memref<64x65536xf32, #tpu.memory_space<hbm>> -> memref<1x8192xf32, #tpu.memory_space<hbm>>
    %dma_wait3A_332 = tpu.memref_squeeze %dma_wait3A_331 : memref<1x8192xf32, #tpu.memory_space<hbm>> -> memref<8192xf32, #tpu.memory_space<hbm>>
    %dma_wait3A_333 = tpu.memref_slice %arg2[%add3A_281, %mul3A_287] : memref<64x65536xf32, #tpu.memory_space<hbm>> -> memref<1x8192xf32, #tpu.memory_space<hbm>>
    %dma_wait3A_334 = tpu.memref_squeeze %dma_wait3A_333 : memref<1x8192xf32, #tpu.memory_space<hbm>> -> memref<8192xf32, #tpu.memory_space<hbm>>
    tpu.wait_dma2 semaphore(%arg17 : memref<!tpu.dma_semaphore, #tpu.memory_space<semaphore_mem>>) src(%dma_wait3A_334 : memref<8192xf32, #tpu.memory_space<hbm>>) dst(%arg8 : memref<8192xf32, #tpu.memory_space<vmem>>)
    %eq3A_335 = arith.constant 8 : i32
    %eq3A_336 = vector.broadcast %eq3A_335 : i32 to vector<16xi32>
    %eq3A_337 = arith.cmpi eq, %iota3A, %eq3A_336 : vector<16xi32>
    %broadcast_in_dim3A_338 = arith.constant 0.000000e+00 : f32
    %broadcast_in_dim3A_339 = vector.broadcast %broadcast_in_dim3A_338 : f32 to vector<16xf32>
    %scan3A_340 = arith.constant 0 : i32
    %scan3A_341 = arith.constant 32 : i32
    %scan3A_342 = arith.addi %scan3A_340, %scan3A_341 : i32
    %scan3A_343 = arith.constant 1 : i32
    %scan3A_344:4 = scf.for %scan3A_930 = %scan3A_340 to %scan3A_342 step %scan3A_343 iter_args(%scan3A_931 = %broadcast_in_dim3A_339, %scan3A_932 = %broadcast_in_dim3A_339, %scan3A_933 = %broadcast_in_dim3A_339, %scan3A_934 = %broadcast_in_dim3A_339) -> (vector<16xf32>, vector<16xf32>, vector<16xf32>, vector<16xf32>)  : i32 {
      %mul3A_935 = arith.constant 256 : i32
      %mul3A_936 = arith.muli %scan3A_930, %mul3A_935 : i32
      %add3A_937 = arith.constant 0 : i32
      %add3A_938 = arith.addi %mul3A_936, %add3A_937 : i32
      %get3A = arith.index_cast %add3A_938 : i32 to index
      %get3A_939 = tpu.vector_load %arg8[%get3A] {strides = array<i32>} : memref<8192xf32, #tpu.memory_space<vmem>>, vector<16xf32>,
      %add3A_940 = arith.addf %scan3A_931, %get3A_939 : vector<16xf32>
      %add3A_941 = arith.constant 0 : i32
      %add3A_942 = arith.addi %mul3A_936, %add3A_941 : i32
      %add3A_943 = arith.constant 16 : i32
      %add3A_944 = arith.addi %add3A_942, %add3A_943 : i32
      %get3A_945 = arith.index_cast %add3A_944 : i32 to index
      %get3A_946 = tpu.vector_load %arg8[%get3A_945] {strides = array<i32>} : memref<8192xf32, #tpu.memory_space<vmem>>, vector<16xf32>,
      %add3A_947 = arith.addf %scan3A_932, %get3A_946 : vector<16xf32>
      %add3A_948 = arith.constant 0 : i32
      %add3A_949 = arith.addi %mul3A_936, %add3A_948 : i32
      %add3A_950 = arith.constant 32 : i32
      %add3A_951 = arith.addi %add3A_949, %add3A_950 : i32
      %get3A_952 = arith.index_cast %add3A_951 : i32 to index
      %get3A_953 = tpu.vector_load %arg8[%get3A_952] {strides = array<i32>} : memref<8192xf32, #tpu.memory_space<vmem>>, vector<16xf32>,
      %add3A_954 = arith.addf %scan3A_933, %get3A_953 : vector<16xf32>
      %add3A_955 = arith.constant 0 : i32
      %add3A_956 = arith.addi %mul3A_936, %add3A_955 : i32
      %add3A_957 = arith.constant 48 : i32
      %add3A_958 = arith.addi %add3A_956, %add3A_957 : i32
      %get3A_959 = arith.index_cast %add3A_958 : i32 to index
      %get3A_960 = tpu.vector_load %arg8[%get3A_959] {strides = array<i32>} : memref<8192xf32, #tpu.memory_space<vmem>>, vector<16xf32>,
      %add3A_961 = arith.addf %scan3A_934, %get3A_960 : vector<16xf32>
      %add3A_962 = arith.constant 64 : i32
      %add3A_963 = arith.addi %mul3A_936, %add3A_962 : i32
      %get3A_964 = arith.index_cast %add3A_963 : i32 to index
      %get3A_965 = tpu.vector_load %arg8[%get3A_964] {strides = array<i32>} : memref<8192xf32, #tpu.memory_space<vmem>>, vector<16xf32>,
      %add3A_966 = arith.addf %add3A_940, %get3A_965 : vector<16xf32>
      %add3A_967 = arith.constant 64 : i32
      %add3A_968 = arith.addi %mul3A_936, %add3A_967 : i32
      %add3A_969 = arith.constant 16 : i32
      %add3A_970 = arith.addi %add3A_968, %add3A_969 : i32
      %get3A_971 = arith.index_cast %add3A_970 : i32 to index
      %get3A_972 = tpu.vector_load %arg8[%get3A_971] {strides = array<i32>} : memref<8192xf32, #tpu.memory_space<vmem>>, vector<16xf32>,
      %add3A_973 = arith.addf %add3A_947, %get3A_972 : vector<16xf32>
      %add3A_974 = arith.constant 64 : i32
      %add3A_975 = arith.addi %mul3A_936, %add3A_974 : i32
      %add3A_976 = arith.constant 32 : i32
      %add3A_977 = arith.addi %add3A_975, %add3A_976 : i32
      %get3A_978 = arith.index_cast %add3A_977 : i32 to index
      %get3A_979 = tpu.vector_load %arg8[%get3A_978] {strides = array<i32>} : memref<8192xf32, #tpu.memory_space<vmem>>, vector<16xf32>,
      %add3A_980 = arith.addf %add3A_954, %get3A_979 : vector<16xf32>
      %add3A_981 = arith.constant 64 : i32
      %add3A_982 = arith.addi %mul3A_936, %add3A_981 : i32
      %add3A_983 = arith.constant 48 : i32
      %add3A_984 = arith.addi %add3A_982, %add3A_983 : i32
      %get3A_985 = arith.index_cast %add3A_984 : i32 to index
      %get3A_986 = tpu.vector_load %arg8[%get3A_985] {strides = array<i32>} : memref<8192xf32, #tpu.memory_space<vmem>>, vector<16xf32>,
      %add3A_987 = arith.addf %add3A_961, %get3A_986 : vector<16xf32>
      %add3A_988 = arith.constant 128 : i32
      %add3A_989 = arith.addi %mul3A_936, %add3A_988 : i32
      %get3A_990 = arith.index_cast %add3A_989 : i32 to index
      %get3A_991 = tpu.vector_load %arg8[%get3A_990] {strides = array<i32>} : memref<8192xf32, #tpu.memory_space<vmem>>, vector<16xf32>,
      %add3A_992 = arith.addf %add3A_966, %get3A_991 : vector<16xf32>
      %add3A_993 = arith.constant 128 : i32
      %add3A_994 = arith.addi %mul3A_936, %add3A_993 : i32
      %add3A_995 = arith.constant 16 : i32
      %add3A_996 = arith.addi %add3A_994, %add3A_995 : i32
      %get3A_997 = arith.index_cast %add3A_996 : i32 to index
      %get3A_998 = tpu.vector_load %arg8[%get3A_997] {strides = array<i32>} : memref<8192xf32, #tpu.memory_space<vmem>>, vector<16xf32>,
      %add3A_999 = arith.addf %add3A_973, %get3A_998 : vector<16xf32>
      %add3A_1000 = arith.constant 128 : i32
      %add3A_1001 = arith.addi %mul3A_936, %add3A_1000 : i32
      %add3A_1002 = arith.constant 32 : i32
      %add3A_1003 = arith.addi %add3A_1001, %add3A_1002 : i32
      %get3A_1004 = arith.index_cast %add3A_1003 : i32 to index
      %get3A_1005 = tpu.vector_load %arg8[%get3A_1004] {strides = array<i32>} : memref<8192xf32, #tpu.memory_space<vmem>>, vector<16xf32>,
      %add3A_1006 = arith.addf %add3A_980, %get3A_1005 : vector<16xf32>
      %add3A_1007 = arith.constant 128 : i32
      %add3A_1008 = arith.addi %mul3A_936, %add3A_1007 : i32
      %add3A_1009 = arith.constant 48 : i32
      %add3A_1010 = arith.addi %add3A_1008, %add3A_1009 : i32
      %get3A_1011 = arith.index_cast %add3A_1010 : i32 to index
      %get3A_1012 = tpu.vector_load %arg8[%get3A_1011] {strides = array<i32>} : memref<8192xf32, #tpu.memory_space<vmem>>, vector<16xf32>,
      %add3A_1013 = arith.addf %add3A_987, %get3A_1012 : vector<16xf32>
      %add3A_1014 = arith.constant 192 : i32
      %add3A_1015 = arith.addi %mul3A_936, %add3A_1014 : i32
      %get3A_1016 = arith.index_cast %add3A_1015 : i32 to index
      %get3A_1017 = tpu.vector_load %arg8[%get3A_1016] {strides = array<i32>} : memref<8192xf32, #tpu.memory_space<vmem>>, vector<16xf32>,
      %add3A_1018 = arith.addf %add3A_992, %get3A_1017 : vector<16xf32>
      %add3A_1019 = arith.constant 192 : i32
      %add3A_1020 = arith.addi %mul3A_936, %add3A_1019 : i32
      %add3A_1021 = arith.constant 16 : i32
      %add3A_1022 = arith.addi %add3A_1020, %add3A_1021 : i32
      %get3A_1023 = arith.index_cast %add3A_1022 : i32 to index
      %get3A_1024 = tpu.vector_load %arg8[%get3A_1023] {strides = array<i32>} : memref<8192xf32, #tpu.memory_space<vmem>>, vector<16xf32>,
      %add3A_1025 = arith.addf %add3A_999, %get3A_1024 : vector<16xf32>
      %add3A_1026 = arith.constant 192 : i32
      %add3A_1027 = arith.addi %mul3A_936, %add3A_1026 : i32
      %add3A_1028 = arith.constant 32 : i32
      %add3A_1029 = arith.addi %add3A_1027, %add3A_1028 : i32
      %get3A_1030 = arith.index_cast %add3A_1029 : i32 to index
      %get3A_1031 = tpu.vector_load %arg8[%get3A_1030] {strides = array<i32>} : memref<8192xf32, #tpu.memory_space<vmem>>, vector<16xf32>,
      %add3A_1032 = arith.addf %add3A_1006, %get3A_1031 : vector<16xf32>
      %add3A_1033 = arith.constant 192 : i32
      %add3A_1034 = arith.addi %mul3A_936, %add3A_1033 : i32
      %add3A_1035 = arith.constant 48 : i32
      %add3A_1036 = arith.addi %add3A_1034, %add3A_1035 : i32
      %get3A_1037 = arith.index_cast %add3A_1036 : i32 to index
      %get3A_1038 = tpu.vector_load %arg8[%get3A_1037] {strides = array<i32>} : memref<8192xf32, #tpu.memory_space<vmem>>, vector<16xf32>,
      %add3A_1039 = arith.addf %add3A_1013, %get3A_1038 : vector<16xf32>
      scf.yield %add3A_1018, %add3A_1025, %add3A_1032, %add3A_1039 : vector<16xf32>, vector<16xf32>, vector<16xf32>, vector<16xf32>
    }
    %scan3A_345 = arith.constant 32 : i32
    %add3A_346 = arith.addf %scan3A_344#0, %scan3A_344#1 : vector<16xf32>
    %add3A_347 = arith.addf %add3A_346, %scan3A_344#2 : vector<16xf32>
    %add3A_348 = arith.addf %add3A_347, %scan3A_344#3 : vector<16xf32>
    %broadcast_in_dim3A_349 = arith.constant true
    %broadcast_in_dim3A_350 = vector.broadcast %broadcast_in_dim3A_349 : i1 to vector<16xi1>
    %masked_cumsum3A_351 = tpu.scan <sum>, %add3A_348 masked %broadcast_in_dim3A_350 : vector<16xf32>, vector<16xi1> -> vector<16xf32>
    %slice3A_352 = vector.extract_strided_slice %masked_cumsum3A_351 {offsets = [15], sizes = [1], strides = [1]} : vector<16xf32> to vector<1xf32>
    %squeeze3A_353 = vector.extract %slice3A_352[0] : f32 from vector<1xf32>
    %broadcast_in_dim3A_354 = vector.broadcast %squeeze3A_353 : f32 to vector<16xf32>
    %select_n3A_355 = arith.select %eq3A_337, %broadcast_in_dim3A_354, %select_n3A_316 : vector<16xi1>, vector<16xf32>
    %mul3A_356 = arith.constant 4 : i32
    %mul3A_357 = arith.muli %mul3A_356, %arg1 : i32
    %add3A_358 = arith.constant 2 : i32
    %add3A_359 = arith.addi %mul3A_357, %add3A_358 : i32
    %mul3A_360 = arith.constant 4 : i32
    %mul3A_361 = arith.muli %mul3A_360, %arg0 : i32
    %add3A_362 = arith.constant 2 : i32
    %add3A_363 = arith.addi %mul3A_361, %add3A_362 : i32
    %mul3A_364 = arith.constant 8192 : i32
    %mul3A_365 = arith.muli %add3A_363, %mul3A_364 : i32
    %dma_start3A_366 = tpu.memref_slice %arg2[%add3A_359, %mul3A_365] : memref<64x65536xf32, #tpu.memory_space<hbm>> -> memref<1x8192xf32, #tpu.memory_space<hbm>>
    %dma_start3A_367 = tpu.memref_squeeze %dma_start3A_366 : memref<1x8192xf32, #tpu.memory_space<hbm>> -> memref<8192xf32, #tpu.memory_space<hbm>>
    %dma_start3A_368 = tpu.memref_slice %arg2[%add3A_359, %mul3A_365] : memref<64x65536xf32, #tpu.memory_space<hbm>> -> memref<1x8192xf32, #tpu.memory_space<hbm>>
    %dma_start3A_369 = tpu.memref_squeeze %dma_start3A_368 : memref<1x8192xf32, #tpu.memory_space<hbm>> -> memref<8192xf32, #tpu.memory_space<hbm>>
    tpu.enqueue_dma source(%dma_start3A_369 : memref<8192xf32, #tpu.memory_space<hbm>>) target(%arg8 : memref<8192xf32, #tpu.memory_space<vmem>>) target_semaphore(%arg17 : memref<!tpu.dma_semaphore, #tpu.memory_space<semaphore_mem>>)
    %dma_wait3A_370 = tpu.memref_slice %arg2[%add3A_320, %mul3A_326] : memref<64x65536xf32, #tpu.memory_space<hbm>> -> memref<1x8192xf32, #tpu.memory_space<hbm>>
    %dma_wait3A_371 = tpu.memref_squeeze %dma_wait3A_370 : memref<1x8192xf32, #tpu.memory_space<hbm>> -> memref<8192xf32, #tpu.memory_space<hbm>>
    %dma_wait3A_372 = tpu.memref_slice %arg2[%add3A_320, %mul3A_326] : memref<64x65536xf32, #tpu.memory_space<hbm>> -> memref<1x8192xf32, #tpu.memory_space<hbm>>
    %dma_wait3A_373 = tpu.memref_squeeze %dma_wait3A_372 : memref<1x8192xf32, #tpu.memory_space<hbm>> -> memref<8192xf32, #tpu.memory_space<hbm>>
    tpu.wait_dma2 semaphore(%arg18 : memref<!tpu.dma_semaphore, #tpu.memory_space<semaphore_mem>>) src(%dma_wait3A_373 : memref<8192xf32, #tpu.memory_space<hbm>>) dst(%arg9 : memref<8192xf32, #tpu.memory_space<vmem>>)
    %eq3A_374 = arith.constant 9 : i32
    %eq3A_375 = vector.broadcast %eq3A_374 : i32 to vector<16xi32>
    %eq3A_376 = arith.cmpi eq, %iota3A, %eq3A_375 : vector<16xi32>
    %broadcast_in_dim3A_377 = arith.constant 0.000000e+00 : f32
    %broadcast_in_dim3A_378 = vector.broadcast %broadcast_in_dim3A_377 : f32 to vector<16xf32>
    %scan3A_379 = arith.constant 0 : i32
    %scan3A_380 = arith.constant 32 : i32
    %scan3A_381 = arith.addi %scan3A_379, %scan3A_380 : i32
    %scan3A_382 = arith.constant 1 : i32
    %scan3A_383:4 = scf.for %scan3A_930 = %scan3A_379 to %scan3A_381 step %scan3A_382 iter_args(%scan3A_931 = %broadcast_in_dim3A_378, %scan3A_932 = %broadcast_in_dim3A_378, %scan3A_933 = %broadcast_in_dim3A_378, %scan3A_934 = %broadcast_in_dim3A_378) -> (vector<16xf32>, vector<16xf32>, vector<16xf32>, vector<16xf32>)  : i32 {
      %mul3A_935 = arith.constant 256 : i32
      %mul3A_936 = arith.muli %scan3A_930, %mul3A_935 : i32
      %add3A_937 = arith.constant 0 : i32
      %add3A_938 = arith.addi %mul3A_936, %add3A_937 : i32
      %get3A = arith.index_cast %add3A_938 : i32 to index
      %get3A_939 = tpu.vector_load %arg9[%get3A] {strides = array<i32>} : memref<8192xf32, #tpu.memory_space<vmem>>, vector<16xf32>,
      %add3A_940 = arith.addf %scan3A_931, %get3A_939 : vector<16xf32>
      %add3A_941 = arith.constant 0 : i32
      %add3A_942 = arith.addi %mul3A_936, %add3A_941 : i32
      %add3A_943 = arith.constant 16 : i32
      %add3A_944 = arith.addi %add3A_942, %add3A_943 : i32
      %get3A_945 = arith.index_cast %add3A_944 : i32 to index
      %get3A_946 = tpu.vector_load %arg9[%get3A_945] {strides = array<i32>} : memref<8192xf32, #tpu.memory_space<vmem>>, vector<16xf32>,
      %add3A_947 = arith.addf %scan3A_932, %get3A_946 : vector<16xf32>
      %add3A_948 = arith.constant 0 : i32
      %add3A_949 = arith.addi %mul3A_936, %add3A_948 : i32
      %add3A_950 = arith.constant 32 : i32
      %add3A_951 = arith.addi %add3A_949, %add3A_950 : i32
      %get3A_952 = arith.index_cast %add3A_951 : i32 to index
      %get3A_953 = tpu.vector_load %arg9[%get3A_952] {strides = array<i32>} : memref<8192xf32, #tpu.memory_space<vmem>>, vector<16xf32>,
      %add3A_954 = arith.addf %scan3A_933, %get3A_953 : vector<16xf32>
      %add3A_955 = arith.constant 0 : i32
      %add3A_956 = arith.addi %mul3A_936, %add3A_955 : i32
      %add3A_957 = arith.constant 48 : i32
      %add3A_958 = arith.addi %add3A_956, %add3A_957 : i32
      %get3A_959 = arith.index_cast %add3A_958 : i32 to index
      %get3A_960 = tpu.vector_load %arg9[%get3A_959] {strides = array<i32>} : memref<8192xf32, #tpu.memory_space<vmem>>, vector<16xf32>,
      %add3A_961 = arith.addf %scan3A_934, %get3A_960 : vector<16xf32>
      %add3A_962 = arith.constant 64 : i32
      %add3A_963 = arith.addi %mul3A_936, %add3A_962 : i32
      %get3A_964 = arith.index_cast %add3A_963 : i32 to index
      %get3A_965 = tpu.vector_load %arg9[%get3A_964] {strides = array<i32>} : memref<8192xf32, #tpu.memory_space<vmem>>, vector<16xf32>,
      %add3A_966 = arith.addf %add3A_940, %get3A_965 : vector<16xf32>
      %add3A_967 = arith.constant 64 : i32
      %add3A_968 = arith.addi %mul3A_936, %add3A_967 : i32
      %add3A_969 = arith.constant 16 : i32
      %add3A_970 = arith.addi %add3A_968, %add3A_969 : i32
      %get3A_971 = arith.index_cast %add3A_970 : i32 to index
      %get3A_972 = tpu.vector_load %arg9[%get3A_971] {strides = array<i32>} : memref<8192xf32, #tpu.memory_space<vmem>>, vector<16xf32>,
      %add3A_973 = arith.addf %add3A_947, %get3A_972 : vector<16xf32>
      %add3A_974 = arith.constant 64 : i32
      %add3A_975 = arith.addi %mul3A_936, %add3A_974 : i32
      %add3A_976 = arith.constant 32 : i32
      %add3A_977 = arith.addi %add3A_975, %add3A_976 : i32
      %get3A_978 = arith.index_cast %add3A_977 : i32 to index
      %get3A_979 = tpu.vector_load %arg9[%get3A_978] {strides = array<i32>} : memref<8192xf32, #tpu.memory_space<vmem>>, vector<16xf32>,
      %add3A_980 = arith.addf %add3A_954, %get3A_979 : vector<16xf32>
      %add3A_981 = arith.constant 64 : i32
      %add3A_982 = arith.addi %mul3A_936, %add3A_981 : i32
      %add3A_983 = arith.constant 48 : i32
      %add3A_984 = arith.addi %add3A_982, %add3A_983 : i32
      %get3A_985 = arith.index_cast %add3A_984 : i32 to index
      %get3A_986 = tpu.vector_load %arg9[%get3A_985] {strides = array<i32>} : memref<8192xf32, #tpu.memory_space<vmem>>, vector<16xf32>,
      %add3A_987 = arith.addf %add3A_961, %get3A_986 : vector<16xf32>
      %add3A_988 = arith.constant 128 : i32
      %add3A_989 = arith.addi %mul3A_936, %add3A_988 : i32
      %get3A_990 = arith.index_cast %add3A_989 : i32 to index
      %get3A_991 = tpu.vector_load %arg9[%get3A_990] {strides = array<i32>} : memref<8192xf32, #tpu.memory_space<vmem>>, vector<16xf32>,
      %add3A_992 = arith.addf %add3A_966, %get3A_991 : vector<16xf32>
      %add3A_993 = arith.constant 128 : i32
      %add3A_994 = arith.addi %mul3A_936, %add3A_993 : i32
      %add3A_995 = arith.constant 16 : i32
      %add3A_996 = arith.addi %add3A_994, %add3A_995 : i32
      %get3A_997 = arith.index_cast %add3A_996 : i32 to index
      %get3A_998 = tpu.vector_load %arg9[%get3A_997] {strides = array<i32>} : memref<8192xf32, #tpu.memory_space<vmem>>, vector<16xf32>,
      %add3A_999 = arith.addf %add3A_973, %get3A_998 : vector<16xf32>
      %add3A_1000 = arith.constant 128 : i32
      %add3A_1001 = arith.addi %mul3A_936, %add3A_1000 : i32
      %add3A_1002 = arith.constant 32 : i32
      %add3A_1003 = arith.addi %add3A_1001, %add3A_1002 : i32
      %get3A_1004 = arith.index_cast %add3A_1003 : i32 to index
      %get3A_1005 = tpu.vector_load %arg9[%get3A_1004] {strides = array<i32>} : memref<8192xf32, #tpu.memory_space<vmem>>, vector<16xf32>,
      %add3A_1006 = arith.addf %add3A_980, %get3A_1005 : vector<16xf32>
      %add3A_1007 = arith.constant 128 : i32
      %add3A_1008 = arith.addi %mul3A_936, %add3A_1007 : i32
      %add3A_1009 = arith.constant 48 : i32
      %add3A_1010 = arith.addi %add3A_1008, %add3A_1009 : i32
      %get3A_1011 = arith.index_cast %add3A_1010 : i32 to index
      %get3A_1012 = tpu.vector_load %arg9[%get3A_1011] {strides = array<i32>} : memref<8192xf32, #tpu.memory_space<vmem>>, vector<16xf32>,
      %add3A_1013 = arith.addf %add3A_987, %get3A_1012 : vector<16xf32>
      %add3A_1014 = arith.constant 192 : i32
      %add3A_1015 = arith.addi %mul3A_936, %add3A_1014 : i32
      %get3A_1016 = arith.index_cast %add3A_1015 : i32 to index
      %get3A_1017 = tpu.vector_load %arg9[%get3A_1016] {strides = array<i32>} : memref<8192xf32, #tpu.memory_space<vmem>>, vector<16xf32>,
      %add3A_1018 = arith.addf %add3A_992, %get3A_1017 : vector<16xf32>
      %add3A_1019 = arith.constant 192 : i32
      %add3A_1020 = arith.addi %mul3A_936, %add3A_1019 : i32
      %add3A_1021 = arith.constant 16 : i32
      %add3A_1022 = arith.addi %add3A_1020, %add3A_1021 : i32
      %get3A_1023 = arith.index_cast %add3A_1022 : i32 to index
      %get3A_1024 = tpu.vector_load %arg9[%get3A_1023] {strides = array<i32>} : memref<8192xf32, #tpu.memory_space<vmem>>, vector<16xf32>,
      %add3A_1025 = arith.addf %add3A_999, %get3A_1024 : vector<16xf32>
      %add3A_1026 = arith.constant 192 : i32
      %add3A_1027 = arith.addi %mul3A_936, %add3A_1026 : i32
      %add3A_1028 = arith.constant 32 : i32
      %add3A_1029 = arith.addi %add3A_1027, %add3A_1028 : i32
      %get3A_1030 = arith.index_cast %add3A_1029 : i32 to index
      %get3A_1031 = tpu.vector_load %arg9[%get3A_1030] {strides = array<i32>} : memref<8192xf32, #tpu.memory_space<vmem>>, vector<16xf32>,
      %add3A_1032 = arith.addf %add3A_1006, %get3A_1031 : vector<16xf32>
      %add3A_1033 = arith.constant 192 : i32
      %add3A_1034 = arith.addi %mul3A_936, %add3A_1033 : i32
      %add3A_1035 = arith.constant 48 : i32
      %add3A_1036 = arith.addi %add3A_1034, %add3A_1035 : i32
      %get3A_1037 = arith.index_cast %add3A_1036 : i32 to index
      %get3A_1038 = tpu.vector_load %arg9[%get3A_1037] {strides = array<i32>} : memref<8192xf32, #tpu.memory_space<vmem>>, vector<16xf32>,
      %add3A_1039 = arith.addf %add3A_1013, %get3A_1038 : vector<16xf32>
      scf.yield %add3A_1018, %add3A_1025, %add3A_1032, %add3A_1039 : vector<16xf32>, vector<16xf32>, vector<16xf32>, vector<16xf32>
    }
    %scan3A_384 = arith.constant 32 : i32
    %add3A_385 = arith.addf %scan3A_383#0, %scan3A_383#1 : vector<16xf32>
    %add3A_386 = arith.addf %add3A_385, %scan3A_383#2 : vector<16xf32>
    %add3A_387 = arith.addf %add3A_386, %scan3A_383#3 : vector<16xf32>
    %broadcast_in_dim3A_388 = arith.constant true
    %broadcast_in_dim3A_389 = vector.broadcast %broadcast_in_dim3A_388 : i1 to vector<16xi1>
    %masked_cumsum3A_390 = tpu.scan <sum>, %add3A_387 masked %broadcast_in_dim3A_389 : vector<16xf32>, vector<16xi1> -> vector<16xf32>
    %slice3A_391 = vector.extract_strided_slice %masked_cumsum3A_390 {offsets = [15], sizes = [1], strides = [1]} : vector<16xf32> to vector<1xf32>
    %squeeze3A_392 = vector.extract %slice3A_391[0] : f32 from vector<1xf32>
    %broadcast_in_dim3A_393 = vector.broadcast %squeeze3A_392 : f32 to vector<16xf32>
    %select_n3A_394 = arith.select %eq3A_376, %broadcast_in_dim3A_393, %select_n3A_355 : vector<16xi1>, vector<16xf32>
    %mul3A_395 = arith.constant 4 : i32
    %mul3A_396 = arith.muli %mul3A_395, %arg1 : i32
    %add3A_397 = arith.constant 2 : i32
    %add3A_398 = arith.addi %mul3A_396, %add3A_397 : i32
    %mul3A_399 = arith.constant 4 : i32
    %mul3A_400 = arith.muli %mul3A_399, %arg0 : i32
    %add3A_401 = arith.constant 3 : i32
    %add3A_402 = arith.addi %mul3A_400, %add3A_401 : i32
    %mul3A_403 = arith.constant 8192 : i32
    %mul3A_404 = arith.muli %add3A_402, %mul3A_403 : i32
    %dma_start3A_405 = tpu.memref_slice %arg2[%add3A_398, %mul3A_404] : memref<64x65536xf32, #tpu.memory_space<hbm>> -> memref<1x8192xf32, #tpu.memory_space<hbm>>
    %dma_start3A_406 = tpu.memref_squeeze %dma_start3A_405 : memref<1x8192xf32, #tpu.memory_space<hbm>> -> memref<8192xf32, #tpu.memory_space<hbm>>
    %dma_start3A_407 = tpu.memref_slice %arg2[%add3A_398, %mul3A_404] : memref<64x65536xf32, #tpu.memory_space<hbm>> -> memref<1x8192xf32, #tpu.memory_space<hbm>>
    %dma_start3A_408 = tpu.memref_squeeze %dma_start3A_407 : memref<1x8192xf32, #tpu.memory_space<hbm>> -> memref<8192xf32, #tpu.memory_space<hbm>>
    tpu.enqueue_dma source(%dma_start3A_408 : memref<8192xf32, #tpu.memory_space<hbm>>) target(%arg9 : memref<8192xf32, #tpu.memory_space<vmem>>) target_semaphore(%arg18 : memref<!tpu.dma_semaphore, #tpu.memory_space<semaphore_mem>>)
    %dma_wait3A_409 = tpu.memref_slice %arg2[%add3A_359, %mul3A_365] : memref<64x65536xf32, #tpu.memory_space<hbm>> -> memref<1x8192xf32, #tpu.memory_space<hbm>>
    %dma_wait3A_410 = tpu.memref_squeeze %dma_wait3A_409 : memref<1x8192xf32, #tpu.memory_space<hbm>> -> memref<8192xf32, #tpu.memory_space<hbm>>
    %dma_wait3A_411 = tpu.memref_slice %arg2[%add3A_359, %mul3A_365] : memref<64x65536xf32, #tpu.memory_space<hbm>> -> memref<1x8192xf32, #tpu.memory_space<hbm>>
    %dma_wait3A_412 = tpu.memref_squeeze %dma_wait3A_411 : memref<1x8192xf32, #tpu.memory_space<hbm>> -> memref<8192xf32, #tpu.memory_space<hbm>>
    tpu.wait_dma2 semaphore(%arg17 : memref<!tpu.dma_semaphore, #tpu.memory_space<semaphore_mem>>) src(%dma_wait3A_412 : memref<8192xf32, #tpu.memory_space<hbm>>) dst(%arg8 : memref<8192xf32, #tpu.memory_space<vmem>>)
    %eq3A_413 = arith.constant 10 : i32
    %eq3A_414 = vector.broadcast %eq3A_413 : i32 to vector<16xi32>
    %eq3A_415 = arith.cmpi eq, %iota3A, %eq3A_414 : vector<16xi32>
    %broadcast_in_dim3A_416 = arith.constant 0.000000e+00 : f32
    %broadcast_in_dim3A_417 = vector.broadcast %broadcast_in_dim3A_416 : f32 to vector<16xf32>
    %scan3A_418 = arith.constant 0 : i32
    %scan3A_419 = arith.constant 32 : i32
    %scan3A_420 = arith.addi %scan3A_418, %scan3A_419 : i32
    %scan3A_421 = arith.constant 1 : i32
    %scan3A_422:4 = scf.for %scan3A_930 = %scan3A_418 to %scan3A_420 step %scan3A_421 iter_args(%scan3A_931 = %broadcast_in_dim3A_417, %scan3A_932 = %broadcast_in_dim3A_417, %scan3A_933 = %broadcast_in_dim3A_417, %scan3A_934 = %broadcast_in_dim3A_417) -> (vector<16xf32>, vector<16xf32>, vector<16xf32>, vector<16xf32>)  : i32 {
      %mul3A_935 = arith.constant 256 : i32
      %mul3A_936 = arith.muli %scan3A_930, %mul3A_935 : i32
      %add3A_937 = arith.constant 0 : i32
      %add3A_938 = arith.addi %mul3A_936, %add3A_937 : i32
      %get3A = arith.index_cast %add3A_938 : i32 to index
      %get3A_939 = tpu.vector_load %arg8[%get3A] {strides = array<i32>} : memref<8192xf32, #tpu.memory_space<vmem>>, vector<16xf32>,
      %add3A_940 = arith.addf %scan3A_931, %get3A_939 : vector<16xf32>
      %add3A_941 = arith.constant 0 : i32
      %add3A_942 = arith.addi %mul3A_936, %add3A_941 : i32
      %add3A_943 = arith.constant 16 : i32
      %add3A_944 = arith.addi %add3A_942, %add3A_943 : i32
      %get3A_945 = arith.index_cast %add3A_944 : i32 to index
      %get3A_946 = tpu.vector_load %arg8[%get3A_945] {strides = array<i32>} : memref<8192xf32, #tpu.memory_space<vmem>>, vector<16xf32>,
      %add3A_947 = arith.addf %scan3A_932, %get3A_946 : vector<16xf32>
      %add3A_948 = arith.constant 0 : i32
      %add3A_949 = arith.addi %mul3A_936, %add3A_948 : i32
      %add3A_950 = arith.constant 32 : i32
      %add3A_951 = arith.addi %add3A_949, %add3A_950 : i32
      %get3A_952 = arith.index_cast %add3A_951 : i32 to index
      %get3A_953 = tpu.vector_load %arg8[%get3A_952] {strides = array<i32>} : memref<8192xf32, #tpu.memory_space<vmem>>, vector<16xf32>,
      %add3A_954 = arith.addf %scan3A_933, %get3A_953 : vector<16xf32>
      %add3A_955 = arith.constant 0 : i32
      %add3A_956 = arith.addi %mul3A_936, %add3A_955 : i32
      %add3A_957 = arith.constant 48 : i32
      %add3A_958 = arith.addi %add3A_956, %add3A_957 : i32
      %get3A_959 = arith.index_cast %add3A_958 : i32 to index
      %get3A_960 = tpu.vector_load %arg8[%get3A_959] {strides = array<i32>} : memref<8192xf32, #tpu.memory_space<vmem>>, vector<16xf32>,
      %add3A_961 = arith.addf %scan3A_934, %get3A_960 : vector<16xf32>
      %add3A_962 = arith.constant 64 : i32
      %add3A_963 = arith.addi %mul3A_936, %add3A_962 : i32
      %get3A_964 = arith.index_cast %add3A_963 : i32 to index
      %get3A_965 = tpu.vector_load %arg8[%get3A_964] {strides = array<i32>} : memref<8192xf32, #tpu.memory_space<vmem>>, vector<16xf32>,
      %add3A_966 = arith.addf %add3A_940, %get3A_965 : vector<16xf32>
      %add3A_967 = arith.constant 64 : i32
      %add3A_968 = arith.addi %mul3A_936, %add3A_967 : i32
      %add3A_969 = arith.constant 16 : i32
      %add3A_970 = arith.addi %add3A_968, %add3A_969 : i32
      %get3A_971 = arith.index_cast %add3A_970 : i32 to index
      %get3A_972 = tpu.vector_load %arg8[%get3A_971] {strides = array<i32>} : memref<8192xf32, #tpu.memory_space<vmem>>, vector<16xf32>,
      %add3A_973 = arith.addf %add3A_947, %get3A_972 : vector<16xf32>
      %add3A_974 = arith.constant 64 : i32
      %add3A_975 = arith.addi %mul3A_936, %add3A_974 : i32
      %add3A_976 = arith.constant 32 : i32
      %add3A_977 = arith.addi %add3A_975, %add3A_976 : i32
      %get3A_978 = arith.index_cast %add3A_977 : i32 to index
      %get3A_979 = tpu.vector_load %arg8[%get3A_978] {strides = array<i32>} : memref<8192xf32, #tpu.memory_space<vmem>>, vector<16xf32>,
      %add3A_980 = arith.addf %add3A_954, %get3A_979 : vector<16xf32>
      %add3A_981 = arith.constant 64 : i32
      %add3A_982 = arith.addi %mul3A_936, %add3A_981 : i32
      %add3A_983 = arith.constant 48 : i32
      %add3A_984 = arith.addi %add3A_982, %add3A_983 : i32
      %get3A_985 = arith.index_cast %add3A_984 : i32 to index
      %get3A_986 = tpu.vector_load %arg8[%get3A_985] {strides = array<i32>} : memref<8192xf32, #tpu.memory_space<vmem>>, vector<16xf32>,
      %add3A_987 = arith.addf %add3A_961, %get3A_986 : vector<16xf32>
      %add3A_988 = arith.constant 128 : i32
      %add3A_989 = arith.addi %mul3A_936, %add3A_988 : i32
      %get3A_990 = arith.index_cast %add3A_989 : i32 to index
      %get3A_991 = tpu.vector_load %arg8[%get3A_990] {strides = array<i32>} : memref<8192xf32, #tpu.memory_space<vmem>>, vector<16xf32>,
      %add3A_992 = arith.addf %add3A_966, %get3A_991 : vector<16xf32>
      %add3A_993 = arith.constant 128 : i32
      %add3A_994 = arith.addi %mul3A_936, %add3A_993 : i32
      %add3A_995 = arith.constant 16 : i32
      %add3A_996 = arith.addi %add3A_994, %add3A_995 : i32
      %get3A_997 = arith.index_cast %add3A_996 : i32 to index
      %get3A_998 = tpu.vector_load %arg8[%get3A_997] {strides = array<i32>} : memref<8192xf32, #tpu.memory_space<vmem>>, vector<16xf32>,
      %add3A_999 = arith.addf %add3A_973, %get3A_998 : vector<16xf32>
      %add3A_1000 = arith.constant 128 : i32
      %add3A_1001 = arith.addi %mul3A_936, %add3A_1000 : i32
      %add3A_1002 = arith.constant 32 : i32
      %add3A_1003 = arith.addi %add3A_1001, %add3A_1002 : i32
      %get3A_1004 = arith.index_cast %add3A_1003 : i32 to index
      %get3A_1005 = tpu.vector_load %arg8[%get3A_1004] {strides = array<i32>} : memref<8192xf32, #tpu.memory_space<vmem>>, vector<16xf32>,
      %add3A_1006 = arith.addf %add3A_980, %get3A_1005 : vector<16xf32>
      %add3A_1007 = arith.constant 128 : i32
      %add3A_1008 = arith.addi %mul3A_936, %add3A_1007 : i32
      %add3A_1009 = arith.constant 48 : i32
      %add3A_1010 = arith.addi %add3A_1008, %add3A_1009 : i32
      %get3A_1011 = arith.index_cast %add3A_1010 : i32 to index
      %get3A_1012 = tpu.vector_load %arg8[%get3A_1011] {strides = array<i32>} : memref<8192xf32, #tpu.memory_space<vmem>>, vector<16xf32>,
      %add3A_1013 = arith.addf %add3A_987, %get3A_1012 : vector<16xf32>
      %add3A_1014 = arith.constant 192 : i32
      %add3A_1015 = arith.addi %mul3A_936, %add3A_1014 : i32
      %get3A_1016 = arith.index_cast %add3A_1015 : i32 to index
      %get3A_1017 = tpu.vector_load %arg8[%get3A_1016] {strides = array<i32>} : memref<8192xf32, #tpu.memory_space<vmem>>, vector<16xf32>,
      %add3A_1018 = arith.addf %add3A_992, %get3A_1017 : vector<16xf32>
      %add3A_1019 = arith.constant 192 : i32
      %add3A_1020 = arith.addi %mul3A_936, %add3A_1019 : i32
      %add3A_1021 = arith.constant 16 : i32
      %add3A_1022 = arith.addi %add3A_1020, %add3A_1021 : i32
      %get3A_1023 = arith.index_cast %add3A_1022 : i32 to index
      %get3A_1024 = tpu.vector_load %arg8[%get3A_1023] {strides = array<i32>} : memref<8192xf32, #tpu.memory_space<vmem>>, vector<16xf32>,
      %add3A_1025 = arith.addf %add3A_999, %get3A_1024 : vector<16xf32>
      %add3A_1026 = arith.constant 192 : i32
      %add3A_1027 = arith.addi %mul3A_936, %add3A_1026 : i32
      %add3A_1028 = arith.constant 32 : i32
      %add3A_1029 = arith.addi %add3A_1027, %add3A_1028 : i32
      %get3A_1030 = arith.index_cast %add3A_1029 : i32 to index
      %get3A_1031 = tpu.vector_load %arg8[%get3A_1030] {strides = array<i32>} : memref<8192xf32, #tpu.memory_space<vmem>>, vector<16xf32>,
      %add3A_1032 = arith.addf %add3A_1006, %get3A_1031 : vector<16xf32>
      %add3A_1033 = arith.constant 192 : i32
      %add3A_1034 = arith.addi %mul3A_936, %add3A_1033 : i32
      %add3A_1035 = arith.constant 48 : i32
      %add3A_1036 = arith.addi %add3A_1034, %add3A_1035 : i32
      %get3A_1037 = arith.index_cast %add3A_1036 : i32 to index
      %get3A_1038 = tpu.vector_load %arg8[%get3A_1037] {strides = array<i32>} : memref<8192xf32, #tpu.memory_space<vmem>>, vector<16xf32>,
      %add3A_1039 = arith.addf %add3A_1013, %get3A_1038 : vector<16xf32>
      scf.yield %add3A_1018, %add3A_1025, %add3A_1032, %add3A_1039 : vector<16xf32>, vector<16xf32>, vector<16xf32>, vector<16xf32>
    }
    %scan3A_423 = arith.constant 32 : i32
    %add3A_424 = arith.addf %scan3A_422#0, %scan3A_422#1 : vector<16xf32>
    %add3A_425 = arith.addf %add3A_424, %scan3A_422#2 : vector<16xf32>
    %add3A_426 = arith.addf %add3A_425, %scan3A_422#3 : vector<16xf32>
    %broadcast_in_dim3A_427 = arith.constant true
    %broadcast_in_dim3A_428 = vector.broadcast %broadcast_in_dim3A_427 : i1 to vector<16xi1>
    %masked_cumsum3A_429 = tpu.scan <sum>, %add3A_426 masked %broadcast_in_dim3A_428 : vector<16xf32>, vector<16xi1> -> vector<16xf32>
    %slice3A_430 = vector.extract_strided_slice %masked_cumsum3A_429 {offsets = [15], sizes = [1], strides = [1]} : vector<16xf32> to vector<1xf32>
    %squeeze3A_431 = vector.extract %slice3A_430[0] : f32 from vector<1xf32>
    %broadcast_in_dim3A_432 = vector.broadcast %squeeze3A_431 : f32 to vector<16xf32>
    %select_n3A_433 = arith.select %eq3A_415, %broadcast_in_dim3A_432, %select_n3A_394 : vector<16xi1>, vector<16xf32>
    %mul3A_434 = arith.constant 4 : i32
    %mul3A_435 = arith.muli %mul3A_434, %arg1 : i32
    %add3A_436 = arith.constant 3 : i32
    %add3A_437 = arith.addi %mul3A_435, %add3A_436 : i32
    %mul3A_438 = arith.constant 4 : i32
    %mul3A_439 = arith.muli %mul3A_438, %arg0 : i32
    %add3A_440 = arith.constant 0 : i32
    %add3A_441 = arith.addi %mul3A_439, %add3A_440 : i32
    %mul3A_442 = arith.constant 8192 : i32
    %mul3A_443 = arith.muli %add3A_441, %mul3A_442 : i32
    %dma_start3A_444 = tpu.memref_slice %arg2[%add3A_437, %mul3A_443] : memref<64x65536xf32, #tpu.memory_space<hbm>> -> memref<1x8192xf32, #tpu.memory_space<hbm>>
    %dma_start3A_445 = tpu.memref_squeeze %dma_start3A_444 : memref<1x8192xf32, #tpu.memory_space<hbm>> -> memref<8192xf32, #tpu.memory_space<hbm>>
    %dma_start3A_446 = tpu.memref_slice %arg2[%add3A_437, %mul3A_443] : memref<64x65536xf32, #tpu.memory_space<hbm>> -> memref<1x8192xf32, #tpu.memory_space<hbm>>
    %dma_start3A_447 = tpu.memref_squeeze %dma_start3A_446 : memref<1x8192xf32, #tpu.memory_space<hbm>> -> memref<8192xf32, #tpu.memory_space<hbm>>
    tpu.enqueue_dma source(%dma_start3A_447 : memref<8192xf32, #tpu.memory_space<hbm>>) target(%arg8 : memref<8192xf32, #tpu.memory_space<vmem>>) target_semaphore(%arg17 : memref<!tpu.dma_semaphore, #tpu.memory_space<semaphore_mem>>)
    %dma_wait3A_448 = tpu.memref_slice %arg2[%add3A_398, %mul3A_404] : memref<64x65536xf32, #tpu.memory_space<hbm>> -> memref<1x8192xf32, #tpu.memory_space<hbm>>
    %dma_wait3A_449 = tpu.memref_squeeze %dma_wait3A_448 : memref<1x8192xf32, #tpu.memory_space<hbm>> -> memref<8192xf32, #tpu.memory_space<hbm>>
    %dma_wait3A_450 = tpu.memref_slice %arg2[%add3A_398, %mul3A_404] : memref<64x65536xf32, #tpu.memory_space<hbm>> -> memref<1x8192xf32, #tpu.memory_space<hbm>>
    %dma_wait3A_451 = tpu.memref_squeeze %dma_wait3A_450 : memref<1x8192xf32, #tpu.memory_space<hbm>> -> memref<8192xf32, #tpu.memory_space<hbm>>
    tpu.wait_dma2 semaphore(%arg18 : memref<!tpu.dma_semaphore, #tpu.memory_space<semaphore_mem>>) src(%dma_wait3A_451 : memref<8192xf32, #tpu.memory_space<hbm>>) dst(%arg9 : memref<8192xf32, #tpu.memory_space<vmem>>)
    %eq3A_452 = arith.constant 11 : i32
    %eq3A_453 = vector.broadcast %eq3A_452 : i32 to vector<16xi32>
    %eq3A_454 = arith.cmpi eq, %iota3A, %eq3A_453 : vector<16xi32>
    %broadcast_in_dim3A_455 = arith.constant 0.000000e+00 : f32
    %broadcast_in_dim3A_456 = vector.broadcast %broadcast_in_dim3A_455 : f32 to vector<16xf32>
    %scan3A_457 = arith.constant 0 : i32
    %scan3A_458 = arith.constant 32 : i32
    %scan3A_459 = arith.addi %scan3A_457, %scan3A_458 : i32
    %scan3A_460 = arith.constant 1 : i32
    %scan3A_461:4 = scf.for %scan3A_930 = %scan3A_457 to %scan3A_459 step %scan3A_460 iter_args(%scan3A_931 = %broadcast_in_dim3A_456, %scan3A_932 = %broadcast_in_dim3A_456, %scan3A_933 = %broadcast_in_dim3A_456, %scan3A_934 = %broadcast_in_dim3A_456) -> (vector<16xf32>, vector<16xf32>, vector<16xf32>, vector<16xf32>)  : i32 {
      %mul3A_935 = arith.constant 256 : i32
      %mul3A_936 = arith.muli %scan3A_930, %mul3A_935 : i32
      %add3A_937 = arith.constant 0 : i32
      %add3A_938 = arith.addi %mul3A_936, %add3A_937 : i32
      %get3A = arith.index_cast %add3A_938 : i32 to index
      %get3A_939 = tpu.vector_load %arg9[%get3A] {strides = array<i32>} : memref<8192xf32, #tpu.memory_space<vmem>>, vector<16xf32>,
      %add3A_940 = arith.addf %scan3A_931, %get3A_939 : vector<16xf32>
      %add3A_941 = arith.constant 0 : i32
      %add3A_942 = arith.addi %mul3A_936, %add3A_941 : i32
      %add3A_943 = arith.constant 16 : i32
      %add3A_944 = arith.addi %add3A_942, %add3A_943 : i32
      %get3A_945 = arith.index_cast %add3A_944 : i32 to index
      %get3A_946 = tpu.vector_load %arg9[%get3A_945] {strides = array<i32>} : memref<8192xf32, #tpu.memory_space<vmem>>, vector<16xf32>,
      %add3A_947 = arith.addf %scan3A_932, %get3A_946 : vector<16xf32>
      %add3A_948 = arith.constant 0 : i32
      %add3A_949 = arith.addi %mul3A_936, %add3A_948 : i32
      %add3A_950 = arith.constant 32 : i32
      %add3A_951 = arith.addi %add3A_949, %add3A_950 : i32
      %get3A_952 = arith.index_cast %add3A_951 : i32 to index
      %get3A_953 = tpu.vector_load %arg9[%get3A_952] {strides = array<i32>} : memref<8192xf32, #tpu.memory_space<vmem>>, vector<16xf32>,
      %add3A_954 = arith.addf %scan3A_933, %get3A_953 : vector<16xf32>
      %add3A_955 = arith.constant 0 : i32
      %add3A_956 = arith.addi %mul3A_936, %add3A_955 : i32
      %add3A_957 = arith.constant 48 : i32
      %add3A_958 = arith.addi %add3A_956, %add3A_957 : i32
      %get3A_959 = arith.index_cast %add3A_958 : i32 to index
      %get3A_960 = tpu.vector_load %arg9[%get3A_959] {strides = array<i32>} : memref<8192xf32, #tpu.memory_space<vmem>>, vector<16xf32>,
      %add3A_961 = arith.addf %scan3A_934, %get3A_960 : vector<16xf32>
      %add3A_962 = arith.constant 64 : i32
      %add3A_963 = arith.addi %mul3A_936, %add3A_962 : i32
      %get3A_964 = arith.index_cast %add3A_963 : i32 to index
      %get3A_965 = tpu.vector_load %arg9[%get3A_964] {strides = array<i32>} : memref<8192xf32, #tpu.memory_space<vmem>>, vector<16xf32>,
      %add3A_966 = arith.addf %add3A_940, %get3A_965 : vector<16xf32>
      %add3A_967 = arith.constant 64 : i32
      %add3A_968 = arith.addi %mul3A_936, %add3A_967 : i32
      %add3A_969 = arith.constant 16 : i32
      %add3A_970 = arith.addi %add3A_968, %add3A_969 : i32
      %get3A_971 = arith.index_cast %add3A_970 : i32 to index
      %get3A_972 = tpu.vector_load %arg9[%get3A_971] {strides = array<i32>} : memref<8192xf32, #tpu.memory_space<vmem>>, vector<16xf32>,
      %add3A_973 = arith.addf %add3A_947, %get3A_972 : vector<16xf32>
      %add3A_974 = arith.constant 64 : i32
      %add3A_975 = arith.addi %mul3A_936, %add3A_974 : i32
      %add3A_976 = arith.constant 32 : i32
      %add3A_977 = arith.addi %add3A_975, %add3A_976 : i32
      %get3A_978 = arith.index_cast %add3A_977 : i32 to index
      %get3A_979 = tpu.vector_load %arg9[%get3A_978] {strides = array<i32>} : memref<8192xf32, #tpu.memory_space<vmem>>, vector<16xf32>,
      %add3A_980 = arith.addf %add3A_954, %get3A_979 : vector<16xf32>
      %add3A_981 = arith.constant 64 : i32
      %add3A_982 = arith.addi %mul3A_936, %add3A_981 : i32
      %add3A_983 = arith.constant 48 : i32
      %add3A_984 = arith.addi %add3A_982, %add3A_983 : i32
      %get3A_985 = arith.index_cast %add3A_984 : i32 to index
      %get3A_986 = tpu.vector_load %arg9[%get3A_985] {strides = array<i32>} : memref<8192xf32, #tpu.memory_space<vmem>>, vector<16xf32>,
      %add3A_987 = arith.addf %add3A_961, %get3A_986 : vector<16xf32>
      %add3A_988 = arith.constant 128 : i32
      %add3A_989 = arith.addi %mul3A_936, %add3A_988 : i32
      %get3A_990 = arith.index_cast %add3A_989 : i32 to index
      %get3A_991 = tpu.vector_load %arg9[%get3A_990] {strides = array<i32>} : memref<8192xf32, #tpu.memory_space<vmem>>, vector<16xf32>,
      %add3A_992 = arith.addf %add3A_966, %get3A_991 : vector<16xf32>
      %add3A_993 = arith.constant 128 : i32
      %add3A_994 = arith.addi %mul3A_936, %add3A_993 : i32
      %add3A_995 = arith.constant 16 : i32
      %add3A_996 = arith.addi %add3A_994, %add3A_995 : i32
      %get3A_997 = arith.index_cast %add3A_996 : i32 to index
      %get3A_998 = tpu.vector_load %arg9[%get3A_997] {strides = array<i32>} : memref<8192xf32, #tpu.memory_space<vmem>>, vector<16xf32>,
      %add3A_999 = arith.addf %add3A_973, %get3A_998 : vector<16xf32>
      %add3A_1000 = arith.constant 128 : i32
      %add3A_1001 = arith.addi %mul3A_936, %add3A_1000 : i32
      %add3A_1002 = arith.constant 32 : i32
      %add3A_1003 = arith.addi %add3A_1001, %add3A_1002 : i32
      %get3A_1004 = arith.index_cast %add3A_1003 : i32 to index
      %get3A_1005 = tpu.vector_load %arg9[%get3A_1004] {strides = array<i32>} : memref<8192xf32, #tpu.memory_space<vmem>>, vector<16xf32>,
      %add3A_1006 = arith.addf %add3A_980, %get3A_1005 : vector<16xf32>
      %add3A_1007 = arith.constant 128 : i32
      %add3A_1008 = arith.addi %mul3A_936, %add3A_1007 : i32
      %add3A_1009 = arith.constant 48 : i32
      %add3A_1010 = arith.addi %add3A_1008, %add3A_1009 : i32
      %get3A_1011 = arith.index_cast %add3A_1010 : i32 to index
      %get3A_1012 = tpu.vector_load %arg9[%get3A_1011] {strides = array<i32>} : memref<8192xf32, #tpu.memory_space<vmem>>, vector<16xf32>,
      %add3A_1013 = arith.addf %add3A_987, %get3A_1012 : vector<16xf32>
      %add3A_1014 = arith.constant 192 : i32
      %add3A_1015 = arith.addi %mul3A_936, %add3A_1014 : i32
      %get3A_1016 = arith.index_cast %add3A_1015 : i32 to index
      %get3A_1017 = tpu.vector_load %arg9[%get3A_1016] {strides = array<i32>} : memref<8192xf32, #tpu.memory_space<vmem>>, vector<16xf32>,
      %add3A_1018 = arith.addf %add3A_992, %get3A_1017 : vector<16xf32>
      %add3A_1019 = arith.constant 192 : i32
      %add3A_1020 = arith.addi %mul3A_936, %add3A_1019 : i32
      %add3A_1021 = arith.constant 16 : i32
      %add3A_1022 = arith.addi %add3A_1020, %add3A_1021 : i32
      %get3A_1023 = arith.index_cast %add3A_1022 : i32 to index
      %get3A_1024 = tpu.vector_load %arg9[%get3A_1023] {strides = array<i32>} : memref<8192xf32, #tpu.memory_space<vmem>>, vector<16xf32>,
      %add3A_1025 = arith.addf %add3A_999, %get3A_1024 : vector<16xf32>
      %add3A_1026 = arith.constant 192 : i32
      %add3A_1027 = arith.addi %mul3A_936, %add3A_1026 : i32
      %add3A_1028 = arith.constant 32 : i32
      %add3A_1029 = arith.addi %add3A_1027, %add3A_1028 : i32
      %get3A_1030 = arith.index_cast %add3A_1029 : i32 to index
      %get3A_1031 = tpu.vector_load %arg9[%get3A_1030] {strides = array<i32>} : memref<8192xf32, #tpu.memory_space<vmem>>, vector<16xf32>,
      %add3A_1032 = arith.addf %add3A_1006, %get3A_1031 : vector<16xf32>
      %add3A_1033 = arith.constant 192 : i32
      %add3A_1034 = arith.addi %mul3A_936, %add3A_1033 : i32
      %add3A_1035 = arith.constant 48 : i32
      %add3A_1036 = arith.addi %add3A_1034, %add3A_1035 : i32
      %get3A_1037 = arith.index_cast %add3A_1036 : i32 to index
      %get3A_1038 = tpu.vector_load %arg9[%get3A_1037] {strides = array<i32>} : memref<8192xf32, #tpu.memory_space<vmem>>, vector<16xf32>,
      %add3A_1039 = arith.addf %add3A_1013, %get3A_1038 : vector<16xf32>
      scf.yield %add3A_1018, %add3A_1025, %add3A_1032, %add3A_1039 : vector<16xf32>, vector<16xf32>, vector<16xf32>, vector<16xf32>
    }
    %scan3A_462 = arith.constant 32 : i32
    %add3A_463 = arith.addf %scan3A_461#0, %scan3A_461#1 : vector<16xf32>
    %add3A_464 = arith.addf %add3A_463, %scan3A_461#2 : vector<16xf32>
    %add3A_465 = arith.addf %add3A_464, %scan3A_461#3 : vector<16xf32>
    %broadcast_in_dim3A_466 = arith.constant true
    %broadcast_in_dim3A_467 = vector.broadcast %broadcast_in_dim3A_466 : i1 to vector<16xi1>
    %masked_cumsum3A_468 = tpu.scan <sum>, %add3A_465 masked %broadcast_in_dim3A_467 : vector<16xf32>, vector<16xi1> -> vector<16xf32>
    %slice3A_469 = vector.extract_strided_slice %masked_cumsum3A_468 {offsets = [15], sizes = [1], strides = [1]} : vector<16xf32> to vector<1xf32>
    %squeeze3A_470 = vector.extract %slice3A_469[0] : f32 from vector<1xf32>
    %broadcast_in_dim3A_471 = vector.broadcast %squeeze3A_470 : f32 to vector<16xf32>
    %select_n3A_472 = arith.select %eq3A_454, %broadcast_in_dim3A_471, %select_n3A_433 : vector<16xi1>, vector<16xf32>
    %mul3A_473 = arith.constant 4 : i32
    %mul3A_474 = arith.muli %mul3A_473, %arg1 : i32
    %add3A_475 = arith.constant 3 : i32
    %add3A_476 = arith.addi %mul3A_474, %add3A_475 : i32
    %mul3A_477 = arith.constant 4 : i32
    %mul3A_478 = arith.muli %mul3A_477, %arg0 : i32
    %add3A_479 = arith.constant 1 : i32
    %add3A_480 = arith.addi %mul3A_478, %add3A_479 : i32
    %mul3A_481 = arith.constant 8192 : i32
    %mul3A_482 = arith.muli %add3A_480, %mul3A_481 : i32
    %dma_start3A_483 = tpu.memref_slice %arg2[%add3A_476, %mul3A_482] : memref<64x65536xf32, #tpu.memory_space<hbm>> -> memref<1x8192xf32, #tpu.memory_space<hbm>>
    %dma_start3A_484 = tpu.memref_squeeze %dma_start3A_483 : memref<1x8192xf32, #tpu.memory_space<hbm>> -> memref<8192xf32, #tpu.memory_space<hbm>>
    %dma_start3A_485 = tpu.memref_slice %arg2[%add3A_476, %mul3A_482] : memref<64x65536xf32, #tpu.memory_space<hbm>> -> memref<1x8192xf32, #tpu.memory_space<hbm>>
    %dma_start3A_486 = tpu.memref_squeeze %dma_start3A_485 : memref<1x8192xf32, #tpu.memory_space<hbm>> -> memref<8192xf32, #tpu.memory_space<hbm>>
    tpu.enqueue_dma source(%dma_start3A_486 : memref<8192xf32, #tpu.memory_space<hbm>>) target(%arg9 : memref<8192xf32, #tpu.memory_space<vmem>>) target_semaphore(%arg18 : memref<!tpu.dma_semaphore, #tpu.memory_space<semaphore_mem>>)
    %dma_wait3A_487 = tpu.memref_slice %arg2[%add3A_437, %mul3A_443] : memref<64x65536xf32, #tpu.memory_space<hbm>> -> memref<1x8192xf32, #tpu.memory_space<hbm>>
    %dma_wait3A_488 = tpu.memref_squeeze %dma_wait3A_487 : memref<1x8192xf32, #tpu.memory_space<hbm>> -> memref<8192xf32, #tpu.memory_space<hbm>>
    %dma_wait3A_489 = tpu.memref_slice %arg2[%add3A_437, %mul3A_443] : memref<64x65536xf32, #tpu.memory_space<hbm>> -> memref<1x8192xf32, #tpu.memory_space<hbm>>
    %dma_wait3A_490 = tpu.memref_squeeze %dma_wait3A_489 : memref<1x8192xf32, #tpu.memory_space<hbm>> -> memref<8192xf32, #tpu.memory_space<hbm>>
    tpu.wait_dma2 semaphore(%arg17 : memref<!tpu.dma_semaphore, #tpu.memory_space<semaphore_mem>>) src(%dma_wait3A_490 : memref<8192xf32, #tpu.memory_space<hbm>>) dst(%arg8 : memref<8192xf32, #tpu.memory_space<vmem>>)
    %eq3A_491 = arith.constant 12 : i32
    %eq3A_492 = vector.broadcast %eq3A_491 : i32 to vector<16xi32>
    %eq3A_493 = arith.cmpi eq, %iota3A, %eq3A_492 : vector<16xi32>
    %broadcast_in_dim3A_494 = arith.constant 0.000000e+00 : f32
    %broadcast_in_dim3A_495 = vector.broadcast %broadcast_in_dim3A_494 : f32 to vector<16xf32>
    %scan3A_496 = arith.constant 0 : i32
    %scan3A_497 = arith.constant 32 : i32
    %scan3A_498 = arith.addi %scan3A_496, %scan3A_497 : i32
    %scan3A_499 = arith.constant 1 : i32
    %scan3A_500:4 = scf.for %scan3A_930 = %scan3A_496 to %scan3A_498 step %scan3A_499 iter_args(%scan3A_931 = %broadcast_in_dim3A_495, %scan3A_932 = %broadcast_in_dim3A_495, %scan3A_933 = %broadcast_in_dim3A_495, %scan3A_934 = %broadcast_in_dim3A_495) -> (vector<16xf32>, vector<16xf32>, vector<16xf32>, vector<16xf32>)  : i32 {
      %mul3A_935 = arith.constant 256 : i32
      %mul3A_936 = arith.muli %scan3A_930, %mul3A_935 : i32
      %add3A_937 = arith.constant 0 : i32
      %add3A_938 = arith.addi %mul3A_936, %add3A_937 : i32
      %get3A = arith.index_cast %add3A_938 : i32 to index
      %get3A_939 = tpu.vector_load %arg8[%get3A] {strides = array<i32>} : memref<8192xf32, #tpu.memory_space<vmem>>, vector<16xf32>,
      %add3A_940 = arith.addf %scan3A_931, %get3A_939 : vector<16xf32>
      %add3A_941 = arith.constant 0 : i32
      %add3A_942 = arith.addi %mul3A_936, %add3A_941 : i32
      %add3A_943 = arith.constant 16 : i32
      %add3A_944 = arith.addi %add3A_942, %add3A_943 : i32
      %get3A_945 = arith.index_cast %add3A_944 : i32 to index
      %get3A_946 = tpu.vector_load %arg8[%get3A_945] {strides = array<i32>} : memref<8192xf32, #tpu.memory_space<vmem>>, vector<16xf32>,
      %add3A_947 = arith.addf %scan3A_932, %get3A_946 : vector<16xf32>
      %add3A_948 = arith.constant 0 : i32
      %add3A_949 = arith.addi %mul3A_936, %add3A_948 : i32
      %add3A_950 = arith.constant 32 : i32
      %add3A_951 = arith.addi %add3A_949, %add3A_950 : i32
      %get3A_952 = arith.index_cast %add3A_951 : i32 to index
      %get3A_953 = tpu.vector_load %arg8[%get3A_952] {strides = array<i32>} : memref<8192xf32, #tpu.memory_space<vmem>>, vector<16xf32>,
      %add3A_954 = arith.addf %scan3A_933, %get3A_953 : vector<16xf32>
      %add3A_955 = arith.constant 0 : i32
      %add3A_956 = arith.addi %mul3A_936, %add3A_955 : i32
      %add3A_957 = arith.constant 48 : i32
      %add3A_958 = arith.addi %add3A_956, %add3A_957 : i32
      %get3A_959 = arith.index_cast %add3A_958 : i32 to index
      %get3A_960 = tpu.vector_load %arg8[%get3A_959] {strides = array<i32>} : memref<8192xf32, #tpu.memory_space<vmem>>, vector<16xf32>,
      %add3A_961 = arith.addf %scan3A_934, %get3A_960 : vector<16xf32>
      %add3A_962 = arith.constant 64 : i32
      %add3A_963 = arith.addi %mul3A_936, %add3A_962 : i32
      %get3A_964 = arith.index_cast %add3A_963 : i32 to index
      %get3A_965 = tpu.vector_load %arg8[%get3A_964] {strides = array<i32>} : memref<8192xf32, #tpu.memory_space<vmem>>, vector<16xf32>,
      %add3A_966 = arith.addf %add3A_940, %get3A_965 : vector<16xf32>
      %add3A_967 = arith.constant 64 : i32
      %add3A_968 = arith.addi %mul3A_936, %add3A_967 : i32
      %add3A_969 = arith.constant 16 : i32
      %add3A_970 = arith.addi %add3A_968, %add3A_969 : i32
      %get3A_971 = arith.index_cast %add3A_970 : i32 to index
      %get3A_972 = tpu.vector_load %arg8[%get3A_971] {strides = array<i32>} : memref<8192xf32, #tpu.memory_space<vmem>>, vector<16xf32>,
      %add3A_973 = arith.addf %add3A_947, %get3A_972 : vector<16xf32>
      %add3A_974 = arith.constant 64 : i32
      %add3A_975 = arith.addi %mul3A_936, %add3A_974 : i32
      %add3A_976 = arith.constant 32 : i32
      %add3A_977 = arith.addi %add3A_975, %add3A_976 : i32
      %get3A_978 = arith.index_cast %add3A_977 : i32 to index
      %get3A_979 = tpu.vector_load %arg8[%get3A_978] {strides = array<i32>} : memref<8192xf32, #tpu.memory_space<vmem>>, vector<16xf32>,
      %add3A_980 = arith.addf %add3A_954, %get3A_979 : vector<16xf32>
      %add3A_981 = arith.constant 64 : i32
      %add3A_982 = arith.addi %mul3A_936, %add3A_981 : i32
      %add3A_983 = arith.constant 48 : i32
      %add3A_984 = arith.addi %add3A_982, %add3A_983 : i32
      %get3A_985 = arith.index_cast %add3A_984 : i32 to index
      %get3A_986 = tpu.vector_load %arg8[%get3A_985] {strides = array<i32>} : memref<8192xf32, #tpu.memory_space<vmem>>, vector<16xf32>,
      %add3A_987 = arith.addf %add3A_961, %get3A_986 : vector<16xf32>
      %add3A_988 = arith.constant 128 : i32
      %add3A_989 = arith.addi %mul3A_936, %add3A_988 : i32
      %get3A_990 = arith.index_cast %add3A_989 : i32 to index
      %get3A_991 = tpu.vector_load %arg8[%get3A_990] {strides = array<i32>} : memref<8192xf32, #tpu.memory_space<vmem>>, vector<16xf32>,
      %add3A_992 = arith.addf %add3A_966, %get3A_991 : vector<16xf32>
      %add3A_993 = arith.constant 128 : i32
      %add3A_994 = arith.addi %mul3A_936, %add3A_993 : i32
      %add3A_995 = arith.constant 16 : i32
      %add3A_996 = arith.addi %add3A_994, %add3A_995 : i32
      %get3A_997 = arith.index_cast %add3A_996 : i32 to index
      %get3A_998 = tpu.vector_load %arg8[%get3A_997] {strides = array<i32>} : memref<8192xf32, #tpu.memory_space<vmem>>, vector<16xf32>,
      %add3A_999 = arith.addf %add3A_973, %get3A_998 : vector<16xf32>
      %add3A_1000 = arith.constant 128 : i32
      %add3A_1001 = arith.addi %mul3A_936, %add3A_1000 : i32
      %add3A_1002 = arith.constant 32 : i32
      %add3A_1003 = arith.addi %add3A_1001, %add3A_1002 : i32
      %get3A_1004 = arith.index_cast %add3A_1003 : i32 to index
      %get3A_1005 = tpu.vector_load %arg8[%get3A_1004] {strides = array<i32>} : memref<8192xf32, #tpu.memory_space<vmem>>, vector<16xf32>,
      %add3A_1006 = arith.addf %add3A_980, %get3A_1005 : vector<16xf32>
      %add3A_1007 = arith.constant 128 : i32
      %add3A_1008 = arith.addi %mul3A_936, %add3A_1007 : i32
      %add3A_1009 = arith.constant 48 : i32
      %add3A_1010 = arith.addi %add3A_1008, %add3A_1009 : i32
      %get3A_1011 = arith.index_cast %add3A_1010 : i32 to index
      %get3A_1012 = tpu.vector_load %arg8[%get3A_1011] {strides = array<i32>} : memref<8192xf32, #tpu.memory_space<vmem>>, vector<16xf32>,
      %add3A_1013 = arith.addf %add3A_987, %get3A_1012 : vector<16xf32>
      %add3A_1014 = arith.constant 192 : i32
      %add3A_1015 = arith.addi %mul3A_936, %add3A_1014 : i32
      %get3A_1016 = arith.index_cast %add3A_1015 : i32 to index
      %get3A_1017 = tpu.vector_load %arg8[%get3A_1016] {strides = array<i32>} : memref<8192xf32, #tpu.memory_space<vmem>>, vector<16xf32>,
      %add3A_1018 = arith.addf %add3A_992, %get3A_1017 : vector<16xf32>
      %add3A_1019 = arith.constant 192 : i32
      %add3A_1020 = arith.addi %mul3A_936, %add3A_1019 : i32
      %add3A_1021 = arith.constant 16 : i32
      %add3A_1022 = arith.addi %add3A_1020, %add3A_1021 : i32
      %get3A_1023 = arith.index_cast %add3A_1022 : i32 to index
      %get3A_1024 = tpu.vector_load %arg8[%get3A_1023] {strides = array<i32>} : memref<8192xf32, #tpu.memory_space<vmem>>, vector<16xf32>,
      %add3A_1025 = arith.addf %add3A_999, %get3A_1024 : vector<16xf32>
      %add3A_1026 = arith.constant 192 : i32
      %add3A_1027 = arith.addi %mul3A_936, %add3A_1026 : i32
      %add3A_1028 = arith.constant 32 : i32
      %add3A_1029 = arith.addi %add3A_1027, %add3A_1028 : i32
      %get3A_1030 = arith.index_cast %add3A_1029 : i32 to index
      %get3A_1031 = tpu.vector_load %arg8[%get3A_1030] {strides = array<i32>} : memref<8192xf32, #tpu.memory_space<vmem>>, vector<16xf32>,
      %add3A_1032 = arith.addf %add3A_1006, %get3A_1031 : vector<16xf32>
      %add3A_1033 = arith.constant 192 : i32
      %add3A_1034 = arith.addi %mul3A_936, %add3A_1033 : i32
      %add3A_1035 = arith.constant 48 : i32
      %add3A_1036 = arith.addi %add3A_1034, %add3A_1035 : i32
      %get3A_1037 = arith.index_cast %add3A_1036 : i32 to index
      %get3A_1038 = tpu.vector_load %arg8[%get3A_1037] {strides = array<i32>} : memref<8192xf32, #tpu.memory_space<vmem>>, vector<16xf32>,
      %add3A_1039 = arith.addf %add3A_1013, %get3A_1038 : vector<16xf32>
      scf.yield %add3A_1018, %add3A_1025, %add3A_1032, %add3A_1039 : vector<16xf32>, vector<16xf32>, vector<16xf32>, vector<16xf32>
    }
    %scan3A_501 = arith.constant 32 : i32
    %add3A_502 = arith.addf %scan3A_500#0, %scan3A_500#1 : vector<16xf32>
    %add3A_503 = arith.addf %add3A_502, %scan3A_500#2 : vector<16xf32>
    %add3A_504 = arith.addf %add3A_503, %scan3A_500#3 : vector<16xf32>
    %broadcast_in_dim3A_505 = arith.constant true
    %broadcast_in_dim3A_506 = vector.broadcast %broadcast_in_dim3A_505 : i1 to vector<16xi1>
    %masked_cumsum3A_507 = tpu.scan <sum>, %add3A_504 masked %broadcast_in_dim3A_506 : vector<16xf32>, vector<16xi1> -> vector<16xf32>
    %slice3A_508 = vector.extract_strided_slice %masked_cumsum3A_507 {offsets = [15], sizes = [1], strides = [1]} : vector<16xf32> to vector<1xf32>
    %squeeze3A_509 = vector.extract %slice3A_508[0] : f32 from vector<1xf32>
    %broadcast_in_dim3A_510 = vector.broadcast %squeeze3A_509 : f32 to vector<16xf32>
    %select_n3A_511 = arith.select %eq3A_493, %broadcast_in_dim3A_510, %select_n3A_472 : vector<16xi1>, vector<16xf32>
    %mul3A_512 = arith.constant 4 : i32
    %mul3A_513 = arith.muli %mul3A_512, %arg1 : i32
    %add3A_514 = arith.constant 3 : i32
    %add3A_515 = arith.addi %mul3A_513, %add3A_514 : i32
    %mul3A_516 = arith.constant 4 : i32
    %mul3A_517 = arith.muli %mul3A_516, %arg0 : i32
    %add3A_518 = arith.constant 2 : i32
    %add3A_519 = arith.addi %mul3A_517, %add3A_518 : i32
    %mul3A_520 = arith.constant 8192 : i32
    %mul3A_521 = arith.muli %add3A_519, %mul3A_520 : i32
    %dma_start3A_522 = tpu.memref_slice %arg2[%add3A_515, %mul3A_521] : memref<64x65536xf32, #tpu.memory_space<hbm>> -> memref<1x8192xf32, #tpu.memory_space<hbm>>
    %dma_start3A_523 = tpu.memref_squeeze %dma_start3A_522 : memref<1x8192xf32, #tpu.memory_space<hbm>> -> memref<8192xf32, #tpu.memory_space<hbm>>
    %dma_start3A_524 = tpu.memref_slice %arg2[%add3A_515, %mul3A_521] : memref<64x65536xf32, #tpu.memory_space<hbm>> -> memref<1x8192xf32, #tpu.memory_space<hbm>>
    %dma_start3A_525 = tpu.memref_squeeze %dma_start3A_524 : memref<1x8192xf32, #tpu.memory_space<hbm>> -> memref<8192xf32, #tpu.memory_space<hbm>>
    tpu.enqueue_dma source(%dma_start3A_525 : memref<8192xf32, #tpu.memory_space<hbm>>) target(%arg8 : memref<8192xf32, #tpu.memory_space<vmem>>) target_semaphore(%arg17 : memref<!tpu.dma_semaphore, #tpu.memory_space<semaphore_mem>>)
    %dma_wait3A_526 = tpu.memref_slice %arg2[%add3A_476, %mul3A_482] : memref<64x65536xf32, #tpu.memory_space<hbm>> -> memref<1x8192xf32, #tpu.memory_space<hbm>>
    %dma_wait3A_527 = tpu.memref_squeeze %dma_wait3A_526 : memref<1x8192xf32, #tpu.memory_space<hbm>> -> memref<8192xf32, #tpu.memory_space<hbm>>
    %dma_wait3A_528 = tpu.memref_slice %arg2[%add3A_476, %mul3A_482] : memref<64x65536xf32, #tpu.memory_space<hbm>> -> memref<1x8192xf32, #tpu.memory_space<hbm>>
    %dma_wait3A_529 = tpu.memref_squeeze %dma_wait3A_528 : memref<1x8192xf32, #tpu.memory_space<hbm>> -> memref<8192xf32, #tpu.memory_space<hbm>>
    tpu.wait_dma2 semaphore(%arg18 : memref<!tpu.dma_semaphore, #tpu.memory_space<semaphore_mem>>) src(%dma_wait3A_529 : memref<8192xf32, #tpu.memory_space<hbm>>) dst(%arg9 : memref<8192xf32, #tpu.memory_space<vmem>>)
    %eq3A_530 = arith.constant 13 : i32
    %eq3A_531 = vector.broadcast %eq3A_530 : i32 to vector<16xi32>
    %eq3A_532 = arith.cmpi eq, %iota3A, %eq3A_531 : vector<16xi32>
    %broadcast_in_dim3A_533 = arith.constant 0.000000e+00 : f32
    %broadcast_in_dim3A_534 = vector.broadcast %broadcast_in_dim3A_533 : f32 to vector<16xf32>
    %scan3A_535 = arith.constant 0 : i32
    %scan3A_536 = arith.constant 32 : i32
    %scan3A_537 = arith.addi %scan3A_535, %scan3A_536 : i32
    %scan3A_538 = arith.constant 1 : i32
    %scan3A_539:4 = scf.for %scan3A_930 = %scan3A_535 to %scan3A_537 step %scan3A_538 iter_args(%scan3A_931 = %broadcast_in_dim3A_534, %scan3A_932 = %broadcast_in_dim3A_534, %scan3A_933 = %broadcast_in_dim3A_534, %scan3A_934 = %broadcast_in_dim3A_534) -> (vector<16xf32>, vector<16xf32>, vector<16xf32>, vector<16xf32>)  : i32 {
      %mul3A_935 = arith.constant 256 : i32
      %mul3A_936 = arith.muli %scan3A_930, %mul3A_935 : i32
      %add3A_937 = arith.constant 0 : i32
      %add3A_938 = arith.addi %mul3A_936, %add3A_937 : i32
      %get3A = arith.index_cast %add3A_938 : i32 to index
      %get3A_939 = tpu.vector_load %arg9[%get3A] {strides = array<i32>} : memref<8192xf32, #tpu.memory_space<vmem>>, vector<16xf32>,
      %add3A_940 = arith.addf %scan3A_931, %get3A_939 : vector<16xf32>
      %add3A_941 = arith.constant 0 : i32
      %add3A_942 = arith.addi %mul3A_936, %add3A_941 : i32
      %add3A_943 = arith.constant 16 : i32
      %add3A_944 = arith.addi %add3A_942, %add3A_943 : i32
      %get3A_945 = arith.index_cast %add3A_944 : i32 to index
      %get3A_946 = tpu.vector_load %arg9[%get3A_945] {strides = array<i32>} : memref<8192xf32, #tpu.memory_space<vmem>>, vector<16xf32>,
      %add3A_947 = arith.addf %scan3A_932, %get3A_946 : vector<16xf32>
      %add3A_948 = arith.constant 0 : i32
      %add3A_949 = arith.addi %mul3A_936, %add3A_948 : i32
      %add3A_950 = arith.constant 32 : i32
      %add3A_951 = arith.addi %add3A_949, %add3A_950 : i32
      %get3A_952 = arith.index_cast %add3A_951 : i32 to index
      %get3A_953 = tpu.vector_load %arg9[%get3A_952] {strides = array<i32>} : memref<8192xf32, #tpu.memory_space<vmem>>, vector<16xf32>,
      %add3A_954 = arith.addf %scan3A_933, %get3A_953 : vector<16xf32>
      %add3A_955 = arith.constant 0 : i32
      %add3A_956 = arith.addi %mul3A_936, %add3A_955 : i32
      %add3A_957 = arith.constant 48 : i32
      %add3A_958 = arith.addi %add3A_956, %add3A_957 : i32
      %get3A_959 = arith.index_cast %add3A_958 : i32 to index
      %get3A_960 = tpu.vector_load %arg9[%get3A_959] {strides = array<i32>} : memref<8192xf32, #tpu.memory_space<vmem>>, vector<16xf32>,
      %add3A_961 = arith.addf %scan3A_934, %get3A_960 : vector<16xf32>
      %add3A_962 = arith.constant 64 : i32
      %add3A_963 = arith.addi %mul3A_936, %add3A_962 : i32
      %get3A_964 = arith.index_cast %add3A_963 : i32 to index
      %get3A_965 = tpu.vector_load %arg9[%get3A_964] {strides = array<i32>} : memref<8192xf32, #tpu.memory_space<vmem>>, vector<16xf32>,
      %add3A_966 = arith.addf %add3A_940, %get3A_965 : vector<16xf32>
      %add3A_967 = arith.constant 64 : i32
      %add3A_968 = arith.addi %mul3A_936, %add3A_967 : i32
      %add3A_969 = arith.constant 16 : i32
      %add3A_970 = arith.addi %add3A_968, %add3A_969 : i32
      %get3A_971 = arith.index_cast %add3A_970 : i32 to index
      %get3A_972 = tpu.vector_load %arg9[%get3A_971] {strides = array<i32>} : memref<8192xf32, #tpu.memory_space<vmem>>, vector<16xf32>,
      %add3A_973 = arith.addf %add3A_947, %get3A_972 : vector<16xf32>
      %add3A_974 = arith.constant 64 : i32
      %add3A_975 = arith.addi %mul3A_936, %add3A_974 : i32
      %add3A_976 = arith.constant 32 : i32
      %add3A_977 = arith.addi %add3A_975, %add3A_976 : i32
      %get3A_978 = arith.index_cast %add3A_977 : i32 to index
      %get3A_979 = tpu.vector_load %arg9[%get3A_978] {strides = array<i32>} : memref<8192xf32, #tpu.memory_space<vmem>>, vector<16xf32>,
      %add3A_980 = arith.addf %add3A_954, %get3A_979 : vector<16xf32>
      %add3A_981 = arith.constant 64 : i32
      %add3A_982 = arith.addi %mul3A_936, %add3A_981 : i32
      %add3A_983 = arith.constant 48 : i32
      %add3A_984 = arith.addi %add3A_982, %add3A_983 : i32
      %get3A_985 = arith.index_cast %add3A_984 : i32 to index
      %get3A_986 = tpu.vector_load %arg9[%get3A_985] {strides = array<i32>} : memref<8192xf32, #tpu.memory_space<vmem>>, vector<16xf32>,
      %add3A_987 = arith.addf %add3A_961, %get3A_986 : vector<16xf32>
      %add3A_988 = arith.constant 128 : i32
      %add3A_989 = arith.addi %mul3A_936, %add3A_988 : i32
      %get3A_990 = arith.index_cast %add3A_989 : i32 to index
      %get3A_991 = tpu.vector_load %arg9[%get3A_990] {strides = array<i32>} : memref<8192xf32, #tpu.memory_space<vmem>>, vector<16xf32>,
      %add3A_992 = arith.addf %add3A_966, %get3A_991 : vector<16xf32>
      %add3A_993 = arith.constant 128 : i32
      %add3A_994 = arith.addi %mul3A_936, %add3A_993 : i32
      %add3A_995 = arith.constant 16 : i32
      %add3A_996 = arith.addi %add3A_994, %add3A_995 : i32
      %get3A_997 = arith.index_cast %add3A_996 : i32 to index
      %get3A_998 = tpu.vector_load %arg9[%get3A_997] {strides = array<i32>} : memref<8192xf32, #tpu.memory_space<vmem>>, vector<16xf32>,
      %add3A_999 = arith.addf %add3A_973, %get3A_998 : vector<16xf32>
      %add3A_1000 = arith.constant 128 : i32
      %add3A_1001 = arith.addi %mul3A_936, %add3A_1000 : i32
      %add3A_1002 = arith.constant 32 : i32
      %add3A_1003 = arith.addi %add3A_1001, %add3A_1002 : i32
      %get3A_1004 = arith.index_cast %add3A_1003 : i32 to index
      %get3A_1005 = tpu.vector_load %arg9[%get3A_1004] {strides = array<i32>} : memref<8192xf32, #tpu.memory_space<vmem>>, vector<16xf32>,
      %add3A_1006 = arith.addf %add3A_980, %get3A_1005 : vector<16xf32>
      %add3A_1007 = arith.constant 128 : i32
      %add3A_1008 = arith.addi %mul3A_936, %add3A_1007 : i32
      %add3A_1009 = arith.constant 48 : i32
      %add3A_1010 = arith.addi %add3A_1008, %add3A_1009 : i32
      %get3A_1011 = arith.index_cast %add3A_1010 : i32 to index
      %get3A_1012 = tpu.vector_load %arg9[%get3A_1011] {strides = array<i32>} : memref<8192xf32, #tpu.memory_space<vmem>>, vector<16xf32>,
      %add3A_1013 = arith.addf %add3A_987, %get3A_1012 : vector<16xf32>
      %add3A_1014 = arith.constant 192 : i32
      %add3A_1015 = arith.addi %mul3A_936, %add3A_1014 : i32
      %get3A_1016 = arith.index_cast %add3A_1015 : i32 to index
      %get3A_1017 = tpu.vector_load %arg9[%get3A_1016] {strides = array<i32>} : memref<8192xf32, #tpu.memory_space<vmem>>, vector<16xf32>,
      %add3A_1018 = arith.addf %add3A_992, %get3A_1017 : vector<16xf32>
      %add3A_1019 = arith.constant 192 : i32
      %add3A_1020 = arith.addi %mul3A_936, %add3A_1019 : i32
      %add3A_1021 = arith.constant 16 : i32
      %add3A_1022 = arith.addi %add3A_1020, %add3A_1021 : i32
      %get3A_1023 = arith.index_cast %add3A_1022 : i32 to index
      %get3A_1024 = tpu.vector_load %arg9[%get3A_1023] {strides = array<i32>} : memref<8192xf32, #tpu.memory_space<vmem>>, vector<16xf32>,
      %add3A_1025 = arith.addf %add3A_999, %get3A_1024 : vector<16xf32>
      %add3A_1026 = arith.constant 192 : i32
      %add3A_1027 = arith.addi %mul3A_936, %add3A_1026 : i32
      %add3A_1028 = arith.constant 32 : i32
      %add3A_1029 = arith.addi %add3A_1027, %add3A_1028 : i32
      %get3A_1030 = arith.index_cast %add3A_1029 : i32 to index
      %get3A_1031 = tpu.vector_load %arg9[%get3A_1030] {strides = array<i32>} : memref<8192xf32, #tpu.memory_space<vmem>>, vector<16xf32>,
      %add3A_1032 = arith.addf %add3A_1006, %get3A_1031 : vector<16xf32>
      %add3A_1033 = arith.constant 192 : i32
      %add3A_1034 = arith.addi %mul3A_936, %add3A_1033 : i32
      %add3A_1035 = arith.constant 48 : i32
      %add3A_1036 = arith.addi %add3A_1034, %add3A_1035 : i32
      %get3A_1037 = arith.index_cast %add3A_1036 : i32 to index
      %get3A_1038 = tpu.vector_load %arg9[%get3A_1037] {strides = array<i32>} : memref<8192xf32, #tpu.memory_space<vmem>>, vector<16xf32>,
      %add3A_1039 = arith.addf %add3A_1013, %get3A_1038 : vector<16xf32>
      scf.yield %add3A_1018, %add3A_1025, %add3A_1032, %add3A_1039 : vector<16xf32>, vector<16xf32>, vector<16xf32>, vector<16xf32>
    }
    %scan3A_540 = arith.constant 32 : i32
    %add3A_541 = arith.addf %scan3A_539#0, %scan3A_539#1 : vector<16xf32>
    %add3A_542 = arith.addf %add3A_541, %scan3A_539#2 : vector<16xf32>
    %add3A_543 = arith.addf %add3A_542, %scan3A_539#3 : vector<16xf32>
    %broadcast_in_dim3A_544 = arith.constant true
    %broadcast_in_dim3A_545 = vector.broadcast %broadcast_in_dim3A_544 : i1 to vector<16xi1>
    %masked_cumsum3A_546 = tpu.scan <sum>, %add3A_543 masked %broadcast_in_dim3A_545 : vector<16xf32>, vector<16xi1> -> vector<16xf32>
    %slice3A_547 = vector.extract_strided_slice %masked_cumsum3A_546 {offsets = [15], sizes = [1], strides = [1]} : vector<16xf32> to vector<1xf32>
    %squeeze3A_548 = vector.extract %slice3A_547[0] : f32 from vector<1xf32>
    %broadcast_in_dim3A_549 = vector.broadcast %squeeze3A_548 : f32 to vector<16xf32>
    %select_n3A_550 = arith.select %eq3A_532, %broadcast_in_dim3A_549, %select_n3A_511 : vector<16xi1>, vector<16xf32>
    %mul3A_551 = arith.constant 4 : i32
    %mul3A_552 = arith.muli %mul3A_551, %arg1 : i32
    %add3A_553 = arith.constant 3 : i32
    %add3A_554 = arith.addi %mul3A_552, %add3A_553 : i32
    %mul3A_555 = arith.constant 4 : i32
    %mul3A_556 = arith.muli %mul3A_555, %arg0 : i32
    %add3A_557 = arith.constant 3 : i32
    %add3A_558 = arith.addi %mul3A_556, %add3A_557 : i32
    %mul3A_559 = arith.constant 8192 : i32
    %mul3A_560 = arith.muli %add3A_558, %mul3A_559 : i32
    %dma_start3A_561 = tpu.memref_slice %arg2[%add3A_554, %mul3A_560] : memref<64x65536xf32, #tpu.memory_space<hbm>> -> memref<1x8192xf32, #tpu.memory_space<hbm>>
    %dma_start3A_562 = tpu.memref_squeeze %dma_start3A_561 : memref<1x8192xf32, #tpu.memory_space<hbm>> -> memref<8192xf32, #tpu.memory_space<hbm>>
    %dma_start3A_563 = tpu.memref_slice %arg2[%add3A_554, %mul3A_560] : memref<64x65536xf32, #tpu.memory_space<hbm>> -> memref<1x8192xf32, #tpu.memory_space<hbm>>
    %dma_start3A_564 = tpu.memref_squeeze %dma_start3A_563 : memref<1x8192xf32, #tpu.memory_space<hbm>> -> memref<8192xf32, #tpu.memory_space<hbm>>
    tpu.enqueue_dma source(%dma_start3A_564 : memref<8192xf32, #tpu.memory_space<hbm>>) target(%arg9 : memref<8192xf32, #tpu.memory_space<vmem>>) target_semaphore(%arg18 : memref<!tpu.dma_semaphore, #tpu.memory_space<semaphore_mem>>)
    %dma_wait3A_565 = tpu.memref_slice %arg2[%add3A_515, %mul3A_521] : memref<64x65536xf32, #tpu.memory_space<hbm>> -> memref<1x8192xf32, #tpu.memory_space<hbm>>
    %dma_wait3A_566 = tpu.memref_squeeze %dma_wait3A_565 : memref<1x8192xf32, #tpu.memory_space<hbm>> -> memref<8192xf32, #tpu.memory_space<hbm>>
    %dma_wait3A_567 = tpu.memref_slice %arg2[%add3A_515, %mul3A_521] : memref<64x65536xf32, #tpu.memory_space<hbm>> -> memref<1x8192xf32, #tpu.memory_space<hbm>>
    %dma_wait3A_568 = tpu.memref_squeeze %dma_wait3A_567 : memref<1x8192xf32, #tpu.memory_space<hbm>> -> memref<8192xf32, #tpu.memory_space<hbm>>
    tpu.wait_dma2 semaphore(%arg17 : memref<!tpu.dma_semaphore, #tpu.memory_space<semaphore_mem>>) src(%dma_wait3A_568 : memref<8192xf32, #tpu.memory_space<hbm>>) dst(%arg8 : memref<8192xf32, #tpu.memory_space<vmem>>)
    %eq3A_569 = arith.constant 14 : i32
    %eq3A_570 = vector.broadcast %eq3A_569 : i32 to vector<16xi32>
    %eq3A_571 = arith.cmpi eq, %iota3A, %eq3A_570 : vector<16xi32>
    %broadcast_in_dim3A_572 = arith.constant 0.000000e+00 : f32
    %broadcast_in_dim3A_573 = vector.broadcast %broadcast_in_dim3A_572 : f32 to vector<16xf32>
    %scan3A_574 = arith.constant 0 : i32
    %scan3A_575 = arith.constant 32 : i32
    %scan3A_576 = arith.addi %scan3A_574, %scan3A_575 : i32
    %scan3A_577 = arith.constant 1 : i32
    %scan3A_578:4 = scf.for %scan3A_930 = %scan3A_574 to %scan3A_576 step %scan3A_577 iter_args(%scan3A_931 = %broadcast_in_dim3A_573, %scan3A_932 = %broadcast_in_dim3A_573, %scan3A_933 = %broadcast_in_dim3A_573, %scan3A_934 = %broadcast_in_dim3A_573) -> (vector<16xf32>, vector<16xf32>, vector<16xf32>, vector<16xf32>)  : i32 {
      %mul3A_935 = arith.constant 256 : i32
      %mul3A_936 = arith.muli %scan3A_930, %mul3A_935 : i32
      %add3A_937 = arith.constant 0 : i32
      %add3A_938 = arith.addi %mul3A_936, %add3A_937 : i32
      %get3A = arith.index_cast %add3A_938 : i32 to index
      %get3A_939 = tpu.vector_load %arg8[%get3A] {strides = array<i32>} : memref<8192xf32, #tpu.memory_space<vmem>>, vector<16xf32>,
      %add3A_940 = arith.addf %scan3A_931, %get3A_939 : vector<16xf32>
      %add3A_941 = arith.constant 0 : i32
      %add3A_942 = arith.addi %mul3A_936, %add3A_941 : i32
      %add3A_943 = arith.constant 16 : i32
      %add3A_944 = arith.addi %add3A_942, %add3A_943 : i32
      %get3A_945 = arith.index_cast %add3A_944 : i32 to index
      %get3A_946 = tpu.vector_load %arg8[%get3A_945] {strides = array<i32>} : memref<8192xf32, #tpu.memory_space<vmem>>, vector<16xf32>,
      %add3A_947 = arith.addf %scan3A_932, %get3A_946 : vector<16xf32>
      %add3A_948 = arith.constant 0 : i32
      %add3A_949 = arith.addi %mul3A_936, %add3A_948 : i32
      %add3A_950 = arith.constant 32 : i32
      %add3A_951 = arith.addi %add3A_949, %add3A_950 : i32
      %get3A_952 = arith.index_cast %add3A_951 : i32 to index
      %get3A_953 = tpu.vector_load %arg8[%get3A_952] {strides = array<i32>} : memref<8192xf32, #tpu.memory_space<vmem>>, vector<16xf32>,
      %add3A_954 = arith.addf %scan3A_933, %get3A_953 : vector<16xf32>
      %add3A_955 = arith.constant 0 : i32
      %add3A_956 = arith.addi %mul3A_936, %add3A_955 : i32
      %add3A_957 = arith.constant 48 : i32
      %add3A_958 = arith.addi %add3A_956, %add3A_957 : i32
      %get3A_959 = arith.index_cast %add3A_958 : i32 to index
      %get3A_960 = tpu.vector_load %arg8[%get3A_959] {strides = array<i32>} : memref<8192xf32, #tpu.memory_space<vmem>>, vector<16xf32>,
      %add3A_961 = arith.addf %scan3A_934, %get3A_960 : vector<16xf32>
      %add3A_962 = arith.constant 64 : i32
      %add3A_963 = arith.addi %mul3A_936, %add3A_962 : i32
      %get3A_964 = arith.index_cast %add3A_963 : i32 to index
      %get3A_965 = tpu.vector_load %arg8[%get3A_964] {strides = array<i32>} : memref<8192xf32, #tpu.memory_space<vmem>>, vector<16xf32>,
      %add3A_966 = arith.addf %add3A_940, %get3A_965 : vector<16xf32>
      %add3A_967 = arith.constant 64 : i32
      %add3A_968 = arith.addi %mul3A_936, %add3A_967 : i32
      %add3A_969 = arith.constant 16 : i32
      %add3A_970 = arith.addi %add3A_968, %add3A_969 : i32
      %get3A_971 = arith.index_cast %add3A_970 : i32 to index
      %get3A_972 = tpu.vector_load %arg8[%get3A_971] {strides = array<i32>} : memref<8192xf32, #tpu.memory_space<vmem>>, vector<16xf32>,
      %add3A_973 = arith.addf %add3A_947, %get3A_972 : vector<16xf32>
      %add3A_974 = arith.constant 64 : i32
      %add3A_975 = arith.addi %mul3A_936, %add3A_974 : i32
      %add3A_976 = arith.constant 32 : i32
      %add3A_977 = arith.addi %add3A_975, %add3A_976 : i32
      %get3A_978 = arith.index_cast %add3A_977 : i32 to index
      %get3A_979 = tpu.vector_load %arg8[%get3A_978] {strides = array<i32>} : memref<8192xf32, #tpu.memory_space<vmem>>, vector<16xf32>,
      %add3A_980 = arith.addf %add3A_954, %get3A_979 : vector<16xf32>
      %add3A_981 = arith.constant 64 : i32
      %add3A_982 = arith.addi %mul3A_936, %add3A_981 : i32
      %add3A_983 = arith.constant 48 : i32
      %add3A_984 = arith.addi %add3A_982, %add3A_983 : i32
      %get3A_985 = arith.index_cast %add3A_984 : i32 to index
      %get3A_986 = tpu.vector_load %arg8[%get3A_985] {strides = array<i32>} : memref<8192xf32, #tpu.memory_space<vmem>>, vector<16xf32>,
      %add3A_987 = arith.addf %add3A_961, %get3A_986 : vector<16xf32>
      %add3A_988 = arith.constant 128 : i32
      %add3A_989 = arith.addi %mul3A_936, %add3A_988 : i32
      %get3A_990 = arith.index_cast %add3A_989 : i32 to index
      %get3A_991 = tpu.vector_load %arg8[%get3A_990] {strides = array<i32>} : memref<8192xf32, #tpu.memory_space<vmem>>, vector<16xf32>,
      %add3A_992 = arith.addf %add3A_966, %get3A_991 : vector<16xf32>
      %add3A_993 = arith.constant 128 : i32
      %add3A_994 = arith.addi %mul3A_936, %add3A_993 : i32
      %add3A_995 = arith.constant 16 : i32
      %add3A_996 = arith.addi %add3A_994, %add3A_995 : i32
      %get3A_997 = arith.index_cast %add3A_996 : i32 to index
      %get3A_998 = tpu.vector_load %arg8[%get3A_997] {strides = array<i32>} : memref<8192xf32, #tpu.memory_space<vmem>>, vector<16xf32>,
      %add3A_999 = arith.addf %add3A_973, %get3A_998 : vector<16xf32>
      %add3A_1000 = arith.constant 128 : i32
      %add3A_1001 = arith.addi %mul3A_936, %add3A_1000 : i32
      %add3A_1002 = arith.constant 32 : i32
      %add3A_1003 = arith.addi %add3A_1001, %add3A_1002 : i32
      %get3A_1004 = arith.index_cast %add3A_1003 : i32 to index
      %get3A_1005 = tpu.vector_load %arg8[%get3A_1004] {strides = array<i32>} : memref<8192xf32, #tpu.memory_space<vmem>>, vector<16xf32>,
      %add3A_1006 = arith.addf %add3A_980, %get3A_1005 : vector<16xf32>
      %add3A_1007 = arith.constant 128 : i32
      %add3A_1008 = arith.addi %mul3A_936, %add3A_1007 : i32
      %add3A_1009 = arith.constant 48 : i32
      %add3A_1010 = arith.addi %add3A_1008, %add3A_1009 : i32
      %get3A_1011 = arith.index_cast %add3A_1010 : i32 to index
      %get3A_1012 = tpu.vector_load %arg8[%get3A_1011] {strides = array<i32>} : memref<8192xf32, #tpu.memory_space<vmem>>, vector<16xf32>,
      %add3A_1013 = arith.addf %add3A_987, %get3A_1012 : vector<16xf32>
      %add3A_1014 = arith.constant 192 : i32
      %add3A_1015 = arith.addi %mul3A_936, %add3A_1014 : i32
      %get3A_1016 = arith.index_cast %add3A_1015 : i32 to index
      %get3A_1017 = tpu.vector_load %arg8[%get3A_1016] {strides = array<i32>} : memref<8192xf32, #tpu.memory_space<vmem>>, vector<16xf32>,
      %add3A_1018 = arith.addf %add3A_992, %get3A_1017 : vector<16xf32>
      %add3A_1019 = arith.constant 192 : i32
      %add3A_1020 = arith.addi %mul3A_936, %add3A_1019 : i32
      %add3A_1021 = arith.constant 16 : i32
      %add3A_1022 = arith.addi %add3A_1020, %add3A_1021 : i32
      %get3A_1023 = arith.index_cast %add3A_1022 : i32 to index
      %get3A_1024 = tpu.vector_load %arg8[%get3A_1023] {strides = array<i32>} : memref<8192xf32, #tpu.memory_space<vmem>>, vector<16xf32>,
      %add3A_1025 = arith.addf %add3A_999, %get3A_1024 : vector<16xf32>
      %add3A_1026 = arith.constant 192 : i32
      %add3A_1027 = arith.addi %mul3A_936, %add3A_1026 : i32
      %add3A_1028 = arith.constant 32 : i32
      %add3A_1029 = arith.addi %add3A_1027, %add3A_1028 : i32
      %get3A_1030 = arith.index_cast %add3A_1029 : i32 to index
      %get3A_1031 = tpu.vector_load %arg8[%get3A_1030] {strides = array<i32>} : memref<8192xf32, #tpu.memory_space<vmem>>, vector<16xf32>,
      %add3A_1032 = arith.addf %add3A_1006, %get3A_1031 : vector<16xf32>
      %add3A_1033 = arith.constant 192 : i32
      %add3A_1034 = arith.addi %mul3A_936, %add3A_1033 : i32
      %add3A_1035 = arith.constant 48 : i32
      %add3A_1036 = arith.addi %add3A_1034, %add3A_1035 : i32
      %get3A_1037 = arith.index_cast %add3A_1036 : i32 to index
      %get3A_1038 = tpu.vector_load %arg8[%get3A_1037] {strides = array<i32>} : memref<8192xf32, #tpu.memory_space<vmem>>, vector<16xf32>,
      %add3A_1039 = arith.addf %add3A_1013, %get3A_1038 : vector<16xf32>
      scf.yield %add3A_1018, %add3A_1025, %add3A_1032, %add3A_1039 : vector<16xf32>, vector<16xf32>, vector<16xf32>, vector<16xf32>
    }
    %scan3A_579 = arith.constant 32 : i32
    %add3A_580 = arith.addf %scan3A_578#0, %scan3A_578#1 : vector<16xf32>
    %add3A_581 = arith.addf %add3A_580, %scan3A_578#2 : vector<16xf32>
    %add3A_582 = arith.addf %add3A_581, %scan3A_578#3 : vector<16xf32>
    %broadcast_in_dim3A_583 = arith.constant true
    %broadcast_in_dim3A_584 = vector.broadcast %broadcast_in_dim3A_583 : i1 to vector<16xi1>
    %masked_cumsum3A_585 = tpu.scan <sum>, %add3A_582 masked %broadcast_in_dim3A_584 : vector<16xf32>, vector<16xi1> -> vector<16xf32>
    %slice3A_586 = vector.extract_strided_slice %masked_cumsum3A_585 {offsets = [15], sizes = [1], strides = [1]} : vector<16xf32> to vector<1xf32>
    %squeeze3A_587 = vector.extract %slice3A_586[0] : f32 from vector<1xf32>
    %broadcast_in_dim3A_588 = vector.broadcast %squeeze3A_587 : f32 to vector<16xf32>
    %select_n3A_589 = arith.select %eq3A_571, %broadcast_in_dim3A_588, %select_n3A_550 : vector<16xi1>, vector<16xf32>
    %jit3A = arith.constant 4 : i32
    %div3A = arith.divsi %arg1, %jit3A : i32
    %sign3A = arith.constant 0 : i32
    %sign3A_590 = arith.cmpi sgt, %arg1, %sign3A : i32
    %sign3A_591 = arith.extui %sign3A_590 : i1 to i32
    %sign3A_592 = arith.constant 0 : i32
    %sign3A_593 = arith.cmpi slt, %arg1, %sign3A_592 : i32
    %sign3A_594 = arith.extui %sign3A_593 : i1 to i32
    %sign3A_595 = arith.subi %sign3A_591, %sign3A_594 : i32
    %sign3A_596 = arith.constant 0 : i32
    %sign3A_597 = arith.cmpi sgt, %jit3A, %sign3A_596 : i32
    %sign3A_598 = arith.extui %sign3A_597 : i1 to i32
    %sign3A_599 = arith.constant 0 : i32
    %sign3A_600 = arith.cmpi slt, %jit3A, %sign3A_599 : i32
    %sign3A_601 = arith.extui %sign3A_600 : i1 to i32
    %sign3A_602 = arith.subi %sign3A_598, %sign3A_601 : i32
    %ne3A = arith.cmpi ne, %sign3A_595, %sign3A_602 : i32
    %rem3A = arith.remsi %arg1, %jit3A : i32
    %ne3A_603 = arith.constant 0 : i32
    %ne3A_604 = arith.cmpi ne, %rem3A, %ne3A_603 : i32
    %and3A = arith.andi %ne3A, %ne3A_604 : i1
    %sub3A = arith.constant 1 : i32
    %sub3A_605 = arith.subi %div3A, %sub3A : i32
    %select_n3A_606 = arith.select %and3A, %sub3A_605, %div3A : i32
    %mul3A_607 = arith.constant 4 : i32
    %mul3A_608 = arith.muli %mul3A_607, %arg0 : i32
    %jit3A_609 = arith.constant 4 : i32
    %eq3A_610 = arith.constant 0 : i32
    %eq3A_611 = arith.cmpi eq, %jit3A_609, %eq3A_610 : i32
    %jit3A_612 = arith.constant 1 : i32
    %select_n3A_613 = arith.select %eq3A_611, %jit3A_612, %jit3A_609 : i32
    %rem3A_614 = arith.remsi %arg1, %select_n3A_613 : i32
    %ne3A_615 = arith.constant 0 : i32
    %ne3A_616 = arith.cmpi ne, %rem3A_614, %ne3A_615 : i32
    %lt3A = arith.constant 0 : i32
    %lt3A_617 = arith.cmpi slt, %rem3A_614, %lt3A : i32
    %lt3A_618 = arith.constant 0 : i32
    %lt3A_619 = arith.cmpi slt, %select_n3A_613, %lt3A_618 : i32
    %ne3A_620 = arith.xori %lt3A_617, %lt3A_619 : i1
    %and3A_621 = arith.andi %ne3A_620, %ne3A_616 : i1
    %add3A_622 = arith.addi %rem3A_614, %select_n3A_613 : i32
    %select_n3A_623 = arith.select %and3A_621, %add3A_622, %rem3A_614 : i32
    %add3A_624 = arith.addi %mul3A_608, %select_n3A_623 : i32
    %dma_start3A_625 = arith.constant 0 : i32
    %dma_start3A_626 = tpu.memref_slice %arg3[%select_n3A_606, %add3A_624, %dma_start3A_625] : memref<4x8x8192xf32, #tpu.memory_space<hbm>> -> memref<1x1x8192xf32, #tpu.memory_space<hbm>>
    %dma_start3A_627 = tpu.memref_squeeze %dma_start3A_626 : memref<1x1x8192xf32, #tpu.memory_space<hbm>> -> memref<8192xf32, #tpu.memory_space<hbm>>
    %dma_start3A_628 = arith.constant 0 : i32
    %dma_start3A_629 = tpu.memref_slice %arg3[%select_n3A_606, %add3A_624, %dma_start3A_628] : memref<4x8x8192xf32, #tpu.memory_space<hbm>> -> memref<1x1x8192xf32, #tpu.memory_space<hbm>>
    %dma_start3A_630 = tpu.memref_squeeze %dma_start3A_629 : memref<1x1x8192xf32, #tpu.memory_space<hbm>> -> memref<8192xf32, #tpu.memory_space<hbm>>
    tpu.enqueue_dma source(%dma_start3A_630 : memref<8192xf32, #tpu.memory_space<hbm>>) target(%arg8 : memref<8192xf32, #tpu.memory_space<vmem>>) target_semaphore(%arg17 : memref<!tpu.dma_semaphore, #tpu.memory_space<semaphore_mem>>)
    %dma_wait3A_631 = tpu.memref_slice %arg2[%add3A_554, %mul3A_560] : memref<64x65536xf32, #tpu.memory_space<hbm>> -> memref<1x8192xf32, #tpu.memory_space<hbm>>
    %dma_wait3A_632 = tpu.memref_squeeze %dma_wait3A_631 : memref<1x8192xf32, #tpu.memory_space<hbm>> -> memref<8192xf32, #tpu.memory_space<hbm>>
    %dma_wait3A_633 = tpu.memref_slice %arg2[%add3A_554, %mul3A_560] : memref<64x65536xf32, #tpu.memory_space<hbm>> -> memref<1x8192xf32, #tpu.memory_space<hbm>>
    %dma_wait3A_634 = tpu.memref_squeeze %dma_wait3A_633 : memref<1x8192xf32, #tpu.memory_space<hbm>> -> memref<8192xf32, #tpu.memory_space<hbm>>
    tpu.wait_dma2 semaphore(%arg18 : memref<!tpu.dma_semaphore, #tpu.memory_space<semaphore_mem>>) src(%dma_wait3A_634 : memref<8192xf32, #tpu.memory_space<hbm>>) dst(%arg9 : memref<8192xf32, #tpu.memory_space<vmem>>)
    %eq3A_635 = arith.constant 15 : i32
    %eq3A_636 = vector.broadcast %eq3A_635 : i32 to vector<16xi32>
    %eq3A_637 = arith.cmpi eq, %iota3A, %eq3A_636 : vector<16xi32>
    %broadcast_in_dim3A_638 = arith.constant 0.000000e+00 : f32
    %broadcast_in_dim3A_639 = vector.broadcast %broadcast_in_dim3A_638 : f32 to vector<16xf32>
    %scan3A_640 = arith.constant 0 : i32
    %scan3A_641 = arith.constant 32 : i32
    %scan3A_642 = arith.addi %scan3A_640, %scan3A_641 : i32
    %scan3A_643 = arith.constant 1 : i32
    %scan3A_644:4 = scf.for %scan3A_930 = %scan3A_640 to %scan3A_642 step %scan3A_643 iter_args(%scan3A_931 = %broadcast_in_dim3A_639, %scan3A_932 = %broadcast_in_dim3A_639, %scan3A_933 = %broadcast_in_dim3A_639, %scan3A_934 = %broadcast_in_dim3A_639) -> (vector<16xf32>, vector<16xf32>, vector<16xf32>, vector<16xf32>)  : i32 {
      %mul3A_935 = arith.constant 256 : i32
      %mul3A_936 = arith.muli %scan3A_930, %mul3A_935 : i32
      %add3A_937 = arith.constant 0 : i32
      %add3A_938 = arith.addi %mul3A_936, %add3A_937 : i32
      %get3A = arith.index_cast %add3A_938 : i32 to index
      %get3A_939 = tpu.vector_load %arg9[%get3A] {strides = array<i32>} : memref<8192xf32, #tpu.memory_space<vmem>>, vector<16xf32>,
      %add3A_940 = arith.addf %scan3A_931, %get3A_939 : vector<16xf32>
      %add3A_941 = arith.constant 0 : i32
      %add3A_942 = arith.addi %mul3A_936, %add3A_941 : i32
      %add3A_943 = arith.constant 16 : i32
      %add3A_944 = arith.addi %add3A_942, %add3A_943 : i32
      %get3A_945 = arith.index_cast %add3A_944 : i32 to index
      %get3A_946 = tpu.vector_load %arg9[%get3A_945] {strides = array<i32>} : memref<8192xf32, #tpu.memory_space<vmem>>, vector<16xf32>,
      %add3A_947 = arith.addf %scan3A_932, %get3A_946 : vector<16xf32>
      %add3A_948 = arith.constant 0 : i32
      %add3A_949 = arith.addi %mul3A_936, %add3A_948 : i32
      %add3A_950 = arith.constant 32 : i32
      %add3A_951 = arith.addi %add3A_949, %add3A_950 : i32
      %get3A_952 = arith.index_cast %add3A_951 : i32 to index
      %get3A_953 = tpu.vector_load %arg9[%get3A_952] {strides = array<i32>} : memref<8192xf32, #tpu.memory_space<vmem>>, vector<16xf32>,
      %add3A_954 = arith.addf %scan3A_933, %get3A_953 : vector<16xf32>
      %add3A_955 = arith.constant 0 : i32
      %add3A_956 = arith.addi %mul3A_936, %add3A_955 : i32
      %add3A_957 = arith.constant 48 : i32
      %add3A_958 = arith.addi %add3A_956, %add3A_957 : i32
      %get3A_959 = arith.index_cast %add3A_958 : i32 to index
      %get3A_960 = tpu.vector_load %arg9[%get3A_959] {strides = array<i32>} : memref<8192xf32, #tpu.memory_space<vmem>>, vector<16xf32>,
      %add3A_961 = arith.addf %scan3A_934, %get3A_960 : vector<16xf32>
      %add3A_962 = arith.constant 64 : i32
      %add3A_963 = arith.addi %mul3A_936, %add3A_962 : i32
      %get3A_964 = arith.index_cast %add3A_963 : i32 to index
      %get3A_965 = tpu.vector_load %arg9[%get3A_964] {strides = array<i32>} : memref<8192xf32, #tpu.memory_space<vmem>>, vector<16xf32>,
      %add3A_966 = arith.addf %add3A_940, %get3A_965 : vector<16xf32>
      %add3A_967 = arith.constant 64 : i32
      %add3A_968 = arith.addi %mul3A_936, %add3A_967 : i32
      %add3A_969 = arith.constant 16 : i32
      %add3A_970 = arith.addi %add3A_968, %add3A_969 : i32
      %get3A_971 = arith.index_cast %add3A_970 : i32 to index
      %get3A_972 = tpu.vector_load %arg9[%get3A_971] {strides = array<i32>} : memref<8192xf32, #tpu.memory_space<vmem>>, vector<16xf32>,
      %add3A_973 = arith.addf %add3A_947, %get3A_972 : vector<16xf32>
      %add3A_974 = arith.constant 64 : i32
      %add3A_975 = arith.addi %mul3A_936, %add3A_974 : i32
      %add3A_976 = arith.constant 32 : i32
      %add3A_977 = arith.addi %add3A_975, %add3A_976 : i32
      %get3A_978 = arith.index_cast %add3A_977 : i32 to index
      %get3A_979 = tpu.vector_load %arg9[%get3A_978] {strides = array<i32>} : memref<8192xf32, #tpu.memory_space<vmem>>, vector<16xf32>,
      %add3A_980 = arith.addf %add3A_954, %get3A_979 : vector<16xf32>
      %add3A_981 = arith.constant 64 : i32
      %add3A_982 = arith.addi %mul3A_936, %add3A_981 : i32
      %add3A_983 = arith.constant 48 : i32
      %add3A_984 = arith.addi %add3A_982, %add3A_983 : i32
      %get3A_985 = arith.index_cast %add3A_984 : i32 to index
      %get3A_986 = tpu.vector_load %arg9[%get3A_985] {strides = array<i32>} : memref<8192xf32, #tpu.memory_space<vmem>>, vector<16xf32>,
      %add3A_987 = arith.addf %add3A_961, %get3A_986 : vector<16xf32>
      %add3A_988 = arith.constant 128 : i32
      %add3A_989 = arith.addi %mul3A_936, %add3A_988 : i32
      %get3A_990 = arith.index_cast %add3A_989 : i32 to index
      %get3A_991 = tpu.vector_load %arg9[%get3A_990] {strides = array<i32>} : memref<8192xf32, #tpu.memory_space<vmem>>, vector<16xf32>,
      %add3A_992 = arith.addf %add3A_966, %get3A_991 : vector<16xf32>
      %add3A_993 = arith.constant 128 : i32
      %add3A_994 = arith.addi %mul3A_936, %add3A_993 : i32
      %add3A_995 = arith.constant 16 : i32
      %add3A_996 = arith.addi %add3A_994, %add3A_995 : i32
      %get3A_997 = arith.index_cast %add3A_996 : i32 to index
      %get3A_998 = tpu.vector_load %arg9[%get3A_997] {strides = array<i32>} : memref<8192xf32, #tpu.memory_space<vmem>>, vector<16xf32>,
      %add3A_999 = arith.addf %add3A_973, %get3A_998 : vector<16xf32>
      %add3A_1000 = arith.constant 128 : i32
      %add3A_1001 = arith.addi %mul3A_936, %add3A_1000 : i32
      %add3A_1002 = arith.constant 32 : i32
      %add3A_1003 = arith.addi %add3A_1001, %add3A_1002 : i32
      %get3A_1004 = arith.index_cast %add3A_1003 : i32 to index
      %get3A_1005 = tpu.vector_load %arg9[%get3A_1004] {strides = array<i32>} : memref<8192xf32, #tpu.memory_space<vmem>>, vector<16xf32>,
      %add3A_1006 = arith.addf %add3A_980, %get3A_1005 : vector<16xf32>
      %add3A_1007 = arith.constant 128 : i32
      %add3A_1008 = arith.addi %mul3A_936, %add3A_1007 : i32
      %add3A_1009 = arith.constant 48 : i32
      %add3A_1010 = arith.addi %add3A_1008, %add3A_1009 : i32
      %get3A_1011 = arith.index_cast %add3A_1010 : i32 to index
      %get3A_1012 = tpu.vector_load %arg9[%get3A_1011] {strides = array<i32>} : memref<8192xf32, #tpu.memory_space<vmem>>, vector<16xf32>,
      %add3A_1013 = arith.addf %add3A_987, %get3A_1012 : vector<16xf32>
      %add3A_1014 = arith.constant 192 : i32
      %add3A_1015 = arith.addi %mul3A_936, %add3A_1014 : i32
      %get3A_1016 = arith.index_cast %add3A_1015 : i32 to index
      %get3A_1017 = tpu.vector_load %arg9[%get3A_1016] {strides = array<i32>} : memref<8192xf32, #tpu.memory_space<vmem>>, vector<16xf32>,
      %add3A_1018 = arith.addf %add3A_992, %get3A_1017 : vector<16xf32>
      %add3A_1019 = arith.constant 192 : i32
      %add3A_1020 = arith.addi %mul3A_936, %add3A_1019 : i32
      %add3A_1021 = arith.constant 16 : i32
      %add3A_1022 = arith.addi %add3A_1020, %add3A_1021 : i32
      %get3A_1023 = arith.index_cast %add3A_1022 : i32 to index
      %get3A_1024 = tpu.vector_load %arg9[%get3A_1023] {strides = array<i32>} : memref<8192xf32, #tpu.memory_space<vmem>>, vector<16xf32>,
      %add3A_1025 = arith.addf %add3A_999, %get3A_1024 : vector<16xf32>
      %add3A_1026 = arith.constant 192 : i32
      %add3A_1027 = arith.addi %mul3A_936, %add3A_1026 : i32
      %add3A_1028 = arith.constant 32 : i32
      %add3A_1029 = arith.addi %add3A_1027, %add3A_1028 : i32
      %get3A_1030 = arith.index_cast %add3A_1029 : i32 to index
      %get3A_1031 = tpu.vector_load %arg9[%get3A_1030] {strides = array<i32>} : memref<8192xf32, #tpu.memory_space<vmem>>, vector<16xf32>,
      %add3A_1032 = arith.addf %add3A_1006, %get3A_1031 : vector<16xf32>
      %add3A_1033 = arith.constant 192 : i32
      %add3A_1034 = arith.addi %mul3A_936, %add3A_1033 : i32
      %add3A_1035 = arith.constant 48 : i32
      %add3A_1036 = arith.addi %add3A_1034, %add3A_1035 : i32
      %get3A_1037 = arith.index_cast %add3A_1036 : i32 to index
      %get3A_1038 = tpu.vector_load %arg9[%get3A_1037] {strides = array<i32>} : memref<8192xf32, #tpu.memory_space<vmem>>, vector<16xf32>,
      %add3A_1039 = arith.addf %add3A_1013, %get3A_1038 : vector<16xf32>
      scf.yield %add3A_1018, %add3A_1025, %add3A_1032, %add3A_1039 : vector<16xf32>, vector<16xf32>, vector<16xf32>, vector<16xf32>
    }
    %scan3A_645 = arith.constant 32 : i32
    %add3A_646 = arith.addf %scan3A_644#0, %scan3A_644#1 : vector<16xf32>
    %add3A_647 = arith.addf %add3A_646, %scan3A_644#2 : vector<16xf32>
    %add3A_648 = arith.addf %add3A_647, %scan3A_644#3 : vector<16xf32>
    %broadcast_in_dim3A_649 = arith.constant true
    %broadcast_in_dim3A_650 = vector.broadcast %broadcast_in_dim3A_649 : i1 to vector<16xi1>
    %masked_cumsum3A_651 = tpu.scan <sum>, %add3A_648 masked %broadcast_in_dim3A_650 : vector<16xf32>, vector<16xi1> -> vector<16xf32>
    %slice3A_652 = vector.extract_strided_slice %masked_cumsum3A_651 {offsets = [15], sizes = [1], strides = [1]} : vector<16xf32> to vector<1xf32>
    %squeeze3A_653 = vector.extract %slice3A_652[0] : f32 from vector<1xf32>
    %broadcast_in_dim3A_654 = vector.broadcast %squeeze3A_653 : f32 to vector<16xf32>
    %select_n3A_655 = arith.select %eq3A_637, %broadcast_in_dim3A_654, %select_n3A_589 : vector<16xi1>, vector<16xf32>
    %swap3A = arith.constant 0 : index
    %swap3A_656 = tpu.vector_load %arg10[%swap3A] {strides = array<i32>} : memref<16xf32, #tpu.memory_space<vmem>>, vector<16xf32>,
    tpu.vector_store %arg10[%swap3A], %select_n3A_655 {strides = array<i32>} : memref<16xf32, #tpu.memory_space<vmem>>, vector<16xf32>,
    %mul3A_657 = arith.constant 16 : i32
    %mul3A_658 = arith.muli %mul3A_657, %arg1 : i32
    "tpu.region"() ({
      %run_scoped3A = tpu.sem_alloc : memref<!tpu.dma_semaphore, #tpu.memory_space<semaphore_mem>>
      %dma_start3A_930 = tpu.memref_slice %arg15[%mul3A_658] : memref<256xf32, #tpu.memory_space<vmem_shared>> -> memref<16xf32, #tpu.memory_space<vmem_shared>>
      %dma_start3A_931 = tpu.memref_slice %arg15[%mul3A_658] : memref<256xf32, #tpu.memory_space<vmem_shared>> -> memref<16xf32, #tpu.memory_space<vmem_shared>>
      tpu.enqueue_dma source(%arg10 : memref<16xf32, #tpu.memory_space<vmem>>) target(%dma_start3A_931 : memref<16xf32, #tpu.memory_space<vmem_shared>>) target_semaphore(%run_scoped3A : memref<!tpu.dma_semaphore, #tpu.memory_space<semaphore_mem>>)
      %dma_wait3A_932 = tpu.memref_slice %arg15[%mul3A_658] : memref<256xf32, #tpu.memory_space<vmem_shared>> -> memref<16xf32, #tpu.memory_space<vmem_shared>>
      %dma_wait3A_933 = tpu.memref_slice %arg15[%mul3A_658] : memref<256xf32, #tpu.memory_space<vmem_shared>> -> memref<16xf32, #tpu.memory_space<vmem_shared>>
      tpu.wait_dma2 semaphore(%run_scoped3A : memref<!tpu.dma_semaphore, #tpu.memory_space<semaphore_mem>>) src(%arg10 : memref<16xf32, #tpu.memory_space<vmem>>) dst(%dma_wait3A_933 : memref<16xf32, #tpu.memory_space<vmem_shared>>)
      tpu.yield
    }) : () -> ()
    %dma_wait3A_659 = arith.constant 0 : i32
    %dma_wait3A_660 = tpu.memref_slice %arg3[%select_n3A_606, %add3A_624, %dma_wait3A_659] : memref<4x8x8192xf32, #tpu.memory_space<hbm>> -> memref<1x1x8192xf32, #tpu.memory_space<hbm>>
    %dma_wait3A_661 = tpu.memref_squeeze %dma_wait3A_660 : memref<1x1x8192xf32, #tpu.memory_space<hbm>> -> memref<8192xf32, #tpu.memory_space<hbm>>
    %dma_wait3A_662 = arith.constant 0 : i32
    %dma_wait3A_663 = tpu.memref_slice %arg3[%select_n3A_606, %add3A_624, %dma_wait3A_662] : memref<4x8x8192xf32, #tpu.memory_space<hbm>> -> memref<1x1x8192xf32, #tpu.memory_space<hbm>>
    %dma_wait3A_664 = tpu.memref_squeeze %dma_wait3A_663 : memref<1x1x8192xf32, #tpu.memory_space<hbm>> -> memref<8192xf32, #tpu.memory_space<hbm>>
    tpu.wait_dma2 semaphore(%arg17 : memref<!tpu.dma_semaphore, #tpu.memory_space<semaphore_mem>>) src(%dma_wait3A_664 : memref<8192xf32, #tpu.memory_space<hbm>>) dst(%arg8 : memref<8192xf32, #tpu.memory_space<vmem>>)
    %broadcast_in_dim3A_665 = arith.constant 0.000000e+00 : f32
    %broadcast_in_dim3A_666 = vector.broadcast %broadcast_in_dim3A_665 : f32 to vector<16xf32>
    %scan3A_667 = arith.constant 0 : i32
    %scan3A_668 = arith.constant 32 : i32
    %scan3A_669 = arith.addi %scan3A_667, %scan3A_668 : i32
    %scan3A_670 = arith.constant 1 : i32
    %scan3A_671:4 = scf.for %scan3A_930 = %scan3A_667 to %scan3A_669 step %scan3A_670 iter_args(%scan3A_931 = %broadcast_in_dim3A_666, %scan3A_932 = %broadcast_in_dim3A_666, %scan3A_933 = %broadcast_in_dim3A_666, %scan3A_934 = %broadcast_in_dim3A_666) -> (vector<16xf32>, vector<16xf32>, vector<16xf32>, vector<16xf32>)  : i32 {
      %mul3A_935 = arith.constant 256 : i32
      %mul3A_936 = arith.muli %scan3A_930, %mul3A_935 : i32
      %add3A_937 = arith.constant 0 : i32
      %add3A_938 = arith.addi %mul3A_936, %add3A_937 : i32
      %get3A = arith.index_cast %add3A_938 : i32 to index
      %get3A_939 = tpu.vector_load %arg8[%get3A] {strides = array<i32>} : memref<8192xf32, #tpu.memory_space<vmem>>, vector<16xf32>,
      %add3A_940 = arith.addf %scan3A_931, %get3A_939 : vector<16xf32>
      %add3A_941 = arith.constant 0 : i32
      %add3A_942 = arith.addi %mul3A_936, %add3A_941 : i32
      %add3A_943 = arith.constant 16 : i32
      %add3A_944 = arith.addi %add3A_942, %add3A_943 : i32
      %get3A_945 = arith.index_cast %add3A_944 : i32 to index
      %get3A_946 = tpu.vector_load %arg8[%get3A_945] {strides = array<i32>} : memref<8192xf32, #tpu.memory_space<vmem>>, vector<16xf32>,
      %add3A_947 = arith.addf %scan3A_932, %get3A_946 : vector<16xf32>
      %add3A_948 = arith.constant 0 : i32
      %add3A_949 = arith.addi %mul3A_936, %add3A_948 : i32
      %add3A_950 = arith.constant 32 : i32
      %add3A_951 = arith.addi %add3A_949, %add3A_950 : i32
      %get3A_952 = arith.index_cast %add3A_951 : i32 to index
      %get3A_953 = tpu.vector_load %arg8[%get3A_952] {strides = array<i32>} : memref<8192xf32, #tpu.memory_space<vmem>>, vector<16xf32>,
      %add3A_954 = arith.addf %scan3A_933, %get3A_953 : vector<16xf32>
      %add3A_955 = arith.constant 0 : i32
      %add3A_956 = arith.addi %mul3A_936, %add3A_955 : i32
      %add3A_957 = arith.constant 48 : i32
      %add3A_958 = arith.addi %add3A_956, %add3A_957 : i32
      %get3A_959 = arith.index_cast %add3A_958 : i32 to index
      %get3A_960 = tpu.vector_load %arg8[%get3A_959] {strides = array<i32>} : memref<8192xf32, #tpu.memory_space<vmem>>, vector<16xf32>,
      %add3A_961 = arith.addf %scan3A_934, %get3A_960 : vector<16xf32>
      %add3A_962 = arith.constant 64 : i32
      %add3A_963 = arith.addi %mul3A_936, %add3A_962 : i32
      %get3A_964 = arith.index_cast %add3A_963 : i32 to index
      %get3A_965 = tpu.vector_load %arg8[%get3A_964] {strides = array<i32>} : memref<8192xf32, #tpu.memory_space<vmem>>, vector<16xf32>,
      %add3A_966 = arith.addf %add3A_940, %get3A_965 : vector<16xf32>
      %add3A_967 = arith.constant 64 : i32
      %add3A_968 = arith.addi %mul3A_936, %add3A_967 : i32
      %add3A_969 = arith.constant 16 : i32
      %add3A_970 = arith.addi %add3A_968, %add3A_969 : i32
      %get3A_971 = arith.index_cast %add3A_970 : i32 to index
      %get3A_972 = tpu.vector_load %arg8[%get3A_971] {strides = array<i32>} : memref<8192xf32, #tpu.memory_space<vmem>>, vector<16xf32>,
      %add3A_973 = arith.addf %add3A_947, %get3A_972 : vector<16xf32>
      %add3A_974 = arith.constant 64 : i32
      %add3A_975 = arith.addi %mul3A_936, %add3A_974 : i32
      %add3A_976 = arith.constant 32 : i32
      %add3A_977 = arith.addi %add3A_975, %add3A_976 : i32
      %get3A_978 = arith.index_cast %add3A_977 : i32 to index
      %get3A_979 = tpu.vector_load %arg8[%get3A_978] {strides = array<i32>} : memref<8192xf32, #tpu.memory_space<vmem>>, vector<16xf32>,
      %add3A_980 = arith.addf %add3A_954, %get3A_979 : vector<16xf32>
      %add3A_981 = arith.constant 64 : i32
      %add3A_982 = arith.addi %mul3A_936, %add3A_981 : i32
      %add3A_983 = arith.constant 48 : i32
      %add3A_984 = arith.addi %add3A_982, %add3A_983 : i32
      %get3A_985 = arith.index_cast %add3A_984 : i32 to index
      %get3A_986 = tpu.vector_load %arg8[%get3A_985] {strides = array<i32>} : memref<8192xf32, #tpu.memory_space<vmem>>, vector<16xf32>,
      %add3A_987 = arith.addf %add3A_961, %get3A_986 : vector<16xf32>
      %add3A_988 = arith.constant 128 : i32
      %add3A_989 = arith.addi %mul3A_936, %add3A_988 : i32
      %get3A_990 = arith.index_cast %add3A_989 : i32 to index
      %get3A_991 = tpu.vector_load %arg8[%get3A_990] {strides = array<i32>} : memref<8192xf32, #tpu.memory_space<vmem>>, vector<16xf32>,
      %add3A_992 = arith.addf %add3A_966, %get3A_991 : vector<16xf32>
      %add3A_993 = arith.constant 128 : i32
      %add3A_994 = arith.addi %mul3A_936, %add3A_993 : i32
      %add3A_995 = arith.constant 16 : i32
      %add3A_996 = arith.addi %add3A_994, %add3A_995 : i32
      %get3A_997 = arith.index_cast %add3A_996 : i32 to index
      %get3A_998 = tpu.vector_load %arg8[%get3A_997] {strides = array<i32>} : memref<8192xf32, #tpu.memory_space<vmem>>, vector<16xf32>,
      %add3A_999 = arith.addf %add3A_973, %get3A_998 : vector<16xf32>
      %add3A_1000 = arith.constant 128 : i32
      %add3A_1001 = arith.addi %mul3A_936, %add3A_1000 : i32
      %add3A_1002 = arith.constant 32 : i32
      %add3A_1003 = arith.addi %add3A_1001, %add3A_1002 : i32
      %get3A_1004 = arith.index_cast %add3A_1003 : i32 to index
      %get3A_1005 = tpu.vector_load %arg8[%get3A_1004] {strides = array<i32>} : memref<8192xf32, #tpu.memory_space<vmem>>, vector<16xf32>,
      %add3A_1006 = arith.addf %add3A_980, %get3A_1005 : vector<16xf32>
      %add3A_1007 = arith.constant 128 : i32
      %add3A_1008 = arith.addi %mul3A_936, %add3A_1007 : i32
      %add3A_1009 = arith.constant 48 : i32
      %add3A_1010 = arith.addi %add3A_1008, %add3A_1009 : i32
      %get3A_1011 = arith.index_cast %add3A_1010 : i32 to index
      %get3A_1012 = tpu.vector_load %arg8[%get3A_1011] {strides = array<i32>} : memref<8192xf32, #tpu.memory_space<vmem>>, vector<16xf32>,
      %add3A_1013 = arith.addf %add3A_987, %get3A_1012 : vector<16xf32>
      %add3A_1014 = arith.constant 192 : i32
      %add3A_1015 = arith.addi %mul3A_936, %add3A_1014 : i32
      %get3A_1016 = arith.index_cast %add3A_1015 : i32 to index
      %get3A_1017 = tpu.vector_load %arg8[%get3A_1016] {strides = array<i32>} : memref<8192xf32, #tpu.memory_space<vmem>>, vector<16xf32>,
      %add3A_1018 = arith.addf %add3A_992, %get3A_1017 : vector<16xf32>
      %add3A_1019 = arith.constant 192 : i32
      %add3A_1020 = arith.addi %mul3A_936, %add3A_1019 : i32
      %add3A_1021 = arith.constant 16 : i32
      %add3A_1022 = arith.addi %add3A_1020, %add3A_1021 : i32
      %get3A_1023 = arith.index_cast %add3A_1022 : i32 to index
      %get3A_1024 = tpu.vector_load %arg8[%get3A_1023] {strides = array<i32>} : memref<8192xf32, #tpu.memory_space<vmem>>, vector<16xf32>,
      %add3A_1025 = arith.addf %add3A_999, %get3A_1024 : vector<16xf32>
      %add3A_1026 = arith.constant 192 : i32
      %add3A_1027 = arith.addi %mul3A_936, %add3A_1026 : i32
      %add3A_1028 = arith.constant 32 : i32
      %add3A_1029 = arith.addi %add3A_1027, %add3A_1028 : i32
      %get3A_1030 = arith.index_cast %add3A_1029 : i32 to index
      %get3A_1031 = tpu.vector_load %arg8[%get3A_1030] {strides = array<i32>} : memref<8192xf32, #tpu.memory_space<vmem>>, vector<16xf32>,
      %add3A_1032 = arith.addf %add3A_1006, %get3A_1031 : vector<16xf32>
      %add3A_1033 = arith.constant 192 : i32
      %add3A_1034 = arith.addi %mul3A_936, %add3A_1033 : i32
      %add3A_1035 = arith.constant 48 : i32
      %add3A_1036 = arith.addi %add3A_1034, %add3A_1035 : i32
      %get3A_1037 = arith.index_cast %add3A_1036 : i32 to index
      %get3A_1038 = tpu.vector_load %arg8[%get3A_1037] {strides = array<i32>} : memref<8192xf32, #tpu.memory_space<vmem>>, vector<16xf32>,
      %add3A_1039 = arith.addf %add3A_1013, %get3A_1038 : vector<16xf32>
      scf.yield %add3A_1018, %add3A_1025, %add3A_1032, %add3A_1039 : vector<16xf32>, vector<16xf32>, vector<16xf32>, vector<16xf32>
    }
    %scan3A_672 = arith.constant 32 : i32
    %add3A_673 = arith.addf %scan3A_671#0, %scan3A_671#1 : vector<16xf32>
    %add3A_674 = arith.addf %add3A_673, %scan3A_671#2 : vector<16xf32>
    %add3A_675 = arith.addf %add3A_674, %scan3A_671#3 : vector<16xf32>
    %broadcast_in_dim3A_676 = arith.constant true
    %broadcast_in_dim3A_677 = vector.broadcast %broadcast_in_dim3A_676 : i1 to vector<16xi1>
    %masked_cumsum3A_678 = tpu.scan <sum>, %add3A_675 masked %broadcast_in_dim3A_677 : vector<16xf32>, vector<16xi1> -> vector<16xf32>
    %slice3A_679 = vector.extract_strided_slice %masked_cumsum3A_678 {offsets = [15], sizes = [1], strides = [1]} : vector<16xf32> to vector<1xf32>
    %squeeze3A_680 = vector.extract %slice3A_679[0] : f32 from vector<1xf32>
    %broadcast_in_dim3A_681 = vector.broadcast %squeeze3A_680 : f32 to vector<16xf32>
    %swap3A_682 = arith.constant 0 : index
    %swap3A_683 = tpu.vector_load %arg11[%swap3A_682] {strides = array<i32>} : memref<16xf32, #tpu.memory_space<vmem>>, vector<16xf32>,
    tpu.vector_store %arg11[%swap3A_682], %broadcast_in_dim3A_681 {strides = array<i32>} : memref<16xf32, #tpu.memory_space<vmem>>, vector<16xf32>,
    %mul3A_684 = arith.constant 16 : i32
    %mul3A_685 = arith.muli %mul3A_684, %arg1 : i32
    "tpu.region"() ({
      %run_scoped3A = tpu.sem_alloc : memref<!tpu.dma_semaphore, #tpu.memory_space<semaphore_mem>>
      %dma_start3A_930 = tpu.memref_slice %arg16[%mul3A_685] : memref<256xf32, #tpu.memory_space<vmem_shared>> -> memref<16xf32, #tpu.memory_space<vmem_shared>>
      %dma_start3A_931 = tpu.memref_slice %arg16[%mul3A_685] : memref<256xf32, #tpu.memory_space<vmem_shared>> -> memref<16xf32, #tpu.memory_space<vmem_shared>>
      tpu.enqueue_dma source(%arg11 : memref<16xf32, #tpu.memory_space<vmem>>) target(%dma_start3A_931 : memref<16xf32, #tpu.memory_space<vmem_shared>>) target_semaphore(%run_scoped3A : memref<!tpu.dma_semaphore, #tpu.memory_space<semaphore_mem>>)
      %dma_wait3A_932 = tpu.memref_slice %arg16[%mul3A_685] : memref<256xf32, #tpu.memory_space<vmem_shared>> -> memref<16xf32, #tpu.memory_space<vmem_shared>>
      %dma_wait3A_933 = tpu.memref_slice %arg16[%mul3A_685] : memref<256xf32, #tpu.memory_space<vmem_shared>> -> memref<16xf32, #tpu.memory_space<vmem_shared>>
      tpu.wait_dma2 semaphore(%run_scoped3A : memref<!tpu.dma_semaphore, #tpu.memory_space<semaphore_mem>>) src(%arg11 : memref<16xf32, #tpu.memory_space<vmem>>) dst(%dma_wait3A_933 : memref<16xf32, #tpu.memory_space<vmem_shared>>)
      tpu.yield
    }) : () -> ()
    %mul3A_686 = arith.constant 16 : i32
    %mul3A_687 = arith.muli %arg0, %mul3A_686 : i32
    %add3A_688 = arith.addi %mul3A_687, %arg1 : i32
    %jit3A_689 = arith.constant 16 : i32
    %eq3A_690 = arith.constant 0 : i32
    %eq3A_691 = arith.cmpi eq, %jit3A_689, %eq3A_690 : i32
    %jit3A_692 = arith.constant 1 : i32
    %select_n3A_693 = arith.select %eq3A_691, %jit3A_692, %jit3A_689 : i32
    %rem3A_694 = arith.remsi %add3A_688, %select_n3A_693 : i32
    %ne3A_695 = arith.constant 0 : i32
    %ne3A_696 = arith.cmpi ne, %rem3A_694, %ne3A_695 : i32
    %lt3A_697 = arith.constant 0 : i32
    %lt3A_698 = arith.cmpi slt, %rem3A_694, %lt3A_697 : i32
    %lt3A_699 = arith.constant 0 : i32
    %lt3A_700 = arith.cmpi slt, %select_n3A_693, %lt3A_699 : i32
    %ne3A_701 = arith.xori %lt3A_698, %lt3A_700 : i1
    %and3A_702 = arith.andi %ne3A_701, %ne3A_696 : i1
    %add3A_703 = arith.addi %rem3A_694, %select_n3A_693 : i32
    %select_n3A_704 = arith.select %and3A_702, %add3A_703, %rem3A_694 : i32
    %mul3A_705 = arith.constant 128 : i32
    %mul3A_706 = arith.muli %select_n3A_704, %mul3A_705 : i32
    %add3A_707 = arith.constant 2048 : i32
    %add3A_708 = arith.addi %add3A_707, %mul3A_706 : i32
    %jit3A_709 = arith.constant 16 : i32
    %div3A_710 = arith.divsi %add3A_688, %jit3A_709 : i32
    %sign3A_711 = arith.constant 0 : i32
    %sign3A_712 = arith.cmpi sgt, %add3A_688, %sign3A_711 : i32
    %sign3A_713 = arith.extui %sign3A_712 : i1 to i32
    %sign3A_714 = arith.constant 0 : i32
    %sign3A_715 = arith.cmpi slt, %add3A_688, %sign3A_714 : i32
    %sign3A_716 = arith.extui %sign3A_715 : i1 to i32
    %sign3A_717 = arith.subi %sign3A_713, %sign3A_716 : i32
    %sign3A_718 = arith.constant 0 : i32
    %sign3A_719 = arith.cmpi sgt, %jit3A_709, %sign3A_718 : i32
    %sign3A_720 = arith.extui %sign3A_719 : i1 to i32
    %sign3A_721 = arith.constant 0 : i32
    %sign3A_722 = arith.cmpi slt, %jit3A_709, %sign3A_721 : i32
    %sign3A_723 = arith.extui %sign3A_722 : i1 to i32
    %sign3A_724 = arith.subi %sign3A_720, %sign3A_723 : i32
    %ne3A_725 = arith.cmpi ne, %sign3A_717, %sign3A_724 : i32
    %rem3A_726 = arith.remsi %add3A_688, %jit3A_709 : i32
    %ne3A_727 = arith.constant 0 : i32
    %ne3A_728 = arith.cmpi ne, %rem3A_726, %ne3A_727 : i32
    %and3A_729 = arith.andi %ne3A_725, %ne3A_728 : i1
    %sub3A_730 = arith.constant 1 : i32
    %sub3A_731 = arith.subi %div3A_710, %sub3A_730 : i32
    %select_n3A_732 = arith.select %and3A_729, %sub3A_731, %div3A_710 : i32
    %mul3A_733 = arith.constant 1024 : i32
    %mul3A_734 = arith.muli %select_n3A_732, %mul3A_733 : i32
    %add3A_735 = arith.constant 0 : i32
    %add3A_736 = arith.addi %mul3A_734, %add3A_735 : i32
    %dma_start3A_737 = arith.constant 0 : i32
    %dma_start3A_738 = tpu.memref_slice %arg4[%dma_start3A_737, %add3A_736, %add3A_708] : memref<4x2048x4096xf32, #tpu.memory_space<hbm>> -> memref<1x256x128xf32, #tpu.memory_space<hbm>>
    %dma_start3A_739 = tpu.memref_squeeze %dma_start3A_738 : memref<1x256x128xf32, #tpu.memory_space<hbm>> -> memref<256x128xf32, #tpu.memory_space<hbm>>
    %dma_start3A_740 = tpu.memref_slice %arg4[%dma_start3A_737, %add3A_736, %add3A_708] : memref<4x2048x4096xf32, #tpu.memory_space<hbm>> -> memref<1x256x128xf32, #tpu.memory_space<hbm>>
    %dma_start3A_741 = tpu.memref_squeeze %dma_start3A_740 : memref<1x256x128xf32, #tpu.memory_space<hbm>> -> memref<256x128xf32, #tpu.memory_space<hbm>>
    tpu.enqueue_dma source(%dma_start3A_741 : memref<256x128xf32, #tpu.memory_space<hbm>>) target(%arg6 : memref<256x128xf32, #tpu.memory_space<vmem>>) target_semaphore(%arg17 : memref<!tpu.dma_semaphore, #tpu.memory_space<semaphore_mem>>)
    %add3A_742 = arith.constant 256 : i32
    %add3A_743 = arith.addi %mul3A_734, %add3A_742 : i32
    %dma_start3A_744 = arith.constant 0 : i32
    %dma_start3A_745 = tpu.memref_slice %arg4[%dma_start3A_744, %add3A_743, %add3A_708] : memref<4x2048x4096xf32, #tpu.memory_space<hbm>> -> memref<1x256x128xf32, #tpu.memory_space<hbm>>
    %dma_start3A_746 = tpu.memref_squeeze %dma_start3A_745 : memref<1x256x128xf32, #tpu.memory_space<hbm>> -> memref<256x128xf32, #tpu.memory_space<hbm>>
    %dma_start3A_747 = tpu.memref_slice %arg4[%dma_start3A_744, %add3A_743, %add3A_708] : memref<4x2048x4096xf32, #tpu.memory_space<hbm>> -> memref<1x256x128xf32, #tpu.memory_space<hbm>>
    %dma_start3A_748 = tpu.memref_squeeze %dma_start3A_747 : memref<1x256x128xf32, #tpu.memory_space<hbm>> -> memref<256x128xf32, #tpu.memory_space<hbm>>
    tpu.enqueue_dma source(%dma_start3A_748 : memref<256x128xf32, #tpu.memory_space<hbm>>) target(%arg7 : memref<256x128xf32, #tpu.memory_space<vmem>>) target_semaphore(%arg18 : memref<!tpu.dma_semaphore, #tpu.memory_space<semaphore_mem>>)
    %dma_wait3A_749 = arith.constant 0 : i32
    %dma_wait3A_750 = tpu.memref_slice %arg4[%dma_wait3A_749, %add3A_736, %add3A_708] : memref<4x2048x4096xf32, #tpu.memory_space<hbm>> -> memref<1x256x128xf32, #tpu.memory_space<hbm>>
    %dma_wait3A_751 = tpu.memref_squeeze %dma_wait3A_750 : memref<1x256x128xf32, #tpu.memory_space<hbm>> -> memref<256x128xf32, #tpu.memory_space<hbm>>
    %dma_wait3A_752 = tpu.memref_slice %arg4[%dma_wait3A_749, %add3A_736, %add3A_708] : memref<4x2048x4096xf32, #tpu.memory_space<hbm>> -> memref<1x256x128xf32, #tpu.memory_space<hbm>>
    %dma_wait3A_753 = tpu.memref_squeeze %dma_wait3A_752 : memref<1x256x128xf32, #tpu.memory_space<hbm>> -> memref<256x128xf32, #tpu.memory_space<hbm>>
    tpu.wait_dma2 semaphore(%arg17 : memref<!tpu.dma_semaphore, #tpu.memory_space<semaphore_mem>>) src(%dma_wait3A_753 : memref<256x128xf32, #tpu.memory_space<hbm>>) dst(%arg6 : memref<256x128xf32, #tpu.memory_space<vmem>>)
    %add3A_754 = arith.constant 512 : i32
    %add3A_755 = arith.addi %mul3A_734, %add3A_754 : i32
    %dma_start3A_756 = arith.constant 0 : i32
    %dma_start3A_757 = tpu.memref_slice %arg4[%dma_start3A_756, %add3A_755, %add3A_708] : memref<4x2048x4096xf32, #tpu.memory_space<hbm>> -> memref<1x256x128xf32, #tpu.memory_space<hbm>>
    %dma_start3A_758 = tpu.memref_squeeze %dma_start3A_757 : memref<1x256x128xf32, #tpu.memory_space<hbm>> -> memref<256x128xf32, #tpu.memory_space<hbm>>
    %dma_start3A_759 = tpu.memref_slice %arg4[%dma_start3A_756, %add3A_755, %add3A_708] : memref<4x2048x4096xf32, #tpu.memory_space<hbm>> -> memref<1x256x128xf32, #tpu.memory_space<hbm>>
    %dma_start3A_760 = tpu.memref_squeeze %dma_start3A_759 : memref<1x256x128xf32, #tpu.memory_space<hbm>> -> memref<256x128xf32, #tpu.memory_space<hbm>>
    tpu.enqueue_dma source(%dma_start3A_760 : memref<256x128xf32, #tpu.memory_space<hbm>>) target(%arg6 : memref<256x128xf32, #tpu.memory_space<vmem>>) target_semaphore(%arg17 : memref<!tpu.dma_semaphore, #tpu.memory_space<semaphore_mem>>)
    %dma_wait3A_761 = arith.constant 0 : i32
    %dma_wait3A_762 = tpu.memref_slice %arg4[%dma_wait3A_761, %add3A_743, %add3A_708] : memref<4x2048x4096xf32, #tpu.memory_space<hbm>> -> memref<1x256x128xf32, #tpu.memory_space<hbm>>
    %dma_wait3A_763 = tpu.memref_squeeze %dma_wait3A_762 : memref<1x256x128xf32, #tpu.memory_space<hbm>> -> memref<256x128xf32, #tpu.memory_space<hbm>>
    %dma_wait3A_764 = tpu.memref_slice %arg4[%dma_wait3A_761, %add3A_743, %add3A_708] : memref<4x2048x4096xf32, #tpu.memory_space<hbm>> -> memref<1x256x128xf32, #tpu.memory_space<hbm>>
    %dma_wait3A_765 = tpu.memref_squeeze %dma_wait3A_764 : memref<1x256x128xf32, #tpu.memory_space<hbm>> -> memref<256x128xf32, #tpu.memory_space<hbm>>
    tpu.wait_dma2 semaphore(%arg18 : memref<!tpu.dma_semaphore, #tpu.memory_space<semaphore_mem>>) src(%dma_wait3A_765 : memref<256x128xf32, #tpu.memory_space<hbm>>) dst(%arg7 : memref<256x128xf32, #tpu.memory_space<vmem>>)
    %add3A_766 = arith.constant 768 : i32
    %add3A_767 = arith.addi %mul3A_734, %add3A_766 : i32
    %dma_start3A_768 = arith.constant 0 : i32
    %dma_start3A_769 = tpu.memref_slice %arg4[%dma_start3A_768, %add3A_767, %add3A_708] : memref<4x2048x4096xf32, #tpu.memory_space<hbm>> -> memref<1x256x128xf32, #tpu.memory_space<hbm>>
    %dma_start3A_770 = tpu.memref_squeeze %dma_start3A_769 : memref<1x256x128xf32, #tpu.memory_space<hbm>> -> memref<256x128xf32, #tpu.memory_space<hbm>>
    %dma_start3A_771 = tpu.memref_slice %arg4[%dma_start3A_768, %add3A_767, %add3A_708] : memref<4x2048x4096xf32, #tpu.memory_space<hbm>> -> memref<1x256x128xf32, #tpu.memory_space<hbm>>
    %dma_start3A_772 = tpu.memref_squeeze %dma_start3A_771 : memref<1x256x128xf32, #tpu.memory_space<hbm>> -> memref<256x128xf32, #tpu.memory_space<hbm>>
    tpu.enqueue_dma source(%dma_start3A_772 : memref<256x128xf32, #tpu.memory_space<hbm>>) target(%arg7 : memref<256x128xf32, #tpu.memory_space<vmem>>) target_semaphore(%arg18 : memref<!tpu.dma_semaphore, #tpu.memory_space<semaphore_mem>>)
    %dma_wait3A_773 = arith.constant 0 : i32
    %dma_wait3A_774 = tpu.memref_slice %arg4[%dma_wait3A_773, %add3A_755, %add3A_708] : memref<4x2048x4096xf32, #tpu.memory_space<hbm>> -> memref<1x256x128xf32, #tpu.memory_space<hbm>>
    %dma_wait3A_775 = tpu.memref_squeeze %dma_wait3A_774 : memref<1x256x128xf32, #tpu.memory_space<hbm>> -> memref<256x128xf32, #tpu.memory_space<hbm>>
    %dma_wait3A_776 = tpu.memref_slice %arg4[%dma_wait3A_773, %add3A_755, %add3A_708] : memref<4x2048x4096xf32, #tpu.memory_space<hbm>> -> memref<1x256x128xf32, #tpu.memory_space<hbm>>
    %dma_wait3A_777 = tpu.memref_squeeze %dma_wait3A_776 : memref<1x256x128xf32, #tpu.memory_space<hbm>> -> memref<256x128xf32, #tpu.memory_space<hbm>>
    tpu.wait_dma2 semaphore(%arg17 : memref<!tpu.dma_semaphore, #tpu.memory_space<semaphore_mem>>) src(%dma_wait3A_777 : memref<256x128xf32, #tpu.memory_space<hbm>>) dst(%arg6 : memref<256x128xf32, #tpu.memory_space<vmem>>)
    %add3A_778 = arith.constant 0 : i32
    %add3A_779 = arith.addi %mul3A_734, %add3A_778 : i32
    %dma_start3A_780 = arith.constant 1 : i32
    %dma_start3A_781 = tpu.memref_slice %arg4[%dma_start3A_780, %add3A_779, %add3A_708] : memref<4x2048x4096xf32, #tpu.memory_space<hbm>> -> memref<1x256x128xf32, #tpu.memory_space<hbm>>
    %dma_start3A_782 = tpu.memref_squeeze %dma_start3A_781 : memref<1x256x128xf32, #tpu.memory_space<hbm>> -> memref<256x128xf32, #tpu.memory_space<hbm>>
    %dma_start3A_783 = tpu.memref_slice %arg4[%dma_start3A_780, %add3A_779, %add3A_708] : memref<4x2048x4096xf32, #tpu.memory_space<hbm>> -> memref<1x256x128xf32, #tpu.memory_space<hbm>>
    %dma_start3A_784 = tpu.memref_squeeze %dma_start3A_783 : memref<1x256x128xf32, #tpu.memory_space<hbm>> -> memref<256x128xf32, #tpu.memory_space<hbm>>
    tpu.enqueue_dma source(%dma_start3A_784 : memref<256x128xf32, #tpu.memory_space<hbm>>) target(%arg6 : memref<256x128xf32, #tpu.memory_space<vmem>>) target_semaphore(%arg17 : memref<!tpu.dma_semaphore, #tpu.memory_space<semaphore_mem>>)
    %dma_wait3A_785 = arith.constant 0 : i32
    %dma_wait3A_786 = tpu.memref_slice %arg4[%dma_wait3A_785, %add3A_767, %add3A_708] : memref<4x2048x4096xf32, #tpu.memory_space<hbm>> -> memref<1x256x128xf32, #tpu.memory_space<hbm>>
    %dma_wait3A_787 = tpu.memref_squeeze %dma_wait3A_786 : memref<1x256x128xf32, #tpu.memory_space<hbm>> -> memref<256x128xf32, #tpu.memory_space<hbm>>
    %dma_wait3A_788 = tpu.memref_slice %arg4[%dma_wait3A_785, %add3A_767, %add3A_708] : memref<4x2048x4096xf32, #tpu.memory_space<hbm>> -> memref<1x256x128xf32, #tpu.memory_space<hbm>>
    %dma_wait3A_789 = tpu.memref_squeeze %dma_wait3A_788 : memref<1x256x128xf32, #tpu.memory_space<hbm>> -> memref<256x128xf32, #tpu.memory_space<hbm>>
    tpu.wait_dma2 semaphore(%arg18 : memref<!tpu.dma_semaphore, #tpu.memory_space<semaphore_mem>>) src(%dma_wait3A_789 : memref<256x128xf32, #tpu.memory_space<hbm>>) dst(%arg7 : memref<256x128xf32, #tpu.memory_space<vmem>>)
    %add3A_790 = arith.constant 256 : i32
    %add3A_791 = arith.addi %mul3A_734, %add3A_790 : i32
    %dma_start3A_792 = arith.constant 1 : i32
    %dma_start3A_793 = tpu.memref_slice %arg4[%dma_start3A_792, %add3A_791, %add3A_708] : memref<4x2048x4096xf32, #tpu.memory_space<hbm>> -> memref<1x256x128xf32, #tpu.memory_space<hbm>>
    %dma_start3A_794 = tpu.memref_squeeze %dma_start3A_793 : memref<1x256x128xf32, #tpu.memory_space<hbm>> -> memref<256x128xf32, #tpu.memory_space<hbm>>
    %dma_start3A_795 = tpu.memref_slice %arg4[%dma_start3A_792, %add3A_791, %add3A_708] : memref<4x2048x4096xf32, #tpu.memory_space<hbm>> -> memref<1x256x128xf32, #tpu.memory_space<hbm>>
    %dma_start3A_796 = tpu.memref_squeeze %dma_start3A_795 : memref<1x256x128xf32, #tpu.memory_space<hbm>> -> memref<256x128xf32, #tpu.memory_space<hbm>>
    tpu.enqueue_dma source(%dma_start3A_796 : memref<256x128xf32, #tpu.memory_space<hbm>>) target(%arg7 : memref<256x128xf32, #tpu.memory_space<vmem>>) target_semaphore(%arg18 : memref<!tpu.dma_semaphore, #tpu.memory_space<semaphore_mem>>)
    %dma_wait3A_797 = arith.constant 1 : i32
    %dma_wait3A_798 = tpu.memref_slice %arg4[%dma_wait3A_797, %add3A_779, %add3A_708] : memref<4x2048x4096xf32, #tpu.memory_space<hbm>> -> memref<1x256x128xf32, #tpu.memory_space<hbm>>
    %dma_wait3A_799 = tpu.memref_squeeze %dma_wait3A_798 : memref<1x256x128xf32, #tpu.memory_space<hbm>> -> memref<256x128xf32, #tpu.memory_space<hbm>>
    %dma_wait3A_800 = tpu.memref_slice %arg4[%dma_wait3A_797, %add3A_779, %add3A_708] : memref<4x2048x4096xf32, #tpu.memory_space<hbm>> -> memref<1x256x128xf32, #tpu.memory_space<hbm>>
    %dma_wait3A_801 = tpu.memref_squeeze %dma_wait3A_800 : memref<1x256x128xf32, #tpu.memory_space<hbm>> -> memref<256x128xf32, #tpu.memory_space<hbm>>
    tpu.wait_dma2 semaphore(%arg17 : memref<!tpu.dma_semaphore, #tpu.memory_space<semaphore_mem>>) src(%dma_wait3A_801 : memref<256x128xf32, #tpu.memory_space<hbm>>) dst(%arg6 : memref<256x128xf32, #tpu.memory_space<vmem>>)
    %add3A_802 = arith.constant 512 : i32
    %add3A_803 = arith.addi %mul3A_734, %add3A_802 : i32
    %dma_start3A_804 = arith.constant 1 : i32
    %dma_start3A_805 = tpu.memref_slice %arg4[%dma_start3A_804, %add3A_803, %add3A_708] : memref<4x2048x4096xf32, #tpu.memory_space<hbm>> -> memref<1x256x128xf32, #tpu.memory_space<hbm>>
    %dma_start3A_806 = tpu.memref_squeeze %dma_start3A_805 : memref<1x256x128xf32, #tpu.memory_space<hbm>> -> memref<256x128xf32, #tpu.memory_space<hbm>>
    %dma_start3A_807 = tpu.memref_slice %arg4[%dma_start3A_804, %add3A_803, %add3A_708] : memref<4x2048x4096xf32, #tpu.memory_space<hbm>> -> memref<1x256x128xf32, #tpu.memory_space<hbm>>
    %dma_start3A_808 = tpu.memref_squeeze %dma_start3A_807 : memref<1x256x128xf32, #tpu.memory_space<hbm>> -> memref<256x128xf32, #tpu.memory_space<hbm>>
    tpu.enqueue_dma source(%dma_start3A_808 : memref<256x128xf32, #tpu.memory_space<hbm>>) target(%arg6 : memref<256x128xf32, #tpu.memory_space<vmem>>) target_semaphore(%arg17 : memref<!tpu.dma_semaphore, #tpu.memory_space<semaphore_mem>>)
    %dma_wait3A_809 = arith.constant 1 : i32
    %dma_wait3A_810 = tpu.memref_slice %arg4[%dma_wait3A_809, %add3A_791, %add3A_708] : memref<4x2048x4096xf32, #tpu.memory_space<hbm>> -> memref<1x256x128xf32, #tpu.memory_space<hbm>>
    %dma_wait3A_811 = tpu.memref_squeeze %dma_wait3A_810 : memref<1x256x128xf32, #tpu.memory_space<hbm>> -> memref<256x128xf32, #tpu.memory_space<hbm>>
    %dma_wait3A_812 = tpu.memref_slice %arg4[%dma_wait3A_809, %add3A_791, %add3A_708] : memref<4x2048x4096xf32, #tpu.memory_space<hbm>> -> memref<1x256x128xf32, #tpu.memory_space<hbm>>
    %dma_wait3A_813 = tpu.memref_squeeze %dma_wait3A_812 : memref<1x256x128xf32, #tpu.memory_space<hbm>> -> memref<256x128xf32, #tpu.memory_space<hbm>>
    tpu.wait_dma2 semaphore(%arg18 : memref<!tpu.dma_semaphore, #tpu.memory_space<semaphore_mem>>) src(%dma_wait3A_813 : memref<256x128xf32, #tpu.memory_space<hbm>>) dst(%arg7 : memref<256x128xf32, #tpu.memory_space<vmem>>)
    %add3A_814 = arith.constant 768 : i32
    %add3A_815 = arith.addi %mul3A_734, %add3A_814 : i32
    %dma_start3A_816 = arith.constant 1 : i32
    %dma_start3A_817 = tpu.memref_slice %arg4[%dma_start3A_816, %add3A_815, %add3A_708] : memref<4x2048x4096xf32, #tpu.memory_space<hbm>> -> memref<1x256x128xf32, #tpu.memory_space<hbm>>
    %dma_start3A_818 = tpu.memref_squeeze %dma_start3A_817 : memref<1x256x128xf32, #tpu.memory_space<hbm>> -> memref<256x128xf32, #tpu.memory_space<hbm>>
    %dma_start3A_819 = tpu.memref_slice %arg4[%dma_start3A_816, %add3A_815, %add3A_708] : memref<4x2048x4096xf32, #tpu.memory_space<hbm>> -> memref<1x256x128xf32, #tpu.memory_space<hbm>>
    %dma_start3A_820 = tpu.memref_squeeze %dma_start3A_819 : memref<1x256x128xf32, #tpu.memory_space<hbm>> -> memref<256x128xf32, #tpu.memory_space<hbm>>
    tpu.enqueue_dma source(%dma_start3A_820 : memref<256x128xf32, #tpu.memory_space<hbm>>) target(%arg7 : memref<256x128xf32, #tpu.memory_space<vmem>>) target_semaphore(%arg18 : memref<!tpu.dma_semaphore, #tpu.memory_space<semaphore_mem>>)
    %dma_wait3A_821 = arith.constant 1 : i32
    %dma_wait3A_822 = tpu.memref_slice %arg4[%dma_wait3A_821, %add3A_803, %add3A_708] : memref<4x2048x4096xf32, #tpu.memory_space<hbm>> -> memref<1x256x128xf32, #tpu.memory_space<hbm>>
    %dma_wait3A_823 = tpu.memref_squeeze %dma_wait3A_822 : memref<1x256x128xf32, #tpu.memory_space<hbm>> -> memref<256x128xf32, #tpu.memory_space<hbm>>
    %dma_wait3A_824 = tpu.memref_slice %arg4[%dma_wait3A_821, %add3A_803, %add3A_708] : memref<4x2048x4096xf32, #tpu.memory_space<hbm>> -> memref<1x256x128xf32, #tpu.memory_space<hbm>>
    %dma_wait3A_825 = tpu.memref_squeeze %dma_wait3A_824 : memref<1x256x128xf32, #tpu.memory_space<hbm>> -> memref<256x128xf32, #tpu.memory_space<hbm>>
    tpu.wait_dma2 semaphore(%arg17 : memref<!tpu.dma_semaphore, #tpu.memory_space<semaphore_mem>>) src(%dma_wait3A_825 : memref<256x128xf32, #tpu.memory_space<hbm>>) dst(%arg6 : memref<256x128xf32, #tpu.memory_space<vmem>>)
    %add3A_826 = arith.constant 0 : i32
    %add3A_827 = arith.addi %mul3A_734, %add3A_826 : i32
    %dma_start3A_828 = arith.constant 2 : i32
    %dma_start3A_829 = tpu.memref_slice %arg4[%dma_start3A_828, %add3A_827, %add3A_708] : memref<4x2048x4096xf32, #tpu.memory_space<hbm>> -> memref<1x256x128xf32, #tpu.memory_space<hbm>>
    %dma_start3A_830 = tpu.memref_squeeze %dma_start3A_829 : memref<1x256x128xf32, #tpu.memory_space<hbm>> -> memref<256x128xf32, #tpu.memory_space<hbm>>
    %dma_start3A_831 = tpu.memref_slice %arg4[%dma_start3A_828, %add3A_827, %add3A_708] : memref<4x2048x4096xf32, #tpu.memory_space<hbm>> -> memref<1x256x128xf32, #tpu.memory_space<hbm>>
    %dma_start3A_832 = tpu.memref_squeeze %dma_start3A_831 : memref<1x256x128xf32, #tpu.memory_space<hbm>> -> memref<256x128xf32, #tpu.memory_space<hbm>>
    tpu.enqueue_dma source(%dma_start3A_832 : memref<256x128xf32, #tpu.memory_space<hbm>>) target(%arg6 : memref<256x128xf32, #tpu.memory_space<vmem>>) target_semaphore(%arg17 : memref<!tpu.dma_semaphore, #tpu.memory_space<semaphore_mem>>)
    %dma_wait3A_833 = arith.constant 1 : i32
    %dma_wait3A_834 = tpu.memref_slice %arg4[%dma_wait3A_833, %add3A_815, %add3A_708] : memref<4x2048x4096xf32, #tpu.memory_space<hbm>> -> memref<1x256x128xf32, #tpu.memory_space<hbm>>
    %dma_wait3A_835 = tpu.memref_squeeze %dma_wait3A_834 : memref<1x256x128xf32, #tpu.memory_space<hbm>> -> memref<256x128xf32, #tpu.memory_space<hbm>>
    %dma_wait3A_836 = tpu.memref_slice %arg4[%dma_wait3A_833, %add3A_815, %add3A_708] : memref<4x2048x4096xf32, #tpu.memory_space<hbm>> -> memref<1x256x128xf32, #tpu.memory_space<hbm>>
    %dma_wait3A_837 = tpu.memref_squeeze %dma_wait3A_836 : memref<1x256x128xf32, #tpu.memory_space<hbm>> -> memref<256x128xf32, #tpu.memory_space<hbm>>
    tpu.wait_dma2 semaphore(%arg18 : memref<!tpu.dma_semaphore, #tpu.memory_space<semaphore_mem>>) src(%dma_wait3A_837 : memref<256x128xf32, #tpu.memory_space<hbm>>) dst(%arg7 : memref<256x128xf32, #tpu.memory_space<vmem>>)
    %add3A_838 = arith.constant 256 : i32
    %add3A_839 = arith.addi %mul3A_734, %add3A_838 : i32
    %dma_start3A_840 = arith.constant 2 : i32
    %dma_start3A_841 = tpu.memref_slice %arg4[%dma_start3A_840, %add3A_839, %add3A_708] : memref<4x2048x4096xf32, #tpu.memory_space<hbm>> -> memref<1x256x128xf32, #tpu.memory_space<hbm>>
    %dma_start3A_842 = tpu.memref_squeeze %dma_start3A_841 : memref<1x256x128xf32, #tpu.memory_space<hbm>> -> memref<256x128xf32, #tpu.memory_space<hbm>>
    %dma_start3A_843 = tpu.memref_slice %arg4[%dma_start3A_840, %add3A_839, %add3A_708] : memref<4x2048x4096xf32, #tpu.memory_space<hbm>> -> memref<1x256x128xf32, #tpu.memory_space<hbm>>
    %dma_start3A_844 = tpu.memref_squeeze %dma_start3A_843 : memref<1x256x128xf32, #tpu.memory_space<hbm>> -> memref<256x128xf32, #tpu.memory_space<hbm>>
    tpu.enqueue_dma source(%dma_start3A_844 : memref<256x128xf32, #tpu.memory_space<hbm>>) target(%arg7 : memref<256x128xf32, #tpu.memory_space<vmem>>) target_semaphore(%arg18 : memref<!tpu.dma_semaphore, #tpu.memory_space<semaphore_mem>>)
    %dma_wait3A_845 = arith.constant 2 : i32
    %dma_wait3A_846 = tpu.memref_slice %arg4[%dma_wait3A_845, %add3A_827, %add3A_708] : memref<4x2048x4096xf32, #tpu.memory_space<hbm>> -> memref<1x256x128xf32, #tpu.memory_space<hbm>>
    %dma_wait3A_847 = tpu.memref_squeeze %dma_wait3A_846 : memref<1x256x128xf32, #tpu.memory_space<hbm>> -> memref<256x128xf32, #tpu.memory_space<hbm>>
    %dma_wait3A_848 = tpu.memref_slice %arg4[%dma_wait3A_845, %add3A_827, %add3A_708] : memref<4x2048x4096xf32, #tpu.memory_space<hbm>> -> memref<1x256x128xf32, #tpu.memory_space<hbm>>
    %dma_wait3A_849 = tpu.memref_squeeze %dma_wait3A_848 : memref<1x256x128xf32, #tpu.memory_space<hbm>> -> memref<256x128xf32, #tpu.memory_space<hbm>>
    tpu.wait_dma2 semaphore(%arg17 : memref<!tpu.dma_semaphore, #tpu.memory_space<semaphore_mem>>) src(%dma_wait3A_849 : memref<256x128xf32, #tpu.memory_space<hbm>>) dst(%arg6 : memref<256x128xf32, #tpu.memory_space<vmem>>)
    %add3A_850 = arith.constant 512 : i32
    %add3A_851 = arith.addi %mul3A_734, %add3A_850 : i32
    %dma_start3A_852 = arith.constant 2 : i32
    %dma_start3A_853 = tpu.memref_slice %arg4[%dma_start3A_852, %add3A_851, %add3A_708] : memref<4x2048x4096xf32, #tpu.memory_space<hbm>> -> memref<1x256x128xf32, #tpu.memory_space<hbm>>
    %dma_start3A_854 = tpu.memref_squeeze %dma_start3A_853 : memref<1x256x128xf32, #tpu.memory_space<hbm>> -> memref<256x128xf32, #tpu.memory_space<hbm>>
    %dma_start3A_855 = tpu.memref_slice %arg4[%dma_start3A_852, %add3A_851, %add3A_708] : memref<4x2048x4096xf32, #tpu.memory_space<hbm>> -> memref<1x256x128xf32, #tpu.memory_space<hbm>>
    %dma_start3A_856 = tpu.memref_squeeze %dma_start3A_855 : memref<1x256x128xf32, #tpu.memory_space<hbm>> -> memref<256x128xf32, #tpu.memory_space<hbm>>
    tpu.enqueue_dma source(%dma_start3A_856 : memref<256x128xf32, #tpu.memory_space<hbm>>) target(%arg6 : memref<256x128xf32, #tpu.memory_space<vmem>>) target_semaphore(%arg17 : memref<!tpu.dma_semaphore, #tpu.memory_space<semaphore_mem>>)
    %dma_wait3A_857 = arith.constant 2 : i32
    %dma_wait3A_858 = tpu.memref_slice %arg4[%dma_wait3A_857, %add3A_839, %add3A_708] : memref<4x2048x4096xf32, #tpu.memory_space<hbm>> -> memref<1x256x128xf32, #tpu.memory_space<hbm>>
    %dma_wait3A_859 = tpu.memref_squeeze %dma_wait3A_858 : memref<1x256x128xf32, #tpu.memory_space<hbm>> -> memref<256x128xf32, #tpu.memory_space<hbm>>
    %dma_wait3A_860 = tpu.memref_slice %arg4[%dma_wait3A_857, %add3A_839, %add3A_708] : memref<4x2048x4096xf32, #tpu.memory_space<hbm>> -> memref<1x256x128xf32, #tpu.memory_space<hbm>>
    %dma_wait3A_861 = tpu.memref_squeeze %dma_wait3A_860 : memref<1x256x128xf32, #tpu.memory_space<hbm>> -> memref<256x128xf32, #tpu.memory_space<hbm>>
    tpu.wait_dma2 semaphore(%arg18 : memref<!tpu.dma_semaphore, #tpu.memory_space<semaphore_mem>>) src(%dma_wait3A_861 : memref<256x128xf32, #tpu.memory_space<hbm>>) dst(%arg7 : memref<256x128xf32, #tpu.memory_space<vmem>>)
    %add3A_862 = arith.constant 768 : i32
    %add3A_863 = arith.addi %mul3A_734, %add3A_862 : i32
    %dma_start3A_864 = arith.constant 2 : i32
    %dma_start3A_865 = tpu.memref_slice %arg4[%dma_start3A_864, %add3A_863, %add3A_708] : memref<4x2048x4096xf32, #tpu.memory_space<hbm>> -> memref<1x256x128xf32, #tpu.memory_space<hbm>>
    %dma_start3A_866 = tpu.memref_squeeze %dma_start3A_865 : memref<1x256x128xf32, #tpu.memory_space<hbm>> -> memref<256x128xf32, #tpu.memory_space<hbm>>
    %dma_start3A_867 = tpu.memref_slice %arg4[%dma_start3A_864, %add3A_863, %add3A_708] : memref<4x2048x4096xf32, #tpu.memory_space<hbm>> -> memref<1x256x128xf32, #tpu.memory_space<hbm>>
    %dma_start3A_868 = tpu.memref_squeeze %dma_start3A_867 : memref<1x256x128xf32, #tpu.memory_space<hbm>> -> memref<256x128xf32, #tpu.memory_space<hbm>>
    tpu.enqueue_dma source(%dma_start3A_868 : memref<256x128xf32, #tpu.memory_space<hbm>>) target(%arg7 : memref<256x128xf32, #tpu.memory_space<vmem>>) target_semaphore(%arg18 : memref<!tpu.dma_semaphore, #tpu.memory_space<semaphore_mem>>)
    %dma_wait3A_869 = arith.constant 2 : i32
    %dma_wait3A_870 = tpu.memref_slice %arg4[%dma_wait3A_869, %add3A_851, %add3A_708] : memref<4x2048x4096xf32, #tpu.memory_space<hbm>> -> memref<1x256x128xf32, #tpu.memory_space<hbm>>
    %dma_wait3A_871 = tpu.memref_squeeze %dma_wait3A_870 : memref<1x256x128xf32, #tpu.memory_space<hbm>> -> memref<256x128xf32, #tpu.memory_space<hbm>>
    %dma_wait3A_872 = tpu.memref_slice %arg4[%dma_wait3A_869, %add3A_851, %add3A_708] : memref<4x2048x4096xf32, #tpu.memory_space<hbm>> -> memref<1x256x128xf32, #tpu.memory_space<hbm>>
    %dma_wait3A_873 = tpu.memref_squeeze %dma_wait3A_872 : memref<1x256x128xf32, #tpu.memory_space<hbm>> -> memref<256x128xf32, #tpu.memory_space<hbm>>
    tpu.wait_dma2 semaphore(%arg17 : memref<!tpu.dma_semaphore, #tpu.memory_space<semaphore_mem>>) src(%dma_wait3A_873 : memref<256x128xf32, #tpu.memory_space<hbm>>) dst(%arg6 : memref<256x128xf32, #tpu.memory_space<vmem>>)
    %add3A_874 = arith.constant 0 : i32
    %add3A_875 = arith.addi %mul3A_734, %add3A_874 : i32
    %dma_start3A_876 = arith.constant 3 : i32
    %dma_start3A_877 = tpu.memref_slice %arg4[%dma_start3A_876, %add3A_875, %add3A_708] : memref<4x2048x4096xf32, #tpu.memory_space<hbm>> -> memref<1x256x128xf32, #tpu.memory_space<hbm>>
    %dma_start3A_878 = tpu.memref_squeeze %dma_start3A_877 : memref<1x256x128xf32, #tpu.memory_space<hbm>> -> memref<256x128xf32, #tpu.memory_space<hbm>>
    %dma_start3A_879 = tpu.memref_slice %arg4[%dma_start3A_876, %add3A_875, %add3A_708] : memref<4x2048x4096xf32, #tpu.memory_space<hbm>> -> memref<1x256x128xf32, #tpu.memory_space<hbm>>
    %dma_start3A_880 = tpu.memref_squeeze %dma_start3A_879 : memref<1x256x128xf32, #tpu.memory_space<hbm>> -> memref<256x128xf32, #tpu.memory_space<hbm>>
    tpu.enqueue_dma source(%dma_start3A_880 : memref<256x128xf32, #tpu.memory_space<hbm>>) target(%arg6 : memref<256x128xf32, #tpu.memory_space<vmem>>) target_semaphore(%arg17 : memref<!tpu.dma_semaphore, #tpu.memory_space<semaphore_mem>>)
    %dma_wait3A_881 = arith.constant 2 : i32
    %dma_wait3A_882 = tpu.memref_slice %arg4[%dma_wait3A_881, %add3A_863, %add3A_708] : memref<4x2048x4096xf32, #tpu.memory_space<hbm>> -> memref<1x256x128xf32, #tpu.memory_space<hbm>>
    %dma_wait3A_883 = tpu.memref_squeeze %dma_wait3A_882 : memref<1x256x128xf32, #tpu.memory_space<hbm>> -> memref<256x128xf32, #tpu.memory_space<hbm>>
    %dma_wait3A_884 = tpu.memref_slice %arg4[%dma_wait3A_881, %add3A_863, %add3A_708] : memref<4x2048x4096xf32, #tpu.memory_space<hbm>> -> memref<1x256x128xf32, #tpu.memory_space<hbm>>
    %dma_wait3A_885 = tpu.memref_squeeze %dma_wait3A_884 : memref<1x256x128xf32, #tpu.memory_space<hbm>> -> memref<256x128xf32, #tpu.memory_space<hbm>>
    tpu.wait_dma2 semaphore(%arg18 : memref<!tpu.dma_semaphore, #tpu.memory_space<semaphore_mem>>) src(%dma_wait3A_885 : memref<256x128xf32, #tpu.memory_space<hbm>>) dst(%arg7 : memref<256x128xf32, #tpu.memory_space<vmem>>)
    %add3A_886 = arith.constant 256 : i32
    %add3A_887 = arith.addi %mul3A_734, %add3A_886 : i32
    %dma_start3A_888 = arith.constant 3 : i32
    %dma_start3A_889 = tpu.memref_slice %arg4[%dma_start3A_888, %add3A_887, %add3A_708] : memref<4x2048x4096xf32, #tpu.memory_space<hbm>> -> memref<1x256x128xf32, #tpu.memory_space<hbm>>
    %dma_start3A_890 = tpu.memref_squeeze %dma_start3A_889 : memref<1x256x128xf32, #tpu.memory_space<hbm>> -> memref<256x128xf32, #tpu.memory_space<hbm>>
    %dma_start3A_891 = tpu.memref_slice %arg4[%dma_start3A_888, %add3A_887, %add3A_708] : memref<4x2048x4096xf32, #tpu.memory_space<hbm>> -> memref<1x256x128xf32, #tpu.memory_space<hbm>>
    %dma_start3A_892 = tpu.memref_squeeze %dma_start3A_891 : memref<1x256x128xf32, #tpu.memory_space<hbm>> -> memref<256x128xf32, #tpu.memory_space<hbm>>
    tpu.enqueue_dma source(%dma_start3A_892 : memref<256x128xf32, #tpu.memory_space<hbm>>) target(%arg7 : memref<256x128xf32, #tpu.memory_space<vmem>>) target_semaphore(%arg18 : memref<!tpu.dma_semaphore, #tpu.memory_space<semaphore_mem>>)
    %dma_wait3A_893 = arith.constant 3 : i32
    %dma_wait3A_894 = tpu.memref_slice %arg4[%dma_wait3A_893, %add3A_875, %add3A_708] : memref<4x2048x4096xf32, #tpu.memory_space<hbm>> -> memref<1x256x128xf32, #tpu.memory_space<hbm>>
    %dma_wait3A_895 = tpu.memref_squeeze %dma_wait3A_894 : memref<1x256x128xf32, #tpu.memory_space<hbm>> -> memref<256x128xf32, #tpu.memory_space<hbm>>
    %dma_wait3A_896 = tpu.memref_slice %arg4[%dma_wait3A_893, %add3A_875, %add3A_708] : memref<4x2048x4096xf32, #tpu.memory_space<hbm>> -> memref<1x256x128xf32, #tpu.memory_space<hbm>>
    %dma_wait3A_897 = tpu.memref_squeeze %dma_wait3A_896 : memref<1x256x128xf32, #tpu.memory_space<hbm>> -> memref<256x128xf32, #tpu.memory_space<hbm>>
    tpu.wait_dma2 semaphore(%arg17 : memref<!tpu.dma_semaphore, #tpu.memory_space<semaphore_mem>>) src(%dma_wait3A_897 : memref<256x128xf32, #tpu.memory_space<hbm>>) dst(%arg6 : memref<256x128xf32, #tpu.memory_space<vmem>>)
    %add3A_898 = arith.constant 512 : i32
    %add3A_899 = arith.addi %mul3A_734, %add3A_898 : i32
    %dma_start3A_900 = arith.constant 3 : i32
    %dma_start3A_901 = tpu.memref_slice %arg4[%dma_start3A_900, %add3A_899, %add3A_708] : memref<4x2048x4096xf32, #tpu.memory_space<hbm>> -> memref<1x256x128xf32, #tpu.memory_space<hbm>>
    %dma_start3A_902 = tpu.memref_squeeze %dma_start3A_901 : memref<1x256x128xf32, #tpu.memory_space<hbm>> -> memref<256x128xf32, #tpu.memory_space<hbm>>
    %dma_start3A_903 = tpu.memref_slice %arg4[%dma_start3A_900, %add3A_899, %add3A_708] : memref<4x2048x4096xf32, #tpu.memory_space<hbm>> -> memref<1x256x128xf32, #tpu.memory_space<hbm>>
    %dma_start3A_904 = tpu.memref_squeeze %dma_start3A_903 : memref<1x256x128xf32, #tpu.memory_space<hbm>> -> memref<256x128xf32, #tpu.memory_space<hbm>>
    tpu.enqueue_dma source(%dma_start3A_904 : memref<256x128xf32, #tpu.memory_space<hbm>>) target(%arg6 : memref<256x128xf32, #tpu.memory_space<vmem>>) target_semaphore(%arg17 : memref<!tpu.dma_semaphore, #tpu.memory_space<semaphore_mem>>)
    %dma_wait3A_905 = arith.constant 3 : i32
    %dma_wait3A_906 = tpu.memref_slice %arg4[%dma_wait3A_905, %add3A_887, %add3A_708] : memref<4x2048x4096xf32, #tpu.memory_space<hbm>> -> memref<1x256x128xf32, #tpu.memory_space<hbm>>
    %dma_wait3A_907 = tpu.memref_squeeze %dma_wait3A_906 : memref<1x256x128xf32, #tpu.memory_space<hbm>> -> memref<256x128xf32, #tpu.memory_space<hbm>>
    %dma_wait3A_908 = tpu.memref_slice %arg4[%dma_wait3A_905, %add3A_887, %add3A_708] : memref<4x2048x4096xf32, #tpu.memory_space<hbm>> -> memref<1x256x128xf32, #tpu.memory_space<hbm>>
    %dma_wait3A_909 = tpu.memref_squeeze %dma_wait3A_908 : memref<1x256x128xf32, #tpu.memory_space<hbm>> -> memref<256x128xf32, #tpu.memory_space<hbm>>
    tpu.wait_dma2 semaphore(%arg18 : memref<!tpu.dma_semaphore, #tpu.memory_space<semaphore_mem>>) src(%dma_wait3A_909 : memref<256x128xf32, #tpu.memory_space<hbm>>) dst(%arg7 : memref<256x128xf32, #tpu.memory_space<vmem>>)
    %add3A_910 = arith.constant 768 : i32
    %add3A_911 = arith.addi %mul3A_734, %add3A_910 : i32
    %dma_start3A_912 = arith.constant 3 : i32
    %dma_start3A_913 = tpu.memref_slice %arg4[%dma_start3A_912, %add3A_911, %add3A_708] : memref<4x2048x4096xf32, #tpu.memory_space<hbm>> -> memref<1x256x128xf32, #tpu.memory_space<hbm>>
    %dma_start3A_914 = tpu.memref_squeeze %dma_start3A_913 : memref<1x256x128xf32, #tpu.memory_space<hbm>> -> memref<256x128xf32, #tpu.memory_space<hbm>>
    %dma_start3A_915 = tpu.memref_slice %arg4[%dma_start3A_912, %add3A_911, %add3A_708] : memref<4x2048x4096xf32, #tpu.memory_space<hbm>> -> memref<1x256x128xf32, #tpu.memory_space<hbm>>
    %dma_start3A_916 = tpu.memref_squeeze %dma_start3A_915 : memref<1x256x128xf32, #tpu.memory_space<hbm>> -> memref<256x128xf32, #tpu.memory_space<hbm>>
    tpu.enqueue_dma source(%dma_start3A_916 : memref<256x128xf32, #tpu.memory_space<hbm>>) target(%arg7 : memref<256x128xf32, #tpu.memory_space<vmem>>) target_semaphore(%arg18 : memref<!tpu.dma_semaphore, #tpu.memory_space<semaphore_mem>>)
    %dma_wait3A_917 = arith.constant 3 : i32
    %dma_wait3A_918 = tpu.memref_slice %arg4[%dma_wait3A_917, %add3A_899, %add3A_708] : memref<4x2048x4096xf32, #tpu.memory_space<hbm>> -> memref<1x256x128xf32, #tpu.memory_space<hbm>>
    %dma_wait3A_919 = tpu.memref_squeeze %dma_wait3A_918 : memref<1x256x128xf32, #tpu.memory_space<hbm>> -> memref<256x128xf32, #tpu.memory_space<hbm>>
    %dma_wait3A_920 = tpu.memref_slice %arg4[%dma_wait3A_917, %add3A_899, %add3A_708] : memref<4x2048x4096xf32, #tpu.memory_space<hbm>> -> memref<1x256x128xf32, #tpu.memory_space<hbm>>
    %dma_wait3A_921 = tpu.memref_squeeze %dma_wait3A_920 : memref<1x256x128xf32, #tpu.memory_space<hbm>> -> memref<256x128xf32, #tpu.memory_space<hbm>>
    tpu.wait_dma2 semaphore(%arg17 : memref<!tpu.dma_semaphore, #tpu.memory_space<semaphore_mem>>) src(%dma_wait3A_921 : memref<256x128xf32, #tpu.memory_space<hbm>>) dst(%arg6 : memref<256x128xf32, #tpu.memory_space<vmem>>)
    %dma_wait3A_922 = arith.constant 3 : i32
    %dma_wait3A_923 = tpu.memref_slice %arg4[%dma_wait3A_922, %add3A_911, %add3A_708] : memref<4x2048x4096xf32, #tpu.memory_space<hbm>> -> memref<1x256x128xf32, #tpu.memory_space<hbm>>
    %dma_wait3A_924 = tpu.memref_squeeze %dma_wait3A_923 : memref<1x256x128xf32, #tpu.memory_space<hbm>> -> memref<256x128xf32, #tpu.memory_space<hbm>>
    %dma_wait3A_925 = tpu.memref_slice %arg4[%dma_wait3A_922, %add3A_911, %add3A_708] : memref<4x2048x4096xf32, #tpu.memory_space<hbm>> -> memref<1x256x128xf32, #tpu.memory_space<hbm>>
    %dma_wait3A_926 = tpu.memref_squeeze %dma_wait3A_925 : memref<1x256x128xf32, #tpu.memory_space<hbm>> -> memref<256x128xf32, #tpu.memory_space<hbm>>
    tpu.wait_dma2 semaphore(%arg18 : memref<!tpu.dma_semaphore, #tpu.memory_space<semaphore_mem>>) src(%dma_wait3A_926 : memref<256x128xf32, #tpu.memory_space<hbm>>) dst(%arg7 : memref<256x128xf32, #tpu.memory_space<vmem>>)
    %barrier3A = arith.constant 0 : index
    tpu.barrier barrier_id(%barrier3A)
    %lt3A_927 = arith.constant 4 : i32
    %lt3A_928 = arith.cmpi slt, %arg1, %lt3A_927 : i32
    %convert_element_type3A = arith.extui %lt3A_928 : i1 to i32
    %cond3A = arith.constant 0 : i32
    %cond3A_929 = arith.cmpi ne, %convert_element_type3A, %cond3A : i32
    scf.if %cond3A_929 {
      "tpu.region"() ({
        %run_scoped3A = tpu.sem_alloc : memref<!tpu.dma_semaphore, #tpu.memory_space<semaphore_mem>>
        tpu.enqueue_dma source(%arg15 : memref<256xf32, #tpu.memory_space<vmem_shared>>) target(%arg12 : memref<256xf32, #tpu.memory_space<vmem>>) target_semaphore(%run_scoped3A : memref<!tpu.dma_semaphore, #tpu.memory_space<semaphore_mem>>)
        tpu.wait_dma2 semaphore(%run_scoped3A : memref<!tpu.dma_semaphore, #tpu.memory_space<semaphore_mem>>) src(%arg15 : memref<256xf32, #tpu.memory_space<vmem_shared>>) dst(%arg12 : memref<256xf32, #tpu.memory_space<vmem>>)
        tpu.yield
      }) : () -> ()
      "tpu.region"() ({
        %run_scoped3A = tpu.sem_alloc : memref<!tpu.dma_semaphore, #tpu.memory_space<semaphore_mem>>
        tpu.enqueue_dma source(%arg16 : memref<256xf32, #tpu.memory_space<vmem_shared>>) target(%arg13 : memref<256xf32, #tpu.memory_space<vmem>>) target_semaphore(%run_scoped3A : memref<!tpu.dma_semaphore, #tpu.memory_space<semaphore_mem>>)
        tpu.wait_dma2 semaphore(%run_scoped3A : memref<!tpu.dma_semaphore, #tpu.memory_space<semaphore_mem>>) src(%arg16 : memref<256xf32, #tpu.memory_space<vmem_shared>>) dst(%arg13 : memref<256xf32, #tpu.memory_space<vmem>>)
        tpu.yield
      }) : () -> ()
      %broadcast_in_dim3A_930 = arith.constant 0.000000e+00 : f32
      %broadcast_in_dim3A_931 = vector.broadcast %broadcast_in_dim3A_930 : f32 to vector<16xf32>
      %broadcast_in_dim3A_932 = arith.constant 0.000000e+00 : f32
      %broadcast_in_dim3A_933 = vector.broadcast %broadcast_in_dim3A_932 : f32 to vector<16xf32>
      %broadcast_in_dim3A_934 = arith.constant 0.000000e+00 : f32
      %broadcast_in_dim3A_935 = vector.broadcast %broadcast_in_dim3A_934 : f32 to vector<16xf32>
      %broadcast_in_dim3A_936 = arith.constant 0.000000e+00 : f32
      %broadcast_in_dim3A_937 = vector.broadcast %broadcast_in_dim3A_936 : f32 to vector<16xf32>
      %mul3A_938 = arith.constant 4 : i32
      %mul3A_939 = arith.muli %arg1, %mul3A_938 : i32
      %add3A_940 = arith.constant 0 : i32
      %add3A_941 = arith.addi %mul3A_939, %add3A_940 : i32
      %mul3A_942 = arith.constant 16 : i32
      %mul3A_943 = arith.muli %add3A_941, %mul3A_942 : i32
      %get3A = arith.index_cast %mul3A_943 : i32 to index
      %get3A_944 = tpu.vector_load %arg13[%get3A] {strides = array<i32>} : memref<256xf32, #tpu.memory_space<vmem>>, vector<16xf32>,
      %slice3A_945 = vector.extract_strided_slice %get3A_944 {offsets = [0], sizes = [1], strides = [1]} : vector<16xf32> to vector<1xf32>
      %squeeze3A_946 = vector.extract %slice3A_945[0] : f32 from vector<1xf32>
      %add3A_947 = arith.constant 0 : i32
      %add3A_948 = vector.broadcast %add3A_947 : i32 to vector<16xi32>
      %add3A_949 = arith.addi %iota3A, %add3A_948 : vector<16xi32>
      %mul3A_950 = arith.constant 4 : i32
      %mul3A_951 = vector.broadcast %mul3A_950 : i32 to vector<16xi32>
      %mul3A_952 = arith.muli %add3A_949, %mul3A_951 : vector<16xi32>
      %add3A_953 = arith.constant 0 : i32
      %add3A_954 = vector.broadcast %add3A_953 : i32 to vector<16xi32>
      %add3A_955 = arith.addi %mul3A_952, %add3A_954 : vector<16xi32>
      %gather3A = tpu.vector_load_idx %arg12[%add3A_955] : memref<256xf32, #tpu.memory_space<vmem>>[vector<16xi32>], vector<16xf32>,
      %mul3A_956 = vector.broadcast %squeeze3A_946 : f32 to vector<16xf32>
      %mul3A_957 = arith.mulf %mul3A_956, %gather3A : vector<16xf32>
      %add3A_958 = arith.constant 16 : i32
      %add3A_959 = vector.broadcast %add3A_958 : i32 to vector<16xi32>
      %add3A_960 = arith.addi %iota3A, %add3A_959 : vector<16xi32>
      %mul3A_961 = arith.constant 4 : i32
      %mul3A_962 = vector.broadcast %mul3A_961 : i32 to vector<16xi32>
      %mul3A_963 = arith.muli %add3A_960, %mul3A_962 : vector<16xi32>
      %add3A_964 = arith.constant 0 : i32
      %add3A_965 = vector.broadcast %add3A_964 : i32 to vector<16xi32>
      %add3A_966 = arith.addi %mul3A_963, %add3A_965 : vector<16xi32>
      %gather3A_967 = tpu.vector_load_idx %arg12[%add3A_966] : memref<256xf32, #tpu.memory_space<vmem>>[vector<16xi32>], vector<16xf32>,
      %mul3A_968 = vector.broadcast %squeeze3A_946 : f32 to vector<16xf32>
      %mul3A_969 = arith.mulf %mul3A_968, %gather3A_967 : vector<16xf32>
      %add3A_970 = arith.constant 32 : i32
      %add3A_971 = vector.broadcast %add3A_970 : i32 to vector<16xi32>
      %add3A_972 = arith.addi %iota3A, %add3A_971 : vector<16xi32>
      %mul3A_973 = arith.constant 4 : i32
      %mul3A_974 = vector.broadcast %mul3A_973 : i32 to vector<16xi32>
      %mul3A_975 = arith.muli %add3A_972, %mul3A_974 : vector<16xi32>
      %add3A_976 = arith.constant 0 : i32
      %add3A_977 = vector.broadcast %add3A_976 : i32 to vector<16xi32>
      %add3A_978 = arith.addi %mul3A_975, %add3A_977 : vector<16xi32>
      %gather3A_979 = tpu.vector_load_idx %arg12[%add3A_978] : memref<256xf32, #tpu.memory_space<vmem>>[vector<16xi32>], vector<16xf32>,
      %mul3A_980 = vector.broadcast %squeeze3A_946 : f32 to vector<16xf32>
      %mul3A_981 = arith.mulf %mul3A_980, %gather3A_979 : vector<16xf32>
      %add3A_982 = arith.constant 48 : i32
      %add3A_983 = vector.broadcast %add3A_982 : i32 to vector<16xi32>
      %add3A_984 = arith.addi %iota3A, %add3A_983 : vector<16xi32>
      %mul3A_985 = arith.constant 4 : i32
      %mul3A_986 = vector.broadcast %mul3A_985 : i32 to vector<16xi32>
      %mul3A_987 = arith.muli %add3A_984, %mul3A_986 : vector<16xi32>
      %add3A_988 = arith.constant 0 : i32
      %add3A_989 = vector.broadcast %add3A_988 : i32 to vector<16xi32>
      %add3A_990 = arith.addi %mul3A_987, %add3A_989 : vector<16xi32>
      %gather3A_991 = tpu.vector_load_idx %arg12[%add3A_990] : memref<256xf32, #tpu.memory_space<vmem>>[vector<16xi32>], vector<16xf32>,
      %mul3A_992 = vector.broadcast %squeeze3A_946 : f32 to vector<16xf32>
      %mul3A_993 = arith.mulf %mul3A_992, %gather3A_991 : vector<16xf32>
      %max3A = arith.maximumf %mul3A_957, %mul3A_969 : vector<16xf32>
      %max3A_994 = arith.maximumf %mul3A_981, %mul3A_993 : vector<16xf32>
      %max3A_995 = arith.maximumf %max3A, %max3A_994 : vector<16xf32>
      %broadcast_in_dim3A_996 = arith.constant true
      %broadcast_in_dim3A_997 = vector.broadcast %broadcast_in_dim3A_996 : i1 to vector<16xi1>
      %masked_cummax3A = tpu.scan <max>, %max3A_995 masked %broadcast_in_dim3A_997 : vector<16xf32>, vector<16xi1> -> vector<16xf32>
      %slice3A_998 = vector.extract_strided_slice %masked_cummax3A {offsets = [15], sizes = [1], strides = [1]} : vector<16xf32> to vector<1xf32>
      %squeeze3A_999 = vector.extract %slice3A_998[0] : f32 from vector<1xf32>
      %sub3A_1000 = vector.broadcast %squeeze3A_999 : f32 to vector<16xf32>
      %sub3A_1001 = arith.subf %mul3A_957, %sub3A_1000 : vector<16xf32>
      %exp3A = math.exp %sub3A_1001 : vector<16xf32>
      %sub3A_1002 = vector.broadcast %squeeze3A_999 : f32 to vector<16xf32>
      %sub3A_1003 = arith.subf %mul3A_969, %sub3A_1002 : vector<16xf32>
      %exp3A_1004 = math.exp %sub3A_1003 : vector<16xf32>
      %sub3A_1005 = vector.broadcast %squeeze3A_999 : f32 to vector<16xf32>
      %sub3A_1006 = arith.subf %mul3A_981, %sub3A_1005 : vector<16xf32>
      %exp3A_1007 = math.exp %sub3A_1006 : vector<16xf32>
      %sub3A_1008 = vector.broadcast %squeeze3A_999 : f32 to vector<16xf32>
      %sub3A_1009 = arith.subf %mul3A_993, %sub3A_1008 : vector<16xf32>
      %exp3A_1010 = math.exp %sub3A_1009 : vector<16xf32>
      %add3A_1011 = arith.addf %exp3A, %exp3A_1004 : vector<16xf32>
      %add3A_1012 = arith.addf %add3A_1011, %exp3A_1007 : vector<16xf32>
      %add3A_1013 = arith.addf %add3A_1012, %exp3A_1010 : vector<16xf32>
      %broadcast_in_dim3A_1014 = arith.constant true
      %broadcast_in_dim3A_1015 = vector.broadcast %broadcast_in_dim3A_1014 : i1 to vector<16xi1>
      %masked_cumsum3A_1016 = tpu.scan <sum>, %add3A_1013 masked %broadcast_in_dim3A_1015 : vector<16xf32>, vector<16xi1> -> vector<16xf32>
      %slice3A_1017 = vector.extract_strided_slice %masked_cumsum3A_1016 {offsets = [15], sizes = [1], strides = [1]} : vector<16xf32> to vector<1xf32>
      %squeeze3A_1018 = vector.extract %slice3A_1017[0] : f32 from vector<1xf32>
      %div3A_1019 = vector.broadcast %squeeze3A_1018 : f32 to vector<16xf32>
      %div3A_1020 = arith.divf %exp3A, %div3A_1019 : vector<16xf32>
      %add3A_1021 = arith.addf %broadcast_in_dim3A_931, %div3A_1020 : vector<16xf32>
      %div3A_1022 = vector.broadcast %squeeze3A_1018 : f32 to vector<16xf32>
      %div3A_1023 = arith.divf %exp3A_1004, %div3A_1022 : vector<16xf32>
      %add3A_1024 = arith.addf %broadcast_in_dim3A_933, %div3A_1023 : vector<16xf32>
      %div3A_1025 = vector.broadcast %squeeze3A_1018 : f32 to vector<16xf32>
      %div3A_1026 = arith.divf %exp3A_1007, %div3A_1025 : vector<16xf32>
      %add3A_1027 = arith.addf %broadcast_in_dim3A_935, %div3A_1026 : vector<16xf32>
      %div3A_1028 = vector.broadcast %squeeze3A_1018 : f32 to vector<16xf32>
      %div3A_1029 = arith.divf %exp3A_1010, %div3A_1028 : vector<16xf32>
      %add3A_1030 = arith.addf %broadcast_in_dim3A_937, %div3A_1029 : vector<16xf32>
      %mul3A_1031 = arith.constant 4 : i32
      %mul3A_1032 = arith.muli %arg1, %mul3A_1031 : i32
      %add3A_1033 = arith.constant 1 : i32
      %add3A_1034 = arith.addi %mul3A_1032, %add3A_1033 : i32
      %mul3A_1035 = arith.constant 16 : i32
      %mul3A_1036 = arith.muli %add3A_1034, %mul3A_1035 : i32
      %get3A_1037 = arith.index_cast %mul3A_1036 : i32 to index
      %get3A_1038 = tpu.vector_load %arg13[%get3A_1037] {strides = array<i32>} : memref<256xf32, #tpu.memory_space<vmem>>, vector<16xf32>,
      %slice3A_1039 = vector.extract_strided_slice %get3A_1038 {offsets = [0], sizes = [1], strides = [1]} : vector<16xf32> to vector<1xf32>
      %squeeze3A_1040 = vector.extract %slice3A_1039[0] : f32 from vector<1xf32>
      %add3A_1041 = arith.constant 0 : i32
      %add3A_1042 = vector.broadcast %add3A_1041 : i32 to vector<16xi32>
      %add3A_1043 = arith.addi %iota3A, %add3A_1042 : vector<16xi32>
      %mul3A_1044 = arith.constant 4 : i32
      %mul3A_1045 = vector.broadcast %mul3A_1044 : i32 to vector<16xi32>
      %mul3A_1046 = arith.muli %add3A_1043, %mul3A_1045 : vector<16xi32>
      %add3A_1047 = arith.constant 1 : i32
      %add3A_1048 = vector.broadcast %add3A_1047 : i32 to vector<16xi32>
      %add3A_1049 = arith.addi %mul3A_1046, %add3A_1048 : vector<16xi32>
      %gather3A_1050 = tpu.vector_load_idx %arg12[%add3A_1049] : memref<256xf32, #tpu.memory_space<vmem>>[vector<16xi32>], vector<16xf32>,
      %mul3A_1051 = vector.broadcast %squeeze3A_1040 : f32 to vector<16xf32>
      %mul3A_1052 = arith.mulf %mul3A_1051, %gather3A_1050 : vector<16xf32>
      %add3A_1053 = arith.constant 16 : i32
      %add3A_1054 = vector.broadcast %add3A_1053 : i32 to vector<16xi32>
      %add3A_1055 = arith.addi %iota3A, %add3A_1054 : vector<16xi32>
      %mul3A_1056 = arith.constant 4 : i32
      %mul3A_1057 = vector.broadcast %mul3A_1056 : i32 to vector<16xi32>
      %mul3A_1058 = arith.muli %add3A_1055, %mul3A_1057 : vector<16xi32>
      %add3A_1059 = arith.constant 1 : i32
      %add3A_1060 = vector.broadcast %add3A_1059 : i32 to vector<16xi32>
      %add3A_1061 = arith.addi %mul3A_1058, %add3A_1060 : vector<16xi32>
      %gather3A_1062 = tpu.vector_load_idx %arg12[%add3A_1061] : memref<256xf32, #tpu.memory_space<vmem>>[vector<16xi32>], vector<16xf32>,
      %mul3A_1063 = vector.broadcast %squeeze3A_1040 : f32 to vector<16xf32>
      %mul3A_1064 = arith.mulf %mul3A_1063, %gather3A_1062 : vector<16xf32>
      %add3A_1065 = arith.constant 32 : i32
      %add3A_1066 = vector.broadcast %add3A_1065 : i32 to vector<16xi32>
      %add3A_1067 = arith.addi %iota3A, %add3A_1066 : vector<16xi32>
      %mul3A_1068 = arith.constant 4 : i32
      %mul3A_1069 = vector.broadcast %mul3A_1068 : i32 to vector<16xi32>
      %mul3A_1070 = arith.muli %add3A_1067, %mul3A_1069 : vector<16xi32>
      %add3A_1071 = arith.constant 1 : i32
      %add3A_1072 = vector.broadcast %add3A_1071 : i32 to vector<16xi32>
      %add3A_1073 = arith.addi %mul3A_1070, %add3A_1072 : vector<16xi32>
      %gather3A_1074 = tpu.vector_load_idx %arg12[%add3A_1073] : memref<256xf32, #tpu.memory_space<vmem>>[vector<16xi32>], vector<16xf32>,
      %mul3A_1075 = vector.broadcast %squeeze3A_1040 : f32 to vector<16xf32>
      %mul3A_1076 = arith.mulf %mul3A_1075, %gather3A_1074 : vector<16xf32>
      %add3A_1077 = arith.constant 48 : i32
      %add3A_1078 = vector.broadcast %add3A_1077 : i32 to vector<16xi32>
      %add3A_1079 = arith.addi %iota3A, %add3A_1078 : vector<16xi32>
      %mul3A_1080 = arith.constant 4 : i32
      %mul3A_1081 = vector.broadcast %mul3A_1080 : i32 to vector<16xi32>
      %mul3A_1082 = arith.muli %add3A_1079, %mul3A_1081 : vector<16xi32>
      %add3A_1083 = arith.constant 1 : i32
      %add3A_1084 = vector.broadcast %add3A_1083 : i32 to vector<16xi32>
      %add3A_1085 = arith.addi %mul3A_1082, %add3A_1084 : vector<16xi32>
      %gather3A_1086 = tpu.vector_load_idx %arg12[%add3A_1085] : memref<256xf32, #tpu.memory_space<vmem>>[vector<16xi32>], vector<16xf32>,
      %mul3A_1087 = vector.broadcast %squeeze3A_1040 : f32 to vector<16xf32>
      %mul3A_1088 = arith.mulf %mul3A_1087, %gather3A_1086 : vector<16xf32>
      %max3A_1089 = arith.maximumf %mul3A_1052, %mul3A_1064 : vector<16xf32>
      %max3A_1090 = arith.maximumf %mul3A_1076, %mul3A_1088 : vector<16xf32>
      %max3A_1091 = arith.maximumf %max3A_1089, %max3A_1090 : vector<16xf32>
      %broadcast_in_dim3A_1092 = arith.constant true
      %broadcast_in_dim3A_1093 = vector.broadcast %broadcast_in_dim3A_1092 : i1 to vector<16xi1>
      %masked_cummax3A_1094 = tpu.scan <max>, %max3A_1091 masked %broadcast_in_dim3A_1093 : vector<16xf32>, vector<16xi1> -> vector<16xf32>
      %slice3A_1095 = vector.extract_strided_slice %masked_cummax3A_1094 {offsets = [15], sizes = [1], strides = [1]} : vector<16xf32> to vector<1xf32>
      %squeeze3A_1096 = vector.extract %slice3A_1095[0] : f32 from vector<1xf32>
      %sub3A_1097 = vector.broadcast %squeeze3A_1096 : f32 to vector<16xf32>
      %sub3A_1098 = arith.subf %mul3A_1052, %sub3A_1097 : vector<16xf32>
      %exp3A_1099 = math.exp %sub3A_1098 : vector<16xf32>
      %sub3A_1100 = vector.broadcast %squeeze3A_1096 : f32 to vector<16xf32>
      %sub3A_1101 = arith.subf %mul3A_1064, %sub3A_1100 : vector<16xf32>
      %exp3A_1102 = math.exp %sub3A_1101 : vector<16xf32>
      %sub3A_1103 = vector.broadcast %squeeze3A_1096 : f32 to vector<16xf32>
      %sub3A_1104 = arith.subf %mul3A_1076, %sub3A_1103 : vector<16xf32>
      %exp3A_1105 = math.exp %sub3A_1104 : vector<16xf32>
      %sub3A_1106 = vector.broadcast %squeeze3A_1096 : f32 to vector<16xf32>
      %sub3A_1107 = arith.subf %mul3A_1088, %sub3A_1106 : vector<16xf32>
      %exp3A_1108 = math.exp %sub3A_1107 : vector<16xf32>
      %add3A_1109 = arith.addf %exp3A_1099, %exp3A_1102 : vector<16xf32>
      %add3A_1110 = arith.addf %add3A_1109, %exp3A_1105 : vector<16xf32>
      %add3A_1111 = arith.addf %add3A_1110, %exp3A_1108 : vector<16xf32>
      %broadcast_in_dim3A_1112 = arith.constant true
      %broadcast_in_dim3A_1113 = vector.broadcast %broadcast_in_dim3A_1112 : i1 to vector<16xi1>
      %masked_cumsum3A_1114 = tpu.scan <sum>, %add3A_1111 masked %broadcast_in_dim3A_1113 : vector<16xf32>, vector<16xi1> -> vector<16xf32>
      %slice3A_1115 = vector.extract_strided_slice %masked_cumsum3A_1114 {offsets = [15], sizes = [1], strides = [1]} : vector<16xf32> to vector<1xf32>
      %squeeze3A_1116 = vector.extract %slice3A_1115[0] : f32 from vector<1xf32>
      %div3A_1117 = vector.broadcast %squeeze3A_1116 : f32 to vector<16xf32>
      %div3A_1118 = arith.divf %exp3A_1099, %div3A_1117 : vector<16xf32>
      %add3A_1119 = arith.addf %add3A_1021, %div3A_1118 : vector<16xf32>
      %div3A_1120 = vector.broadcast %squeeze3A_1116 : f32 to vector<16xf32>
      %div3A_1121 = arith.divf %exp3A_1102, %div3A_1120 : vector<16xf32>
      %add3A_1122 = arith.addf %add3A_1024, %div3A_1121 : vector<16xf32>
      %div3A_1123 = vector.broadcast %squeeze3A_1116 : f32 to vector<16xf32>
      %div3A_1124 = arith.divf %exp3A_1105, %div3A_1123 : vector<16xf32>
      %add3A_1125 = arith.addf %add3A_1027, %div3A_1124 : vector<16xf32>
      %div3A_1126 = vector.broadcast %squeeze3A_1116 : f32 to vector<16xf32>
      %div3A_1127 = arith.divf %exp3A_1108, %div3A_1126 : vector<16xf32>
      %add3A_1128 = arith.addf %add3A_1030, %div3A_1127 : vector<16xf32>
      %mul3A_1129 = arith.constant 4 : i32
      %mul3A_1130 = arith.muli %arg1, %mul3A_1129 : i32
      %add3A_1131 = arith.constant 2 : i32
      %add3A_1132 = arith.addi %mul3A_1130, %add3A_1131 : i32
      %mul3A_1133 = arith.constant 16 : i32
      %mul3A_1134 = arith.muli %add3A_1132, %mul3A_1133 : i32
      %get3A_1135 = arith.index_cast %mul3A_1134 : i32 to index
      %get3A_1136 = tpu.vector_load %arg13[%get3A_1135] {strides = array<i32>} : memref<256xf32, #tpu.memory_space<vmem>>, vector<16xf32>,
      %slice3A_1137 = vector.extract_strided_slice %get3A_1136 {offsets = [0], sizes = [1], strides = [1]} : vector<16xf32> to vector<1xf32>
      %squeeze3A_1138 = vector.extract %slice3A_1137[0] : f32 from vector<1xf32>
      %add3A_1139 = arith.constant 0 : i32
      %add3A_1140 = vector.broadcast %add3A_1139 : i32 to vector<16xi32>
      %add3A_1141 = arith.addi %iota3A, %add3A_1140 : vector<16xi32>
      %mul3A_1142 = arith.constant 4 : i32
      %mul3A_1143 = vector.broadcast %mul3A_1142 : i32 to vector<16xi32>
      %mul3A_1144 = arith.muli %add3A_1141, %mul3A_1143 : vector<16xi32>
      %add3A_1145 = arith.constant 2 : i32
      %add3A_1146 = vector.broadcast %add3A_1145 : i32 to vector<16xi32>
      %add3A_1147 = arith.addi %mul3A_1144, %add3A_1146 : vector<16xi32>
      %gather3A_1148 = tpu.vector_load_idx %arg12[%add3A_1147] : memref<256xf32, #tpu.memory_space<vmem>>[vector<16xi32>], vector<16xf32>,
      %mul3A_1149 = vector.broadcast %squeeze3A_1138 : f32 to vector<16xf32>
      %mul3A_1150 = arith.mulf %mul3A_1149, %gather3A_1148 : vector<16xf32>
      %add3A_1151 = arith.constant 16 : i32
      %add3A_1152 = vector.broadcast %add3A_1151 : i32 to vector<16xi32>
      %add3A_1153 = arith.addi %iota3A, %add3A_1152 : vector<16xi32>
      %mul3A_1154 = arith.constant 4 : i32
      %mul3A_1155 = vector.broadcast %mul3A_1154 : i32 to vector<16xi32>
      %mul3A_1156 = arith.muli %add3A_1153, %mul3A_1155 : vector<16xi32>
      %add3A_1157 = arith.constant 2 : i32
      %add3A_1158 = vector.broadcast %add3A_1157 : i32 to vector<16xi32>
      %add3A_1159 = arith.addi %mul3A_1156, %add3A_1158 : vector<16xi32>
      %gather3A_1160 = tpu.vector_load_idx %arg12[%add3A_1159] : memref<256xf32, #tpu.memory_space<vmem>>[vector<16xi32>], vector<16xf32>,
      %mul3A_1161 = vector.broadcast %squeeze3A_1138 : f32 to vector<16xf32>
      %mul3A_1162 = arith.mulf %mul3A_1161, %gather3A_1160 : vector<16xf32>
      %add3A_1163 = arith.constant 32 : i32
      %add3A_1164 = vector.broadcast %add3A_1163 : i32 to vector<16xi32>
      %add3A_1165 = arith.addi %iota3A, %add3A_1164 : vector<16xi32>
      %mul3A_1166 = arith.constant 4 : i32
      %mul3A_1167 = vector.broadcast %mul3A_1166 : i32 to vector<16xi32>
      %mul3A_1168 = arith.muli %add3A_1165, %mul3A_1167 : vector<16xi32>
      %add3A_1169 = arith.constant 2 : i32
      %add3A_1170 = vector.broadcast %add3A_1169 : i32 to vector<16xi32>
      %add3A_1171 = arith.addi %mul3A_1168, %add3A_1170 : vector<16xi32>
      %gather3A_1172 = tpu.vector_load_idx %arg12[%add3A_1171] : memref<256xf32, #tpu.memory_space<vmem>>[vector<16xi32>], vector<16xf32>,
      %mul3A_1173 = vector.broadcast %squeeze3A_1138 : f32 to vector<16xf32>
      %mul3A_1174 = arith.mulf %mul3A_1173, %gather3A_1172 : vector<16xf32>
      %add3A_1175 = arith.constant 48 : i32
      %add3A_1176 = vector.broadcast %add3A_1175 : i32 to vector<16xi32>
      %add3A_1177 = arith.addi %iota3A, %add3A_1176 : vector<16xi32>
      %mul3A_1178 = arith.constant 4 : i32
      %mul3A_1179 = vector.broadcast %mul3A_1178 : i32 to vector<16xi32>
      %mul3A_1180 = arith.muli %add3A_1177, %mul3A_1179 : vector<16xi32>
      %add3A_1181 = arith.constant 2 : i32
      %add3A_1182 = vector.broadcast %add3A_1181 : i32 to vector<16xi32>
      %add3A_1183 = arith.addi %mul3A_1180, %add3A_1182 : vector<16xi32>
      %gather3A_1184 = tpu.vector_load_idx %arg12[%add3A_1183] : memref<256xf32, #tpu.memory_space<vmem>>[vector<16xi32>], vector<16xf32>,
      %mul3A_1185 = vector.broadcast %squeeze3A_1138 : f32 to vector<16xf32>
      %mul3A_1186 = arith.mulf %mul3A_1185, %gather3A_1184 : vector<16xf32>
      %max3A_1187 = arith.maximumf %mul3A_1150, %mul3A_1162 : vector<16xf32>
      %max3A_1188 = arith.maximumf %mul3A_1174, %mul3A_1186 : vector<16xf32>
      %max3A_1189 = arith.maximumf %max3A_1187, %max3A_1188 : vector<16xf32>
      %broadcast_in_dim3A_1190 = arith.constant true
      %broadcast_in_dim3A_1191 = vector.broadcast %broadcast_in_dim3A_1190 : i1 to vector<16xi1>
      %masked_cummax3A_1192 = tpu.scan <max>, %max3A_1189 masked %broadcast_in_dim3A_1191 : vector<16xf32>, vector<16xi1> -> vector<16xf32>
      %slice3A_1193 = vector.extract_strided_slice %masked_cummax3A_1192 {offsets = [15], sizes = [1], strides = [1]} : vector<16xf32> to vector<1xf32>
      %squeeze3A_1194 = vector.extract %slice3A_1193[0] : f32 from vector<1xf32>
      %sub3A_1195 = vector.broadcast %squeeze3A_1194 : f32 to vector<16xf32>
      %sub3A_1196 = arith.subf %mul3A_1150, %sub3A_1195 : vector<16xf32>
      %exp3A_1197 = math.exp %sub3A_1196 : vector<16xf32>
      %sub3A_1198 = vector.broadcast %squeeze3A_1194 : f32 to vector<16xf32>
      %sub3A_1199 = arith.subf %mul3A_1162, %sub3A_1198 : vector<16xf32>
      %exp3A_1200 = math.exp %sub3A_1199 : vector<16xf32>
      %sub3A_1201 = vector.broadcast %squeeze3A_1194 : f32 to vector<16xf32>
      %sub3A_1202 = arith.subf %mul3A_1174, %sub3A_1201 : vector<16xf32>
      %exp3A_1203 = math.exp %sub3A_1202 : vector<16xf32>
      %sub3A_1204 = vector.broadcast %squeeze3A_1194 : f32 to vector<16xf32>
      %sub3A_1205 = arith.subf %mul3A_1186, %sub3A_1204 : vector<16xf32>
      %exp3A_1206 = math.exp %sub3A_1205 : vector<16xf32>
      %add3A_1207 = arith.addf %exp3A_1197, %exp3A_1200 : vector<16xf32>
      %add3A_1208 = arith.addf %add3A_1207, %exp3A_1203 : vector<16xf32>
      %add3A_1209 = arith.addf %add3A_1208, %exp3A_1206 : vector<16xf32>
      %broadcast_in_dim3A_1210 = arith.constant true
      %broadcast_in_dim3A_1211 = vector.broadcast %broadcast_in_dim3A_1210 : i1 to vector<16xi1>
      %masked_cumsum3A_1212 = tpu.scan <sum>, %add3A_1209 masked %broadcast_in_dim3A_1211 : vector<16xf32>, vector<16xi1> -> vector<16xf32>
      %slice3A_1213 = vector.extract_strided_slice %masked_cumsum3A_1212 {offsets = [15], sizes = [1], strides = [1]} : vector<16xf32> to vector<1xf32>
      %squeeze3A_1214 = vector.extract %slice3A_1213[0] : f32 from vector<1xf32>
      %div3A_1215 = vector.broadcast %squeeze3A_1214 : f32 to vector<16xf32>
      %div3A_1216 = arith.divf %exp3A_1197, %div3A_1215 : vector<16xf32>
      %add3A_1217 = arith.addf %add3A_1119, %div3A_1216 : vector<16xf32>
      %div3A_1218 = vector.broadcast %squeeze3A_1214 : f32 to vector<16xf32>
      %div3A_1219 = arith.divf %exp3A_1200, %div3A_1218 : vector<16xf32>
      %add3A_1220 = arith.addf %add3A_1122, %div3A_1219 : vector<16xf32>
      %div3A_1221 = vector.broadcast %squeeze3A_1214 : f32 to vector<16xf32>
      %div3A_1222 = arith.divf %exp3A_1203, %div3A_1221 : vector<16xf32>
      %add3A_1223 = arith.addf %add3A_1125, %div3A_1222 : vector<16xf32>
      %div3A_1224 = vector.broadcast %squeeze3A_1214 : f32 to vector<16xf32>
      %div3A_1225 = arith.divf %exp3A_1206, %div3A_1224 : vector<16xf32>
      %add3A_1226 = arith.addf %add3A_1128, %div3A_1225 : vector<16xf32>
      %mul3A_1227 = arith.constant 4 : i32
      %mul3A_1228 = arith.muli %arg1, %mul3A_1227 : i32
      %add3A_1229 = arith.constant 3 : i32
      %add3A_1230 = arith.addi %mul3A_1228, %add3A_1229 : i32
      %mul3A_1231 = arith.constant 16 : i32
      %mul3A_1232 = arith.muli %add3A_1230, %mul3A_1231 : i32
      %get3A_1233 = arith.index_cast %mul3A_1232 : i32 to index
      %get3A_1234 = tpu.vector_load %arg13[%get3A_1233] {strides = array<i32>} : memref<256xf32, #tpu.memory_space<vmem>>, vector<16xf32>,
      %slice3A_1235 = vector.extract_strided_slice %get3A_1234 {offsets = [0], sizes = [1], strides = [1]} : vector<16xf32> to vector<1xf32>
      %squeeze3A_1236 = vector.extract %slice3A_1235[0] : f32 from vector<1xf32>
      %add3A_1237 = arith.constant 0 : i32
      %add3A_1238 = vector.broadcast %add3A_1237 : i32 to vector<16xi32>
      %add3A_1239 = arith.addi %iota3A, %add3A_1238 : vector<16xi32>
      %mul3A_1240 = arith.constant 4 : i32
      %mul3A_1241 = vector.broadcast %mul3A_1240 : i32 to vector<16xi32>
      %mul3A_1242 = arith.muli %add3A_1239, %mul3A_1241 : vector<16xi32>
      %add3A_1243 = arith.constant 3 : i32
      %add3A_1244 = vector.broadcast %add3A_1243 : i32 to vector<16xi32>
      %add3A_1245 = arith.addi %mul3A_1242, %add3A_1244 : vector<16xi32>
      %gather3A_1246 = tpu.vector_load_idx %arg12[%add3A_1245] : memref<256xf32, #tpu.memory_space<vmem>>[vector<16xi32>], vector<16xf32>,
      %mul3A_1247 = vector.broadcast %squeeze3A_1236 : f32 to vector<16xf32>
      %mul3A_1248 = arith.mulf %mul3A_1247, %gather3A_1246 : vector<16xf32>
      %add3A_1249 = arith.constant 16 : i32
      %add3A_1250 = vector.broadcast %add3A_1249 : i32 to vector<16xi32>
      %add3A_1251 = arith.addi %iota3A, %add3A_1250 : vector<16xi32>
      %mul3A_1252 = arith.constant 4 : i32
      %mul3A_1253 = vector.broadcast %mul3A_1252 : i32 to vector<16xi32>
      %mul3A_1254 = arith.muli %add3A_1251, %mul3A_1253 : vector<16xi32>
      %add3A_1255 = arith.constant 3 : i32
      %add3A_1256 = vector.broadcast %add3A_1255 : i32 to vector<16xi32>
      %add3A_1257 = arith.addi %mul3A_1254, %add3A_1256 : vector<16xi32>
      %gather3A_1258 = tpu.vector_load_idx %arg12[%add3A_1257] : memref<256xf32, #tpu.memory_space<vmem>>[vector<16xi32>], vector<16xf32>,
      %mul3A_1259 = vector.broadcast %squeeze3A_1236 : f32 to vector<16xf32>
      %mul3A_1260 = arith.mulf %mul3A_1259, %gather3A_1258 : vector<16xf32>
      %add3A_1261 = arith.constant 32 : i32
      %add3A_1262 = vector.broadcast %add3A_1261 : i32 to vector<16xi32>
      %add3A_1263 = arith.addi %iota3A, %add3A_1262 : vector<16xi32>
      %mul3A_1264 = arith.constant 4 : i32
      %mul3A_1265 = vector.broadcast %mul3A_1264 : i32 to vector<16xi32>
      %mul3A_1266 = arith.muli %add3A_1263, %mul3A_1265 : vector<16xi32>
      %add3A_1267 = arith.constant 3 : i32
      %add3A_1268 = vector.broadcast %add3A_1267 : i32 to vector<16xi32>
      %add3A_1269 = arith.addi %mul3A_1266, %add3A_1268 : vector<16xi32>
      %gather3A_1270 = tpu.vector_load_idx %arg12[%add3A_1269] : memref<256xf32, #tpu.memory_space<vmem>>[vector<16xi32>], vector<16xf32>,
      %mul3A_1271 = vector.broadcast %squeeze3A_1236 : f32 to vector<16xf32>
      %mul3A_1272 = arith.mulf %mul3A_1271, %gather3A_1270 : vector<16xf32>
      %add3A_1273 = arith.constant 48 : i32
      %add3A_1274 = vector.broadcast %add3A_1273 : i32 to vector<16xi32>
      %add3A_1275 = arith.addi %iota3A, %add3A_1274 : vector<16xi32>
      %mul3A_1276 = arith.constant 4 : i32
      %mul3A_1277 = vector.broadcast %mul3A_1276 : i32 to vector<16xi32>
      %mul3A_1278 = arith.muli %add3A_1275, %mul3A_1277 : vector<16xi32>
      %add3A_1279 = arith.constant 3 : i32
      %add3A_1280 = vector.broadcast %add3A_1279 : i32 to vector<16xi32>
      %add3A_1281 = arith.addi %mul3A_1278, %add3A_1280 : vector<16xi32>
      %gather3A_1282 = tpu.vector_load_idx %arg12[%add3A_1281] : memref<256xf32, #tpu.memory_space<vmem>>[vector<16xi32>], vector<16xf32>,
      %mul3A_1283 = vector.broadcast %squeeze3A_1236 : f32 to vector<16xf32>
      %mul3A_1284 = arith.mulf %mul3A_1283, %gather3A_1282 : vector<16xf32>
      %max3A_1285 = arith.maximumf %mul3A_1248, %mul3A_1260 : vector<16xf32>
      %max3A_1286 = arith.maximumf %mul3A_1272, %mul3A_1284 : vector<16xf32>
      %max3A_1287 = arith.maximumf %max3A_1285, %max3A_1286 : vector<16xf32>
      %broadcast_in_dim3A_1288 = arith.constant true
      %broadcast_in_dim3A_1289 = vector.broadcast %broadcast_in_dim3A_1288 : i1 to vector<16xi1>
      %masked_cummax3A_1290 = tpu.scan <max>, %max3A_1287 masked %broadcast_in_dim3A_1289 : vector<16xf32>, vector<16xi1> -> vector<16xf32>
      %slice3A_1291 = vector.extract_strided_slice %masked_cummax3A_1290 {offsets = [15], sizes = [1], strides = [1]} : vector<16xf32> to vector<1xf32>
      %squeeze3A_1292 = vector.extract %slice3A_1291[0] : f32 from vector<1xf32>
      %sub3A_1293 = vector.broadcast %squeeze3A_1292 : f32 to vector<16xf32>
      %sub3A_1294 = arith.subf %mul3A_1248, %sub3A_1293 : vector<16xf32>
      %exp3A_1295 = math.exp %sub3A_1294 : vector<16xf32>
      %sub3A_1296 = vector.broadcast %squeeze3A_1292 : f32 to vector<16xf32>
      %sub3A_1297 = arith.subf %mul3A_1260, %sub3A_1296 : vector<16xf32>
      %exp3A_1298 = math.exp %sub3A_1297 : vector<16xf32>
      %sub3A_1299 = vector.broadcast %squeeze3A_1292 : f32 to vector<16xf32>
      %sub3A_1300 = arith.subf %mul3A_1272, %sub3A_1299 : vector<16xf32>
      %exp3A_1301 = math.exp %sub3A_1300 : vector<16xf32>
      %sub3A_1302 = vector.broadcast %squeeze3A_1292 : f32 to vector<16xf32>
      %sub3A_1303 = arith.subf %mul3A_1284, %sub3A_1302 : vector<16xf32>
      %exp3A_1304 = math.exp %sub3A_1303 : vector<16xf32>
      %add3A_1305 = arith.addf %exp3A_1295, %exp3A_1298 : vector<16xf32>
      %add3A_1306 = arith.addf %add3A_1305, %exp3A_1301 : vector<16xf32>
      %add3A_1307 = arith.addf %add3A_1306, %exp3A_1304 : vector<16xf32>
      %broadcast_in_dim3A_1308 = arith.constant true
      %broadcast_in_dim3A_1309 = vector.broadcast %broadcast_in_dim3A_1308 : i1 to vector<16xi1>
      %masked_cumsum3A_1310 = tpu.scan <sum>, %add3A_1307 masked %broadcast_in_dim3A_1309 : vector<16xf32>, vector<16xi1> -> vector<16xf32>
      %slice3A_1311 = vector.extract_strided_slice %masked_cumsum3A_1310 {offsets = [15], sizes = [1], strides = [1]} : vector<16xf32> to vector<1xf32>
      %squeeze3A_1312 = vector.extract %slice3A_1311[0] : f32 from vector<1xf32>
      %div3A_1313 = vector.broadcast %squeeze3A_1312 : f32 to vector<16xf32>
      %div3A_1314 = arith.divf %exp3A_1295, %div3A_1313 : vector<16xf32>
      %add3A_1315 = arith.addf %add3A_1217, %div3A_1314 : vector<16xf32>
      %div3A_1316 = vector.broadcast %squeeze3A_1312 : f32 to vector<16xf32>
      %div3A_1317 = arith.divf %exp3A_1298, %div3A_1316 : vector<16xf32>
      %add3A_1318 = arith.addf %add3A_1220, %div3A_1317 : vector<16xf32>
      %div3A_1319 = vector.broadcast %squeeze3A_1312 : f32 to vector<16xf32>
      %div3A_1320 = arith.divf %exp3A_1301, %div3A_1319 : vector<16xf32>
      %add3A_1321 = arith.addf %add3A_1223, %div3A_1320 : vector<16xf32>
      %div3A_1322 = vector.broadcast %squeeze3A_1312 : f32 to vector<16xf32>
      %div3A_1323 = arith.divf %exp3A_1304, %div3A_1322 : vector<16xf32>
      %add3A_1324 = arith.addf %add3A_1226, %div3A_1323 : vector<16xf32>
      %swap3A_1325 = arith.constant 0 : index
      %swap3A_1326 = tpu.vector_load %arg14[%swap3A_1325] {strides = array<i32>} : memref<64xf32, #tpu.memory_space<vmem>>, vector<16xf32>,
      tpu.vector_store %arg14[%swap3A_1325], %add3A_1315 {strides = array<i32>} : memref<64xf32, #tpu.memory_space<vmem>>, vector<16xf32>,
      %swap3A_1327 = arith.constant 16 : index
      %swap3A_1328 = tpu.vector_load %arg14[%swap3A_1327] {strides = array<i32>} : memref<64xf32, #tpu.memory_space<vmem>>, vector<16xf32>,
      tpu.vector_store %arg14[%swap3A_1327], %add3A_1318 {strides = array<i32>} : memref<64xf32, #tpu.memory_space<vmem>>, vector<16xf32>,
      %swap3A_1329 = arith.constant 32 : index
      %swap3A_1330 = tpu.vector_load %arg14[%swap3A_1329] {strides = array<i32>} : memref<64xf32, #tpu.memory_space<vmem>>, vector<16xf32>,
      tpu.vector_store %arg14[%swap3A_1329], %add3A_1321 {strides = array<i32>} : memref<64xf32, #tpu.memory_space<vmem>>, vector<16xf32>,
      %swap3A_1331 = arith.constant 48 : index
      %swap3A_1332 = tpu.vector_load %arg14[%swap3A_1331] {strides = array<i32>} : memref<64xf32, #tpu.memory_space<vmem>>, vector<16xf32>,
      tpu.vector_store %arg14[%swap3A_1331], %add3A_1324 {strides = array<i32>} : memref<64xf32, #tpu.memory_space<vmem>>, vector<16xf32>,
      %mul3A_1333 = arith.constant 4 : i32
      %mul3A_1334 = arith.muli %arg0, %mul3A_1333 : i32
      %add3A_1335 = arith.addi %mul3A_1334, %arg1 : i32
      %mul3A_1336 = arith.constant 64 : i32
      %mul3A_1337 = arith.muli %add3A_1335, %mul3A_1336 : i32
      "tpu.region"() ({
        %run_scoped3A = tpu.sem_alloc : memref<!tpu.dma_semaphore, #tpu.memory_space<semaphore_mem>>
        %dma_start3A_1338 = tpu.memref_slice %arg5[%mul3A_1337] : memref<512xf32, #tpu.memory_space<hbm>> -> memref<64xf32, #tpu.memory_space<hbm>>
        %dma_start3A_1339 = tpu.memref_slice %arg5[%mul3A_1337] : memref<512xf32, #tpu.memory_space<hbm>> -> memref<64xf32, #tpu.memory_space<hbm>>
        tpu.enqueue_dma source(%arg14 : memref<64xf32, #tpu.memory_space<vmem>>) target(%dma_start3A_1339 : memref<64xf32, #tpu.memory_space<hbm>>) target_semaphore(%run_scoped3A : memref<!tpu.dma_semaphore, #tpu.memory_space<semaphore_mem>>)
        %dma_wait3A_1340 = tpu.memref_slice %arg5[%mul3A_1337] : memref<512xf32, #tpu.memory_space<hbm>> -> memref<64xf32, #tpu.memory_space<hbm>>
        %dma_wait3A_1341 = tpu.memref_slice %arg5[%mul3A_1337] : memref<512xf32, #tpu.memory_space<hbm>> -> memref<64xf32, #tpu.memory_space<hbm>>
        tpu.wait_dma2 semaphore(%run_scoped3A : memref<!tpu.dma_semaphore, #tpu.memory_space<semaphore_mem>>) src(%arg14 : memref<64xf32, #tpu.memory_space<vmem>>) dst(%dma_wait3A_1341 : memref<64xf32, #tpu.memory_space<hbm>>)
        tpu.yield
      }) : () -> ()
    } else {
    }
    return
  }
}

#map = affine_map<(d0, d1) -> (0, 0)>
#map1 = affine_map<(d0, d1) -> (0)>
module attributes {stable_mosaic.version = 14 : i64} {
  func.func @_sc_topk(%arg0: i32, %arg1: i32, %arg2: memref<4x64xf32, #tpu.memory_space<hbm>>, %arg3: memref<512xf32, #tpu.memory_space<hbm>>, %arg4: memref<64xi32, #tpu.memory_space<hbm>>, %arg5: memref<64xf32, #tpu.memory_space<vmem>>, %arg6: memref<64xf32, #tpu.memory_space<vmem>>, %arg7: memref<64xf32, #tpu.memory_space<vmem>>, %arg8: memref<16xi32, #tpu.memory_space<vmem>>) attributes {dimension_semantics = [#tpu.dimension_semantics<core_parallel>, #tpu.dimension_semantics<subcore_parallel>], iteration_bounds = array<i64: 2, 16>, scalar_prefetch = 0 : i64, scratch_operands = 4 : i64, tpu.core_type = #tpu.core_type<sc_vector_subcore>, window_params = [{transform_indices = #map}, {transform_indices = #map1}, {transform_indices = #map1}]} {
    %iota3A = tpu.iota {dimensions = array<i32: 0>} : vector<16xi32>
    %eq3A = arith.constant 0 : i32
    %eq3A_0 = arith.cmpi eq, %arg0, %eq3A : i32
    %lt3A = arith.constant 4 : i32
    %lt3A_1 = arith.cmpi slt, %arg1, %lt3A : i32
    %and3A = arith.andi %eq3A_0, %lt3A_1 : i1
    %convert_element_type3A = arith.extui %and3A : i1 to i32
    %cond3A = arith.constant 0 : i32
    %cond3A_2 = arith.cmpi ne, %convert_element_type3A, %cond3A : i32
    scf.if %cond3A_2 {
      "tpu.region"() ({
        %run_scoped3A = tpu.sem_alloc : memref<!tpu.dma_semaphore, #tpu.memory_space<semaphore_mem>>
        %dma_start3A = arith.constant 0 : i32
        %dma_start3A_637 = tpu.memref_slice %arg2[%arg1, %dma_start3A] : memref<4x64xf32, #tpu.memory_space<hbm>> -> memref<1x64xf32, #tpu.memory_space<hbm>>
        %dma_start3A_638 = tpu.memref_squeeze %dma_start3A_637 : memref<1x64xf32, #tpu.memory_space<hbm>> -> memref<64xf32, #tpu.memory_space<hbm>>
        %dma_start3A_639 = arith.constant 0 : i32
        %dma_start3A_640 = tpu.memref_slice %arg2[%arg1, %dma_start3A_639] : memref<4x64xf32, #tpu.memory_space<hbm>> -> memref<1x64xf32, #tpu.memory_space<hbm>>
        %dma_start3A_641 = tpu.memref_squeeze %dma_start3A_640 : memref<1x64xf32, #tpu.memory_space<hbm>> -> memref<64xf32, #tpu.memory_space<hbm>>
        tpu.enqueue_dma source(%dma_start3A_641 : memref<64xf32, #tpu.memory_space<hbm>>) target(%arg5 : memref<64xf32, #tpu.memory_space<vmem>>) target_semaphore(%run_scoped3A : memref<!tpu.dma_semaphore, #tpu.memory_space<semaphore_mem>>)
        %dma_wait3A = arith.constant 0 : i32
        %dma_wait3A_642 = tpu.memref_slice %arg2[%arg1, %dma_wait3A] : memref<4x64xf32, #tpu.memory_space<hbm>> -> memref<1x64xf32, #tpu.memory_space<hbm>>
        %dma_wait3A_643 = tpu.memref_squeeze %dma_wait3A_642 : memref<1x64xf32, #tpu.memory_space<hbm>> -> memref<64xf32, #tpu.memory_space<hbm>>
        %dma_wait3A_644 = arith.constant 0 : i32
        %dma_wait3A_645 = tpu.memref_slice %arg2[%arg1, %dma_wait3A_644] : memref<4x64xf32, #tpu.memory_space<hbm>> -> memref<1x64xf32, #tpu.memory_space<hbm>>
        %dma_wait3A_646 = tpu.memref_squeeze %dma_wait3A_645 : memref<1x64xf32, #tpu.memory_space<hbm>> -> memref<64xf32, #tpu.memory_space<hbm>>
        tpu.wait_dma2 semaphore(%run_scoped3A : memref<!tpu.dma_semaphore, #tpu.memory_space<semaphore_mem>>) src(%dma_wait3A_646 : memref<64xf32, #tpu.memory_space<hbm>>) dst(%arg5 : memref<64xf32, #tpu.memory_space<vmem>>)
        tpu.yield
      }) : () -> ()
      %mul3A = arith.constant 64 : i32
      %mul3A_3 = arith.muli %arg1, %mul3A : i32
      "tpu.region"() ({
        %run_scoped3A = tpu.sem_alloc : memref<!tpu.dma_semaphore, #tpu.memory_space<semaphore_mem>>
        %dma_start3A = tpu.memref_slice %arg3[%mul3A_3] : memref<512xf32, #tpu.memory_space<hbm>> -> memref<64xf32, #tpu.memory_space<hbm>>
        %dma_start3A_637 = tpu.memref_slice %arg3[%mul3A_3] : memref<512xf32, #tpu.memory_space<hbm>> -> memref<64xf32, #tpu.memory_space<hbm>>
        tpu.enqueue_dma source(%dma_start3A_637 : memref<64xf32, #tpu.memory_space<hbm>>) target(%arg6 : memref<64xf32, #tpu.memory_space<vmem>>) target_semaphore(%run_scoped3A : memref<!tpu.dma_semaphore, #tpu.memory_space<semaphore_mem>>)
        %dma_wait3A = tpu.memref_slice %arg3[%mul3A_3] : memref<512xf32, #tpu.memory_space<hbm>> -> memref<64xf32, #tpu.memory_space<hbm>>
        %dma_wait3A_638 = tpu.memref_slice %arg3[%mul3A_3] : memref<512xf32, #tpu.memory_space<hbm>> -> memref<64xf32, #tpu.memory_space<hbm>>
        tpu.wait_dma2 semaphore(%run_scoped3A : memref<!tpu.dma_semaphore, #tpu.memory_space<semaphore_mem>>) src(%dma_wait3A_638 : memref<64xf32, #tpu.memory_space<hbm>>) dst(%arg6 : memref<64xf32, #tpu.memory_space<vmem>>)
        tpu.yield
      }) : () -> ()
      %add3A = arith.constant 4 : i32
      %add3A_4 = arith.addi %add3A, %arg1 : i32
      %mul3A_5 = arith.constant 64 : i32
      %mul3A_6 = arith.muli %add3A_4, %mul3A_5 : i32
      "tpu.region"() ({
        %run_scoped3A = tpu.sem_alloc : memref<!tpu.dma_semaphore, #tpu.memory_space<semaphore_mem>>
        %dma_start3A = tpu.memref_slice %arg3[%mul3A_6] : memref<512xf32, #tpu.memory_space<hbm>> -> memref<64xf32, #tpu.memory_space<hbm>>
        %dma_start3A_637 = tpu.memref_slice %arg3[%mul3A_6] : memref<512xf32, #tpu.memory_space<hbm>> -> memref<64xf32, #tpu.memory_space<hbm>>
        tpu.enqueue_dma source(%dma_start3A_637 : memref<64xf32, #tpu.memory_space<hbm>>) target(%arg7 : memref<64xf32, #tpu.memory_space<vmem>>) target_semaphore(%run_scoped3A : memref<!tpu.dma_semaphore, #tpu.memory_space<semaphore_mem>>)
        %dma_wait3A = tpu.memref_slice %arg3[%mul3A_6] : memref<512xf32, #tpu.memory_space<hbm>> -> memref<64xf32, #tpu.memory_space<hbm>>
        %dma_wait3A_638 = tpu.memref_slice %arg3[%mul3A_6] : memref<512xf32, #tpu.memory_space<hbm>> -> memref<64xf32, #tpu.memory_space<hbm>>
        tpu.wait_dma2 semaphore(%run_scoped3A : memref<!tpu.dma_semaphore, #tpu.memory_space<semaphore_mem>>) src(%dma_wait3A_638 : memref<64xf32, #tpu.memory_space<hbm>>) dst(%arg7 : memref<64xf32, #tpu.memory_space<vmem>>)
        tpu.yield
      }) : () -> ()
      %get3A = arith.constant 0 : index
      %get3A_7 = tpu.vector_load %arg6[%get3A] {strides = array<i32>} : memref<64xf32, #tpu.memory_space<vmem>>, vector<16xf32>,
      %get3A_8 = arith.constant 0 : index
      %get3A_9 = tpu.vector_load %arg7[%get3A_8] {strides = array<i32>} : memref<64xf32, #tpu.memory_space<vmem>>, vector<16xf32>,
      %add3A_10 = arith.addf %get3A_7, %get3A_9 : vector<16xf32>
      %get3A_11 = arith.constant 16 : index
      %get3A_12 = tpu.vector_load %arg6[%get3A_11] {strides = array<i32>} : memref<64xf32, #tpu.memory_space<vmem>>, vector<16xf32>,
      %get3A_13 = arith.constant 16 : index
      %get3A_14 = tpu.vector_load %arg7[%get3A_13] {strides = array<i32>} : memref<64xf32, #tpu.memory_space<vmem>>, vector<16xf32>,
      %add3A_15 = arith.addf %get3A_12, %get3A_14 : vector<16xf32>
      %get3A_16 = arith.constant 32 : index
      %get3A_17 = tpu.vector_load %arg6[%get3A_16] {strides = array<i32>} : memref<64xf32, #tpu.memory_space<vmem>>, vector<16xf32>,
      %get3A_18 = arith.constant 32 : index
      %get3A_19 = tpu.vector_load %arg7[%get3A_18] {strides = array<i32>} : memref<64xf32, #tpu.memory_space<vmem>>, vector<16xf32>,
      %add3A_20 = arith.addf %get3A_17, %get3A_19 : vector<16xf32>
      %get3A_21 = arith.constant 48 : index
      %get3A_22 = tpu.vector_load %arg6[%get3A_21] {strides = array<i32>} : memref<64xf32, #tpu.memory_space<vmem>>, vector<16xf32>,
      %get3A_23 = arith.constant 48 : index
      %get3A_24 = tpu.vector_load %arg7[%get3A_23] {strides = array<i32>} : memref<64xf32, #tpu.memory_space<vmem>>, vector<16xf32>,
      %add3A_25 = arith.addf %get3A_22, %get3A_24 : vector<16xf32>
      %max3A = arith.maximumf %add3A_10, %add3A_15 : vector<16xf32>
      %max3A_26 = arith.maximumf %add3A_20, %add3A_25 : vector<16xf32>
      %max3A_27 = arith.maximumf %max3A, %max3A_26 : vector<16xf32>
      %broadcast_in_dim3A = arith.constant true
      %broadcast_in_dim3A_28 = vector.broadcast %broadcast_in_dim3A : i1 to vector<16xi1>
      %masked_cummax3A = tpu.scan <max>, %max3A_27 masked %broadcast_in_dim3A_28 : vector<16xf32>, vector<16xi1> -> vector<16xf32>
      %slice3A = vector.extract_strided_slice %masked_cummax3A {offsets = [15], sizes = [1], strides = [1]} : vector<16xf32> to vector<1xf32>
      %squeeze3A = vector.extract %slice3A[0] : f32 from vector<1xf32>
      %sub3A = vector.broadcast %squeeze3A : f32 to vector<16xf32>
      %sub3A_29 = arith.subf %add3A_10, %sub3A : vector<16xf32>
      %exp3A = math.exp %sub3A_29 : vector<16xf32>
      %sub3A_30 = vector.broadcast %squeeze3A : f32 to vector<16xf32>
      %sub3A_31 = arith.subf %add3A_15, %sub3A_30 : vector<16xf32>
      %exp3A_32 = math.exp %sub3A_31 : vector<16xf32>
      %sub3A_33 = vector.broadcast %squeeze3A : f32 to vector<16xf32>
      %sub3A_34 = arith.subf %add3A_20, %sub3A_33 : vector<16xf32>
      %exp3A_35 = math.exp %sub3A_34 : vector<16xf32>
      %sub3A_36 = vector.broadcast %squeeze3A : f32 to vector<16xf32>
      %sub3A_37 = arith.subf %add3A_25, %sub3A_36 : vector<16xf32>
      %exp3A_38 = math.exp %sub3A_37 : vector<16xf32>
      %add3A_39 = arith.addf %exp3A, %exp3A_32 : vector<16xf32>
      %add3A_40 = arith.addf %add3A_39, %exp3A_35 : vector<16xf32>
      %add3A_41 = arith.addf %add3A_40, %exp3A_38 : vector<16xf32>
      %broadcast_in_dim3A_42 = arith.constant true
      %broadcast_in_dim3A_43 = vector.broadcast %broadcast_in_dim3A_42 : i1 to vector<16xi1>
      %masked_cumsum3A = tpu.scan <sum>, %add3A_41 masked %broadcast_in_dim3A_43 : vector<16xf32>, vector<16xi1> -> vector<16xf32>
      %slice3A_44 = vector.extract_strided_slice %masked_cumsum3A {offsets = [15], sizes = [1], strides = [1]} : vector<16xf32> to vector<1xf32>
      %squeeze3A_45 = vector.extract %slice3A_44[0] : f32 from vector<1xf32>
      %get3A_46 = arith.constant 0 : index
      %get3A_47 = tpu.vector_load %arg5[%get3A_46] {strides = array<i32>} : memref<64xf32, #tpu.memory_space<vmem>>, vector<16xf32>,
      %div3A = vector.broadcast %squeeze3A_45 : f32 to vector<16xf32>
      %div3A_48 = arith.divf %exp3A, %div3A : vector<16xf32>
      %add3A_49 = arith.addf %get3A_47, %div3A_48 : vector<16xf32>
      %get3A_50 = arith.constant 16 : index
      %get3A_51 = tpu.vector_load %arg5[%get3A_50] {strides = array<i32>} : memref<64xf32, #tpu.memory_space<vmem>>, vector<16xf32>,
      %div3A_52 = vector.broadcast %squeeze3A_45 : f32 to vector<16xf32>
      %div3A_53 = arith.divf %exp3A_32, %div3A_52 : vector<16xf32>
      %add3A_54 = arith.addf %get3A_51, %div3A_53 : vector<16xf32>
      %get3A_55 = arith.constant 32 : index
      %get3A_56 = tpu.vector_load %arg5[%get3A_55] {strides = array<i32>} : memref<64xf32, #tpu.memory_space<vmem>>, vector<16xf32>,
      %div3A_57 = vector.broadcast %squeeze3A_45 : f32 to vector<16xf32>
      %div3A_58 = arith.divf %exp3A_35, %div3A_57 : vector<16xf32>
      %add3A_59 = arith.addf %get3A_56, %div3A_58 : vector<16xf32>
      %get3A_60 = arith.constant 48 : index
      %get3A_61 = tpu.vector_load %arg5[%get3A_60] {strides = array<i32>} : memref<64xf32, #tpu.memory_space<vmem>>, vector<16xf32>,
      %div3A_62 = vector.broadcast %squeeze3A_45 : f32 to vector<16xf32>
      %div3A_63 = arith.divf %exp3A_38, %div3A_62 : vector<16xf32>
      %add3A_64 = arith.addf %get3A_61, %div3A_63 : vector<16xf32>
      %add3A_65 = arith.constant 0 : i32
      %add3A_66 = vector.broadcast %add3A_65 : i32 to vector<16xi32>
      %add3A_67 = arith.addi %iota3A, %add3A_66 : vector<16xi32>
      %add3A_68 = arith.constant 16 : i32
      %add3A_69 = vector.broadcast %add3A_68 : i32 to vector<16xi32>
      %add3A_70 = arith.addi %iota3A, %add3A_69 : vector<16xi32>
      %add3A_71 = arith.constant 32 : i32
      %add3A_72 = vector.broadcast %add3A_71 : i32 to vector<16xi32>
      %add3A_73 = arith.addi %iota3A, %add3A_72 : vector<16xi32>
      %add3A_74 = arith.constant 48 : i32
      %add3A_75 = vector.broadcast %add3A_74 : i32 to vector<16xi32>
      %add3A_76 = arith.addi %iota3A, %add3A_75 : vector<16xi32>
      %broadcast_in_dim3A_77 = arith.constant 0 : i32
      %broadcast_in_dim3A_78 = vector.broadcast %broadcast_in_dim3A_77 : i32 to vector<16xi32>
      %max3A_79 = arith.maximumf %add3A_49, %add3A_54 : vector<16xf32>
      %max3A_80 = arith.maximumf %add3A_59, %add3A_64 : vector<16xf32>
      %max3A_81 = arith.maximumf %max3A_79, %max3A_80 : vector<16xf32>
      %broadcast_in_dim3A_82 = arith.constant true
      %broadcast_in_dim3A_83 = vector.broadcast %broadcast_in_dim3A_82 : i1 to vector<16xi1>
      %masked_cummax3A_84 = tpu.scan <max>, %max3A_81 masked %broadcast_in_dim3A_83 : vector<16xf32>, vector<16xi1> -> vector<16xf32>
      %slice3A_85 = vector.extract_strided_slice %masked_cummax3A_84 {offsets = [15], sizes = [1], strides = [1]} : vector<16xf32> to vector<1xf32>
      %squeeze3A_86 = vector.extract %slice3A_85[0] : f32 from vector<1xf32>
      %ge3A = vector.broadcast %squeeze3A_86 : f32 to vector<16xf32>
      %ge3A_87 = arith.cmpf oge, %add3A_49, %ge3A : vector<16xf32>
      %jit3A = arith.constant 64 : i32
      %broadcast_in_dim3A_88 = vector.broadcast %jit3A : i32 to vector<16xi32>
      %select_n3A = arith.select %ge3A_87, %add3A_67, %broadcast_in_dim3A_88 : vector<16xi1>, vector<16xi32>
      %ge3A_89 = vector.broadcast %squeeze3A_86 : f32 to vector<16xf32>
      %ge3A_90 = arith.cmpf oge, %add3A_54, %ge3A_89 : vector<16xf32>
      %jit3A_91 = arith.constant 64 : i32
      %broadcast_in_dim3A_92 = vector.broadcast %jit3A_91 : i32 to vector<16xi32>
      %select_n3A_93 = arith.select %ge3A_90, %add3A_70, %broadcast_in_dim3A_92 : vector<16xi1>, vector<16xi32>
      %ge3A_94 = vector.broadcast %squeeze3A_86 : f32 to vector<16xf32>
      %ge3A_95 = arith.cmpf oge, %add3A_59, %ge3A_94 : vector<16xf32>
      %jit3A_96 = arith.constant 64 : i32
      %broadcast_in_dim3A_97 = vector.broadcast %jit3A_96 : i32 to vector<16xi32>
      %select_n3A_98 = arith.select %ge3A_95, %add3A_73, %broadcast_in_dim3A_97 : vector<16xi1>, vector<16xi32>
      %ge3A_99 = vector.broadcast %squeeze3A_86 : f32 to vector<16xf32>
      %ge3A_100 = arith.cmpf oge, %add3A_64, %ge3A_99 : vector<16xf32>
      %jit3A_101 = arith.constant 64 : i32
      %broadcast_in_dim3A_102 = vector.broadcast %jit3A_101 : i32 to vector<16xi32>
      %select_n3A_103 = arith.select %ge3A_100, %add3A_76, %broadcast_in_dim3A_102 : vector<16xi1>, vector<16xi32>
      %min3A = arith.minsi %select_n3A, %select_n3A_93 : vector<16xi32>
      %min3A_104 = arith.minsi %select_n3A_98, %select_n3A_103 : vector<16xi32>
      %min3A_105 = arith.minsi %min3A, %min3A_104 : vector<16xi32>
      %neg3A = arith.constant 0 : i32
      %neg3A_106 = vector.broadcast %neg3A : i32 to vector<16xi32>
      %neg3A_107 = arith.subi %neg3A_106, %min3A_105 : vector<16xi32>
      %broadcast_in_dim3A_108 = arith.constant true
      %broadcast_in_dim3A_109 = vector.broadcast %broadcast_in_dim3A_108 : i1 to vector<16xi1>
      %masked_cummax3A_110 = arith.constant -2147483648 : i32
      %masked_cummax3A_111 = vector.broadcast %masked_cummax3A_110 : i32 to vector<16xi32>
      %masked_cummax3A_112 = arith.xori %neg3A_107, %masked_cummax3A_111 : vector<16xi32>
      %masked_cummax3A_113 = tpu.scan <max>, %masked_cummax3A_112 masked %broadcast_in_dim3A_109 : vector<16xi32>, vector<16xi1> -> vector<16xi32>
      %masked_cummax3A_114 = arith.xori %masked_cummax3A_113, %masked_cummax3A_111 : vector<16xi32>
      %slice3A_115 = vector.extract_strided_slice %masked_cummax3A_114 {offsets = [15], sizes = [1], strides = [1]} : vector<16xi32> to vector<1xi32>
      %squeeze3A_116 = vector.extract %slice3A_115[0] : i32 from vector<1xi32>
      %neg3A_117 = arith.constant 0 : i32
      %neg3A_118 = arith.subi %neg3A_117, %squeeze3A_116 : i32
      %eq3A_119 = arith.constant 0 : i32
      %eq3A_120 = vector.broadcast %eq3A_119 : i32 to vector<16xi32>
      %eq3A_121 = arith.cmpi eq, %iota3A, %eq3A_120 : vector<16xi32>
      %broadcast_in_dim3A_122 = vector.broadcast %neg3A_118 : i32 to vector<16xi32>
      %select_n3A_123 = arith.select %eq3A_121, %broadcast_in_dim3A_122, %broadcast_in_dim3A_78 : vector<16xi1>, vector<16xi32>
      %eq3A_124 = vector.broadcast %neg3A_118 : i32 to vector<16xi32>
      %eq3A_125 = arith.cmpi eq, %add3A_67, %eq3A_124 : vector<16xi32>
      %jit3A_126 = arith.constant -1.000000e+30 : f32
      %broadcast_in_dim3A_127 = vector.broadcast %jit3A_126 : f32 to vector<16xf32>
      %select_n3A_128 = arith.select %eq3A_125, %broadcast_in_dim3A_127, %add3A_49 : vector<16xi1>, vector<16xf32>
      %eq3A_129 = vector.broadcast %neg3A_118 : i32 to vector<16xi32>
      %eq3A_130 = arith.cmpi eq, %add3A_70, %eq3A_129 : vector<16xi32>
      %jit3A_131 = arith.constant -1.000000e+30 : f32
      %broadcast_in_dim3A_132 = vector.broadcast %jit3A_131 : f32 to vector<16xf32>
      %select_n3A_133 = arith.select %eq3A_130, %broadcast_in_dim3A_132, %add3A_54 : vector<16xi1>, vector<16xf32>
      %eq3A_134 = vector.broadcast %neg3A_118 : i32 to vector<16xi32>
      %eq3A_135 = arith.cmpi eq, %add3A_73, %eq3A_134 : vector<16xi32>
      %jit3A_136 = arith.constant -1.000000e+30 : f32
      %broadcast_in_dim3A_137 = vector.broadcast %jit3A_136 : f32 to vector<16xf32>
      %select_n3A_138 = arith.select %eq3A_135, %broadcast_in_dim3A_137, %add3A_59 : vector<16xi1>, vector<16xf32>
      %eq3A_139 = vector.broadcast %neg3A_118 : i32 to vector<16xi32>
      %eq3A_140 = arith.cmpi eq, %add3A_76, %eq3A_139 : vector<16xi32>
      %jit3A_141 = arith.constant -1.000000e+30 : f32
      %broadcast_in_dim3A_142 = vector.broadcast %jit3A_141 : f32 to vector<16xf32>
      %select_n3A_143 = arith.select %eq3A_140, %broadcast_in_dim3A_142, %add3A_64 : vector<16xi1>, vector<16xf32>
      %max3A_144 = arith.maximumf %select_n3A_128, %select_n3A_133 : vector<16xf32>
      %max3A_145 = arith.maximumf %select_n3A_138, %select_n3A_143 : vector<16xf32>
      %max3A_146 = arith.maximumf %max3A_144, %max3A_145 : vector<16xf32>
      %broadcast_in_dim3A_147 = arith.constant true
      %broadcast_in_dim3A_148 = vector.broadcast %broadcast_in_dim3A_147 : i1 to vector<16xi1>
      %masked_cummax3A_149 = tpu.scan <max>, %max3A_146 masked %broadcast_in_dim3A_148 : vector<16xf32>, vector<16xi1> -> vector<16xf32>
      %slice3A_150 = vector.extract_strided_slice %masked_cummax3A_149 {offsets = [15], sizes = [1], strides = [1]} : vector<16xf32> to vector<1xf32>
      %squeeze3A_151 = vector.extract %slice3A_150[0] : f32 from vector<1xf32>
      %ge3A_152 = vector.broadcast %squeeze3A_151 : f32 to vector<16xf32>
      %ge3A_153 = arith.cmpf oge, %select_n3A_128, %ge3A_152 : vector<16xf32>
      %jit3A_154 = arith.constant 64 : i32
      %broadcast_in_dim3A_155 = vector.broadcast %jit3A_154 : i32 to vector<16xi32>
      %select_n3A_156 = arith.select %ge3A_153, %add3A_67, %broadcast_in_dim3A_155 : vector<16xi1>, vector<16xi32>
      %ge3A_157 = vector.broadcast %squeeze3A_151 : f32 to vector<16xf32>
      %ge3A_158 = arith.cmpf oge, %select_n3A_133, %ge3A_157 : vector<16xf32>
      %jit3A_159 = arith.constant 64 : i32
      %broadcast_in_dim3A_160 = vector.broadcast %jit3A_159 : i32 to vector<16xi32>
      %select_n3A_161 = arith.select %ge3A_158, %add3A_70, %broadcast_in_dim3A_160 : vector<16xi1>, vector<16xi32>
      %ge3A_162 = vector.broadcast %squeeze3A_151 : f32 to vector<16xf32>
      %ge3A_163 = arith.cmpf oge, %select_n3A_138, %ge3A_162 : vector<16xf32>
      %jit3A_164 = arith.constant 64 : i32
      %broadcast_in_dim3A_165 = vector.broadcast %jit3A_164 : i32 to vector<16xi32>
      %select_n3A_166 = arith.select %ge3A_163, %add3A_73, %broadcast_in_dim3A_165 : vector<16xi1>, vector<16xi32>
      %ge3A_167 = vector.broadcast %squeeze3A_151 : f32 to vector<16xf32>
      %ge3A_168 = arith.cmpf oge, %select_n3A_143, %ge3A_167 : vector<16xf32>
      %jit3A_169 = arith.constant 64 : i32
      %broadcast_in_dim3A_170 = vector.broadcast %jit3A_169 : i32 to vector<16xi32>
      %select_n3A_171 = arith.select %ge3A_168, %add3A_76, %broadcast_in_dim3A_170 : vector<16xi1>, vector<16xi32>
      %min3A_172 = arith.minsi %select_n3A_156, %select_n3A_161 : vector<16xi32>
      %min3A_173 = arith.minsi %select_n3A_166, %select_n3A_171 : vector<16xi32>
      %min3A_174 = arith.minsi %min3A_172, %min3A_173 : vector<16xi32>
      %neg3A_175 = arith.constant 0 : i32
      %neg3A_176 = vector.broadcast %neg3A_175 : i32 to vector<16xi32>
      %neg3A_177 = arith.subi %neg3A_176, %min3A_174 : vector<16xi32>
      %broadcast_in_dim3A_178 = arith.constant true
      %broadcast_in_dim3A_179 = vector.broadcast %broadcast_in_dim3A_178 : i1 to vector<16xi1>
      %masked_cummax3A_180 = arith.constant -2147483648 : i32
      %masked_cummax3A_181 = vector.broadcast %masked_cummax3A_180 : i32 to vector<16xi32>
      %masked_cummax3A_182 = arith.xori %neg3A_177, %masked_cummax3A_181 : vector<16xi32>
      %masked_cummax3A_183 = tpu.scan <max>, %masked_cummax3A_182 masked %broadcast_in_dim3A_179 : vector<16xi32>, vector<16xi1> -> vector<16xi32>
      %masked_cummax3A_184 = arith.xori %masked_cummax3A_183, %masked_cummax3A_181 : vector<16xi32>
      %slice3A_185 = vector.extract_strided_slice %masked_cummax3A_184 {offsets = [15], sizes = [1], strides = [1]} : vector<16xi32> to vector<1xi32>
      %squeeze3A_186 = vector.extract %slice3A_185[0] : i32 from vector<1xi32>
      %neg3A_187 = arith.constant 0 : i32
      %neg3A_188 = arith.subi %neg3A_187, %squeeze3A_186 : i32
      %eq3A_189 = arith.constant 1 : i32
      %eq3A_190 = vector.broadcast %eq3A_189 : i32 to vector<16xi32>
      %eq3A_191 = arith.cmpi eq, %iota3A, %eq3A_190 : vector<16xi32>
      %broadcast_in_dim3A_192 = vector.broadcast %neg3A_188 : i32 to vector<16xi32>
      %select_n3A_193 = arith.select %eq3A_191, %broadcast_in_dim3A_192, %select_n3A_123 : vector<16xi1>, vector<16xi32>
      %eq3A_194 = vector.broadcast %neg3A_188 : i32 to vector<16xi32>
      %eq3A_195 = arith.cmpi eq, %add3A_67, %eq3A_194 : vector<16xi32>
      %jit3A_196 = arith.constant -1.000000e+30 : f32
      %broadcast_in_dim3A_197 = vector.broadcast %jit3A_196 : f32 to vector<16xf32>
      %select_n3A_198 = arith.select %eq3A_195, %broadcast_in_dim3A_197, %select_n3A_128 : vector<16xi1>, vector<16xf32>
      %eq3A_199 = vector.broadcast %neg3A_188 : i32 to vector<16xi32>
      %eq3A_200 = arith.cmpi eq, %add3A_70, %eq3A_199 : vector<16xi32>
      %jit3A_201 = arith.constant -1.000000e+30 : f32
      %broadcast_in_dim3A_202 = vector.broadcast %jit3A_201 : f32 to vector<16xf32>
      %select_n3A_203 = arith.select %eq3A_200, %broadcast_in_dim3A_202, %select_n3A_133 : vector<16xi1>, vector<16xf32>
      %eq3A_204 = vector.broadcast %neg3A_188 : i32 to vector<16xi32>
      %eq3A_205 = arith.cmpi eq, %add3A_73, %eq3A_204 : vector<16xi32>
      %jit3A_206 = arith.constant -1.000000e+30 : f32
      %broadcast_in_dim3A_207 = vector.broadcast %jit3A_206 : f32 to vector<16xf32>
      %select_n3A_208 = arith.select %eq3A_205, %broadcast_in_dim3A_207, %select_n3A_138 : vector<16xi1>, vector<16xf32>
      %eq3A_209 = vector.broadcast %neg3A_188 : i32 to vector<16xi32>
      %eq3A_210 = arith.cmpi eq, %add3A_76, %eq3A_209 : vector<16xi32>
      %jit3A_211 = arith.constant -1.000000e+30 : f32
      %broadcast_in_dim3A_212 = vector.broadcast %jit3A_211 : f32 to vector<16xf32>
      %select_n3A_213 = arith.select %eq3A_210, %broadcast_in_dim3A_212, %select_n3A_143 : vector<16xi1>, vector<16xf32>
      %max3A_214 = arith.maximumf %select_n3A_198, %select_n3A_203 : vector<16xf32>
      %max3A_215 = arith.maximumf %select_n3A_208, %select_n3A_213 : vector<16xf32>
      %max3A_216 = arith.maximumf %max3A_214, %max3A_215 : vector<16xf32>
      %broadcast_in_dim3A_217 = arith.constant true
      %broadcast_in_dim3A_218 = vector.broadcast %broadcast_in_dim3A_217 : i1 to vector<16xi1>
      %masked_cummax3A_219 = tpu.scan <max>, %max3A_216 masked %broadcast_in_dim3A_218 : vector<16xf32>, vector<16xi1> -> vector<16xf32>
      %slice3A_220 = vector.extract_strided_slice %masked_cummax3A_219 {offsets = [15], sizes = [1], strides = [1]} : vector<16xf32> to vector<1xf32>
      %squeeze3A_221 = vector.extract %slice3A_220[0] : f32 from vector<1xf32>
      %ge3A_222 = vector.broadcast %squeeze3A_221 : f32 to vector<16xf32>
      %ge3A_223 = arith.cmpf oge, %select_n3A_198, %ge3A_222 : vector<16xf32>
      %jit3A_224 = arith.constant 64 : i32
      %broadcast_in_dim3A_225 = vector.broadcast %jit3A_224 : i32 to vector<16xi32>
      %select_n3A_226 = arith.select %ge3A_223, %add3A_67, %broadcast_in_dim3A_225 : vector<16xi1>, vector<16xi32>
      %ge3A_227 = vector.broadcast %squeeze3A_221 : f32 to vector<16xf32>
      %ge3A_228 = arith.cmpf oge, %select_n3A_203, %ge3A_227 : vector<16xf32>
      %jit3A_229 = arith.constant 64 : i32
      %broadcast_in_dim3A_230 = vector.broadcast %jit3A_229 : i32 to vector<16xi32>
      %select_n3A_231 = arith.select %ge3A_228, %add3A_70, %broadcast_in_dim3A_230 : vector<16xi1>, vector<16xi32>
      %ge3A_232 = vector.broadcast %squeeze3A_221 : f32 to vector<16xf32>
      %ge3A_233 = arith.cmpf oge, %select_n3A_208, %ge3A_232 : vector<16xf32>
      %jit3A_234 = arith.constant 64 : i32
      %broadcast_in_dim3A_235 = vector.broadcast %jit3A_234 : i32 to vector<16xi32>
      %select_n3A_236 = arith.select %ge3A_233, %add3A_73, %broadcast_in_dim3A_235 : vector<16xi1>, vector<16xi32>
      %ge3A_237 = vector.broadcast %squeeze3A_221 : f32 to vector<16xf32>
      %ge3A_238 = arith.cmpf oge, %select_n3A_213, %ge3A_237 : vector<16xf32>
      %jit3A_239 = arith.constant 64 : i32
      %broadcast_in_dim3A_240 = vector.broadcast %jit3A_239 : i32 to vector<16xi32>
      %select_n3A_241 = arith.select %ge3A_238, %add3A_76, %broadcast_in_dim3A_240 : vector<16xi1>, vector<16xi32>
      %min3A_242 = arith.minsi %select_n3A_226, %select_n3A_231 : vector<16xi32>
      %min3A_243 = arith.minsi %select_n3A_236, %select_n3A_241 : vector<16xi32>
      %min3A_244 = arith.minsi %min3A_242, %min3A_243 : vector<16xi32>
      %neg3A_245 = arith.constant 0 : i32
      %neg3A_246 = vector.broadcast %neg3A_245 : i32 to vector<16xi32>
      %neg3A_247 = arith.subi %neg3A_246, %min3A_244 : vector<16xi32>
      %broadcast_in_dim3A_248 = arith.constant true
      %broadcast_in_dim3A_249 = vector.broadcast %broadcast_in_dim3A_248 : i1 to vector<16xi1>
      %masked_cummax3A_250 = arith.constant -2147483648 : i32
      %masked_cummax3A_251 = vector.broadcast %masked_cummax3A_250 : i32 to vector<16xi32>
      %masked_cummax3A_252 = arith.xori %neg3A_247, %masked_cummax3A_251 : vector<16xi32>
      %masked_cummax3A_253 = tpu.scan <max>, %masked_cummax3A_252 masked %broadcast_in_dim3A_249 : vector<16xi32>, vector<16xi1> -> vector<16xi32>
      %masked_cummax3A_254 = arith.xori %masked_cummax3A_253, %masked_cummax3A_251 : vector<16xi32>
      %slice3A_255 = vector.extract_strided_slice %masked_cummax3A_254 {offsets = [15], sizes = [1], strides = [1]} : vector<16xi32> to vector<1xi32>
      %squeeze3A_256 = vector.extract %slice3A_255[0] : i32 from vector<1xi32>
      %neg3A_257 = arith.constant 0 : i32
      %neg3A_258 = arith.subi %neg3A_257, %squeeze3A_256 : i32
      %eq3A_259 = arith.constant 2 : i32
      %eq3A_260 = vector.broadcast %eq3A_259 : i32 to vector<16xi32>
      %eq3A_261 = arith.cmpi eq, %iota3A, %eq3A_260 : vector<16xi32>
      %broadcast_in_dim3A_262 = vector.broadcast %neg3A_258 : i32 to vector<16xi32>
      %select_n3A_263 = arith.select %eq3A_261, %broadcast_in_dim3A_262, %select_n3A_193 : vector<16xi1>, vector<16xi32>
      %eq3A_264 = vector.broadcast %neg3A_258 : i32 to vector<16xi32>
      %eq3A_265 = arith.cmpi eq, %add3A_67, %eq3A_264 : vector<16xi32>
      %jit3A_266 = arith.constant -1.000000e+30 : f32
      %broadcast_in_dim3A_267 = vector.broadcast %jit3A_266 : f32 to vector<16xf32>
      %select_n3A_268 = arith.select %eq3A_265, %broadcast_in_dim3A_267, %select_n3A_198 : vector<16xi1>, vector<16xf32>
      %eq3A_269 = vector.broadcast %neg3A_258 : i32 to vector<16xi32>
      %eq3A_270 = arith.cmpi eq, %add3A_70, %eq3A_269 : vector<16xi32>
      %jit3A_271 = arith.constant -1.000000e+30 : f32
      %broadcast_in_dim3A_272 = vector.broadcast %jit3A_271 : f32 to vector<16xf32>
      %select_n3A_273 = arith.select %eq3A_270, %broadcast_in_dim3A_272, %select_n3A_203 : vector<16xi1>, vector<16xf32>
      %eq3A_274 = vector.broadcast %neg3A_258 : i32 to vector<16xi32>
      %eq3A_275 = arith.cmpi eq, %add3A_73, %eq3A_274 : vector<16xi32>
      %jit3A_276 = arith.constant -1.000000e+30 : f32
      %broadcast_in_dim3A_277 = vector.broadcast %jit3A_276 : f32 to vector<16xf32>
      %select_n3A_278 = arith.select %eq3A_275, %broadcast_in_dim3A_277, %select_n3A_208 : vector<16xi1>, vector<16xf32>
      %eq3A_279 = vector.broadcast %neg3A_258 : i32 to vector<16xi32>
      %eq3A_280 = arith.cmpi eq, %add3A_76, %eq3A_279 : vector<16xi32>
      %jit3A_281 = arith.constant -1.000000e+30 : f32
      %broadcast_in_dim3A_282 = vector.broadcast %jit3A_281 : f32 to vector<16xf32>
      %select_n3A_283 = arith.select %eq3A_280, %broadcast_in_dim3A_282, %select_n3A_213 : vector<16xi1>, vector<16xf32>
      %max3A_284 = arith.maximumf %select_n3A_268, %select_n3A_273 : vector<16xf32>
      %max3A_285 = arith.maximumf %select_n3A_278, %select_n3A_283 : vector<16xf32>
      %max3A_286 = arith.maximumf %max3A_284, %max3A_285 : vector<16xf32>
      %broadcast_in_dim3A_287 = arith.constant true
      %broadcast_in_dim3A_288 = vector.broadcast %broadcast_in_dim3A_287 : i1 to vector<16xi1>
      %masked_cummax3A_289 = tpu.scan <max>, %max3A_286 masked %broadcast_in_dim3A_288 : vector<16xf32>, vector<16xi1> -> vector<16xf32>
      %slice3A_290 = vector.extract_strided_slice %masked_cummax3A_289 {offsets = [15], sizes = [1], strides = [1]} : vector<16xf32> to vector<1xf32>
      %squeeze3A_291 = vector.extract %slice3A_290[0] : f32 from vector<1xf32>
      %ge3A_292 = vector.broadcast %squeeze3A_291 : f32 to vector<16xf32>
      %ge3A_293 = arith.cmpf oge, %select_n3A_268, %ge3A_292 : vector<16xf32>
      %jit3A_294 = arith.constant 64 : i32
      %broadcast_in_dim3A_295 = vector.broadcast %jit3A_294 : i32 to vector<16xi32>
      %select_n3A_296 = arith.select %ge3A_293, %add3A_67, %broadcast_in_dim3A_295 : vector<16xi1>, vector<16xi32>
      %ge3A_297 = vector.broadcast %squeeze3A_291 : f32 to vector<16xf32>
      %ge3A_298 = arith.cmpf oge, %select_n3A_273, %ge3A_297 : vector<16xf32>
      %jit3A_299 = arith.constant 64 : i32
      %broadcast_in_dim3A_300 = vector.broadcast %jit3A_299 : i32 to vector<16xi32>
      %select_n3A_301 = arith.select %ge3A_298, %add3A_70, %broadcast_in_dim3A_300 : vector<16xi1>, vector<16xi32>
      %ge3A_302 = vector.broadcast %squeeze3A_291 : f32 to vector<16xf32>
      %ge3A_303 = arith.cmpf oge, %select_n3A_278, %ge3A_302 : vector<16xf32>
      %jit3A_304 = arith.constant 64 : i32
      %broadcast_in_dim3A_305 = vector.broadcast %jit3A_304 : i32 to vector<16xi32>
      %select_n3A_306 = arith.select %ge3A_303, %add3A_73, %broadcast_in_dim3A_305 : vector<16xi1>, vector<16xi32>
      %ge3A_307 = vector.broadcast %squeeze3A_291 : f32 to vector<16xf32>
      %ge3A_308 = arith.cmpf oge, %select_n3A_283, %ge3A_307 : vector<16xf32>
      %jit3A_309 = arith.constant 64 : i32
      %broadcast_in_dim3A_310 = vector.broadcast %jit3A_309 : i32 to vector<16xi32>
      %select_n3A_311 = arith.select %ge3A_308, %add3A_76, %broadcast_in_dim3A_310 : vector<16xi1>, vector<16xi32>
      %min3A_312 = arith.minsi %select_n3A_296, %select_n3A_301 : vector<16xi32>
      %min3A_313 = arith.minsi %select_n3A_306, %select_n3A_311 : vector<16xi32>
      %min3A_314 = arith.minsi %min3A_312, %min3A_313 : vector<16xi32>
      %neg3A_315 = arith.constant 0 : i32
      %neg3A_316 = vector.broadcast %neg3A_315 : i32 to vector<16xi32>
      %neg3A_317 = arith.subi %neg3A_316, %min3A_314 : vector<16xi32>
      %broadcast_in_dim3A_318 = arith.constant true
      %broadcast_in_dim3A_319 = vector.broadcast %broadcast_in_dim3A_318 : i1 to vector<16xi1>
      %masked_cummax3A_320 = arith.constant -2147483648 : i32
      %masked_cummax3A_321 = vector.broadcast %masked_cummax3A_320 : i32 to vector<16xi32>
      %masked_cummax3A_322 = arith.xori %neg3A_317, %masked_cummax3A_321 : vector<16xi32>
      %masked_cummax3A_323 = tpu.scan <max>, %masked_cummax3A_322 masked %broadcast_in_dim3A_319 : vector<16xi32>, vector<16xi1> -> vector<16xi32>
      %masked_cummax3A_324 = arith.xori %masked_cummax3A_323, %masked_cummax3A_321 : vector<16xi32>
      %slice3A_325 = vector.extract_strided_slice %masked_cummax3A_324 {offsets = [15], sizes = [1], strides = [1]} : vector<16xi32> to vector<1xi32>
      %squeeze3A_326 = vector.extract %slice3A_325[0] : i32 from vector<1xi32>
      %neg3A_327 = arith.constant 0 : i32
      %neg3A_328 = arith.subi %neg3A_327, %squeeze3A_326 : i32
      %eq3A_329 = arith.constant 3 : i32
      %eq3A_330 = vector.broadcast %eq3A_329 : i32 to vector<16xi32>
      %eq3A_331 = arith.cmpi eq, %iota3A, %eq3A_330 : vector<16xi32>
      %broadcast_in_dim3A_332 = vector.broadcast %neg3A_328 : i32 to vector<16xi32>
      %select_n3A_333 = arith.select %eq3A_331, %broadcast_in_dim3A_332, %select_n3A_263 : vector<16xi1>, vector<16xi32>
      %eq3A_334 = vector.broadcast %neg3A_328 : i32 to vector<16xi32>
      %eq3A_335 = arith.cmpi eq, %add3A_67, %eq3A_334 : vector<16xi32>
      %jit3A_336 = arith.constant -1.000000e+30 : f32
      %broadcast_in_dim3A_337 = vector.broadcast %jit3A_336 : f32 to vector<16xf32>
      %select_n3A_338 = arith.select %eq3A_335, %broadcast_in_dim3A_337, %select_n3A_268 : vector<16xi1>, vector<16xf32>
      %eq3A_339 = vector.broadcast %neg3A_328 : i32 to vector<16xi32>
      %eq3A_340 = arith.cmpi eq, %add3A_70, %eq3A_339 : vector<16xi32>
      %jit3A_341 = arith.constant -1.000000e+30 : f32
      %broadcast_in_dim3A_342 = vector.broadcast %jit3A_341 : f32 to vector<16xf32>
      %select_n3A_343 = arith.select %eq3A_340, %broadcast_in_dim3A_342, %select_n3A_273 : vector<16xi1>, vector<16xf32>
      %eq3A_344 = vector.broadcast %neg3A_328 : i32 to vector<16xi32>
      %eq3A_345 = arith.cmpi eq, %add3A_73, %eq3A_344 : vector<16xi32>
      %jit3A_346 = arith.constant -1.000000e+30 : f32
      %broadcast_in_dim3A_347 = vector.broadcast %jit3A_346 : f32 to vector<16xf32>
      %select_n3A_348 = arith.select %eq3A_345, %broadcast_in_dim3A_347, %select_n3A_278 : vector<16xi1>, vector<16xf32>
      %eq3A_349 = vector.broadcast %neg3A_328 : i32 to vector<16xi32>
      %eq3A_350 = arith.cmpi eq, %add3A_76, %eq3A_349 : vector<16xi32>
      %jit3A_351 = arith.constant -1.000000e+30 : f32
      %broadcast_in_dim3A_352 = vector.broadcast %jit3A_351 : f32 to vector<16xf32>
      %select_n3A_353 = arith.select %eq3A_350, %broadcast_in_dim3A_352, %select_n3A_283 : vector<16xi1>, vector<16xf32>
      %max3A_354 = arith.maximumf %select_n3A_338, %select_n3A_343 : vector<16xf32>
      %max3A_355 = arith.maximumf %select_n3A_348, %select_n3A_353 : vector<16xf32>
      %max3A_356 = arith.maximumf %max3A_354, %max3A_355 : vector<16xf32>
      %broadcast_in_dim3A_357 = arith.constant true
      %broadcast_in_dim3A_358 = vector.broadcast %broadcast_in_dim3A_357 : i1 to vector<16xi1>
      %masked_cummax3A_359 = tpu.scan <max>, %max3A_356 masked %broadcast_in_dim3A_358 : vector<16xf32>, vector<16xi1> -> vector<16xf32>
      %slice3A_360 = vector.extract_strided_slice %masked_cummax3A_359 {offsets = [15], sizes = [1], strides = [1]} : vector<16xf32> to vector<1xf32>
      %squeeze3A_361 = vector.extract %slice3A_360[0] : f32 from vector<1xf32>
      %ge3A_362 = vector.broadcast %squeeze3A_361 : f32 to vector<16xf32>
      %ge3A_363 = arith.cmpf oge, %select_n3A_338, %ge3A_362 : vector<16xf32>
      %jit3A_364 = arith.constant 64 : i32
      %broadcast_in_dim3A_365 = vector.broadcast %jit3A_364 : i32 to vector<16xi32>
      %select_n3A_366 = arith.select %ge3A_363, %add3A_67, %broadcast_in_dim3A_365 : vector<16xi1>, vector<16xi32>
      %ge3A_367 = vector.broadcast %squeeze3A_361 : f32 to vector<16xf32>
      %ge3A_368 = arith.cmpf oge, %select_n3A_343, %ge3A_367 : vector<16xf32>
      %jit3A_369 = arith.constant 64 : i32
      %broadcast_in_dim3A_370 = vector.broadcast %jit3A_369 : i32 to vector<16xi32>
      %select_n3A_371 = arith.select %ge3A_368, %add3A_70, %broadcast_in_dim3A_370 : vector<16xi1>, vector<16xi32>
      %ge3A_372 = vector.broadcast %squeeze3A_361 : f32 to vector<16xf32>
      %ge3A_373 = arith.cmpf oge, %select_n3A_348, %ge3A_372 : vector<16xf32>
      %jit3A_374 = arith.constant 64 : i32
      %broadcast_in_dim3A_375 = vector.broadcast %jit3A_374 : i32 to vector<16xi32>
      %select_n3A_376 = arith.select %ge3A_373, %add3A_73, %broadcast_in_dim3A_375 : vector<16xi1>, vector<16xi32>
      %ge3A_377 = vector.broadcast %squeeze3A_361 : f32 to vector<16xf32>
      %ge3A_378 = arith.cmpf oge, %select_n3A_353, %ge3A_377 : vector<16xf32>
      %jit3A_379 = arith.constant 64 : i32
      %broadcast_in_dim3A_380 = vector.broadcast %jit3A_379 : i32 to vector<16xi32>
      %select_n3A_381 = arith.select %ge3A_378, %add3A_76, %broadcast_in_dim3A_380 : vector<16xi1>, vector<16xi32>
      %min3A_382 = arith.minsi %select_n3A_366, %select_n3A_371 : vector<16xi32>
      %min3A_383 = arith.minsi %select_n3A_376, %select_n3A_381 : vector<16xi32>
      %min3A_384 = arith.minsi %min3A_382, %min3A_383 : vector<16xi32>
      %neg3A_385 = arith.constant 0 : i32
      %neg3A_386 = vector.broadcast %neg3A_385 : i32 to vector<16xi32>
      %neg3A_387 = arith.subi %neg3A_386, %min3A_384 : vector<16xi32>
      %broadcast_in_dim3A_388 = arith.constant true
      %broadcast_in_dim3A_389 = vector.broadcast %broadcast_in_dim3A_388 : i1 to vector<16xi1>
      %masked_cummax3A_390 = arith.constant -2147483648 : i32
      %masked_cummax3A_391 = vector.broadcast %masked_cummax3A_390 : i32 to vector<16xi32>
      %masked_cummax3A_392 = arith.xori %neg3A_387, %masked_cummax3A_391 : vector<16xi32>
      %masked_cummax3A_393 = tpu.scan <max>, %masked_cummax3A_392 masked %broadcast_in_dim3A_389 : vector<16xi32>, vector<16xi1> -> vector<16xi32>
      %masked_cummax3A_394 = arith.xori %masked_cummax3A_393, %masked_cummax3A_391 : vector<16xi32>
      %slice3A_395 = vector.extract_strided_slice %masked_cummax3A_394 {offsets = [15], sizes = [1], strides = [1]} : vector<16xi32> to vector<1xi32>
      %squeeze3A_396 = vector.extract %slice3A_395[0] : i32 from vector<1xi32>
      %neg3A_397 = arith.constant 0 : i32
      %neg3A_398 = arith.subi %neg3A_397, %squeeze3A_396 : i32
      %eq3A_399 = arith.constant 4 : i32
      %eq3A_400 = vector.broadcast %eq3A_399 : i32 to vector<16xi32>
      %eq3A_401 = arith.cmpi eq, %iota3A, %eq3A_400 : vector<16xi32>
      %broadcast_in_dim3A_402 = vector.broadcast %neg3A_398 : i32 to vector<16xi32>
      %select_n3A_403 = arith.select %eq3A_401, %broadcast_in_dim3A_402, %select_n3A_333 : vector<16xi1>, vector<16xi32>
      %eq3A_404 = vector.broadcast %neg3A_398 : i32 to vector<16xi32>
      %eq3A_405 = arith.cmpi eq, %add3A_67, %eq3A_404 : vector<16xi32>
      %jit3A_406 = arith.constant -1.000000e+30 : f32
      %broadcast_in_dim3A_407 = vector.broadcast %jit3A_406 : f32 to vector<16xf32>
      %select_n3A_408 = arith.select %eq3A_405, %broadcast_in_dim3A_407, %select_n3A_338 : vector<16xi1>, vector<16xf32>
      %eq3A_409 = vector.broadcast %neg3A_398 : i32 to vector<16xi32>
      %eq3A_410 = arith.cmpi eq, %add3A_70, %eq3A_409 : vector<16xi32>
      %jit3A_411 = arith.constant -1.000000e+30 : f32
      %broadcast_in_dim3A_412 = vector.broadcast %jit3A_411 : f32 to vector<16xf32>
      %select_n3A_413 = arith.select %eq3A_410, %broadcast_in_dim3A_412, %select_n3A_343 : vector<16xi1>, vector<16xf32>
      %eq3A_414 = vector.broadcast %neg3A_398 : i32 to vector<16xi32>
      %eq3A_415 = arith.cmpi eq, %add3A_73, %eq3A_414 : vector<16xi32>
      %jit3A_416 = arith.constant -1.000000e+30 : f32
      %broadcast_in_dim3A_417 = vector.broadcast %jit3A_416 : f32 to vector<16xf32>
      %select_n3A_418 = arith.select %eq3A_415, %broadcast_in_dim3A_417, %select_n3A_348 : vector<16xi1>, vector<16xf32>
      %eq3A_419 = vector.broadcast %neg3A_398 : i32 to vector<16xi32>
      %eq3A_420 = arith.cmpi eq, %add3A_76, %eq3A_419 : vector<16xi32>
      %jit3A_421 = arith.constant -1.000000e+30 : f32
      %broadcast_in_dim3A_422 = vector.broadcast %jit3A_421 : f32 to vector<16xf32>
      %select_n3A_423 = arith.select %eq3A_420, %broadcast_in_dim3A_422, %select_n3A_353 : vector<16xi1>, vector<16xf32>
      %max3A_424 = arith.maximumf %select_n3A_408, %select_n3A_413 : vector<16xf32>
      %max3A_425 = arith.maximumf %select_n3A_418, %select_n3A_423 : vector<16xf32>
      %max3A_426 = arith.maximumf %max3A_424, %max3A_425 : vector<16xf32>
      %broadcast_in_dim3A_427 = arith.constant true
      %broadcast_in_dim3A_428 = vector.broadcast %broadcast_in_dim3A_427 : i1 to vector<16xi1>
      %masked_cummax3A_429 = tpu.scan <max>, %max3A_426 masked %broadcast_in_dim3A_428 : vector<16xf32>, vector<16xi1> -> vector<16xf32>
      %slice3A_430 = vector.extract_strided_slice %masked_cummax3A_429 {offsets = [15], sizes = [1], strides = [1]} : vector<16xf32> to vector<1xf32>
      %squeeze3A_431 = vector.extract %slice3A_430[0] : f32 from vector<1xf32>
      %ge3A_432 = vector.broadcast %squeeze3A_431 : f32 to vector<16xf32>
      %ge3A_433 = arith.cmpf oge, %select_n3A_408, %ge3A_432 : vector<16xf32>
      %jit3A_434 = arith.constant 64 : i32
      %broadcast_in_dim3A_435 = vector.broadcast %jit3A_434 : i32 to vector<16xi32>
      %select_n3A_436 = arith.select %ge3A_433, %add3A_67, %broadcast_in_dim3A_435 : vector<16xi1>, vector<16xi32>
      %ge3A_437 = vector.broadcast %squeeze3A_431 : f32 to vector<16xf32>
      %ge3A_438 = arith.cmpf oge, %select_n3A_413, %ge3A_437 : vector<16xf32>
      %jit3A_439 = arith.constant 64 : i32
      %broadcast_in_dim3A_440 = vector.broadcast %jit3A_439 : i32 to vector<16xi32>
      %select_n3A_441 = arith.select %ge3A_438, %add3A_70, %broadcast_in_dim3A_440 : vector<16xi1>, vector<16xi32>
      %ge3A_442 = vector.broadcast %squeeze3A_431 : f32 to vector<16xf32>
      %ge3A_443 = arith.cmpf oge, %select_n3A_418, %ge3A_442 : vector<16xf32>
      %jit3A_444 = arith.constant 64 : i32
      %broadcast_in_dim3A_445 = vector.broadcast %jit3A_444 : i32 to vector<16xi32>
      %select_n3A_446 = arith.select %ge3A_443, %add3A_73, %broadcast_in_dim3A_445 : vector<16xi1>, vector<16xi32>
      %ge3A_447 = vector.broadcast %squeeze3A_431 : f32 to vector<16xf32>
      %ge3A_448 = arith.cmpf oge, %select_n3A_423, %ge3A_447 : vector<16xf32>
      %jit3A_449 = arith.constant 64 : i32
      %broadcast_in_dim3A_450 = vector.broadcast %jit3A_449 : i32 to vector<16xi32>
      %select_n3A_451 = arith.select %ge3A_448, %add3A_76, %broadcast_in_dim3A_450 : vector<16xi1>, vector<16xi32>
      %min3A_452 = arith.minsi %select_n3A_436, %select_n3A_441 : vector<16xi32>
      %min3A_453 = arith.minsi %select_n3A_446, %select_n3A_451 : vector<16xi32>
      %min3A_454 = arith.minsi %min3A_452, %min3A_453 : vector<16xi32>
      %neg3A_455 = arith.constant 0 : i32
      %neg3A_456 = vector.broadcast %neg3A_455 : i32 to vector<16xi32>
      %neg3A_457 = arith.subi %neg3A_456, %min3A_454 : vector<16xi32>
      %broadcast_in_dim3A_458 = arith.constant true
      %broadcast_in_dim3A_459 = vector.broadcast %broadcast_in_dim3A_458 : i1 to vector<16xi1>
      %masked_cummax3A_460 = arith.constant -2147483648 : i32
      %masked_cummax3A_461 = vector.broadcast %masked_cummax3A_460 : i32 to vector<16xi32>
      %masked_cummax3A_462 = arith.xori %neg3A_457, %masked_cummax3A_461 : vector<16xi32>
      %masked_cummax3A_463 = tpu.scan <max>, %masked_cummax3A_462 masked %broadcast_in_dim3A_459 : vector<16xi32>, vector<16xi1> -> vector<16xi32>
      %masked_cummax3A_464 = arith.xori %masked_cummax3A_463, %masked_cummax3A_461 : vector<16xi32>
      %slice3A_465 = vector.extract_strided_slice %masked_cummax3A_464 {offsets = [15], sizes = [1], strides = [1]} : vector<16xi32> to vector<1xi32>
      %squeeze3A_466 = vector.extract %slice3A_465[0] : i32 from vector<1xi32>
      %neg3A_467 = arith.constant 0 : i32
      %neg3A_468 = arith.subi %neg3A_467, %squeeze3A_466 : i32
      %eq3A_469 = arith.constant 5 : i32
      %eq3A_470 = vector.broadcast %eq3A_469 : i32 to vector<16xi32>
      %eq3A_471 = arith.cmpi eq, %iota3A, %eq3A_470 : vector<16xi32>
      %broadcast_in_dim3A_472 = vector.broadcast %neg3A_468 : i32 to vector<16xi32>
      %select_n3A_473 = arith.select %eq3A_471, %broadcast_in_dim3A_472, %select_n3A_403 : vector<16xi1>, vector<16xi32>
      %eq3A_474 = vector.broadcast %neg3A_468 : i32 to vector<16xi32>
      %eq3A_475 = arith.cmpi eq, %add3A_67, %eq3A_474 : vector<16xi32>
      %jit3A_476 = arith.constant -1.000000e+30 : f32
      %broadcast_in_dim3A_477 = vector.broadcast %jit3A_476 : f32 to vector<16xf32>
      %select_n3A_478 = arith.select %eq3A_475, %broadcast_in_dim3A_477, %select_n3A_408 : vector<16xi1>, vector<16xf32>
      %eq3A_479 = vector.broadcast %neg3A_468 : i32 to vector<16xi32>
      %eq3A_480 = arith.cmpi eq, %add3A_70, %eq3A_479 : vector<16xi32>
      %jit3A_481 = arith.constant -1.000000e+30 : f32
      %broadcast_in_dim3A_482 = vector.broadcast %jit3A_481 : f32 to vector<16xf32>
      %select_n3A_483 = arith.select %eq3A_480, %broadcast_in_dim3A_482, %select_n3A_413 : vector<16xi1>, vector<16xf32>
      %eq3A_484 = vector.broadcast %neg3A_468 : i32 to vector<16xi32>
      %eq3A_485 = arith.cmpi eq, %add3A_73, %eq3A_484 : vector<16xi32>
      %jit3A_486 = arith.constant -1.000000e+30 : f32
      %broadcast_in_dim3A_487 = vector.broadcast %jit3A_486 : f32 to vector<16xf32>
      %select_n3A_488 = arith.select %eq3A_485, %broadcast_in_dim3A_487, %select_n3A_418 : vector<16xi1>, vector<16xf32>
      %eq3A_489 = vector.broadcast %neg3A_468 : i32 to vector<16xi32>
      %eq3A_490 = arith.cmpi eq, %add3A_76, %eq3A_489 : vector<16xi32>
      %jit3A_491 = arith.constant -1.000000e+30 : f32
      %broadcast_in_dim3A_492 = vector.broadcast %jit3A_491 : f32 to vector<16xf32>
      %select_n3A_493 = arith.select %eq3A_490, %broadcast_in_dim3A_492, %select_n3A_423 : vector<16xi1>, vector<16xf32>
      %max3A_494 = arith.maximumf %select_n3A_478, %select_n3A_483 : vector<16xf32>
      %max3A_495 = arith.maximumf %select_n3A_488, %select_n3A_493 : vector<16xf32>
      %max3A_496 = arith.maximumf %max3A_494, %max3A_495 : vector<16xf32>
      %broadcast_in_dim3A_497 = arith.constant true
      %broadcast_in_dim3A_498 = vector.broadcast %broadcast_in_dim3A_497 : i1 to vector<16xi1>
      %masked_cummax3A_499 = tpu.scan <max>, %max3A_496 masked %broadcast_in_dim3A_498 : vector<16xf32>, vector<16xi1> -> vector<16xf32>
      %slice3A_500 = vector.extract_strided_slice %masked_cummax3A_499 {offsets = [15], sizes = [1], strides = [1]} : vector<16xf32> to vector<1xf32>
      %squeeze3A_501 = vector.extract %slice3A_500[0] : f32 from vector<1xf32>
      %ge3A_502 = vector.broadcast %squeeze3A_501 : f32 to vector<16xf32>
      %ge3A_503 = arith.cmpf oge, %select_n3A_478, %ge3A_502 : vector<16xf32>
      %jit3A_504 = arith.constant 64 : i32
      %broadcast_in_dim3A_505 = vector.broadcast %jit3A_504 : i32 to vector<16xi32>
      %select_n3A_506 = arith.select %ge3A_503, %add3A_67, %broadcast_in_dim3A_505 : vector<16xi1>, vector<16xi32>
      %ge3A_507 = vector.broadcast %squeeze3A_501 : f32 to vector<16xf32>
      %ge3A_508 = arith.cmpf oge, %select_n3A_483, %ge3A_507 : vector<16xf32>
      %jit3A_509 = arith.constant 64 : i32
      %broadcast_in_dim3A_510 = vector.broadcast %jit3A_509 : i32 to vector<16xi32>
      %select_n3A_511 = arith.select %ge3A_508, %add3A_70, %broadcast_in_dim3A_510 : vector<16xi1>, vector<16xi32>
      %ge3A_512 = vector.broadcast %squeeze3A_501 : f32 to vector<16xf32>
      %ge3A_513 = arith.cmpf oge, %select_n3A_488, %ge3A_512 : vector<16xf32>
      %jit3A_514 = arith.constant 64 : i32
      %broadcast_in_dim3A_515 = vector.broadcast %jit3A_514 : i32 to vector<16xi32>
      %select_n3A_516 = arith.select %ge3A_513, %add3A_73, %broadcast_in_dim3A_515 : vector<16xi1>, vector<16xi32>
      %ge3A_517 = vector.broadcast %squeeze3A_501 : f32 to vector<16xf32>
      %ge3A_518 = arith.cmpf oge, %select_n3A_493, %ge3A_517 : vector<16xf32>
      %jit3A_519 = arith.constant 64 : i32
      %broadcast_in_dim3A_520 = vector.broadcast %jit3A_519 : i32 to vector<16xi32>
      %select_n3A_521 = arith.select %ge3A_518, %add3A_76, %broadcast_in_dim3A_520 : vector<16xi1>, vector<16xi32>
      %min3A_522 = arith.minsi %select_n3A_506, %select_n3A_511 : vector<16xi32>
      %min3A_523 = arith.minsi %select_n3A_516, %select_n3A_521 : vector<16xi32>
      %min3A_524 = arith.minsi %min3A_522, %min3A_523 : vector<16xi32>
      %neg3A_525 = arith.constant 0 : i32
      %neg3A_526 = vector.broadcast %neg3A_525 : i32 to vector<16xi32>
      %neg3A_527 = arith.subi %neg3A_526, %min3A_524 : vector<16xi32>
      %broadcast_in_dim3A_528 = arith.constant true
      %broadcast_in_dim3A_529 = vector.broadcast %broadcast_in_dim3A_528 : i1 to vector<16xi1>
      %masked_cummax3A_530 = arith.constant -2147483648 : i32
      %masked_cummax3A_531 = vector.broadcast %masked_cummax3A_530 : i32 to vector<16xi32>
      %masked_cummax3A_532 = arith.xori %neg3A_527, %masked_cummax3A_531 : vector<16xi32>
      %masked_cummax3A_533 = tpu.scan <max>, %masked_cummax3A_532 masked %broadcast_in_dim3A_529 : vector<16xi32>, vector<16xi1> -> vector<16xi32>
      %masked_cummax3A_534 = arith.xori %masked_cummax3A_533, %masked_cummax3A_531 : vector<16xi32>
      %slice3A_535 = vector.extract_strided_slice %masked_cummax3A_534 {offsets = [15], sizes = [1], strides = [1]} : vector<16xi32> to vector<1xi32>
      %squeeze3A_536 = vector.extract %slice3A_535[0] : i32 from vector<1xi32>
      %neg3A_537 = arith.constant 0 : i32
      %neg3A_538 = arith.subi %neg3A_537, %squeeze3A_536 : i32
      %eq3A_539 = arith.constant 6 : i32
      %eq3A_540 = vector.broadcast %eq3A_539 : i32 to vector<16xi32>
      %eq3A_541 = arith.cmpi eq, %iota3A, %eq3A_540 : vector<16xi32>
      %broadcast_in_dim3A_542 = vector.broadcast %neg3A_538 : i32 to vector<16xi32>
      %select_n3A_543 = arith.select %eq3A_541, %broadcast_in_dim3A_542, %select_n3A_473 : vector<16xi1>, vector<16xi32>
      %eq3A_544 = vector.broadcast %neg3A_538 : i32 to vector<16xi32>
      %eq3A_545 = arith.cmpi eq, %add3A_67, %eq3A_544 : vector<16xi32>
      %jit3A_546 = arith.constant -1.000000e+30 : f32
      %broadcast_in_dim3A_547 = vector.broadcast %jit3A_546 : f32 to vector<16xf32>
      %select_n3A_548 = arith.select %eq3A_545, %broadcast_in_dim3A_547, %select_n3A_478 : vector<16xi1>, vector<16xf32>
      %eq3A_549 = vector.broadcast %neg3A_538 : i32 to vector<16xi32>
      %eq3A_550 = arith.cmpi eq, %add3A_70, %eq3A_549 : vector<16xi32>
      %jit3A_551 = arith.constant -1.000000e+30 : f32
      %broadcast_in_dim3A_552 = vector.broadcast %jit3A_551 : f32 to vector<16xf32>
      %select_n3A_553 = arith.select %eq3A_550, %broadcast_in_dim3A_552, %select_n3A_483 : vector<16xi1>, vector<16xf32>
      %eq3A_554 = vector.broadcast %neg3A_538 : i32 to vector<16xi32>
      %eq3A_555 = arith.cmpi eq, %add3A_73, %eq3A_554 : vector<16xi32>
      %jit3A_556 = arith.constant -1.000000e+30 : f32
      %broadcast_in_dim3A_557 = vector.broadcast %jit3A_556 : f32 to vector<16xf32>
      %select_n3A_558 = arith.select %eq3A_555, %broadcast_in_dim3A_557, %select_n3A_488 : vector<16xi1>, vector<16xf32>
      %eq3A_559 = vector.broadcast %neg3A_538 : i32 to vector<16xi32>
      %eq3A_560 = arith.cmpi eq, %add3A_76, %eq3A_559 : vector<16xi32>
      %jit3A_561 = arith.constant -1.000000e+30 : f32
      %broadcast_in_dim3A_562 = vector.broadcast %jit3A_561 : f32 to vector<16xf32>
      %select_n3A_563 = arith.select %eq3A_560, %broadcast_in_dim3A_562, %select_n3A_493 : vector<16xi1>, vector<16xf32>
      %max3A_564 = arith.maximumf %select_n3A_548, %select_n3A_553 : vector<16xf32>
      %max3A_565 = arith.maximumf %select_n3A_558, %select_n3A_563 : vector<16xf32>
      %max3A_566 = arith.maximumf %max3A_564, %max3A_565 : vector<16xf32>
      %broadcast_in_dim3A_567 = arith.constant true
      %broadcast_in_dim3A_568 = vector.broadcast %broadcast_in_dim3A_567 : i1 to vector<16xi1>
      %masked_cummax3A_569 = tpu.scan <max>, %max3A_566 masked %broadcast_in_dim3A_568 : vector<16xf32>, vector<16xi1> -> vector<16xf32>
      %slice3A_570 = vector.extract_strided_slice %masked_cummax3A_569 {offsets = [15], sizes = [1], strides = [1]} : vector<16xf32> to vector<1xf32>
      %squeeze3A_571 = vector.extract %slice3A_570[0] : f32 from vector<1xf32>
      %ge3A_572 = vector.broadcast %squeeze3A_571 : f32 to vector<16xf32>
      %ge3A_573 = arith.cmpf oge, %select_n3A_548, %ge3A_572 : vector<16xf32>
      %jit3A_574 = arith.constant 64 : i32
      %broadcast_in_dim3A_575 = vector.broadcast %jit3A_574 : i32 to vector<16xi32>
      %select_n3A_576 = arith.select %ge3A_573, %add3A_67, %broadcast_in_dim3A_575 : vector<16xi1>, vector<16xi32>
      %ge3A_577 = vector.broadcast %squeeze3A_571 : f32 to vector<16xf32>
      %ge3A_578 = arith.cmpf oge, %select_n3A_553, %ge3A_577 : vector<16xf32>
      %jit3A_579 = arith.constant 64 : i32
      %broadcast_in_dim3A_580 = vector.broadcast %jit3A_579 : i32 to vector<16xi32>
      %select_n3A_581 = arith.select %ge3A_578, %add3A_70, %broadcast_in_dim3A_580 : vector<16xi1>, vector<16xi32>
      %ge3A_582 = vector.broadcast %squeeze3A_571 : f32 to vector<16xf32>
      %ge3A_583 = arith.cmpf oge, %select_n3A_558, %ge3A_582 : vector<16xf32>
      %jit3A_584 = arith.constant 64 : i32
      %broadcast_in_dim3A_585 = vector.broadcast %jit3A_584 : i32 to vector<16xi32>
      %select_n3A_586 = arith.select %ge3A_583, %add3A_73, %broadcast_in_dim3A_585 : vector<16xi1>, vector<16xi32>
      %ge3A_587 = vector.broadcast %squeeze3A_571 : f32 to vector<16xf32>
      %ge3A_588 = arith.cmpf oge, %select_n3A_563, %ge3A_587 : vector<16xf32>
      %jit3A_589 = arith.constant 64 : i32
      %broadcast_in_dim3A_590 = vector.broadcast %jit3A_589 : i32 to vector<16xi32>
      %select_n3A_591 = arith.select %ge3A_588, %add3A_76, %broadcast_in_dim3A_590 : vector<16xi1>, vector<16xi32>
      %min3A_592 = arith.minsi %select_n3A_576, %select_n3A_581 : vector<16xi32>
      %min3A_593 = arith.minsi %select_n3A_586, %select_n3A_591 : vector<16xi32>
      %min3A_594 = arith.minsi %min3A_592, %min3A_593 : vector<16xi32>
      %neg3A_595 = arith.constant 0 : i32
      %neg3A_596 = vector.broadcast %neg3A_595 : i32 to vector<16xi32>
      %neg3A_597 = arith.subi %neg3A_596, %min3A_594 : vector<16xi32>
      %broadcast_in_dim3A_598 = arith.constant true
      %broadcast_in_dim3A_599 = vector.broadcast %broadcast_in_dim3A_598 : i1 to vector<16xi1>
      %masked_cummax3A_600 = arith.constant -2147483648 : i32
      %masked_cummax3A_601 = vector.broadcast %masked_cummax3A_600 : i32 to vector<16xi32>
      %masked_cummax3A_602 = arith.xori %neg3A_597, %masked_cummax3A_601 : vector<16xi32>
      %masked_cummax3A_603 = tpu.scan <max>, %masked_cummax3A_602 masked %broadcast_in_dim3A_599 : vector<16xi32>, vector<16xi1> -> vector<16xi32>
      %masked_cummax3A_604 = arith.xori %masked_cummax3A_603, %masked_cummax3A_601 : vector<16xi32>
      %slice3A_605 = vector.extract_strided_slice %masked_cummax3A_604 {offsets = [15], sizes = [1], strides = [1]} : vector<16xi32> to vector<1xi32>
      %squeeze3A_606 = vector.extract %slice3A_605[0] : i32 from vector<1xi32>
      %neg3A_607 = arith.constant 0 : i32
      %neg3A_608 = arith.subi %neg3A_607, %squeeze3A_606 : i32
      %eq3A_609 = arith.constant 7 : i32
      %eq3A_610 = vector.broadcast %eq3A_609 : i32 to vector<16xi32>
      %eq3A_611 = arith.cmpi eq, %iota3A, %eq3A_610 : vector<16xi32>
      %broadcast_in_dim3A_612 = vector.broadcast %neg3A_608 : i32 to vector<16xi32>
      %select_n3A_613 = arith.select %eq3A_611, %broadcast_in_dim3A_612, %select_n3A_543 : vector<16xi1>, vector<16xi32>
      %eq3A_614 = vector.broadcast %neg3A_608 : i32 to vector<16xi32>
      %eq3A_615 = arith.cmpi eq, %add3A_67, %eq3A_614 : vector<16xi32>
      %jit3A_616 = arith.constant -1.000000e+30 : f32
      %broadcast_in_dim3A_617 = vector.broadcast %jit3A_616 : f32 to vector<16xf32>
      %select_n3A_618 = arith.select %eq3A_615, %broadcast_in_dim3A_617, %select_n3A_548 : vector<16xi1>, vector<16xf32>
      %eq3A_619 = vector.broadcast %neg3A_608 : i32 to vector<16xi32>
      %eq3A_620 = arith.cmpi eq, %add3A_70, %eq3A_619 : vector<16xi32>
      %jit3A_621 = arith.constant -1.000000e+30 : f32
      %broadcast_in_dim3A_622 = vector.broadcast %jit3A_621 : f32 to vector<16xf32>
      %select_n3A_623 = arith.select %eq3A_620, %broadcast_in_dim3A_622, %select_n3A_553 : vector<16xi1>, vector<16xf32>
      %eq3A_624 = vector.broadcast %neg3A_608 : i32 to vector<16xi32>
      %eq3A_625 = arith.cmpi eq, %add3A_73, %eq3A_624 : vector<16xi32>
      %jit3A_626 = arith.constant -1.000000e+30 : f32
      %broadcast_in_dim3A_627 = vector.broadcast %jit3A_626 : f32 to vector<16xf32>
      %select_n3A_628 = arith.select %eq3A_625, %broadcast_in_dim3A_627, %select_n3A_558 : vector<16xi1>, vector<16xf32>
      %eq3A_629 = vector.broadcast %neg3A_608 : i32 to vector<16xi32>
      %eq3A_630 = arith.cmpi eq, %add3A_76, %eq3A_629 : vector<16xi32>
      %jit3A_631 = arith.constant -1.000000e+30 : f32
      %broadcast_in_dim3A_632 = vector.broadcast %jit3A_631 : f32 to vector<16xf32>
      %select_n3A_633 = arith.select %eq3A_630, %broadcast_in_dim3A_632, %select_n3A_563 : vector<16xi1>, vector<16xf32>
      %swap3A = arith.constant 0 : index
      %swap3A_634 = tpu.vector_load %arg8[%swap3A] {strides = array<i32>} : memref<16xi32, #tpu.memory_space<vmem>>, vector<16xi32>,
      tpu.vector_store %arg8[%swap3A], %select_n3A_613 {strides = array<i32>} : memref<16xi32, #tpu.memory_space<vmem>>, vector<16xi32>,
      %mul3A_635 = arith.constant 16 : i32
      %mul3A_636 = arith.muli %arg1, %mul3A_635 : i32
      "tpu.region"() ({
        %run_scoped3A = tpu.sem_alloc : memref<!tpu.dma_semaphore, #tpu.memory_space<semaphore_mem>>
        %dma_start3A = tpu.memref_slice %arg4[%mul3A_636] : memref<64xi32, #tpu.memory_space<hbm>> -> memref<16xi32, #tpu.memory_space<hbm>>
        %dma_start3A_637 = tpu.memref_slice %arg4[%mul3A_636] : memref<64xi32, #tpu.memory_space<hbm>> -> memref<16xi32, #tpu.memory_space<hbm>>
        tpu.enqueue_dma source(%arg8 : memref<16xi32, #tpu.memory_space<vmem>>) target(%dma_start3A_637 : memref<16xi32, #tpu.memory_space<hbm>>) target_semaphore(%run_scoped3A : memref<!tpu.dma_semaphore, #tpu.memory_space<semaphore_mem>>)
        %dma_wait3A = tpu.memref_slice %arg4[%mul3A_636] : memref<64xi32, #tpu.memory_space<hbm>> -> memref<16xi32, #tpu.memory_space<hbm>>
        %dma_wait3A_638 = tpu.memref_slice %arg4[%mul3A_636] : memref<64xi32, #tpu.memory_space<hbm>> -> memref<16xi32, #tpu.memory_space<hbm>>
        tpu.wait_dma2 semaphore(%run_scoped3A : memref<!tpu.dma_semaphore, #tpu.memory_space<semaphore_mem>>) src(%arg8 : memref<16xi32, #tpu.memory_space<vmem>>) dst(%dma_wait3A_638 : memref<16xi32, #tpu.memory_space<hbm>>)
        tpu.yield
      }) : () -> ()
    } else {
    }
    return
  }
}

module attributes {stable_mosaic.version = 14 : i64} {
  func.func @_tc_body(%arg0: i32, %arg1: memref<512x4096xf32, #tpu.memory_space<vmem>>, %arg2: memref<64x8192xf32, #tpu.memory_space<vmem>>, %arg3: memref<4x4096xf32, #tpu.memory_space<vmem>>, %arg4: memref<4x64xf32, #tpu.memory_space<vmem>>, %arg5: memref<4x4096xf32, #tpu.memory_space<vmem>>) attributes {dimension_semantics = [#tpu.dimension_semantics<arbitrary>], iteration_bounds = array<i64: 16>, scalar_prefetch = 0 : i64, scratch_operands = 1 : i64, tpu.core_type = #tpu.core_type<tc>, window_params = [{transform_indices = @transform_0, window_bounds = array<i64: 512, 4096>}, {pipeline_mode = #tpu.pipeline_mode<synchronous>, transform_indices = @transform_1, window_bounds = array<i64: 64, 8192>}, {pipeline_mode = #tpu.pipeline_mode<synchronous>, transform_indices = @transform_2, window_bounds = array<i64: 4, 4096>}, {pipeline_mode = #tpu.pipeline_mode<synchronous>, transform_indices = @transform_3, window_bounds = array<i64: 4, 64>}]} {
    %eq3A = arith.constant 0 : i32
    %eq3A_0 = arith.cmpi eq, %arg0, %eq3A : i32
    %convert_element_type3A = arith.extui %eq3A_0 : i1 to i32
    %cond3A = arith.constant 0 : i32
    %cond3A_1 = arith.cmpi ne, %convert_element_type3A, %cond3A : i32
    scf.if %cond3A_1 {
      %broadcast_in_dim3A_32 = arith.constant 0.000000e+00 : f32
      %broadcast_in_dim3A_33 = vector.broadcast %broadcast_in_dim3A_32 : f32 to vector<4x4096xf32>
      %swap3A_34 = arith.constant 0 : index
      %swap3A_35 = arith.constant 0 : index
      %swap3A_36 = vector.load %arg5[%swap3A_34, %swap3A_35] : memref<4x4096xf32, #tpu.memory_space<vmem>>, vector<4x4096xf32>
      tpu.vector_store %arg5[%swap3A_34, %swap3A_35], %broadcast_in_dim3A_33 {strides = array<i32>} : memref<4x4096xf32, #tpu.memory_space<vmem>>, vector<4x4096xf32>,
    } else {
    }
    %get3A = arith.constant 0 : index
    %get3A_2 = arith.constant 0 : index
    %get3A_3 = vector.load %arg1[%get3A, %get3A_2] : memref<512x4096xf32, #tpu.memory_space<vmem>>, vector<512x4096xf32>
    %broadcast_in_dim3A = arith.constant 1.000000e+00 : f32
    %broadcast_in_dim3A_4 = vector.broadcast %broadcast_in_dim3A : f32 to vector<1x512xf32>
    %dot_general3A = arith.constant dense<0.000000e+00> : vector<1x4096xf32>
    %dot_general3A_5 = tpu.matmul %broadcast_in_dim3A_4, %get3A_3, %dot_general3A {dimension_numbers = #tpu.dot_dimension_numbers<[1], [0], [0], [1], [0, 0, 1, 1], [], []>, transpose_lhs_hint = false} : vector<1x512xf32>, vector<512x4096xf32>, vector<1x4096xf32> -> vector<1x4096xf32>
    %jit3A = arith.constant 4 : i32
    %div3A = arith.divsi %arg0, %jit3A : i32
    %sign3A = arith.constant 0 : i32
    %sign3A_6 = arith.cmpi sgt, %arg0, %sign3A : i32
    %sign3A_7 = arith.extui %sign3A_6 : i1 to i32
    %sign3A_8 = arith.constant 0 : i32
    %sign3A_9 = arith.cmpi slt, %arg0, %sign3A_8 : i32
    %sign3A_10 = arith.extui %sign3A_9 : i1 to i32
    %sign3A_11 = arith.subi %sign3A_7, %sign3A_10 : i32
    %sign3A_12 = arith.constant 0 : i32
    %sign3A_13 = arith.cmpi sgt, %jit3A, %sign3A_12 : i32
    %sign3A_14 = arith.extui %sign3A_13 : i1 to i32
    %sign3A_15 = arith.constant 0 : i32
    %sign3A_16 = arith.cmpi slt, %jit3A, %sign3A_15 : i32
    %sign3A_17 = arith.extui %sign3A_16 : i1 to i32
    %sign3A_18 = arith.subi %sign3A_14, %sign3A_17 : i32
    %ne3A = arith.cmpi ne, %sign3A_11, %sign3A_18 : i32
    %rem3A = arith.remsi %arg0, %jit3A : i32
    %ne3A_19 = arith.constant 0 : i32
    %ne3A_20 = arith.cmpi ne, %rem3A, %ne3A_19 : i32
    %and3A = arith.andi %ne3A, %ne3A_20 : i1
    %sub3A = arith.constant 1 : i32
    %sub3A_21 = arith.subi %div3A, %sub3A : i32
    %select_n3A = arith.select %and3A, %sub3A_21, %div3A : i32
    %get3A_22 = arith.index_cast %select_n3A : i32 to index
    %get3A_23 = arith.constant 0 : index
    %get3A_24 = vector.load %arg5[%get3A_22, %get3A_23] : memref<4x4096xf32, #tpu.memory_space<vmem>>, vector<1x4096xf32>
    %add3A = arith.addf %get3A_24, %dot_general3A_5 : vector<1x4096xf32>
    %swap3A = arith.index_cast %select_n3A : i32 to index
    %swap3A_25 = arith.constant 0 : index
    %swap3A_26 = vector.load %arg5[%swap3A, %swap3A_25] : memref<4x4096xf32, #tpu.memory_space<vmem>>, vector<1x4096xf32>
    tpu.vector_store %arg5[%swap3A, %swap3A_25], %add3A {strides = array<i32>} : memref<4x4096xf32, #tpu.memory_space<vmem>>, vector<1x4096xf32>,
    %eq3A_27 = arith.constant 15 : i32
    %eq3A_28 = arith.cmpi eq, %arg0, %eq3A_27 : i32
    %convert_element_type3A_29 = arith.extui %eq3A_28 : i1 to i32
    %cond3A_30 = arith.constant 0 : i32
    %cond3A_31 = arith.cmpi ne, %convert_element_type3A_29, %cond3A_30 : i32
    scf.if %cond3A_31 {
      %get3A_32 = arith.constant 0 : index
      %get3A_33 = arith.constant 0 : index
      %get3A_34 = vector.load %arg5[%get3A_32, %get3A_33] : memref<4x4096xf32, #tpu.memory_space<vmem>>, vector<4x4096xf32>
      %mul3A = arith.constant 4.8828125E-4 : f32
      %mul3A_35 = vector.broadcast %mul3A : f32 to vector<4x4096xf32>
      %mul3A_36 = arith.mulf %get3A_34, %mul3A_35 : vector<4x4096xf32>
      %get3A_37 = arith.constant 0 : index
      %get3A_38 = arith.constant 0 : index
      %get3A_39 = vector.load %arg2[%get3A_37, %get3A_38] : memref<64x8192xf32, #tpu.memory_space<vmem>>, vector<64x8192xf32>
      %get3A_40 = arith.constant 0 : index
      %get3A_41 = arith.constant 0 : index
      %get3A_42 = vector.load %arg3[%get3A_40, %get3A_41] : memref<4x4096xf32, #tpu.memory_space<vmem>>, vector<4x4096xf32>
      %slice3A = vector.extract_strided_slice %get3A_39 {offsets = [0, 0], sizes = [64, 4096], strides = [1, 1]} : vector<64x8192xf32> to vector<64x4096xf32>
      %dot_general3A_43 = arith.constant dense<0.000000e+00> : vector<4x64xf32>
      %dot_general3A_44 = tpu.matmul %get3A_42, %slice3A, %dot_general3A_43 {dimension_numbers = #tpu.dot_dimension_numbers<[1], [1], [0], [0], [0, 0, 1, 0], [], []>, transpose_lhs_hint = false} : vector<4x4096xf32>, vector<64x4096xf32>, vector<4x64xf32> -> vector<4x64xf32>
      %slice3A_45 = vector.extract_strided_slice %get3A_39 {offsets = [0, 4096], sizes = [64, 4096], strides = [1, 1]} : vector<64x8192xf32> to vector<64x4096xf32>
      %dot_general3A_46 = arith.constant dense<0.000000e+00> : vector<4x64xf32>
      %dot_general3A_47 = tpu.matmul %mul3A_36, %slice3A_45, %dot_general3A_46 {dimension_numbers = #tpu.dot_dimension_numbers<[1], [1], [0], [0], [0, 0, 1, 0], [], []>, transpose_lhs_hint = false} : vector<4x4096xf32>, vector<64x4096xf32>, vector<4x64xf32> -> vector<4x64xf32>
      %add3A_48 = arith.addf %dot_general3A_44, %dot_general3A_47 : vector<4x64xf32>
      %reduce_max3A = arith.constant dense<0xFF800000> : vector<4xf32>
      %reduce_max3A_49 = vector.multi_reduction <maximumf>, %add3A_48, %reduce_max3A [1] : vector<4x64xf32> to vector<4xf32>
      %broadcast_in_dim3A_50 = vector.shape_cast %reduce_max3A_49 : vector<4xf32> to vector<4x1xf32>
      %sub3A_51 = vector.broadcast %broadcast_in_dim3A_50 : vector<4x1xf32> to vector<4x64xf32>
      %sub3A_52 = arith.subf %add3A_48, %sub3A_51 : vector<4x64xf32>
      %exp3A = math.exp %sub3A_52 : vector<4x64xf32>
      %reduce_sum3A = arith.constant dense<0.000000e+00> : vector<4xf32>
      %reduce_sum3A_53 = vector.multi_reduction <add>, %exp3A, %reduce_sum3A [1] : vector<4x64xf32> to vector<4xf32>
      %broadcast_in_dim3A_54 = vector.shape_cast %reduce_sum3A_53 : vector<4xf32> to vector<4x1xf32>
      %div3A_55 = vector.broadcast %broadcast_in_dim3A_54 : vector<4x1xf32> to vector<4x64xf32>
      %div3A_56 = arith.divf %exp3A, %div3A_55 : vector<4x64xf32>
      %swap3A_57 = arith.constant 0 : index
      %swap3A_58 = arith.constant 0 : index
      %swap3A_59 = vector.load %arg4[%swap3A_57, %swap3A_58] : memref<4x64xf32, #tpu.memory_space<vmem>>, vector<4x64xf32>
      tpu.vector_store %arg4[%swap3A_57, %swap3A_58], %div3A_56 {strides = array<i32>} : memref<4x64xf32, #tpu.memory_space<vmem>>, vector<4x64xf32>,
    } else {
    }
    return
  }
  func.func @transform_0(%arg0: i32) -> (i32, i32) {
    %c0_i32 = arith.constant 0 : i32
    %c0_i32_0 = arith.constant 0 : i32
    return %arg0, %c0_i32 : i32, i32
  }
  func.func @transform_1(%arg0: i32) -> (i32, i32) {
    %c0_i32 = arith.constant 0 : i32
    %c0_i32_0 = arith.constant 0 : i32
    %c0_i32_1 = arith.constant 0 : i32
    return %c0_i32, %c0_i32_0 : i32, i32
  }
  func.func @transform_2(%arg0: i32) -> (i32, i32) {
    %c0_i32 = arith.constant 0 : i32
    %c0_i32_0 = arith.constant 0 : i32
    %c0_i32_1 = arith.constant 0 : i32
    return %c0_i32, %c0_i32_0 : i32, i32
  }
  func.func @transform_3(%arg0: i32) -> (i32, i32) {
    %c0_i32 = arith.constant 0 : i32
    %c0_i32_0 = arith.constant 0 : i32
    %c0_i32_1 = arith.constant 0 : i32
    return %c0_i32, %c0_i32_0 : i32, i32
  }
}

</mosaic_0001>

<sc_bundles>
// kernel: kernel.5.cloned.1.call-start
scs
__scs_entry_jumppad:
0x0: {  	(pc) =	sbr.rel $0x88, $3  }
0x1: {  	(tag) =	ssettag $0x0;
	lr =	simm.s32 $0x1  }
0x2: {  	[smem:$0x3F9C] =	sst lr;
	_ =	strace $0xD0000000  }
0x3: {  	_ = 	snop  }
0x4: {  	_ = 	snop  }
0x5: {  	_ = 	snop  }
0x6: {  	_ = 	snop  }
0x7: {  	_ = 	snop  }
__scs_overlays_trampoline_lowered:
0x8: {  	[smem:$0x3FAB] =	sst s0  }
0x9: {  	[smem:$0x3FAC] =	sst s1  }
0xa: {  	[smem:$0x3FAD] =	sst s2  }
0xb: {  	[smem:$0x3FAE] =	sst s3  }
0xc: {  	[smem:$0x3FAF] =	sst s4  }
0xd: {  	[smem:$0x3FB0] =	sst s5  }
0xe: {  	[smem:$0x3FB1] =	sst s6  }
0xf: {  	[smem:$0x3FB2] =	sst s7  }
0x10: {  	[smem:$0x3FB3] =	sst s8  }
0x11: {  	[smem:$0x3FB4] =	sst s9;
	s0 =	simm.s32 @!p0 $0x0  }
0x12: {  	s1 =	sld [smem:$0x3F9A];
	s0 =	simm.s32 @p0 $0x1  }
0x13: {  	[smem:$0x3FB5] =	sst s0;
	s0 =	simm.s32 @!p1 $0x0  }
0x14: {  	s2 =	sld [smem:$0x3F99];
	s0 =	simm.s32 @p1 $0x1  }
0x15: {  	[smem:$0x3FB6] =	sst s0;
	s0 =	simm.s32 @!p2 $0x0  }
0x16: {  	s3 =	sld [smem:$0x3FDB];
	s0 =	simm.s32 @p2 $0x1  }
0x17: {  	s4 =	simm.s32 $0x1BF5;
	[smem:$0x3FB8] =	sst s0  }
0x18: {  	s0 =	sld [smem:$0x3F9B];
	_ =	swait.ge [sflag:s4], $0x0  }
0x19: {  	s7 =	sld [smem:$0x3F9C]  }
0x1a: {  	s8 =	sadd.s32 $0xFFFFE003, lr  }
0x1b: {  	s9 =	sadd.s32 $0xFFFFFEF7, lr;
	s5 =	simm.s32 $0xFFFFFFFF;
	p2 =	slt.u32 s8, $0xFFFFF086  }
0x1c: {  	p1 =	slt.u32 s9, $0xF7A;
	s5 =	simm.s32 @!p2 $0x0  }
0x1d: {  	s5 =	simm.s32 @p1 $0x1;
	p0 =	seq.s32 s7, s2  }
0x1e: {  	s7 =	smul.u32 @!p0 $0xF7A, s2;
	p2 =	seq.s32 @!p0 s5, $0x0  }
0x1f: {  	s9 =	smul.u32 $0xF7A, s1;
	s8 =	simm.s32 @!p0 $0x1BF5;
	p2 =	por !p2, p0  }
0x20: {  	[sflag:s8] =	ssyncset.s32 @!p0 $0xFFFFF086;
	s6 =	sadd.s32 @!p0 s3, s7;
	s7 =	simm.s32 @!p0 $0x108  }
0x21: {  	s3 =	sadd.s32 s3, s9;
	s6 =	sadd.s32 @!p0 $0x88, s6;
	s7 =	simm.s32 @p2 $0x1082  }
0x22: {  	[simem:s7], [sflag:s8] =	dma.local @!p0 [hbm:s6], $0xF7A  }
0x23: {  	s9 =	sor.u32 $0xD0000000, s2;
	s6 =	simm.s32 $0x108;
	_ =	swait.ge @!p0 [sflag:s8], $0x0  }
0x24: {  	s3 =	sadd.s32 $0x88, s3;
	s6 =	simm.s32 @!p1 $0x1082;
	[sflag:s4] =	ssyncset.s32 $0xFFFFF086  }
0x25: {  	[simem:s6], [sflag:s4] =	dma.local [hbm:s3], $0xF7A  }
0x26: {  	[smem:$0x3F9C] =	sst s1;
	(tag) =	ssettag s2;
	_ =	strace s9  }
0x27: {  	s1 =	sld [smem:$0x3FAC]  }
0x28: {  	s2 =	sld [smem:$0x3FAD]  }
0x29: {  	s4 =	sld [smem:$0x3FAF]  }
0x2a: {  	p0 =	seq.s32 s5, $0x0;
	s5 =	sld [smem:$0x3FB0]  }
0x2b: {  	s6 =	sld [smem:$0x3FB1]  }
0x2c: {  	s7 =	sld [smem:$0x3FB2]  }
0x2d: {  	s3 =	simm.s32 $0x108;
	s8 =	sld [smem:$0x3FB3]  }
0x2e: {  	s3 =	simm.s32 @!p0 $0x1082;
	s9 =	sld [smem:$0x3FB4]  }
0x2f: {  	lr =	sadd.s32 s0, s3;
	s0 =	sld [smem:$0x3FAB]  }
0x30: {  	s3 =	sld [smem:$0x3FAE]  }
0x31: {  	[smem:$0x3FB7] =	sst s10  }
0x32: {  	s10 =	sld [smem:$0x3FB5];
	_ =	sdelay $0x3  }
0x33: {  	p0 =	seq.s32 s10, $0x1;
	s10 =	sld [smem:$0x3FB7];
	_ =	sdelay $0x3  }
0x34: {  	[smem:$0x3FB7] =	sst s10  }
0x35: {  	s10 =	sld [smem:$0x3FB6];
	_ =	sdelay $0x3  }
0x36: {  	p1 =	seq.s32 s10, $0x1;
	s10 =	sld [smem:$0x3FB7];
	_ =	sdelay $0x3  }
0x37: {  	[smem:$0x3FB7] =	sst s10  }
0x38: {  	s10 =	sld [smem:$0x3FB8]  }
0x39: {  	_ = 	snop;
	(pc) =	sbr.ind lr, $3  }
0x3a: {  	_ = 	snop  }
0x3b: {  	_ = 	snop  }
0x3c: {  	p2 =	seq.s32 s10, $0x1;
	s10 =	sld [smem:$0x3FB7]  }
0x3d: {  	_ =	shalt  }
0x3e: {  	_ =	shalt  }
0x3f: {  	_ =	shalt  }
0x40: {  	_ =	shalt  }
0x41: {  	_ =	shalt  }
0x42: {  	_ =	shalt  }
0x43: {  	_ =	shalt  }
0x44: {  	_ =	shalt  }
0x45: {  	_ =	shalt  }
0x46: {  	_ =	shalt  }
0x47: {  	_ =	shalt  }
0x48: {  	_ =	shalt  }
0x49: {  	_ =	shalt  }
0x4a: {  	_ =	shalt  }
0x4b: {  	_ =	shalt  }
0x4c: {  	_ =	shalt  }
0x4d: {  	_ =	shalt  }
0x4e: {  	_ =	shalt  }
0x4f: {  	_ =	shalt  }
0x50: {  	_ =	shalt  }
0x51: {  	_ =	shalt  }
0x52: {  	_ =	shalt  }
0x53: {  	_ =	shalt  }
0x54: {  	_ =	shalt  }
0x55: {  	_ =	shalt  }
0x56: {  	_ =	shalt  }
0x57: {  	_ =	shalt  }
0x58: {  	_ =	shalt  }
0x59: {  	_ =	shalt  }
0x5a: {  	_ =	shalt  }
0x5b: {  	_ =	shalt  }
0x5c: {  	_ =	shalt  }
0x5d: {  	_ =	shalt  }
0x5e: {  	_ =	shalt  }
0x5f: {  	_ =	shalt  }
0x60: {  	_ =	shalt  }
0x61: {  	_ =	shalt  }
0x62: {  	_ =	shalt  }
0x63: {  	_ =	shalt  }
0x64: {  	_ =	shalt  }
0x65: {  	_ =	shalt  }
0x66: {  	_ =	shalt  }
0x67: {  	_ =	shalt  }
0x68: {  	_ =	shalt  }
0x69: {  	_ =	shalt  }
0x6a: {  	_ =	shalt  }
0x6b: {  	_ =	shalt  }
0x6c: {  	_ =	shalt  }
0x6d: {  	_ =	shalt  }
0x6e: {  	_ =	shalt  }
0x6f: {  	_ =	shalt  }
0x70: {  	_ =	shalt  }
0x71: {  	_ =	shalt  }
0x72: {  	_ =	shalt  }
0x73: {  	_ =	shalt  }
0x74: {  	_ =	shalt  }
0x75: {  	_ =	shalt  }
0x76: {  	_ =	shalt  }
0x77: {  	_ =	shalt  }
0x78: {  	_ =	shalt  }
0x79: {  	_ =	shalt  }
0x7a: {  	_ =	shalt  }
0x7b: {  	_ =	shalt  }
0x7c: {  	_ =	shalt  }
0x7d: {  	_ =	shalt  }
0x7e: {  	_ =	shalt  }
0x7f: {  	_ =	shalt  }
0x80: {  	_ =	shalt  }
0x81: {  	_ =	shalt  }
0x82: {  	_ =	shalt  }
0x83: {  	_ =	shalt  }
0x84: {  	_ =	shalt  }
0x85: {  	_ =	shalt  }
0x86: {  	_ =	shalt  }
0x87: {  	_ =	shalt  }
.Lfunc_end0:
.L_simem_size_0:
called_computation_lowered:
.L_overlay_start_0:
0x88: {  	s2 =	sld [smem:$0x3FD9]  }
0x89: {  	s3 =	sld [smem:$0x3FFE];
	_ =	sdelay $0x1  }
0x8a: {  	s1 =	srdreg.scid  }
0x8b: {  	s0 =	sand.u32 $0x1, s1  }
0x8c: {  	s17 =	sshll.u32 s0, $0xA;
	s2 =	sadd.s32 s3, s2  }
0x8d: {  	s2 =	sadd.s32 s2, s17  }
0x8e: {  	[smem:$0x3FC3] =	sst s2  }
0x8f: {  	_ = 	snop  }
0x90: {  	s2 =	sld [smem:$0x3FC9]  }
0x91: {  	s18 =	sld [smem:$0x3FC7]  }
0x92: {  	s4 =	sld [smem:$0x3FC5];
	(tm) =	ssettm $0x1  }
0x93: {  	s5 =	sld [smem:$0x3FFB];
	_ =	sdelay $0x3  }
0x94: {  	_ =	strace s5  }
0x95: {  	s5 =	sld [smem:$0x3FFC];
	_ =	sdelay $0x3  }
0x96: {  	_ =	strace s5  }
0x97: {  	s5 =	sld [smem:$0x3FFD];
	_ =	sdelay $0x3  }
0x98: {  	_ =	strace s5  }
0x99: {  	_ =	strace $0x8FFFFFFF  }
0x9a: {  	s19 =	sld [smem:$0x3FDB];
	_ =	sdelay $0x1  }
0x9b: {  	s6 =	simm.s32 $_scs_section_size  }
0x9c: {  	s7 =	simm.s32 $_size__tile_overlayer_lowered;
	s8 =	simm.s32 $_tile_overlayer_lowered  }
0x9d: {  	s22 =	simm.s32 $0x1BFF;
	s21 =	sshll.u32 s8, $0x1;
	s5 =	sadd.s32 s6, s19  }
0x9e: {  	s9 =	simm.s32 $0x0;
	s20 =	sshll.u32 s7, $0x1;
	s7 =	sadd.s32 s21, s5  }
0x9f: {  	[timem:s9], [sflag:s22] =	dma.local [hbm:s7], s20  }
0xa0: {  	_ =	swait.ge [sflag:s22], s20  }
0xa1: {  	s6 =	ssub.s32 $0x0, s20;
	[sflag:s22] =	ssyncset.done $0x0  }
0xa2: {  	[sflag:s22] =	ssyncadd.s32 s6;
	_ =	sdelay $0x1  }
0xa3: {  	s23 =	simm.s32 $0x1B8B  }
0xa4: {  	_ =	swait.ge [sflag:s23], $0x1  }
0xa5: {  	[sflag:s23] =	ssyncset.done $0x0  }
0xa6: {  	s25 =	simm.s32 $0x1B8E;
	s24 =	sld [smem:$0x3FFE];
	[sflag:s23] =	ssyncadd.s32 $0xFFFFFFFF  }
0xa7: {  	s26 =	simm.s32 $execute0_lowered;
	[smem:$0x3FD2] =	sst s25  }
0xa8: {  	s7 =	sshll.u32 s26, $0x1;
	_ =	strace $0x80000046;
	[dreg:$0x1] =	wrdreg $0xFFFFFFFF  }
0xa9: {  	s28 =	simm.s32 $_size_execute0_lowered;
	s5 =	sadd.s32 s5, s7;
	[dreg:$0x0] =	wrdreg $0x0  }
0xaa: {  	s7 =	sshll.u32 s28, $0x1;
	[dreg:$0x2] =	wrdreg s5  }
0xab: {  	[dreg:$0x3] =	wrdreg s7  }
0xac: {  	[dreg:$0x4] =	wrdreg $0xC0  }
0xad: {  	_ =	task [dreg:s9], $0x5FFFF  }
0xae: {  	[dreg:$0x1] =	wrdreg $0xFFFFFFFF  }
0xaf: {  	[dreg:$0x0] =	wrdreg $0x60  }
0xb0: {  	[dreg:$0x2] =	wrdreg s4  }
0xb1: {  	[dreg:$0x3] =	wrdreg s18  }
0xb2: {  	[dreg:$0x4] =	wrdreg s2  }
0xb3: {  	[dreg:$0x5] =	wrdreg s24  }
0xb4: {  	[dreg:$0x6] =	wrdreg $0x143800  }
0xb5: {  	[dreg:$0x7] =	wrdreg $0x143900  }
0xb6: {  	[dreg:$0x8] =	wrdreg $0x9  }
0xb7: {  	_ =	task.clear_ibuf [dreg:s9], $0x9FFFF;
	_ =	strace $0x90000046  }
0xb8: {  	s29 =	simm.s32 $0x9;
	_ =	strace $0x80000048  }
0xb9: {  	_ =	swait.ge [sflag:s29], $0x1  }
0xba: {  	[sflag:s29] =	ssyncadd.s32 $0xFFFFFFFF  }
0xbb: {  	_ =	strace $0x90000048  }
0xbc: {  	_ =	sfence  }
0xbd: {  	s30 =	sld [smem:$0x0];
	_ =	sdelay $0x2  }
0xbe: {  	s31 =	sshll.u32 s1, $0xD;
	s1 =	sshrl.u32 s1, $0x2  }
0xbf: {  	s3 =	sand.u32 $0x4000, s31;
	s1 =	sadd.s32 s1, s30  }
0xc0: {  	s0 =	sor.u32 s3, s0;
	s1 =	sshll.u32 s1, $0x11  }
0xc1: {  	s0 =	sor.u32 s1, s0  }
0xc2: {  	s0 =	sadd.s32 $0x8F2B, s0  }
0xc3: {  	[sflag:s0] =	ssyncadd.remote.s32 $0x1  }
0xc4: {  	_ =	sfence.sel $0xFFFF  }
0xc5: {  	[dreg:$0x0] =	wrdreg $0xFFFFFFFF;
	(pc) =	sbr.abs _section_cstart, $3  }
0xc6: {  	[dreg:$0x1] =	wrdreg $0xFFFFFFFF  }
0xc7: {  	_ =	task.clear_ibuf [dreg:s9], $0x2FFFF;
	_ =	strace $0x9FFFFFFF  }
0xc8: {  	(tm) =	ssettm $0x7FFFFFFF  }
0xc9: {  	_ =	shalt  }
tec
execute0_lowered:
.L_overlay_start_1:
0x0: {  	(tag) =	ssettag $0x1  }
0x1: {  	s0 =	srdreg.scid;
	s8 =	rddreg [dreg:$0x0]  }
0x2: {  	s2 =	stileid.u32;
	s4 =	rddreg [dreg:$0x3]  }
0x3: {  	s0 =	sand.u32 $0x1, s0;
	s5 =	sand.u32 $0xE, s2;
	s17 =	sshll.u32 s2, $0x9  }
0x4: {  	s11 =	sshll.u32 s2, $0x2;
	s1 =	sshll.u32 s0, $0x2;
	s5 =	sor.u32 s5, s0  }
0x5: {  	s6 =	ssub.s32 $0x2, s0;
	s7 =	sand.u32 $0x200, s17;
	s3 =	sadd.s32 s2, s1  }
0x6: {  	s9 =	sshll.u32 s5, $0x12;
	s18 =	sshrl.u32 s6, $0x1;
	s3 =	sshll.u32 s3, $0x3  }
0x7: {  	s5 =	sor.u32 s7, s9;
	s10 =	sor.u32 $0x10000, s9;
	s12 =	sor.u32 $0x20000, s9  }
0x8: {  	s13 =	sor.u32 $0x30000, s9;
	s3 =	sadd.s32 s3, s4;
	s4 =	ssub.s32 s6, s18  }
0x9: {  	s5 =	sshrl.u32 s5, $0x3;
	s19 =	sor.u32 s7, s10;
	s21 =	sor.u32 s7, s12  }
0xa: {  	s7 =	sor.u32 s7, s13;
	s5 =	sadd.s32 s8, s5;
	s20 =	sshrl.u32 s19, $0x3  }
0xb: {  	s6 =	sshrl.u32 s21, $0x3;
	[dreg:$0x7] =	wrdreg s5;
	s5 =	sadd.s32 s8, s20  }
0xc: {  	s7 =	sshrl.u32 s7, $0x3;
	s6 =	sadd.s32 s8, s6;
	[dreg:$0x8] =	wrdreg s5  }
0xd: {  	p0 =	sne.s32 s2, $0x0;
	s22 =	sadd.s32 s8, s7;
	[dreg:$0x9] =	wrdreg s6  }
0xe: {  	s5 =	sor.u32 $0x1, s11;
	[dreg:$0xa] =	wrdreg s22;
	s6 =	sor.u32 $0x2, s11  }
0xf: {  	s14 =	sshll.u32 s5, $0x7;
	s26 =	sshll.u32 s6, $0x7;
	s5 =	sshll.u32 s5, $0x6  }
0x10: {  	s6 =	sshll.u32 s6, $0x6;
	s23 =	sand.u32 $0x280, s14;
	s17 =	sand.u32 $0x300, s26  }
0x11: {  	s14 =	sor.u32 s9, s23;
	s15 =	sor.u32 s10, s23;
	s18 =	sor.u32 s12, s23  }
0x12: {  	s7 =	sor.u32 s13, s23;
	s20 =	sor.u32 s10, s17;
	s24 =	sshrl.u32 s14, $0x3  }
0x13: {  	s25 =	sshrl.u32 s15, $0x3;
	s15 =	sor.u32 s9, s17;
	s11 =	sadd.s32 s8, s24  }
0x14: {  	s14 =	sshrl.u32 s18, $0x3;
	s16 =	sadd.s32 s8, s25;
	[dreg:$0xb] =	wrdreg s11  }
0x15: {  	s7 =	sshrl.u32 s7, $0x3;
	s14 =	sadd.s32 s8, s14;
	[dreg:$0xc] =	wrdreg s16  }
0x16: {  	s15 =	sshrl.u32 s15, $0x3;
	s7 =	sadd.s32 s8, s7;
	[dreg:$0xd] =	wrdreg s14  }
0x17: {  	s21 =	sor.u32 s12, s17;
	[dreg:$0xe] =	wrdreg s7;
	s19 =	sadd.s32 s8, s15  }
0x18: {  	s7 =	sshllo.u32 s2, $0x2;
	s14 =	sshrl.u32 s20, $0x3;
	s15 =	sshrl.u32 s21, $0x3  }
0x19: {  	s11 =	sor.u32 s13, s17;
	s17 =	sshll.u32 s2, $0xA;
	[dreg:$0xf] =	wrdreg s19  }
0x1a: {  	s14 =	sadd.s32 s8, s14;
	s22 =	sadd.s32 s8, s15;
	s15 =	rddreg [dreg:$0x1]  }
0x1b: {  	s16 =	sshll.u32 s7, $0x7;
	s11 =	sshrl.u32 s11, $0x3;
	[dreg:$0x10] =	wrdreg s14  }
0x1c: {  	s7 =	sshll.u32 s7, $0x6;
	[dreg:$0x11] =	wrdreg s22;
	s23 =	sand.u32 $0x380, s16  }
0x1d: {  	s11 =	sadd.s32 s8, s11;
	s14 =	sand.u32 $0x3, s2;
	s16 =	sshll.u32 s2, $0xB  }
0x1e: {  	s9 =	sor.u32 s9, s23;
	s10 =	sor.u32 s10, s23;
	[dreg:$0x12] =	wrdreg s11  }
0x1f: {  	s25 =	sor.u32 s12, s23;
	s26 =	sor.u32 s13, s23;
	s12 =	sor.u32 s2, s0  }
0x20: {  	s11 =	simm.s32 $0x1;
	s1 =	sor.u32 s14, s1;
	s9 =	sshrl.u32 s9, $0x3  }
0x21: {  	s10 =	sshrl.u32 s10, $0x3;
	p1 =	seq.s32 s12, $0x0;
	s13 =	sshrl.u32 s26, $0x3  }
0x22: {  	s1 =	sshll.u32 s1, $0x4;
	s9 =	sadd.s32 s8, s9;
	s24 =	sadd.s32 s8, s10  }
0x23: {  	p1 =	por !p0, !p1;
	[dreg:$0x13] =	wrdreg s9;
	s9 =	sshrl.u32 s25, $0x3  }
0x24: {  	[dreg:$0x14] =	wrdreg s24;
	p1 =	por !p1, !p1;
	s9 =	sadd.s32 s8, s9  }
0x25: {  	s8 =	sadd.s32 s8, s13;
	s11 =	simm.s32 @!p1 $0x0;
	[dreg:$0x15] =	wrdreg s9  }
0x26: {  	p1 =	sgt.u32 s2, $0x3;
	[dreg:$0x16] =	wrdreg s8;
	s9 =	sand.u32 $0x6000, s16  }
0x27: {  	s0 =	ssub.s32 s0, s11;
	s8 =	sadd.s32 s15, s9;
	s9 =	rddreg [dreg:$0x2]  }
0x28: {  	s0 =	sshll.u32 s0, $0x16;
	s15 =	rddreg [dreg:$0x4];
	s1 =	sadd.s32 s1, s8  }
0x29: {  	s0 =	sor.u32 s0, s17;
	s17 =	simm.s32 $0x0;
	[dreg:$0x17] =	wrdreg s1  }
0x2a: {  	s18 =	sor.u32 $0x4000, s0;
	s19 =	sadd.s32 $0x804000, s0;
	[smem:$0x7FF] =	sst s17  }
0x2b: {  	s21 =	sadd.s32 $0x904000, s0;
	s22 =	sadd.s32 $0xA04000, s0;
	s10 =	sadd.s32 $0xB04000, s0  }
0x2c: {  	s24 =	sadd.s32 $0x1004000, s0;
	s25 =	sadd.s32 $0x1104000, s0;
	s26 =	sadd.s32 $0x1204000, s0  }
0x2d: {  	s11 =	sadd.s32 $0x1304000, s0;
	s12 =	sadd.s32 $0x1804000, s0;
	s13 =	sadd.s32 $0x1904000, s0  }
0x2e: {  	s16 =	sadd.s32 $0x1A04000, s0;
	s0 =	sadd.s32 $0x1B04000, s0;
	s1 =	sshrl.u32 s18, $0x3  }
0x2f: {  	s20 =	sshrl.u32 s19, $0x3;
	s8 =	sshrl.u32 s22, $0x3;
	s23 =	sshrl.u32 s10, $0x3  }
0x30: {  	s10 =	sshrl.u32 s26, $0x3;
	s14 =	sshrl.u32 s13, $0x3;
	s19 =	rddreg [dreg:$0x5]  }
0x31: {  	s0 =	sshrl.u32 s0, $0x3;
	s13 =	sadd.s32 $0xE00, s3;
	s3 =	simm.s32 $0x1  }
0x32: {  	s18 =	sadd.s32 s9, s1;
	s1 =	sadd.s32 s9, s20;
	s22 =	sadd.s32 s9, s23  }
0x33: {  	s29 =	sadd.s32 s9, s14;
	s31 =	sadd.s32 s9, s0;
	[dreg:$0x18] =	wrdreg s1  }
0x34: {  	s1 =	sshrl.u32 s21, $0x3;
	s21 =	sadd.s32 s9, s8;
	s8 =	sshrl.u32 s25, $0x3  }
0x35: {  	s25 =	sadd.s32 s9, s10;
	s10 =	simm.s32 $0x12000;
	s20 =	sadd.s32 s9, s1  }
0x36: {  	s1 =	sshrl.u32 s24, $0x3;
	s24 =	sadd.s32 s9, s8;
	s8 =	sshrl.u32 s12, $0x3  }
0x37: {  	_ =	strace $0x80000047;
	s12 =	sshll.u32 s2, $0x8;
	[dreg:$0x19] =	wrdreg s13  }
0x38: {  	s13 =	simm.s32 $0x8000;
	s23 =	sadd.s32 s9, s1;
	s1 =	sshrl.u32 s11, $0x3  }
0x39: {  	s28 =	sadd.s32 s9, s8;
	s11 =	sshll.u32 s2, $0x4;
	s2 =	smax.u32 s4, $0x1  }
0x3a: {  	s14 =	sshrl.u32 s12, $0x2;
	s4 =	sadd.s32 $0x20000, s18;
	s8 =	simm.s32 $0x400  }
0x3b: {  	s12 =	simm.s32 $0x3;
	s26 =	sadd.s32 s9, s1;
	s1 =	sshrl.u32 s16, $0x3  }
0x3c: {  	vm0 =	vmmov $0x1;
	vm1 =	vmmov $0x3;
	s0 =	sadd.s32 s11, s15;
	[dreg:$0x1a] =	wrdreg s14;
	s15 =	sshrl.u32 s5, $0x2  }
.Ltmp0:
0x3d: {  	vm2 =	vmmov $0x7;
	vm3 =	vmmov $0xf;
	vm4 =	vmmov $0x1f;
	s16 =	sshrl.u32 s6, $0x2;
	s5 =	sadd.s32 $0x40000, s18;
	(pc) =	sbr.rel .LBB2_1-.Ltmp0, $4  }
0x3e: {  	vm5 =	vmmov $0x3f;
	vm6 =	vmmov $0x7f;
	vm7 =	vmmov $0xff;
	s6 =	sadd.s32 $0x60000, s18;
	s14 =	simm.s32 $0x14100;
	[dreg:$0x1b] =	wrdreg s15  }
0x3f: {  	vm8 =	vmmov $0x1ff;
	vm9 =	vmmov $0x3ff;
	vm10 =	vmmov $0x7ff;
	s30 =	sadd.s32 s9, s1;
	s1 =	sadd.s32 s11, s19;
	[dreg:$0x1c] =	wrdreg s16  }
0x40: {  	vm11 =	vmmov $0xfff;
	vm12 =	vmmov $0x1fff;
	v0 =	vlaneseq.u32;
	s19 =	sshrl.u32 s7, $0x2;
	s7 =	simm.s32 $0x80;
	s9 =	simm.s32 $0x10000  }
0x41: {  	vm13 =	vmmov $0x3fff;
	vm14 =	vmmov $0x7fff;
	v0 =	vmul.u32 $0x4, v0;
	s11 =	simm.s32 $0x2;
	s15 =	simm.s32 $0x0;
	[dreg:$0x1d] =	wrdreg s19  }
.LBB2_37:
0x42: {  	s15 =	sadd.s32 $0x1, s15  }
0x43: {  	p2 =	sne.s32 s15, s2  }
.Ltmp1:
0x44: {  	_ = 	snop;
	(pc) =	sbr.rel @!p2 .LBB2_38-.Ltmp1, $1  }
0x45: {  	_ =	sdelay $0x3  }
.LBB2_1:
0x46: {  	s16 =	rddreg [dreg:$0x7]  }
0x47: {  	[tilespmem:s9], [sflag:$0x1] =	stream.strided.gather [hbm4b:s16+s7], $0x2000, s8, s7, $0x38;
	[tilespmem:$0x143A0] =	vst v63  }
0x48: {  	s19 =	rddreg [dreg:$0x8]  }
0x49: {  	[tilespmem:s10], [sflag:$0x2] =	stream.strided.gather [hbm4b:s19+s7], $0x2000, s8, s7, $0x38;
	[tilespmem:$0x143A0] =	vst v63  }
0x4a: {  	_ =	swait.ge [sflag:s3], $0x2000  }
0x4b: {  	[sflag:s3] =	ssyncset.done $0x0  }
0x4c: {  	s16 =	simm.s32 $0x0;
	[sflag:s3] =	ssyncadd.s32 $0xFFFFE000  }
0x4d: {  	v1 =	vld [tilespmem:s16+$0x100C0]  }
0x4e: {  	v3 =	vld [tilespmem:s16+$0x100D0]  }
0x4f: {  	v2 =	vld [tilespmem:s16+$0x10080]  }
0x50: {  	v4 =	vld [tilespmem:s16+$0x10090]  }
0x51: {  	v7 =	vld [tilespmem:s16+$0x10040]  }
0x52: {  	v8 =	vld [tilespmem:s16+$0x10050]  }
0x53: {  	v11 =	vld [tilespmem:s16+$0x10000]  }
0x54: {  	v5 =	vimm.f32 $0.0e+00;
	v13 =	vld [tilespmem:s16+$0x10010]  }
0x55: {  	v10 =	vimm.f32 $0.0e+00;
	v6 =	vimm.f32 $0.0e+00;
	v9 =	vimm.f32 $0.0e+00;
	s19 =	simm.s32 $0x400;
	v12 =	vld [tilespmem:s16+$0x10020]  }
.LBB2_2:
0x56: {  	p2 =	sne.s32 s19, $0x7C00;
	v14 =	vld [tilespmem:s16+$0x10030]  }
0x57: {  	v15 =	vld [tilespmem:s16+$0x10060]  }
0x58: {  	v16 =	vld [tilespmem:s16+$0x10070]  }
0x59: {  	v17 =	vld [tilespmem:s16+$0x100A0]  }
0x5a: {  	v5 =	vadd.f32 v11, v5;
	v10 =	vadd.f32 v13, v10;
	v11 =	vld [tilespmem:s16+$0x100B0]  }
0x5b: {  	v6 =	vadd.f32 v12, v6;
	v9 =	vadd.f32 v14, v9;
	v12 =	vld [tilespmem:s16+$0x100E0]  }
0x5c: {  	v5 =	vadd.f32 v7, v5;
	v7 =	vadd.f32 v8, v10;
	v8 =	vld [tilespmem:s16+$0x100F0];
	s16 =	sshra.s32 s19, $0x2  }
0x5d: {  	v6 =	vadd.f32 v15, v6;
	v13 =	vld [tilespmem:s16+$0x100C0];
	v9 =	vadd.f32 v16, v9  }
0x5e: {  	v5 =	vadd.f32 v2, v5;
	v7 =	vadd.f32 v4, v7;
	v14 =	vld [tilespmem:s16+$0x100D0]  }
0x5f: {  	v6 =	vadd.f32 v17, v6;
	v2 =	vld [tilespmem:s16+$0x10080];
	v9 =	vadd.f32 v11, v9  }
0x60: {  	v5 =	vadd.f32 v1, v5;
	v10 =	vadd.f32 v3, v7;
	v4 =	vld [tilespmem:s16+$0x10090]  }
.Ltmp2:
0x61: {  	v6 =	vadd.f32 v12, v6;
	v7 =	vld [tilespmem:s16+$0x10040];
	v9 =	vadd.f32 v8, v9;
	(pc) =	sbr.rel @p2 .LBB2_2-.Ltmp2, $4  }
0x62: {  	v8 =	vld [tilespmem:s16+$0x10050];
	v1 =	vmov v13  }
0x63: {  	v11 =	vld [tilespmem:s16+$0x10000];
	v3 =	vmov v14  }
0x64: {  	v13 =	vld [tilespmem:s16+$0x10010]  }
0x65: {  	s19 =	sadd.s32 $0x400, s19;
	v12 =	vld [tilespmem:s16+$0x10020]  }
0x66: {  	v14 =	vld [tilespmem:s16+$0x10030]  }
0x67: {  	v15 =	vld [tilespmem:s16+$0x10060]  }
0x68: {  	v16 =	vld [tilespmem:s16+$0x10070]  }
0x69: {  	v17 =	vld [tilespmem:s16+$0x100A0]  }
0x6a: {  	v18 =	vld [tilespmem:s16+$0x100B0];
	v11 =	vadd.f32 v11, v5  }
0x6b: {  	v19 =	vld [tilespmem:s16+$0x100E0];
	s19 =	rddreg [dreg:$0x9]  }
0x6c: {  	v20 =	vld [tilespmem:s16+$0x100F0];
	[tilespmem:s9], [sflag:$0x1] =	stream.strided.gather [hbm4b:s19+s7], $0x2000, s8, s7, $0x38;
	v10 =	vadd.f32 v13, v10;
	v11 =	vadd.f32 v7, v11  }
0x6d: {  	_ =	swait.ge [sflag:s11], $0x2000;
	v12 =	vadd.f32 v12, v6  }
0x6e: {  	[sflag:s11] =	ssyncset.done $0x0;
	v10 =	vadd.f32 v8, v10;
	v2 =	vadd.f32 v2, v11  }
0x6f: {  	s16 =	simm.s32 $0x0;
	[sflag:s11] =	ssyncadd.s32 $0xFFFFE000;
	v9 =	vadd.f32 v14, v9;
	v12 =	vadd.f32 v15, v12  }
0x70: {  	v5 =	vld [tilespmem:s16+$0x120C0];
	v4 =	vadd.f32 v4, v10;
	v1 =	vadd.f32 v1, v2  }
0x71: {  	v6 =	vld [tilespmem:s16+$0x120D0];
	v9 =	vadd.f32 v16, v9  }
0x72: {  	v7 =	vld [tilespmem:s16+$0x12080];
	v13 =	vadd.f32 v17, v12;
	[tilespmem:$0x1FFC0] =	vst v1;
	v1 =	vadd.f32 v3, v4  }
0x73: {  	v8 =	vld [tilespmem:s16+$0x12090]  }
0x74: {  	v11 =	vld [tilespmem:s16+$0x12040];
	v9 =	vadd.f32 v18, v9;
	[tilespmem:$0x1FFD0] =	vst v1;
	v1 =	vadd.f32 v19, v13  }
0x75: {  	v10 =	vld [tilespmem:s16+$0x12000]  }
0x76: {  	v12 =	vld [tilespmem:s16+$0x12050];
	[tilespmem:$0x1FFE0] =	vst v1;
	v1 =	vadd.f32 v20, v9  }
0x77: {  	v2 =	vimm.f32 $0.0e+00;
	v4 =	vld [tilespmem:s16+$0x12020]  }
0x78: {  	s19 =	simm.s32 $0x400;
	v3 =	vimm.f32 $0.0e+00;
	v13 =	vld [tilespmem:s16+$0x12010];
	v9 =	vimm.f32 $0.0e+00;
	[tilespmem:$0x1FFF0] =	vst v1;
	v1 =	vimm.f32 $0.0e+00  }
.LBB2_4:
0x79: {  	p2 =	sne.s32 s19, $0x7C00;
	v14 =	vld [tilespmem:s16+$0x12030]  }
0x7a: {  	v15 =	vld [tilespmem:s16+$0x12060]  }
0x7b: {  	v16 =	vld [tilespmem:s16+$0x12070]  }
0x7c: {  	v17 =	vld [tilespmem:s16+$0x120A0]  }
0x7d: {  	v1 =	vadd.f32 v10, v1;
	v9 =	vadd.f32 v13, v9;
	v10 =	vld [tilespmem:s16+$0x120B0]  }
0x7e: {  	v2 =	vadd.f32 v4, v2;
	v3 =	vadd.f32 v14, v3;
	v4 =	vld [tilespmem:s16+$0x120E0]  }
0x7f: {  	v1 =	vadd.f32 v11, v1;
	v9 =	vadd.f32 v12, v9;
	v12 =	vld [tilespmem:s16+$0x120F0];
	s16 =	sshra.s32 s19, $0x2  }
0x80: {  	v2 =	vadd.f32 v15, v2;
	v13 =	vld [tilespmem:s16+$0x120C0];
	v3 =	vadd.f32 v16, v3  }
0x81: {  	v1 =	vadd.f32 v7, v1;
	v9 =	vadd.f32 v8, v9;
	v14 =	vld [tilespmem:s16+$0x120D0]  }
0x82: {  	v2 =	vadd.f32 v17, v2;
	v7 =	vld [tilespmem:s16+$0x12080];
	v3 =	vadd.f32 v10, v3  }
0x83: {  	v1 =	vadd.f32 v5, v1;
	v9 =	vadd.f32 v6, v9;
	v8 =	vld [tilespmem:s16+$0x12090]  }
.Ltmp3:
0x84: {  	v2 =	vadd.f32 v4, v2;
	v11 =	vld [tilespmem:s16+$0x12040];
	v3 =	vadd.f32 v12, v3;
	(pc) =	sbr.rel @p2 .LBB2_4-.Ltmp3, $4  }
0x85: {  	v12 =	vld [tilespmem:s16+$0x12050];
	v5 =	vmov v13  }
0x86: {  	v10 =	vld [tilespmem:s16+$0x12000];
	v6 =	vmov v14  }
0x87: {  	v13 =	vld [tilespmem:s16+$0x12010]  }
0x88: {  	s19 =	sadd.s32 $0x400, s19;
	v4 =	vld [tilespmem:s16+$0x12020]  }
0x89: {  	v14 =	vld [tilespmem:s16+$0x12030]  }
0x8a: {  	v15 =	vld [tilespmem:s16+$0x12060]  }
0x8b: {  	v16 =	vld [tilespmem:s16+$0x12070]  }
0x8c: {  	v17 =	vld [tilespmem:s16+$0x120A0]  }
0x8d: {  	v18 =	vld [tilespmem:s16+$0x120B0]  }
0x8e: {  	v19 =	vld [tilespmem:s16+$0x120E0];
	s19 =	rddreg [dreg:$0xa]  }
0x8f: {  	v20 =	vld [tilespmem:s16+$0x120F0];
	[tilespmem:s10], [sflag:$0x2] =	stream.strided.gather [hbm4b:s19+s7], $0x2000, s8, s7, $0x38  }
0x90: {  	_ =	swait.ge [sflag:s3], $0x2000;
	v1 =	vadd.f32 v10, v1  }
0x91: {  	[sflag:s3] =	ssyncset.done $0x0;
	v2 =	vadd.f32 v4, v2  }
0x92: {  	s16 =	simm.s32 $0x0;
	v13 =	vadd.f32 v13, v9;
	[sflag:s3] =	ssyncadd.s32 $0xFFFFE000;
	v1 =	vadd.f32 v11, v1  }
0x93: {  	v9 =	vld [tilespmem:s16+$0x100C0];
	v3 =	vadd.f32 v14, v3;
	v2 =	vadd.f32 v15, v2  }
0x94: {  	v10 =	vld [tilespmem:s16+$0x100D0];
	v4 =	vadd.f32 v12, v13;
	v7 =	vadd.f32 v7, v1  }
0x95: {  	v11 =	vld [tilespmem:s16+$0x10080];
	v3 =	vadd.f32 v16, v3;
	v2 =	vadd.f32 v17, v2  }
0x96: {  	v12 =	vld [tilespmem:s16+$0x10090];
	v4 =	vadd.f32 v8, v4;
	v5 =	vadd.f32 v5, v7  }
0x97: {  	v14 =	vld [tilespmem:s16+$0x10050];
	v3 =	vadd.f32 v18, v3;
	v2 =	vadd.f32 v19, v2  }
0x98: {  	v1 =	vld [tilespmem:s16+$0x10040];
	v4 =	vadd.f32 v6, v4;
	[tilespmem:$0x1FF80] =	vst v5  }
0x99: {  	v16 =	vld [tilespmem:s16+$0x10000];
	[tilespmem:$0x1FFA0] =	vst v2;
	v2 =	vadd.f32 v20, v3  }
0x9a: {  	v13 =	vimm.f32 $0.0e+00;
	v5 =	vld [tilespmem:s16+$0x10010];
	[tilespmem:$0x1FF90] =	vst v4  }
0x9b: {  	s19 =	simm.s32 $0x400;
	v15 =	vimm.f32 $0.0e+00;
	v4 =	vld [tilespmem:s16+$0x10020];
	v3 =	vimm.f32 $0.0e+00;
	[tilespmem:$0x1FFB0] =	vst v2;
	v2 =	vimm.f32 $0.0e+00  }
.LBB2_6:
0x9c: {  	p2 =	sne.s32 s19, $0x7C00;
	v6 =	vld [tilespmem:s16+$0x10030]  }
0x9d: {  	v7 =	vld [tilespmem:s16+$0x10060]  }
0x9e: {  	v8 =	vld [tilespmem:s16+$0x10070]  }
0x9f: {  	v17 =	vld [tilespmem:s16+$0x100A0]  }
0xa0: {  	v2 =	vadd.f32 v16, v2;
	v5 =	vadd.f32 v5, v13;
	v13 =	vld [tilespmem:s16+$0x100B0]  }
0xa1: {  	v3 =	vadd.f32 v4, v3;
	v4 =	vadd.f32 v6, v15;
	v6 =	vld [tilespmem:s16+$0x100E0]  }
0xa2: {  	v1 =	vadd.f32 v1, v2;
	v2 =	vadd.f32 v14, v5;
	v5 =	vld [tilespmem:s16+$0x100F0];
	s16 =	sshra.s32 s19, $0x2  }
0xa3: {  	v3 =	vadd.f32 v7, v3;
	v16 =	vld [tilespmem:s16+$0x100C0];
	v4 =	vadd.f32 v8, v4  }
0xa4: {  	v1 =	vadd.f32 v11, v1;
	v8 =	vadd.f32 v12, v2;
	v7 =	vld [tilespmem:s16+$0x100D0]  }
0xa5: {  	v3 =	vadd.f32 v17, v3;
	v11 =	vld [tilespmem:s16+$0x10080];
	v4 =	vadd.f32 v13, v4  }
0xa6: {  	v2 =	vadd.f32 v9, v1;
	v13 =	vadd.f32 v10, v8;
	v12 =	vld [tilespmem:s16+$0x10090]  }
.Ltmp4:
0xa7: {  	v3 =	vadd.f32 v6, v3;
	v1 =	vld [tilespmem:s16+$0x10040];
	v15 =	vadd.f32 v5, v4;
	(pc) =	sbr.rel @p2 .LBB2_6-.Ltmp4, $4  }
0xa8: {  	v14 =	vld [tilespmem:s16+$0x10050];
	v9 =	vmov v16  }
0xa9: {  	v16 =	vld [tilespmem:s16+$0x10000];
	v10 =	vmov v7  }
0xaa: {  	v5 =	vld [tilespmem:s16+$0x10010]  }
0xab: {  	s19 =	sadd.s32 $0x400, s19;
	v4 =	vld [tilespmem:s16+$0x10020]  }
0xac: {  	v6 =	vld [tilespmem:s16+$0x10030]  }
0xad: {  	v7 =	vld [tilespmem:s16+$0x10060]  }
0xae: {  	v8 =	vld [tilespmem:s16+$0x10070]  }
0xaf: {  	v17 =	vld [tilespmem:s16+$0x100A0]  }
0xb0: {  	v18 =	vld [tilespmem:s16+$0x100B0]  }
0xb1: {  	v19 =	vld [tilespmem:s16+$0x100E0];
	s19 =	rddreg [dreg:$0xb]  }
0xb2: {  	v21 =	vld [tilespmem:s16+$0x100F0];
	[tilespmem:s9], [sflag:$0x1] =	stream.strided.gather [hbm4b:s19+s7], $0x2000, s8, s7, $0x38;
	v2 =	vadd.f32 v16, v2;
	v5 =	vadd.f32 v5, v13  }
0xb3: {  	_ =	swait.ge [sflag:s11], $0x2000;
	v3 =	vadd.f32 v4, v3  }
0xb4: {  	[sflag:s11] =	ssyncset.done $0x0;
	v1 =	vadd.f32 v1, v2;
	v2 =	vadd.f32 v14, v5  }
0xb5: {  	s16 =	simm.s32 $0x0;
	[sflag:s11] =	ssyncadd.s32 $0xFFFFE000;
	v4 =	vadd.f32 v6, v15  }
0xb6: {  	v13 =	vld [tilespmem:s16+$0x120C0];
	v3 =	vadd.f32 v7, v3;
	v2 =	vadd.f32 v12, v2  }
0xb7: {  	v15 =	vld [tilespmem:s16+$0x120D0];
	v4 =	vadd.f32 v8, v4  }
0xb8: {  	v14 =	vld [tilespmem:s16+$0x12080];
	v3 =	vadd.f32 v17, v3;
	v2 =	vadd.f32 v10, v2  }
0xb9: {  	v16 =	vld [tilespmem:s16+$0x12090];
	v5 =	vadd.f32 v11, v1  }
0xba: {  	v20 =	vld [tilespmem:s16+$0x12000];
	v4 =	vadd.f32 v18, v4;
	[tilespmem:$0x1FF50] =	vst v2;
	v2 =	vadd.f32 v19, v3  }
0xbb: {  	v1 =	vld [tilespmem:s16+$0x12040];
	v5 =	vadd.f32 v9, v5  }
0xbc: {  	v18 =	vld [tilespmem:s16+$0x12050];
	[tilespmem:$0x1FF60] =	vst v2;
	v2 =	vadd.f32 v21, v4  }
0xbd: {  	v17 =	vimm.f32 $0.0e+00;
	[tilespmem:$0x1FF40] =	vst v5;
	v5 =	vld [tilespmem:s16+$0x12010]  }
0xbe: {  	s19 =	simm.s32 $0x400;
	v3 =	vimm.f32 $0.0e+00;
	v19 =	vimm.f32 $0.0e+00;
	v4 =	vld [tilespmem:s16+$0x12020];
	[tilespmem:$0x1FF70] =	vst v2;
	v2 =	vimm.f32 $0.0e+00  }
.LBB2_8:
0xbf: {  	p2 =	sne.s32 s19, $0x7C00;
	v6 =	vld [tilespmem:s16+$0x12030]  }
0xc0: {  	v7 =	vld [tilespmem:s16+$0x12060]  }
0xc1: {  	v8 =	vld [tilespmem:s16+$0x12070]  }
0xc2: {  	v9 =	vld [tilespmem:s16+$0x120A0]  }
0xc3: {  	v2 =	vadd.f32 v20, v2;
	v5 =	vadd.f32 v5, v17;
	v10 =	vld [tilespmem:s16+$0x120B0]  }
0xc4: {  	v3 =	vadd.f32 v4, v3;
	v4 =	vadd.f32 v6, v19;
	v6 =	vld [tilespmem:s16+$0x120E0]  }
0xc5: {  	v1 =	vadd.f32 v1, v2;
	v2 =	vadd.f32 v18, v5;
	v5 =	vld [tilespmem:s16+$0x120F0];
	s16 =	sshra.s32 s19, $0x2  }
0xc6: {  	v3 =	vadd.f32 v7, v3;
	v20 =	vld [tilespmem:s16+$0x120C0];
	v4 =	vadd.f32 v8, v4  }
0xc7: {  	v1 =	vadd.f32 v14, v1;
	v8 =	vadd.f32 v16, v2;
	v7 =	vld [tilespmem:s16+$0x120D0]  }
0xc8: {  	v3 =	vadd.f32 v9, v3;
	v14 =	vld [tilespmem:s16+$0x12080];
	v4 =	vadd.f32 v10, v4  }
0xc9: {  	v2 =	vadd.f32 v13, v1;
	v17 =	vadd.f32 v15, v8;
	v16 =	vld [tilespmem:s16+$0x12090]  }
.Ltmp5:
0xca: {  	v3 =	vadd.f32 v6, v3;
	v1 =	vld [tilespmem:s16+$0x12040];
	v19 =	vadd.f32 v5, v4;
	(pc) =	sbr.rel @p2 .LBB2_8-.Ltmp5, $4  }
0xcb: {  	v18 =	vld [tilespmem:s16+$0x12050];
	v13 =	vmov v20  }
0xcc: {  	v20 =	vld [tilespmem:s16+$0x12000];
	v15 =	vmov v7  }
0xcd: {  	v5 =	vld [tilespmem:s16+$0x12010]  }
0xce: {  	s19 =	sadd.s32 $0x400, s19;
	v4 =	vld [tilespmem:s16+$0x12020]  }
0xcf: {  	v6 =	vld [tilespmem:s16+$0x12030]  }
0xd0: {  	v7 =	vld [tilespmem:s16+$0x12060]  }
0xd1: {  	v8 =	vld [tilespmem:s16+$0x12070]  }
0xd2: {  	v9 =	vld [tilespmem:s16+$0x120A0]  }
0xd3: {  	v10 =	vld [tilespmem:s16+$0x120B0]  }
0xd4: {  	v21 =	vld [tilespmem:s16+$0x120E0];
	s19 =	rddreg [dreg:$0xc]  }
0xd5: {  	v22 =	vld [tilespmem:s16+$0x120F0];
	[tilespmem:s10], [sflag:$0x2] =	stream.strided.gather [hbm4b:s19+s7], $0x2000, s8, s7, $0x38  }
0xd6: {  	_ =	swait.ge [sflag:s3], $0x2000  }
0xd7: {  	[sflag:s3] =	ssyncset.done $0x0  }
0xd8: {  	s16 =	simm.s32 $0x0;
	v2 =	vadd.f32 v20, v2;
	v5 =	vadd.f32 v5, v17;
	[sflag:s3] =	ssyncadd.s32 $0xFFFFE000  }
0xd9: {  	v3 =	vadd.f32 v4, v3;
	v17 =	vld [tilespmem:s16+$0x100C0];
	v4 =	vadd.f32 v6, v19  }
0xda: {  	v1 =	vadd.f32 v1, v2;
	v19 =	vld [tilespmem:s16+$0x100D0]  }
0xdb: {  	v2 =	vadd.f32 v18, v5;
	v18 =	vld [tilespmem:s16+$0x10080];
	v4 =	vadd.f32 v8, v4  }
0xdc: {  	v20 =	vld [tilespmem:s16+$0x10090];
	v3 =	vadd.f32 v7, v3;
	v5 =	vadd.f32 v14, v1  }
0xdd: {  	v23 =	vld [tilespmem:s16+$0x10050];
	v2 =	vadd.f32 v16, v2;
	v4 =	vadd.f32 v10, v4  }
0xde: {  	v24 =	vld [tilespmem:s16+$0x10000];
	v3 =	vadd.f32 v9, v3;
	v5 =	vadd.f32 v13, v5  }
0xdf: {  	v1 =	vld [tilespmem:s16+$0x10040];
	v16 =	vadd.f32 v15, v2;
	v2 =	vadd.f32 v22, v4  }
0xe0: {  	[tilespmem:$0x1FF20] =	vst v5;
	v15 =	vadd.f32 v21, v3;
	v5 =	vld [tilespmem:s16+$0x10010];
	v21 =	vimm.f32 $0.0e+00  }
0xe1: {  	s19 =	simm.s32 $0x400;
	v3 =	vimm.f32 $0.0e+00;
	v4 =	vld [tilespmem:s16+$0x10020];
	v22 =	vimm.f32 $0.0e+00;
	[tilespmem:$0x1FF30] =	vst v2;
	v2 =	vimm.f32 $0.0e+00  }
.LBB2_10:
0xe2: {  	p2 =	sne.s32 s19, $0x7C00;
	v6 =	vld [tilespmem:s16+$0x10030]  }
0xe3: {  	v7 =	vld [tilespmem:s16+$0x10060]  }
0xe4: {  	v8 =	vld [tilespmem:s16+$0x10070]  }
0xe5: {  	v9 =	vld [tilespmem:s16+$0x100A0]  }
0xe6: {  	v2 =	vadd.f32 v24, v2;
	v5 =	vadd.f32 v5, v21;
	v10 =	vld [tilespmem:s16+$0x100B0]  }
0xe7: {  	v3 =	vadd.f32 v4, v3;
	v4 =	vadd.f32 v6, v22;
	v6 =	vld [tilespmem:s16+$0x100E0]  }
0xe8: {  	v1 =	vadd.f32 v1, v2;
	v2 =	vadd.f32 v23, v5;
	v5 =	vld [tilespmem:s16+$0x100F0];
	s16 =	sshra.s32 s19, $0x2  }
0xe9: {  	v3 =	vadd.f32 v7, v3;
	v24 =	vld [tilespmem:s16+$0x100C0];
	v4 =	vadd.f32 v8, v4  }
0xea: {  	v1 =	vadd.f32 v18, v1;
	v8 =	vadd.f32 v20, v2;
	v7 =	vld [tilespmem:s16+$0x100D0]  }
0xeb: {  	v3 =	vadd.f32 v9, v3;
	v18 =	vld [tilespmem:s16+$0x10080];
	v4 =	vadd.f32 v10, v4  }
0xec: {  	v2 =	vadd.f32 v17, v1;
	v21 =	vadd.f32 v19, v8;
	v20 =	vld [tilespmem:s16+$0x10090]  }
.Ltmp6:
0xed: {  	v3 =	vadd.f32 v6, v3;
	v1 =	vld [tilespmem:s16+$0x10040];
	v22 =	vadd.f32 v5, v4;
	(pc) =	sbr.rel @p2 .LBB2_10-.Ltmp6, $4  }
0xee: {  	v23 =	vld [tilespmem:s16+$0x10050];
	v17 =	vmov v24  }
0xef: {  	v24 =	vld [tilespmem:s16+$0x10000];
	v19 =	vmov v7  }
0xf0: {  	v5 =	vld [tilespmem:s16+$0x10010]  }
0xf1: {  	s19 =	sadd.s32 $0x400, s19;
	v4 =	vld [tilespmem:s16+$0x10020]  }
0xf2: {  	v6 =	vld [tilespmem:s16+$0x10030]  }
0xf3: {  	v7 =	vld [tilespmem:s16+$0x10060]  }
0xf4: {  	v8 =	vld [tilespmem:s16+$0x10070]  }
0xf5: {  	v9 =	vld [tilespmem:s16+$0x100A0]  }
0xf6: {  	v10 =	vld [tilespmem:s16+$0x100B0]  }
0xf7: {  	v25 =	vld [tilespmem:s16+$0x100E0];
	s19 =	rddreg [dreg:$0xd]  }
0xf8: {  	v26 =	vld [tilespmem:s16+$0x100F0];
	[tilespmem:s9], [sflag:$0x1] =	stream.strided.gather [hbm4b:s19+s7], $0x2000, s8, s7, $0x38  }
0xf9: {  	_ =	swait.ge [sflag:s11], $0x2000  }
0xfa: {  	[sflag:s11] =	ssyncset.done $0x0  }
0xfb: {  	s16 =	simm.s32 $0x0;
	v2 =	vadd.f32 v24, v2;
	[sflag:s11] =	ssyncadd.s32 $0xFFFFE000  }
0xfc: {  	v5 =	vadd.f32 v5, v21;
	v3 =	vadd.f32 v4, v3;
	v21 =	vld [tilespmem:s16+$0x120C0]  }
0xfd: {  	v1 =	vadd.f32 v1, v2;
	v4 =	vadd.f32 v6, v22;
	v22 =	vld [tilespmem:s16+$0x120D0]  }
0xfe: {  	v2 =	vadd.f32 v23, v5;
	v23 =	vld [tilespmem:s16+$0x12080]  }
0xff: {  	v24 =	vld [tilespmem:s16+$0x12090];
	v3 =	vadd.f32 v7, v3;
	v5 =	vadd.f32 v18, v1  }
0x100: {  	v27 =	vld [tilespmem:s16+$0x12050];
	v4 =	vadd.f32 v8, v4;
	v2 =	vadd.f32 v20, v2  }
0x101: {  	v28 =	vld [tilespmem:s16+$0x12000];
	v3 =	vadd.f32 v9, v3;
	v18 =	vadd.f32 v17, v5  }
0x102: {  	v1 =	vld [tilespmem:s16+$0x12040];
	v4 =	vadd.f32 v10, v4;
	v20 =	vadd.f32 v19, v2  }
0x103: {  	v5 =	vld [tilespmem:s16+$0x12010];
	v2 =	vimm.f32 $0.0e+00;
	v19 =	vadd.f32 v25, v3;
	v25 =	vimm.f32 $0.0e+00  }
0x104: {  	s19 =	simm.s32 $0x400;
	v3 =	vimm.f32 $0.0e+00;
	v17 =	vadd.f32 v26, v4;
	v4 =	vld [tilespmem:s16+$0x12020];
	v26 =	vimm.f32 $0.0e+00  }
.LBB2_12:
0x105: {  	p2 =	sne.s32 s19, $0x7C00;
	v6 =	vld [tilespmem:s16+$0x12030]  }
0x106: {  	v7 =	vld [tilespmem:s16+$0x12060]  }
0x107: {  	v8 =	vld [tilespmem:s16+$0x12070]  }
0x108: {  	v9 =	vld [tilespmem:s16+$0x120A0]  }
0x109: {  	v2 =	vadd.f32 v28, v2;
	v5 =	vadd.f32 v5, v25;
	v10 =	vld [tilespmem:s16+$0x120B0]  }
0x10a: {  	v3 =	vadd.f32 v4, v3;
	v4 =	vadd.f32 v6, v26;
	v6 =	vld [tilespmem:s16+$0x120E0]  }
0x10b: {  	v1 =	vadd.f32 v1, v2;
	v2 =	vadd.f32 v27, v5;
	v5 =	vld [tilespmem:s16+$0x120F0];
	s16 =	sshra.s32 s19, $0x2  }
0x10c: {  	v3 =	vadd.f32 v7, v3;
	v28 =	vld [tilespmem:s16+$0x120C0];
	v4 =	vadd.f32 v8, v4  }
0x10d: {  	v1 =	vadd.f32 v23, v1;
	v8 =	vadd.f32 v24, v2;
	v7 =	vld [tilespmem:s16+$0x120D0]  }
0x10e: {  	v3 =	vadd.f32 v9, v3;
	v23 =	vld [tilespmem:s16+$0x12080];
	v4 =	vadd.f32 v10, v4  }
0x10f: {  	v2 =	vadd.f32 v21, v1;
	v25 =	vadd.f32 v22, v8;
	v24 =	vld [tilespmem:s16+$0x12090]  }
.Ltmp7:
0x110: {  	v3 =	vadd.f32 v6, v3;
	v1 =	vld [tilespmem:s16+$0x12040];
	v26 =	vadd.f32 v5, v4;
	(pc) =	sbr.rel @p2 .LBB2_12-.Ltmp7, $4  }
0x111: {  	v27 =	vld [tilespmem:s16+$0x12050];
	v21 =	vmov v28  }
0x112: {  	v28 =	vld [tilespmem:s16+$0x12000];
	v22 =	vmov v7  }
0x113: {  	v5 =	vld [tilespmem:s16+$0x12010]  }
0x114: {  	s19 =	sadd.s32 $0x400, s19;
	v4 =	vld [tilespmem:s16+$0x12020]  }
0x115: {  	v6 =	vld [tilespmem:s16+$0x12030]  }
0x116: {  	v7 =	vld [tilespmem:s16+$0x12060]  }
0x117: {  	v8 =	vld [tilespmem:s16+$0x12070]  }
0x118: {  	v9 =	vld [tilespmem:s16+$0x120A0]  }
0x119: {  	v10 =	vld [tilespmem:s16+$0x120B0]  }
0x11a: {  	v29 =	vld [tilespmem:s16+$0x120E0];
	s19 =	rddreg [dreg:$0xe]  }
0x11b: {  	v30 =	vld [tilespmem:s16+$0x120F0];
	[tilespmem:s10], [sflag:$0x2] =	stream.strided.gather [hbm4b:s19+s7], $0x2000, s8, s7, $0x38  }
0x11c: {  	_ =	swait.ge [sflag:s3], $0x2000  }
0x11d: {  	[sflag:s3] =	ssyncset.done $0x0  }
0x11e: {  	s16 =	simm.s32 $0x0;
	v2 =	vadd.f32 v28, v2;
	[sflag:s3] =	ssyncadd.s32 $0xFFFFE000  }
0x11f: {  	v5 =	vadd.f32 v5, v25;
	v3 =	vadd.f32 v4, v3;
	v25 =	vld [tilespmem:s16+$0x100C0]  }
0x120: {  	v1 =	vadd.f32 v1, v2;
	v4 =	vadd.f32 v6, v26;
	v26 =	vld [tilespmem:s16+$0x100D0]  }
0x121: {  	v2 =	vadd.f32 v27, v5;
	v27 =	vld [tilespmem:s16+$0x10080]  }
0x122: {  	v28 =	vld [tilespmem:s16+$0x10090];
	v3 =	vadd.f32 v7, v3;
	v5 =	vadd.f32 v23, v1  }
0x123: {  	v31 =	vld [tilespmem:s16+$0x10050];
	v4 =	vadd.f32 v8, v4;
	v2 =	vadd.f32 v24, v2  }
0x124: {  	v32 =	vld [tilespmem:s16+$0x10000];
	v3 =	vadd.f32 v9, v3;
	v23 =	vadd.f32 v21, v5  }
0x125: {  	v1 =	vld [tilespmem:s16+$0x10040];
	v4 =	vadd.f32 v10, v4;
	v24 =	vadd.f32 v22, v2  }
0x126: {  	v5 =	vld [tilespmem:s16+$0x10010];
	v2 =	vimm.f32 $0.0e+00;
	v22 =	vadd.f32 v29, v3;
	v29 =	vimm.f32 $0.0e+00  }
0x127: {  	s19 =	simm.s32 $0x400;
	v3 =	vimm.f32 $0.0e+00;
	v21 =	vadd.f32 v30, v4;
	v4 =	vld [tilespmem:s16+$0x10020];
	v30 =	vimm.f32 $0.0e+00  }
.LBB2_14:
0x128: {  	p2 =	sne.s32 s19, $0x7C00;
	v6 =	vld [tilespmem:s16+$0x10030]  }
0x129: {  	v7 =	vld [tilespmem:s16+$0x10060]  }
0x12a: {  	v8 =	vld [tilespmem:s16+$0x10070]  }
0x12b: {  	v9 =	vld [tilespmem:s16+$0x100A0]  }
0x12c: {  	v2 =	vadd.f32 v32, v2;
	v5 =	vadd.f32 v5, v29;
	v10 =	vld [tilespmem:s16+$0x100B0]  }
0x12d: {  	v3 =	vadd.f32 v4, v3;
	v4 =	vadd.f32 v6, v30;
	v6 =	vld [tilespmem:s16+$0x100E0]  }
0x12e: {  	v1 =	vadd.f32 v1, v2;
	v2 =	vadd.f32 v31, v5;
	v5 =	vld [tilespmem:s16+$0x100F0];
	s16 =	sshra.s32 s19, $0x2  }
0x12f: {  	v3 =	vadd.f32 v7, v3;
	v32 =	vld [tilespmem:s16+$0x100C0];
	v4 =	vadd.f32 v8, v4  }
0x130: {  	v1 =	vadd.f32 v27, v1;
	v8 =	vadd.f32 v28, v2;
	v7 =	vld [tilespmem:s16+$0x100D0]  }
0x131: {  	v3 =	vadd.f32 v9, v3;
	v27 =	vld [tilespmem:s16+$0x10080];
	v4 =	vadd.f32 v10, v4  }
0x132: {  	v2 =	vadd.f32 v25, v1;
	v29 =	vadd.f32 v26, v8;
	v28 =	vld [tilespmem:s16+$0x10090]  }
.Ltmp8:
0x133: {  	v3 =	vadd.f32 v6, v3;
	v1 =	vld [tilespmem:s16+$0x10040];
	v30 =	vadd.f32 v5, v4;
	(pc) =	sbr.rel @p2 .LBB2_14-.Ltmp8, $4  }
0x134: {  	v31 =	vld [tilespmem:s16+$0x10050];
	v25 =	vmov v32  }
0x135: {  	v32 =	vld [tilespmem:s16+$0x10000];
	v26 =	vmov v7  }
0x136: {  	v5 =	vld [tilespmem:s16+$0x10010]  }
0x137: {  	s19 =	sadd.s32 $0x400, s19;
	v4 =	vld [tilespmem:s16+$0x10020]  }
0x138: {  	v6 =	vld [tilespmem:s16+$0x10030]  }
0x139: {  	v7 =	vld [tilespmem:s16+$0x10060]  }
0x13a: {  	v8 =	vld [tilespmem:s16+$0x10070]  }
0x13b: {  	v9 =	vld [tilespmem:s16+$0x100A0]  }
0x13c: {  	v10 =	vld [tilespmem:s16+$0x100B0]  }
0x13d: {  	v33 =	vld [tilespmem:s16+$0x100E0];
	s19 =	rddreg [dreg:$0xf]  }
0x13e: {  	v34 =	vld [tilespmem:s16+$0x100F0];
	[tilespmem:s9], [sflag:$0x1] =	stream.strided.gather [hbm4b:s19+s7], $0x2000, s8, s7, $0x38  }
0x13f: {  	_ =	swait.ge [sflag:s11], $0x2000  }
0x140: {  	[sflag:s11] =	ssyncset.done $0x0  }
0x141: {  	s16 =	simm.s32 $0x0;
	v2 =	vadd.f32 v32, v2;
	[sflag:s11] =	ssyncadd.s32 $0xFFFFE000  }
0x142: {  	v5 =	vadd.f32 v5, v29;
	v3 =	vadd.f32 v4, v3;
	v29 =	vld [tilespmem:s16+$0x120C0]  }
0x143: {  	v1 =	vadd.f32 v1, v2;
	v4 =	vadd.f32 v6, v30;
	v30 =	vld [tilespmem:s16+$0x120D0]  }
0x144: {  	v2 =	vadd.f32 v31, v5;
	v31 =	vld [tilespmem:s16+$0x12080]  }
0x145: {  	v32 =	vld [tilespmem:s16+$0x12090];
	v3 =	vadd.f32 v7, v3;
	v5 =	vadd.f32 v27, v1  }
0x146: {  	v35 =	vld [tilespmem:s16+$0x12050];
	v4 =	vadd.f32 v8, v4;
	v2 =	vadd.f32 v28, v2  }
0x147: {  	v36 =	vld [tilespmem:s16+$0x12000];
	v3 =	vadd.f32 v9, v3;
	v27 =	vadd.f32 v25, v5  }
0x148: {  	v1 =	vld [tilespmem:s16+$0x12040];
	v4 =	vadd.f32 v10, v4;
	v28 =	vadd.f32 v26, v2  }
0x149: {  	v5 =	vld [tilespmem:s16+$0x12010];
	v2 =	vimm.f32 $0.0e+00;
	v26 =	vadd.f32 v33, v3;
	v33 =	vimm.f32 $0.0e+00  }
0x14a: {  	s19 =	simm.s32 $0x400;
	v3 =	vimm.f32 $0.0e+00;
	v25 =	vadd.f32 v34, v4;
	v4 =	vld [tilespmem:s16+$0x12020];
	v34 =	vimm.f32 $0.0e+00  }
.LBB2_16:
0x14b: {  	p2 =	sne.s32 s19, $0x7C00;
	v6 =	vld [tilespmem:s16+$0x12030]  }
0x14c: {  	v7 =	vld [tilespmem:s16+$0x12060]  }
0x14d: {  	v8 =	vld [tilespmem:s16+$0x12070]  }
0x14e: {  	v9 =	vld [tilespmem:s16+$0x120A0]  }
0x14f: {  	v2 =	vadd.f32 v36, v2;
	v5 =	vadd.f32 v5, v33;
	v10 =	vld [tilespmem:s16+$0x120B0]  }
0x150: {  	v3 =	vadd.f32 v4, v3;
	v4 =	vadd.f32 v6, v34;
	v6 =	vld [tilespmem:s16+$0x120E0]  }
0x151: {  	v1 =	vadd.f32 v1, v2;
	v2 =	vadd.f32 v35, v5;
	v5 =	vld [tilespmem:s16+$0x120F0];
	s16 =	sshra.s32 s19, $0x2  }
0x152: {  	v3 =	vadd.f32 v7, v3;
	v36 =	vld [tilespmem:s16+$0x120C0];
	v4 =	vadd.f32 v8, v4  }
0x153: {  	v1 =	vadd.f32 v31, v1;
	v8 =	vadd.f32 v32, v2;
	v7 =	vld [tilespmem:s16+$0x120D0]  }
0x154: {  	v3 =	vadd.f32 v9, v3;
	v31 =	vld [tilespmem:s16+$0x12080];
	v4 =	vadd.f32 v10, v4  }
0x155: {  	v2 =	vadd.f32 v29, v1;
	v33 =	vadd.f32 v30, v8;
	v32 =	vld [tilespmem:s16+$0x12090]  }
.Ltmp9:
0x156: {  	v3 =	vadd.f32 v6, v3;
	v1 =	vld [tilespmem:s16+$0x12040];
	v34 =	vadd.f32 v5, v4;
	(pc) =	sbr.rel @p2 .LBB2_16-.Ltmp9, $4  }
0x157: {  	v35 =	vld [tilespmem:s16+$0x12050];
	v29 =	vmov v36  }
0x158: {  	v36 =	vld [tilespmem:s16+$0x12000];
	v30 =	vmov v7  }
0x159: {  	v5 =	vld [tilespmem:s16+$0x12010]  }
0x15a: {  	s19 =	sadd.s32 $0x400, s19;
	v4 =	vld [tilespmem:s16+$0x12020]  }
0x15b: {  	v6 =	vld [tilespmem:s16+$0x12030]  }
0x15c: {  	v7 =	vld [tilespmem:s16+$0x12060]  }
0x15d: {  	v8 =	vld [tilespmem:s16+$0x12070]  }
0x15e: {  	v9 =	vld [tilespmem:s16+$0x120A0]  }
0x15f: {  	v10 =	vld [tilespmem:s16+$0x120B0]  }
0x160: {  	v37 =	vld [tilespmem:s16+$0x120E0];
	s19 =	rddreg [dreg:$0x10]  }
0x161: {  	v38 =	vld [tilespmem:s16+$0x120F0];
	[tilespmem:s10], [sflag:$0x2] =	stream.strided.gather [hbm4b:s19+s7], $0x2000, s8, s7, $0x38  }
0x162: {  	_ =	swait.ge [sflag:s3], $0x2000  }
0x163: {  	[sflag:s3] =	ssyncset.done $0x0  }
0x164: {  	s16 =	simm.s32 $0x0;
	v2 =	vadd.f32 v36, v2;
	[sflag:s3] =	ssyncadd.s32 $0xFFFFE000  }
0x165: {  	v5 =	vadd.f32 v5, v33;
	v3 =	vadd.f32 v4, v3;
	v33 =	vld [tilespmem:s16+$0x100C0]  }
0x166: {  	v1 =	vadd.f32 v1, v2;
	v4 =	vadd.f32 v6, v34;
	v34 =	vld [tilespmem:s16+$0x100D0]  }
0x167: {  	v2 =	vadd.f32 v35, v5;
	v35 =	vld [tilespmem:s16+$0x10080]  }
0x168: {  	v36 =	vld [tilespmem:s16+$0x10090];
	v3 =	vadd.f32 v7, v3;
	v5 =	vadd.f32 v31, v1  }
0x169: {  	v39 =	vld [tilespmem:s16+$0x10050];
	v4 =	vadd.f32 v8, v4;
	v2 =	vadd.f32 v32, v2  }
0x16a: {  	v40 =	vld [tilespmem:s16+$0x10000];
	v3 =	vadd.f32 v9, v3;
	v31 =	vadd.f32 v29, v5  }
0x16b: {  	v1 =	vld [tilespmem:s16+$0x10040];
	v4 =	vadd.f32 v10, v4;
	v32 =	vadd.f32 v30, v2  }
0x16c: {  	v5 =	vld [tilespmem:s16+$0x10010];
	v2 =	vimm.f32 $0.0e+00;
	v30 =	vadd.f32 v37, v3;
	v37 =	vimm.f32 $0.0e+00  }
0x16d: {  	s19 =	simm.s32 $0x400;
	v3 =	vimm.f32 $0.0e+00;
	v29 =	vadd.f32 v38, v4;
	v4 =	vld [tilespmem:s16+$0x10020];
	v38 =	vimm.f32 $0.0e+00  }
.LBB2_18:
0x16e: {  	p2 =	sne.s32 s19, $0x7C00;
	v6 =	vld [tilespmem:s16+$0x10030]  }
0x16f: {  	v7 =	vld [tilespmem:s16+$0x10060]  }
0x170: {  	v8 =	vld [tilespmem:s16+$0x10070]  }
0x171: {  	v9 =	vld [tilespmem:s16+$0x100A0]  }
0x172: {  	v2 =	vadd.f32 v40, v2;
	v5 =	vadd.f32 v5, v37;
	v10 =	vld [tilespmem:s16+$0x100B0]  }
0x173: {  	v3 =	vadd.f32 v4, v3;
	v4 =	vadd.f32 v6, v38;
	v6 =	vld [tilespmem:s16+$0x100E0]  }
0x174: {  	v1 =	vadd.f32 v1, v2;
	v2 =	vadd.f32 v39, v5;
	v5 =	vld [tilespmem:s16+$0x100F0];
	s16 =	sshra.s32 s19, $0x2  }
0x175: {  	v3 =	vadd.f32 v7, v3;
	v40 =	vld [tilespmem:s16+$0x100C0];
	v4 =	vadd.f32 v8, v4  }
0x176: {  	v1 =	vadd.f32 v35, v1;
	v8 =	vadd.f32 v36, v2;
	v7 =	vld [tilespmem:s16+$0x100D0]  }
0x177: {  	v3 =	vadd.f32 v9, v3;
	v35 =	vld [tilespmem:s16+$0x10080];
	v4 =	vadd.f32 v10, v4  }
0x178: {  	v2 =	vadd.f32 v33, v1;
	v37 =	vadd.f32 v34, v8;
	v36 =	vld [tilespmem:s16+$0x10090]  }
.Ltmp10:
0x179: {  	v3 =	vadd.f32 v6, v3;
	v1 =	vld [tilespmem:s16+$0x10040];
	v38 =	vadd.f32 v5, v4;
	(pc) =	sbr.rel @p2 .LBB2_18-.Ltmp10, $4  }
0x17a: {  	v39 =	vld [tilespmem:s16+$0x10050];
	v33 =	vmov v40  }
0x17b: {  	v40 =	vld [tilespmem:s16+$0x10000];
	v34 =	vmov v7  }
0x17c: {  	v5 =	vld [tilespmem:s16+$0x10010]  }
0x17d: {  	s19 =	sadd.s32 $0x400, s19;
	v4 =	vld [tilespmem:s16+$0x10020]  }
0x17e: {  	v6 =	vld [tilespmem:s16+$0x10030]  }
0x17f: {  	v7 =	vld [tilespmem:s16+$0x10060]  }
0x180: {  	v8 =	vld [tilespmem:s16+$0x10070]  }
0x181: {  	v9 =	vld [tilespmem:s16+$0x100A0]  }
0x182: {  	v10 =	vld [tilespmem:s16+$0x100B0]  }
0x183: {  	v41 =	vld [tilespmem:s16+$0x100E0];
	s19 =	rddreg [dreg:$0x11]  }
0x184: {  	v42 =	vld [tilespmem:s16+$0x100F0];
	[tilespmem:s9], [sflag:$0x1] =	stream.strided.gather [hbm4b:s19+s7], $0x2000, s8, s7, $0x38  }
0x185: {  	_ =	swait.ge [sflag:s11], $0x2000  }
0x186: {  	[sflag:s11] =	ssyncset.done $0x0  }
0x187: {  	s16 =	simm.s32 $0x0;
	v2 =	vadd.f32 v40, v2;
	[sflag:s11] =	ssyncadd.s32 $0xFFFFE000  }
0x188: {  	v5 =	vadd.f32 v5, v37;
	v3 =	vadd.f32 v4, v3;
	v37 =	vld [tilespmem:s16+$0x120C0]  }
0x189: {  	v1 =	vadd.f32 v1, v2;
	v4 =	vadd.f32 v6, v38;
	v38 =	vld [tilespmem:s16+$0x120D0]  }
0x18a: {  	v2 =	vadd.f32 v39, v5;
	v39 =	vld [tilespmem:s16+$0x12080]  }
0x18b: {  	v40 =	vld [tilespmem:s16+$0x12090];
	v3 =	vadd.f32 v7, v3;
	v5 =	vadd.f32 v35, v1  }
0x18c: {  	v43 =	vld [tilespmem:s16+$0x12050];
	v4 =	vadd.f32 v8, v4;
	v2 =	vadd.f32 v36, v2  }
0x18d: {  	v44 =	vld [tilespmem:s16+$0x12000];
	v3 =	vadd.f32 v9, v3;
	v35 =	vadd.f32 v33, v5  }
0x18e: {  	v1 =	vld [tilespmem:s16+$0x12040];
	v4 =	vadd.f32 v10, v4;
	v36 =	vadd.f32 v34, v2  }
0x18f: {  	v5 =	vld [tilespmem:s16+$0x12010];
	v2 =	vimm.f32 $0.0e+00;
	v34 =	vadd.f32 v41, v3;
	v41 =	vimm.f32 $0.0e+00  }
0x190: {  	s19 =	simm.s32 $0x400;
	v3 =	vimm.f32 $0.0e+00;
	v33 =	vadd.f32 v42, v4;
	v4 =	vld [tilespmem:s16+$0x12020];
	v42 =	vimm.f32 $0.0e+00  }
.LBB2_20:
0x191: {  	p2 =	sne.s32 s19, $0x7C00;
	v6 =	vld [tilespmem:s16+$0x12030]  }
0x192: {  	v7 =	vld [tilespmem:s16+$0x12060]  }
0x193: {  	v8 =	vld [tilespmem:s16+$0x12070]  }
0x194: {  	v9 =	vld [tilespmem:s16+$0x120A0]  }
0x195: {  	v2 =	vadd.f32 v44, v2;
	v5 =	vadd.f32 v5, v41;
	v10 =	vld [tilespmem:s16+$0x120B0]  }
0x196: {  	v3 =	vadd.f32 v4, v3;
	v4 =	vadd.f32 v6, v42;
	v6 =	vld [tilespmem:s16+$0x120E0]  }
0x197: {  	v1 =	vadd.f32 v1, v2;
	v2 =	vadd.f32 v43, v5;
	v5 =	vld [tilespmem:s16+$0x120F0];
	s16 =	sshra.s32 s19, $0x2  }
0x198: {  	v3 =	vadd.f32 v7, v3;
	v44 =	vld [tilespmem:s16+$0x120C0];
	v4 =	vadd.f32 v8, v4  }
0x199: {  	v1 =	vadd.f32 v39, v1;
	v8 =	vadd.f32 v40, v2;
	v7 =	vld [tilespmem:s16+$0x120D0]  }
0x19a: {  	v3 =	vadd.f32 v9, v3;
	v39 =	vld [tilespmem:s16+$0x12080];
	v4 =	vadd.f32 v10, v4  }
0x19b: {  	v2 =	vadd.f32 v37, v1;
	v41 =	vadd.f32 v38, v8;
	v40 =	vld [tilespmem:s16+$0x12090]  }
.Ltmp11:
0x19c: {  	v3 =	vadd.f32 v6, v3;
	v1 =	vld [tilespmem:s16+$0x12040];
	v42 =	vadd.f32 v5, v4;
	(pc) =	sbr.rel @p2 .LBB2_20-.Ltmp11, $4  }
0x19d: {  	v43 =	vld [tilespmem:s16+$0x12050];
	v37 =	vmov v44  }
0x19e: {  	v44 =	vld [tilespmem:s16+$0x12000];
	v38 =	vmov v7  }
0x19f: {  	v5 =	vld [tilespmem:s16+$0x12010]  }
0x1a0: {  	s19 =	sadd.s32 $0x400, s19;
	v4 =	vld [tilespmem:s16+$0x12020]  }
0x1a1: {  	v6 =	vld [tilespmem:s16+$0x12030]  }
0x1a2: {  	v7 =	vld [tilespmem:s16+$0x12060]  }
0x1a3: {  	v8 =	vld [tilespmem:s16+$0x12070]  }
0x1a4: {  	v9 =	vld [tilespmem:s16+$0x120A0]  }
0x1a5: {  	v10 =	vld [tilespmem:s16+$0x120B0]  }
0x1a6: {  	v45 =	vld [tilespmem:s16+$0x120E0];
	s19 =	rddreg [dreg:$0x12]  }
0x1a7: {  	v46 =	vld [tilespmem:s16+$0x120F0];
	[tilespmem:s10], [sflag:$0x2] =	stream.strided.gather [hbm4b:s19+s7], $0x2000, s8, s7, $0x38  }
0x1a8: {  	_ =	swait.ge [sflag:s3], $0x2000  }
0x1a9: {  	[sflag:s3] =	ssyncset.done $0x0  }
0x1aa: {  	s16 =	simm.s32 $0x0;
	v2 =	vadd.f32 v44, v2;
	[sflag:s3] =	ssyncadd.s32 $0xFFFFE000  }
0x1ab: {  	v5 =	vadd.f32 v5, v41;
	v3 =	vadd.f32 v4, v3;
	v41 =	vld [tilespmem:s16+$0x100C0]  }
0x1ac: {  	v1 =	vadd.f32 v1, v2;
	v4 =	vadd.f32 v6, v42;
	v42 =	vld [tilespmem:s16+$0x100D0]  }
0x1ad: {  	v2 =	vadd.f32 v43, v5;
	v43 =	vld [tilespmem:s16+$0x10080]  }
0x1ae: {  	v44 =	vld [tilespmem:s16+$0x10090];
	v3 =	vadd.f32 v7, v3;
	v5 =	vadd.f32 v39, v1  }
0x1af: {  	v47 =	vld [tilespmem:s16+$0x10050];
	v4 =	vadd.f32 v8, v4;
	v2 =	vadd.f32 v40, v2  }
0x1b0: {  	v48 =	vld [tilespmem:s16+$0x10000];
	v3 =	vadd.f32 v9, v3;
	v39 =	vadd.f32 v37, v5  }
0x1b1: {  	v1 =	vld [tilespmem:s16+$0x10040];
	v4 =	vadd.f32 v10, v4;
	v40 =	vadd.f32 v38, v2  }
0x1b2: {  	v5 =	vld [tilespmem:s16+$0x10010];
	v2 =	vimm.f32 $0.0e+00;
	v38 =	vadd.f32 v45, v3;
	v45 =	vimm.f32 $0.0e+00  }
0x1b3: {  	s19 =	simm.s32 $0x400;
	v3 =	vimm.f32 $0.0e+00;
	v37 =	vadd.f32 v46, v4;
	v4 =	vld [tilespmem:s16+$0x10020];
	v46 =	vimm.f32 $0.0e+00  }
.LBB2_22:
0x1b4: {  	p2 =	sne.s32 s19, $0x7C00;
	v6 =	vld [tilespmem:s16+$0x10030]  }
0x1b5: {  	v7 =	vld [tilespmem:s16+$0x10060]  }
0x1b6: {  	v8 =	vld [tilespmem:s16+$0x10070]  }
0x1b7: {  	v9 =	vld [tilespmem:s16+$0x100A0]  }
0x1b8: {  	v2 =	vadd.f32 v48, v2;
	v5 =	vadd.f32 v5, v45;
	v10 =	vld [tilespmem:s16+$0x100B0]  }
0x1b9: {  	v3 =	vadd.f32 v4, v3;
	v4 =	vadd.f32 v6, v46;
	v6 =	vld [tilespmem:s16+$0x100E0]  }
0x1ba: {  	v1 =	vadd.f32 v1, v2;
	v2 =	vadd.f32 v47, v5;
	v5 =	vld [tilespmem:s16+$0x100F0];
	s16 =	sshra.s32 s19, $0x2  }
0x1bb: {  	v3 =	vadd.f32 v7, v3;
	v48 =	vld [tilespmem:s16+$0x100C0];
	v4 =	vadd.f32 v8, v4  }
0x1bc: {  	v1 =	vadd.f32 v43, v1;
	v8 =	vadd.f32 v44, v2;
	v7 =	vld [tilespmem:s16+$0x100D0]  }
0x1bd: {  	v3 =	vadd.f32 v9, v3;
	v43 =	vld [tilespmem:s16+$0x10080];
	v4 =	vadd.f32 v10, v4  }
0x1be: {  	v2 =	vadd.f32 v41, v1;
	v45 =	vadd.f32 v42, v8;
	v44 =	vld [tilespmem:s16+$0x10090]  }
.Ltmp12:
0x1bf: {  	v3 =	vadd.f32 v6, v3;
	v1 =	vld [tilespmem:s16+$0x10040];
	v46 =	vadd.f32 v5, v4;
	(pc) =	sbr.rel @p2 .LBB2_22-.Ltmp12, $4  }
0x1c0: {  	v47 =	vld [tilespmem:s16+$0x10050];
	v41 =	vmov v48  }
0x1c1: {  	v48 =	vld [tilespmem:s16+$0x10000];
	v42 =	vmov v7  }
0x1c2: {  	v5 =	vld [tilespmem:s16+$0x10010]  }
0x1c3: {  	s19 =	sadd.s32 $0x400, s19;
	v4 =	vld [tilespmem:s16+$0x10020]  }
0x1c4: {  	v6 =	vld [tilespmem:s16+$0x10030]  }
0x1c5: {  	v7 =	vld [tilespmem:s16+$0x10060]  }
0x1c6: {  	v8 =	vld [tilespmem:s16+$0x10070]  }
0x1c7: {  	v9 =	vld [tilespmem:s16+$0x100A0]  }
0x1c8: {  	v10 =	vld [tilespmem:s16+$0x100B0]  }
0x1c9: {  	v49 =	vld [tilespmem:s16+$0x100E0];
	s19 =	rddreg [dreg:$0x13]  }
0x1ca: {  	v50 =	vld [tilespmem:s16+$0x100F0];
	[tilespmem:s9], [sflag:$0x1] =	stream.strided.gather [hbm4b:s19+s7], $0x2000, s8, s7, $0x38  }
0x1cb: {  	_ =	swait.ge [sflag:s11], $0x2000  }
0x1cc: {  	[sflag:s11] =	ssyncset.done $0x0  }
0x1cd: {  	s16 =	simm.s32 $0x0;
	v2 =	vadd.f32 v48, v2;
	[sflag:s11] =	ssyncadd.s32 $0xFFFFE000  }
0x1ce: {  	v5 =	vadd.f32 v5, v45;
	v3 =	vadd.f32 v4, v3;
	v45 =	vld [tilespmem:s16+$0x120C0]  }
0x1cf: {  	v1 =	vadd.f32 v1, v2;
	v4 =	vadd.f32 v6, v46;
	v46 =	vld [tilespmem:s16+$0x120D0]  }
0x1d0: {  	v2 =	vadd.f32 v47, v5;
	v47 =	vld [tilespmem:s16+$0x12080]  }
0x1d1: {  	v48 =	vld [tilespmem:s16+$0x12090];
	v3 =	vadd.f32 v7, v3;
	v5 =	vadd.f32 v43, v1  }
0x1d2: {  	v51 =	vld [tilespmem:s16+$0x12050];
	v4 =	vadd.f32 v8, v4;
	v2 =	vadd.f32 v44, v2  }
0x1d3: {  	v52 =	vld [tilespmem:s16+$0x12000];
	v3 =	vadd.f32 v9, v3;
	v43 =	vadd.f32 v41, v5  }
0x1d4: {  	v1 =	vld [tilespmem:s16+$0x12040];
	v4 =	vadd.f32 v10, v4;
	v44 =	vadd.f32 v42, v2  }
0x1d5: {  	v5 =	vld [tilespmem:s16+$0x12010];
	v2 =	vimm.f32 $0.0e+00;
	v42 =	vadd.f32 v49, v3;
	v49 =	vimm.f32 $0.0e+00  }
0x1d6: {  	s19 =	simm.s32 $0x400;
	v3 =	vimm.f32 $0.0e+00;
	v41 =	vadd.f32 v50, v4;
	v4 =	vld [tilespmem:s16+$0x12020];
	v50 =	vimm.f32 $0.0e+00  }
.LBB2_24:
0x1d7: {  	p2 =	sne.s32 s19, $0x7C00;
	v6 =	vld [tilespmem:s16+$0x12030]  }
0x1d8: {  	v7 =	vld [tilespmem:s16+$0x12060]  }
0x1d9: {  	v8 =	vld [tilespmem:s16+$0x12070]  }
0x1da: {  	v9 =	vld [tilespmem:s16+$0x120A0]  }
0x1db: {  	v2 =	vadd.f32 v52, v2;
	v5 =	vadd.f32 v5, v49;
	v10 =	vld [tilespmem:s16+$0x120B0]  }
0x1dc: {  	v3 =	vadd.f32 v4, v3;
	v4 =	vadd.f32 v6, v50;
	v6 =	vld [tilespmem:s16+$0x120E0]  }
0x1dd: {  	v1 =	vadd.f32 v1, v2;
	v2 =	vadd.f32 v51, v5;
	v5 =	vld [tilespmem:s16+$0x120F0];
	s16 =	sshra.s32 s19, $0x2  }
0x1de: {  	v3 =	vadd.f32 v7, v3;
	v52 =	vld [tilespmem:s16+$0x120C0];
	v4 =	vadd.f32 v8, v4  }
0x1df: {  	v1 =	vadd.f32 v47, v1;
	v8 =	vadd.f32 v48, v2;
	v7 =	vld [tilespmem:s16+$0x120D0]  }
0x1e0: {  	v3 =	vadd.f32 v9, v3;
	v47 =	vld [tilespmem:s16+$0x12080];
	v4 =	vadd.f32 v10, v4  }
0x1e1: {  	v2 =	vadd.f32 v45, v1;
	v49 =	vadd.f32 v46, v8;
	v48 =	vld [tilespmem:s16+$0x12090]  }
.Ltmp13:
0x1e2: {  	v3 =	vadd.f32 v6, v3;
	v1 =	vld [tilespmem:s16+$0x12040];
	v50 =	vadd.f32 v5, v4;
	(pc) =	sbr.rel @p2 .LBB2_24-.Ltmp13, $4  }
0x1e3: {  	v51 =	vld [tilespmem:s16+$0x12050];
	v45 =	vmov v52  }
0x1e4: {  	v52 =	vld [tilespmem:s16+$0x12000];
	v46 =	vmov v7  }
0x1e5: {  	v5 =	vld [tilespmem:s16+$0x12010]  }
0x1e6: {  	s19 =	sadd.s32 $0x400, s19;
	v4 =	vld [tilespmem:s16+$0x12020]  }
0x1e7: {  	v6 =	vld [tilespmem:s16+$0x12030]  }
0x1e8: {  	v7 =	vld [tilespmem:s16+$0x12060]  }
0x1e9: {  	v8 =	vld [tilespmem:s16+$0x12070]  }
0x1ea: {  	v9 =	vld [tilespmem:s16+$0x120A0]  }
0x1eb: {  	v10 =	vld [tilespmem:s16+$0x120B0]  }
0x1ec: {  	v53 =	vld [tilespmem:s16+$0x120E0];
	s19 =	rddreg [dreg:$0x14]  }
0x1ed: {  	v54 =	vld [tilespmem:s16+$0x120F0];
	[tilespmem:s10], [sflag:$0x2] =	stream.strided.gather [hbm4b:s19+s7], $0x2000, s8, s7, $0x38  }
0x1ee: {  	_ =	swait.ge [sflag:s3], $0x2000  }
0x1ef: {  	[sflag:s3] =	ssyncset.done $0x0  }
0x1f0: {  	s16 =	simm.s32 $0x0;
	v2 =	vadd.f32 v52, v2;
	[sflag:s3] =	ssyncadd.s32 $0xFFFFE000  }
0x1f1: {  	v5 =	vadd.f32 v5, v49;
	v3 =	vadd.f32 v4, v3;
	v49 =	vld [tilespmem:s16+$0x100C0]  }
0x1f2: {  	v1 =	vadd.f32 v1, v2;
	v4 =	vadd.f32 v6, v50;
	v50 =	vld [tilespmem:s16+$0x100D0]  }
0x1f3: {  	v2 =	vadd.f32 v51, v5;
	v51 =	vld [tilespmem:s16+$0x10080]  }
0x1f4: {  	v52 =	vld [tilespmem:s16+$0x10090];
	v3 =	vadd.f32 v7, v3;
	v5 =	vadd.f32 v47, v1  }
0x1f5: {  	v55 =	vld [tilespmem:s16+$0x10050];
	v4 =	vadd.f32 v8, v4;
	v2 =	vadd.f32 v48, v2  }
0x1f6: {  	v56 =	vld [tilespmem:s16+$0x10000];
	v3 =	vadd.f32 v9, v3;
	v47 =	vadd.f32 v45, v5  }
0x1f7: {  	v1 =	vld [tilespmem:s16+$0x10040];
	v4 =	vadd.f32 v10, v4;
	v48 =	vadd.f32 v46, v2  }
0x1f8: {  	v5 =	vld [tilespmem:s16+$0x10010];
	v2 =	vimm.f32 $0.0e+00;
	v46 =	vadd.f32 v53, v3;
	v53 =	vimm.f32 $0.0e+00  }
0x1f9: {  	s19 =	simm.s32 $0x400;
	v3 =	vimm.f32 $0.0e+00;
	v45 =	vadd.f32 v54, v4;
	v4 =	vld [tilespmem:s16+$0x10020];
	v54 =	vimm.f32 $0.0e+00  }
.LBB2_26:
0x1fa: {  	p2 =	sne.s32 s19, $0x7C00;
	v6 =	vld [tilespmem:s16+$0x10030]  }
0x1fb: {  	v7 =	vld [tilespmem:s16+$0x10060]  }
0x1fc: {  	v8 =	vld [tilespmem:s16+$0x10070]  }
0x1fd: {  	v9 =	vld [tilespmem:s16+$0x100A0]  }
0x1fe: {  	v2 =	vadd.f32 v56, v2;
	v5 =	vadd.f32 v5, v53;
	v10 =	vld [tilespmem:s16+$0x100B0]  }
0x1ff: {  	v3 =	vadd.f32 v4, v3;
	v4 =	vadd.f32 v6, v54;
	v6 =	vld [tilespmem:s16+$0x100E0]  }
0x200: {  	v1 =	vadd.f32 v1, v2;
	v2 =	vadd.f32 v55, v5;
	v5 =	vld [tilespmem:s16+$0x100F0];
	s16 =	sshra.s32 s19, $0x2  }
0x201: {  	v3 =	vadd.f32 v7, v3;
	v56 =	vld [tilespmem:s16+$0x100C0];
	v4 =	vadd.f32 v8, v4  }
0x202: {  	v1 =	vadd.f32 v51, v1;
	v8 =	vadd.f32 v52, v2;
	v7 =	vld [tilespmem:s16+$0x100D0]  }
0x203: {  	v3 =	vadd.f32 v9, v3;
	v51 =	vld [tilespmem:s16+$0x10080];
	v4 =	vadd.f32 v10, v4  }
0x204: {  	v2 =	vadd.f32 v49, v1;
	v53 =	vadd.f32 v50, v8;
	v52 =	vld [tilespmem:s16+$0x10090]  }
.Ltmp14:
0x205: {  	v3 =	vadd.f32 v6, v3;
	v1 =	vld [tilespmem:s16+$0x10040];
	v54 =	vadd.f32 v5, v4;
	(pc) =	sbr.rel @p2 .LBB2_26-.Ltmp14, $4  }
0x206: {  	v55 =	vld [tilespmem:s16+$0x10050];
	v49 =	vmov v56  }
0x207: {  	v56 =	vld [tilespmem:s16+$0x10000];
	v50 =	vmov v7  }
0x208: {  	v5 =	vld [tilespmem:s16+$0x10010]  }
0x209: {  	s19 =	sadd.s32 $0x400, s19;
	v4 =	vld [tilespmem:s16+$0x10020]  }
0x20a: {  	v6 =	vld [tilespmem:s16+$0x10030]  }
0x20b: {  	v7 =	vld [tilespmem:s16+$0x10060]  }
0x20c: {  	v8 =	vld [tilespmem:s16+$0x10070]  }
0x20d: {  	v9 =	vld [tilespmem:s16+$0x100A0]  }
0x20e: {  	v10 =	vld [tilespmem:s16+$0x100B0]  }
0x20f: {  	v57 =	vld [tilespmem:s16+$0x100E0];
	s19 =	rddreg [dreg:$0x15]  }
0x210: {  	v58 =	vld [tilespmem:s16+$0x100F0];
	[tilespmem:s9], [sflag:$0x1] =	stream.strided.gather [hbm4b:s19+s7], $0x2000, s8, s7, $0x38  }
0x211: {  	_ =	swait.ge [sflag:s11], $0x2000  }
0x212: {  	[sflag:s11] =	ssyncset.done $0x0  }
0x213: {  	s16 =	simm.s32 $0x0;
	v2 =	vadd.f32 v56, v2;
	[sflag:s11] =	ssyncadd.s32 $0xFFFFE000  }
0x214: {  	v5 =	vadd.f32 v5, v53;
	v3 =	vadd.f32 v4, v3;
	v53 =	vld [tilespmem:s16+$0x120C0]  }
0x215: {  	v1 =	vadd.f32 v1, v2;
	v4 =	vadd.f32 v6, v54;
	v54 =	vld [tilespmem:s16+$0x120D0]  }
0x216: {  	v2 =	vadd.f32 v55, v5;
	v55 =	vld [tilespmem:s16+$0x12080]  }
0x217: {  	v56 =	vld [tilespmem:s16+$0x12090];
	v3 =	vadd.f32 v7, v3;
	v5 =	vadd.f32 v51, v1  }
0x218: {  	v59 =	vld [tilespmem:s16+$0x12050];
	v4 =	vadd.f32 v8, v4;
	v2 =	vadd.f32 v52, v2  }
0x219: {  	v60 =	vld [tilespmem:s16+$0x12000];
	v3 =	vadd.f32 v9, v3;
	v51 =	vadd.f32 v49, v5  }
0x21a: {  	v1 =	vld [tilespmem:s16+$0x12040];
	v4 =	vadd.f32 v10, v4;
	v52 =	vadd.f32 v50, v2  }
0x21b: {  	v5 =	vld [tilespmem:s16+$0x12010];
	v2 =	vimm.f32 $0.0e+00;
	v50 =	vadd.f32 v57, v3;
	v57 =	vimm.f32 $0.0e+00  }
0x21c: {  	s19 =	simm.s32 $0x400;
	v3 =	vimm.f32 $0.0e+00;
	v49 =	vadd.f32 v58, v4;
	v4 =	vld [tilespmem:s16+$0x12020];
	v58 =	vimm.f32 $0.0e+00  }
.LBB2_28:
0x21d: {  	p2 =	sne.s32 s19, $0x7C00;
	v6 =	vld [tilespmem:s16+$0x12030]  }
0x21e: {  	v7 =	vld [tilespmem:s16+$0x12060]  }
0x21f: {  	v8 =	vld [tilespmem:s16+$0x12070]  }
0x220: {  	v9 =	vld [tilespmem:s16+$0x120A0]  }
0x221: {  	v2 =	vadd.f32 v60, v2;
	v5 =	vadd.f32 v5, v57;
	v10 =	vld [tilespmem:s16+$0x120B0]  }
0x222: {  	v3 =	vadd.f32 v4, v3;
	v4 =	vadd.f32 v6, v58;
	v6 =	vld [tilespmem:s16+$0x120E0]  }
0x223: {  	v1 =	vadd.f32 v1, v2;
	v2 =	vadd.f32 v59, v5;
	v5 =	vld [tilespmem:s16+$0x120F0];
	s16 =	sshra.s32 s19, $0x2  }
0x224: {  	v3 =	vadd.f32 v7, v3;
	v60 =	vld [tilespmem:s16+$0x120C0];
	v4 =	vadd.f32 v8, v4  }
0x225: {  	v1 =	vadd.f32 v55, v1;
	v8 =	vadd.f32 v56, v2;
	v7 =	vld [tilespmem:s16+$0x120D0]  }
0x226: {  	v3 =	vadd.f32 v9, v3;
	v55 =	vld [tilespmem:s16+$0x12080];
	v4 =	vadd.f32 v10, v4  }
0x227: {  	v2 =	vadd.f32 v53, v1;
	v57 =	vadd.f32 v54, v8;
	v56 =	vld [tilespmem:s16+$0x12090]  }
.Ltmp15:
0x228: {  	v3 =	vadd.f32 v6, v3;
	v1 =	vld [tilespmem:s16+$0x12040];
	v58 =	vadd.f32 v5, v4;
	(pc) =	sbr.rel @p2 .LBB2_28-.Ltmp15, $4  }
0x229: {  	v59 =	vld [tilespmem:s16+$0x12050];
	v53 =	vmov v60  }
0x22a: {  	v60 =	vld [tilespmem:s16+$0x12000];
	v54 =	vmov v7  }
0x22b: {  	v5 =	vld [tilespmem:s16+$0x12010]  }
0x22c: {  	s19 =	sadd.s32 $0x400, s19;
	v4 =	vld [tilespmem:s16+$0x12020]  }
0x22d: {  	v6 =	vld [tilespmem:s16+$0x12030]  }
0x22e: {  	v7 =	vld [tilespmem:s16+$0x12060]  }
0x22f: {  	v8 =	vld [tilespmem:s16+$0x12070]  }
0x230: {  	v9 =	vld [tilespmem:s16+$0x120A0]  }
0x231: {  	v10 =	vld [tilespmem:s16+$0x120B0]  }
0x232: {  	v61 =	vld [tilespmem:s16+$0x120E0];
	s19 =	rddreg [dreg:$0x16]  }
0x233: {  	v62 =	vld [tilespmem:s16+$0x120F0];
	[tilespmem:s10], [sflag:$0x2] =	stream.strided.gather [hbm4b:s19+s7], $0x2000, s8, s7, $0x38  }
0x234: {  	_ =	swait.ge [sflag:s3], $0x2000  }
0x235: {  	[sflag:s3] =	ssyncset.done $0x0  }
0x236: {  	s16 =	simm.s32 $0x0;
	v2 =	vadd.f32 v60, v2;
	[sflag:s3] =	ssyncadd.s32 $0xFFFFE000  }
0x237: {  	v5 =	vadd.f32 v5, v57;
	v3 =	vadd.f32 v4, v3;
	v57 =	vld [tilespmem:s16+$0x100C0]  }
0x238: {  	v1 =	vadd.f32 v1, v2;
	v4 =	vadd.f32 v6, v58;
	v58 =	vld [tilespmem:s16+$0x100D0]  }
0x239: {  	v2 =	vadd.f32 v59, v5;
	v59 =	vld [tilespmem:s16+$0x10080]  }
0x23a: {  	v60 =	vld [tilespmem:s16+$0x10090];
	v3 =	vadd.f32 v7, v3;
	v5 =	vadd.f32 v55, v1  }
0x23b: {  	v63 =	vld [tilespmem:s16+$0x10050];
	v4 =	vadd.f32 v8, v4;
	v2 =	vadd.f32 v56, v2  }
0x23c: {  	v1 =	vld [tilespmem:s16+$0x10040];
	v3 =	vadd.f32 v9, v3;
	v55 =	vadd.f32 v53, v5  }
0x23d: {  	v5 =	vld [tilespmem:s16+$0x10020];
	v6 =	vadd.f32 v10, v4;
	v56 =	vadd.f32 v54, v2  }
0x23e: {  	v4 =	vld [tilespmem:s16+$0x10000];
	v2 =	vimm.f32 $0.0e+00;
	v54 =	vadd.f32 v61, v3;
	v61 =	vimm.f32 $0.0e+00  }
0x23f: {  	s19 =	simm.s32 $0x400;
	v3 =	vimm.f32 $0.0e+00;
	v53 =	vadd.f32 v62, v6;
	v6 =	vld [tilespmem:s16+$0x10010];
	v62 =	vimm.f32 $0.0e+00  }
.LBB2_30:
0x240: {  	p2 =	sne.s32 s19, $0x7C00;
	v7 =	vld [tilespmem:s16+$0x10030]  }
0x241: {  	v8 =	vld [tilespmem:s16+$0x10060]  }
0x242: {  	v9 =	vld [tilespmem:s16+$0x10070]  }
0x243: {  	v10 =	vld [tilespmem:s16+$0x100A0]  }
0x244: {  	v2 =	vadd.f32 v4, v2;
	v4 =	vadd.f32 v6, v61;
	v6 =	vld [tilespmem:s16+$0x100B0]  }
0x245: {  	v3 =	vadd.f32 v5, v3;
	v5 =	vadd.f32 v7, v62;
	v7 =	vld [tilespmem:s16+$0x100E0]  }
0x246: {  	v1 =	vadd.f32 v1, v2;
	v2 =	vadd.f32 v63, v4;
	v4 =	vld [tilespmem:s16+$0x100F0];
	s16 =	sshra.s32 s19, $0x2  }
0x247: {  	v3 =	vadd.f32 v8, v3;
	v11 =	vld [tilespmem:s16+$0x100C0];
	v5 =	vadd.f32 v9, v5  }
0x248: {  	v1 =	vadd.f32 v59, v1;
	v9 =	vadd.f32 v60, v2;
	v8 =	vld [tilespmem:s16+$0x100D0]  }
0x249: {  	v3 =	vadd.f32 v10, v3;
	v59 =	vld [tilespmem:s16+$0x10080];
	v5 =	vadd.f32 v6, v5  }
0x24a: {  	v2 =	vadd.f32 v57, v1;
	v61 =	vadd.f32 v58, v9;
	v60 =	vld [tilespmem:s16+$0x10090]  }
.Ltmp16:
0x24b: {  	v3 =	vadd.f32 v7, v3;
	v1 =	vld [tilespmem:s16+$0x10040];
	v62 =	vadd.f32 v4, v5;
	(pc) =	sbr.rel @p2 .LBB2_30-.Ltmp16, $4  }
0x24c: {  	v63 =	vld [tilespmem:s16+$0x10050];
	v57 =	vmov v11  }
0x24d: {  	v4 =	vld [tilespmem:s16+$0x10000];
	v58 =	vmov v8  }
0x24e: {  	v6 =	vld [tilespmem:s16+$0x10010]  }
0x24f: {  	s19 =	sadd.s32 $0x400, s19;
	v5 =	vld [tilespmem:s16+$0x10020]  }
0x250: {  	v7 =	vld [tilespmem:s16+$0x10030]  }
0x251: {  	v8 =	vld [tilespmem:s16+$0x10060]  }
0x252: {  	v9 =	vld [tilespmem:s16+$0x10070]  }
0x253: {  	v10 =	vld [tilespmem:s16+$0x100A0]  }
0x254: {  	v11 =	vld [tilespmem:s16+$0x100B0]  }
0x255: {  	v12 =	vld [tilespmem:s16+$0x100E0];
	s19 =	rddreg [dreg:$0x17]  }
0x256: {  	v13 =	vld [tilespmem:s16+$0x100F0];
	[tilespmem:s9], [sflag:$0x1] =	stream.strided.gather [hbm4b:s19+s7], $0x2000, s8, s7, $0x38  }
0x257: {  	_ =	swait.ge [sflag:s11], $0x2000  }
0x258: {  	[sflag:s11] =	ssyncset.done $0x0  }
0x259: {  	s16 =	simm.s32 $0x0;
	[sflag:s11] =	ssyncadd.s32 $0xFFFFE000  }
0x25a: {  	v2 =	vadd.f32 v4, v2;
	v4 =	vadd.f32 v6, v61;
	v61 =	vld [tilespmem:s16+$0x120C0]  }
0x25b: {  	v3 =	vadd.f32 v5, v3;
	v5 =	vadd.f32 v7, v62;
	v62 =	vld [tilespmem:s16+$0x120D0]  }
0x25c: {  	v2 =	vadd.f32 v1, v2;
	v4 =	vadd.f32 v63, v4;
	v63 =	vld [tilespmem:s16+$0x12080]  }
0x25d: {  	v1 =	vld [tilespmem:s16+$0x12090];
	v3 =	vadd.f32 v8, v3  }
0x25e: {  	v6 =	vadd.f32 v59, v2;
	v2 =	vld [tilespmem:s16+$0x12040];
	v5 =	vadd.f32 v9, v5  }
0x25f: {  	v8 =	vld [tilespmem:s16+$0x12000];
	v4 =	vadd.f32 v60, v4;
	v7 =	vadd.f32 v10, v3  }
0x260: {  	v9 =	vld [tilespmem:s16+$0x12020];
	v59 =	vadd.f32 v57, v6;
	v6 =	vimm.f32 $0.0e+00;
	v5 =	vadd.f32 v11, v5  }
0x261: {  	v3 =	vld [tilespmem:s16+$0x12050];
	v60 =	vadd.f32 v58, v4;
	v4 =	vimm.f32 $0.0e+00;
	v58 =	vadd.f32 v12, v7  }
0x262: {  	s19 =	simm.s32 $0x400;
	v10 =	vld [tilespmem:s16+$0x12010];
	v7 =	vimm.f32 $0.0e+00;
	v57 =	vadd.f32 v13, v5;
	v5 =	vimm.f32 $0.0e+00  }
.LBB2_32:
0x263: {  	p2 =	sne.s32 s19, $0x7C00;
	v11 =	vld [tilespmem:s16+$0x12030]  }
0x264: {  	v12 =	vld [tilespmem:s16+$0x12060]  }
0x265: {  	v13 =	vld [tilespmem:s16+$0x12070]  }
0x266: {  	v14 =	vld [tilespmem:s16+$0x120A0]  }
0x267: {  	v4 =	vadd.f32 v8, v4;
	v7 =	vadd.f32 v10, v7;
	v8 =	vld [tilespmem:s16+$0x120B0]  }
0x268: {  	v5 =	vadd.f32 v9, v5;
	v6 =	vadd.f32 v11, v6;
	v9 =	vld [tilespmem:s16+$0x120E0]  }
0x269: {  	v2 =	vadd.f32 v2, v4;
	v3 =	vadd.f32 v3, v7;
	v10 =	vld [tilespmem:s16+$0x120F0];
	s16 =	sshra.s32 s19, $0x2  }
0x26a: {  	v4 =	vadd.f32 v12, v5;
	v11 =	vld [tilespmem:s16+$0x120C0];
	v5 =	vadd.f32 v13, v6  }
0x26b: {  	v2 =	vadd.f32 v63, v2;
	v3 =	vadd.f32 v1, v3;
	v12 =	vld [tilespmem:s16+$0x120D0]  }
0x26c: {  	v6 =	vadd.f32 v14, v4;
	v63 =	vld [tilespmem:s16+$0x12080];
	v8 =	vadd.f32 v8, v5  }
0x26d: {  	v4 =	vadd.f32 v61, v2;
	v7 =	vadd.f32 v62, v3;
	v1 =	vld [tilespmem:s16+$0x12090]  }
.Ltmp17:
0x26e: {  	v5 =	vadd.f32 v9, v6;
	v2 =	vld [tilespmem:s16+$0x12040];
	v6 =	vadd.f32 v10, v8;
	(pc) =	sbr.rel @p2 .LBB2_32-.Ltmp17, $4  }
0x26f: {  	v3 =	vld [tilespmem:s16+$0x12050];
	v61 =	vmov v11  }
0x270: {  	v8 =	vld [tilespmem:s16+$0x12000];
	v62 =	vmov v12  }
0x271: {  	v10 =	vld [tilespmem:s16+$0x12010]  }
0x272: {  	s19 =	sadd.s32 $0x400, s19;
	v9 =	vld [tilespmem:s16+$0x12020]  }
0x273: {  	v11 =	vld [tilespmem:s16+$0x12030]  }
0x274: {  	v12 =	vld [tilespmem:s16+$0x12060]  }
0x275: {  	v13 =	vld [tilespmem:s16+$0x12070];
	_ =	sdelay $0x1  }
0x276: {  	v14 =	vld [tilespmem:s16+$0x120A0];
	v4 =	vadd.f32 v8, v4;
	v7 =	vadd.f32 v10, v7  }
0x277: {  	v8 =	vld [tilespmem:s16+$0x120B0];
	v5 =	vadd.f32 v9, v5;
	v6 =	vadd.f32 v11, v6  }
0x278: {  	v2 =	vadd.f32 v2, v4;
	v3 =	vadd.f32 v3, v7;
	v7 =	vld [tilespmem:$0x1FFD0]  }
0x279: {  	v4 =	vadd.f32 v12, v5;
	v5 =	vadd.f32 v13, v6;
	v6 =	vld [tilespmem:$0x1FFC0];
	_ =	sdelay $0x1  }
0x27a: {  	v1 =	vadd.f32 v1, v3;
	v3 =	vld [tilespmem:s16+$0x120E0];
	_ =	sdelay $0x1  }
0x27b: {  	v5 =	vadd.f32 v8, v5;
	v8 =	vld [tilespmem:$0x1FF90]  }
0x27c: {  	v4 =	vadd.f32 v14, v4;
	v6 =	vadd.f32 v7, v6;
	v7 =	vld [tilespmem:$0x1FF80];
	_ =	sdelay $0x1  }
0x27d: {  	v3 =	vadd.f32 v3, v4;
	v4 =	vld [tilespmem:$0x1FFA0];
	_ =	sdelay $0x2  }
0x27e: {  	v7 =	vadd.f32 v8, v7;
	v8 =	vld [tilespmem:$0x1FFE0];
	_ =	sdelay $0x1  }
0x27f: {  	v4 =	vadd.f32 v4, v7;
	v7 =	vld [tilespmem:$0x1FFF0];
	_ =	sdelay $0x1  }
0x280: {  	v9 =	vld [tilespmem:$0x1FF50]  }
0x281: {  	v6 =	vadd.f32 v8, v6;
	v8 =	vld [tilespmem:$0x1FF40];
	_ =	sdelay $0x1  }
0x282: {  	v6 =	vadd.f32 v7, v6;
	v7 =	vld [tilespmem:$0x1FF60];
	_ =	sdelay $0x2  }
0x283: {  	v8 =	vadd.f32 v9, v8;
	_ =	sdelay $0x1  }
0x284: {  	v7 =	vadd.f32 v7, v8;
	v8 =	vld [tilespmem:$0x1FFB0];
	_ =	sdelay $0x4  }
0x285: {  	v10 =	vadd.f32 v24, v23;
	v4 =	vadd.f32 v8, v4;
	v8 =	vld [tilespmem:$0x1FF20]  }
0x286: {  	v9 =	vld [tilespmem:$0x1FF70]  }
0x287: {  	v11 =	vadd.f32 v28, v27;
	v10 =	vadd.f32 v22, v10  }
0x288: {  	v2 =	vadd.f32 v63, v2  }
0x289: {  	v12 =	vld [tilespmem:$0x1FF30];
	v11 =	vadd.f32 v26, v11;
	v10 =	vadd.f32 v21, v10  }
0x28a: {  	v2 =	vadd.f32 v61, v2;
	v8 =	vadd.f32 v16, v8  }
0x28b: {  	v7 =	vadd.f32 v9, v7;
	v9 =	vadd.f32 v20, v18  }
0x28c: {  	(xrf2) =	vadd.scan.msk.f32 $0xffff, v6;
	v6 =	vadd.f32 v25, v11;
	v8 =	vadd.f32 v15, v8  }
0x28d: {  	v11 =	vadd.f32 v36, v35;
	v9 =	vadd.f32 v19, v9  }
0x28e: {  	(xrf2) =	vadd.scan.msk.f32 $0xffff, v4;
	v8 =	vadd.f32 v12, v8;
	v12 =	vadd.f32 v32, v31  }
0x28f: {  	v9 =	vadd.f32 v17, v9;
	(xrf2) =	vadd.scan.msk.f32 $0xffff, v7;
	v7 =	vadd.f32 v34, v11  }
0x290: {  	v11 =	vadd.f32 v44, v43;
	v4 =	vadd.f32 v30, v12  }
0x291: {  	v7 =	vadd.f32 v33, v7;
	v12 =	vadd.f32 v40, v39;
	(xrf2) =	vadd.scan.msk.f32 $0xffff, v8  }
0x292: {  	(xrf2) =	vadd.scan.msk.f32 $0xffff, v9;
	v9 =	vadd.f32 v42, v11;
	v4 =	vadd.f32 v29, v4  }
0x293: {  	v8 =	vadd.f32 v38, v12;
	(xrf2) =	vadd.scan.msk.f32 $0xffff, v10;
	v10 =	vadd.f32 v48, v47  }
0x294: {  	(xrf2) =	vadd.scan.msk.f32 $0xffff, v6;
	v6 =	vadd.f32 v41, v9;
	v9 =	vadd.f32 v52, v51  }
0x295: {  	v8 =	vadd.f32 v37, v8;
	(xrf2) =	vadd.scan.msk.f32 $0xffff, v4;
	v4 =	vadd.f32 v46, v10  }
0x296: {  	v10 =	vadd.f32 v56, v55;
	(xrf2) =	vadd.scan.msk.f32 $0xffff, v7;
	v7 =	vadd.f32 v50, v9  }
0x297: {  	v1 =	vadd.f32 v62, v1;
	v11 =	vld [tilespmem:s16+$0x120F0];
	v9 =	vadd.f32 v60, v59  }
0x298: {  	(xrf2) =	vadd.scan.msk.f32 $0xffff, v8;
	v4 =	vadd.f32 v45, v4;
	v8 =	vadd.f32 v54, v10  }
0x299: {  	(xrf2) =	vadd.scan.msk.f32 $0xffff, v6;
	v6 =	vadd.f32 v49, v7;
	v9 =	vadd.f32 v58, v9  }
0x29a: {  	v7, _, _ =	vpop (xrf2);
	(xrf2) =	vadd.scan.msk.f32 $0xffff, v4;
	v4 =	vadd.f32 v53, v8  }
0x29b: {  	v1 =	vadd.f32 v1, v2;
	v10, _, _ =	vpop (xrf2);
	(xrf2) =	vadd.scan.msk.f32 $0xffff, v6;
	v6 =	vadd.f32 v57, v9  }
0x29c: {  	v5 =	vadd.f32 v11, v5;
	v2 =	vbroadcast v7, $0xF;
	v7 =	vbroadcast v10, $0xF;
	v8, _, _ =	vpop (xrf2)  }
0x29d: {  	v1 =	vadd.f32 v3, v1;
	v8 =	vbroadcast v8, $0xF;
	v9, _, _ =	vpop (xrf2)  }
0x29e: {  	(xrf2) =	vadd.scan.msk.f32 $0xffff, v4;
	v2 =	vsel vm0, v2, v7;
	v3 =	vbroadcast v9, $0xF;
	v4, _, _ =	vpop (xrf2)  }
0x29f: {  	v1 =	vadd.f32 v5, v1;
	(xrf2) =	vadd.scan.msk.f32 $0xffff, v6;
	v6, _, _ =	vpop (xrf2);
	v2 =	vsel vm1, v2, v8;
	v4 =	vbroadcast v4, $0xF  }
0x2a0: {  	v5, _, _ =	vpop (xrf2);
	v2 =	vsel vm2, v2, v3  }
0x2a1: {  	v3 =	vbroadcast v6, $0xF;
	v2 =	vsel vm3, v2, v4;
	v4 =	vbroadcast v5, $0xF  }
0x2a2: {  	v5, _, _ =	vpop (xrf2)  }
0x2a3: {  	(xrf2) =	vadd.scan.msk.f32 $0xffff, v1;
	v1, _, _ =	vpop (xrf2);
	v2 =	vsel vm4, v2, v3;
	v3 =	vbroadcast v5, $0xF  }
0x2a4: {  	v5, _, _ =	vpop (xrf2);
	v2 =	vsel vm5, v2, v4;
	v1 =	vbroadcast v1, $0xF  }
0x2a5: {  	v2 =	vsel vm6, v2, v3;
	v3 =	vbroadcast v5, $0xF;
	v4, _, _ =	vpop (xrf2)  }
0x2a6: {  	v1 =	vsel vm7, v2, v1;
	v5, _, _ =	vpop (xrf2);
	v2 =	vbroadcast v4, $0xF  }
0x2a7: {  	v1 =	vsel vm8, v1, v3;
	v4, _, _ =	vpop (xrf2);
	v3 =	vbroadcast v5, $0xF  }
0x2a8: {  	v5, _, _ =	vpop (xrf2);
	v1 =	vsel vm9, v1, v2;
	v2 =	vbroadcast v4, $0xF  }
0x2a9: {  	v4, _, _ =	vpop (xrf2);
	v1 =	vsel vm10, v1, v3  }
0x2aa: {  	v1 =	vsel vm11, v1, v2;
	v2 =	vbroadcast v4, $0xF  }
0x2ab: {  	v3 =	vbroadcast v5, $0xF;
	_ =	sdelay $0x1  }
0x2ac: {  	v1 =	vsel vm12, v1, v3  }
0x2ad: {  	v1 =	vsel vm13, v1, v2;
	v2, _, _ =	vpop (xrf2)  }
0x2ae: {  	v1 =	vsel vm14, v1, v2  }
0x2af: {  	s19 =	simm.s32 $0x14000;
	[tilespmem:$0x14000] =	vst v1  }
0x2b0: {  	[spmem:s0] =	stream.linear.scatter [tilespmem:s19], [sflag:$0x3], $0x10, $0x38;
	[tilespmem:$0x143A0] =	vst v63  }
0x2b1: {  	_ =	swait.ge [sflag:s12], $0x10  }
0x2b2: {  	[sflag:s12] =	ssyncset.done $0x0  }
0x2b3: {  	[sflag:s12] =	ssyncadd.s32 $0xFFFFFFF0  }
0x2b4: {  	_ =	swait.ge [sflag:s3], $0x2000  }
0x2b5: {  	[sflag:s3] =	ssyncset.done $0x0  }
0x2b6: {  	s16 =	simm.s32 $0x0;
	[sflag:s3] =	ssyncadd.s32 $0xFFFFE000  }
0x2b7: {  	v1 =	vld [tilespmem:s16+$0x100C0]  }
0x2b8: {  	v2 =	vld [tilespmem:s16+$0x100D0]  }
0x2b9: {  	v3 =	vld [tilespmem:s16+$0x10080]  }
0x2ba: {  	v4 =	vld [tilespmem:s16+$0x10090]  }
0x2bb: {  	v5 =	vld [tilespmem:s16+$0x10040]  }
0x2bc: {  	v6 =	vld [tilespmem:s16+$0x10050]  }
0x2bd: {  	v11 =	vld [tilespmem:s16+$0x10000]  }
0x2be: {  	v10 =	vimm.f32 $0.0e+00;
	v13 =	vld [tilespmem:s16+$0x10010]  }
0x2bf: {  	v7 =	vimm.f32 $0.0e+00;
	v9 =	vimm.f32 $0.0e+00;
	v8 =	vimm.f32 $0.0e+00;
	s19 =	simm.s32 $0x400;
	v12 =	vld [tilespmem:s16+$0x10020]  }
.LBB2_34:
0x2c0: {  	p2 =	sne.s32 s19, $0x7C00;
	v14 =	vld [tilespmem:s16+$0x10030]  }
0x2c1: {  	v15 =	vld [tilespmem:s16+$0x10060]  }
0x2c2: {  	v16 =	vld [tilespmem:s16+$0x10070]  }
0x2c3: {  	v17 =	vld [tilespmem:s16+$0x100A0]  }
0x2c4: {  	v7 =	vadd.f32 v11, v7;
	v9 =	vadd.f32 v13, v9;
	v11 =	vld [tilespmem:s16+$0x100B0]  }
0x2c5: {  	v10 =	vadd.f32 v12, v10;
	v8 =	vadd.f32 v14, v8;
	v12 =	vld [tilespmem:s16+$0x100E0]  }
0x2c6: {  	v5 =	vadd.f32 v5, v7;
	v6 =	vadd.f32 v6, v9;
	v13 =	vld [tilespmem:s16+$0x100F0];
	s16 =	sshra.s32 s19, $0x2  }
0x2c7: {  	v7 =	vadd.f32 v15, v10;
	v14 =	vld [tilespmem:s16+$0x100C0];
	v8 =	vadd.f32 v16, v8  }
0x2c8: {  	v5 =	vadd.f32 v3, v5;
	v6 =	vadd.f32 v4, v6;
	v15 =	vld [tilespmem:s16+$0x100D0]  }
0x2c9: {  	v10 =	vadd.f32 v17, v7;
	v3 =	vld [tilespmem:s16+$0x10080];
	v8 =	vadd.f32 v11, v8  }
0x2ca: {  	v7 =	vadd.f32 v1, v5;
	v9 =	vadd.f32 v2, v6;
	v4 =	vld [tilespmem:s16+$0x10090]  }
.Ltmp18:
0x2cb: {  	v10 =	vadd.f32 v12, v10;
	v5 =	vld [tilespmem:s16+$0x10040];
	v8 =	vadd.f32 v13, v8;
	(pc) =	sbr.rel @p2 .LBB2_34-.Ltmp18, $4  }
0x2cc: {  	v6 =	vld [tilespmem:s16+$0x10050];
	v1 =	vmov v14  }
0x2cd: {  	v11 =	vld [tilespmem:s16+$0x10000];
	v2 =	vmov v15  }
0x2ce: {  	v13 =	vld [tilespmem:s16+$0x10010]  }
0x2cf: {  	s19 =	sadd.s32 $0x400, s19;
	v12 =	vld [tilespmem:s16+$0x10020]  }
0x2d0: {  	v14 =	vld [tilespmem:s16+$0x10030]  }
0x2d1: {  	v15 =	vld [tilespmem:s16+$0x10060]  }
0x2d2: {  	v16 =	vld [tilespmem:s16+$0x10070]  }
0x2d3: {  	v17 =	vld [tilespmem:s16+$0x100A0];
	v7 =	vadd.f32 v11, v7;
	v9 =	vadd.f32 v13, v9  }
0x2d4: {  	v10 =	vadd.f32 v12, v10  }
0x2d5: {  	v56 =	vld [tilespmem:s16+$0x100B0];
	v5 =	vadd.f32 v5, v7;
	v6 =	vadd.f32 v6, v9  }
0x2d6: {  	v58 =	vld [tilespmem:s16+$0x100E0];
	v57 =	vadd.f32 v14, v8;
	v59 =	vadd.f32 v15, v10  }
0x2d7: {  	v3 =	vadd.f32 v3, v5;
	v4 =	vadd.f32 v4, v6  }
0x2d8: {  	v60 =	vld [tilespmem:s16+$0x100F0];
	v61 =	vadd.f32 v16, v57;
	v62 =	vadd.f32 v17, v59  }
0x2d9: {  	v1 =	vadd.f32 v1, v3;
	v2 =	vadd.f32 v2, v4  }
0x2da: {  	v3 =	vadd.f32 v56, v61  }
0x2db: {  	v63 =	vadd.f32 v58, v62;
	v1 =	vadd.f32 v2, v1;
	_ =	sdelay $0x1  }
0x2dc: {  	v2 =	vadd.f32 v60, v3;
	v1 =	vadd.f32 v63, v1;
	_ =	sdelay $0x1  }
0x2dd: {  	v1 =	vadd.f32 v2, v1;
	_ =	sdelay $0x1  }
0x2de: {  	(xrf2) =	vadd.scan.msk.f32 $0xffff, v1;
	_ =	sdelay $0x9  }
0x2df: {  	v1, _, _ =	vpop (xrf2)  }
0x2e0: {  	v1 =	vbroadcast v1, $0xF;
	_ =	sdelay $0x1  }
0x2e1: {  	s19 =	simm.s32 $0x14080;
	[tilespmem:$0x14080] =	vst v1  }
0x2e2: {  	[spmem:s1] =	stream.linear.scatter [tilespmem:s19], [sflag:$0x3], $0x10, $0x38;
	[tilespmem:$0x143A0] =	vst v63  }
0x2e3: {  	_ =	swait.ge [sflag:s12], $0x10  }
0x2e4: {  	[sflag:s12] =	ssyncset.done $0x0  }
0x2e5: {  	[sflag:s12] =	ssyncadd.s32 $0xFFFFFFF0  }
0x2e6: {  	[tilespmem:s17], [sflag:$0x1] =	stream.strided.gather [hbm4b:s18+s8], $0x8000, s13, s8, $0x38;
	[tilespmem:$0x143A0] =	vst v63  }
0x2e7: {  	_ = 	snop  }
0x2e8: {  	[tilespmem:s13], [sflag:$0x2] =	stream.strided.gather [hbm4b:s4+s8], $0x8000, s13, s8, $0x38;
	[tilespmem:$0x143A0] =	vst v63  }
0x2e9: {  	_ =	swait.ge [sflag:s3], $0x8000  }
0x2ea: {  	[sflag:s3] =	ssyncset.done $0x0  }
0x2eb: {  	[sflag:s3] =	ssyncadd.s32 $0xFFFF8000  }
0x2ec: {  	[tilespmem:s17], [sflag:$0x1] =	stream.strided.gather [hbm4b:s5+s8], $0x8000, s13, s8, $0x38;
	[tilespmem:$0x143A0] =	vst v63  }
0x2ed: {  	_ =	swait.ge [sflag:s11], $0x8000  }
0x2ee: {  	[sflag:s11] =	ssyncset.done $0x0  }
0x2ef: {  	[sflag:s11] =	ssyncadd.s32 $0xFFFF8000  }
0x2f0: {  	[tilespmem:s13], [sflag:$0x2] =	stream.strided.gather [hbm4b:s6+s8], $0x8000, s13, s8, $0x38;
	[tilespmem:$0x143A0] =	vst v63  }
0x2f1: {  	_ =	swait.ge [sflag:s3], $0x8000  }
0x2f2: {  	[sflag:s3] =	ssyncset.done $0x0  }
0x2f3: {  	s19 =	rddreg [dreg:$0x18];
	[sflag:s3] =	ssyncadd.s32 $0xFFFF8000  }
0x2f4: {  	[tilespmem:s17], [sflag:$0x1] =	stream.strided.gather [hbm4b:s19+s8], $0x8000, s13, s8, $0x38;
	[tilespmem:$0x143A0] =	vst v63  }
0x2f5: {  	_ =	swait.ge [sflag:s11], $0x8000  }
0x2f6: {  	[sflag:s11] =	ssyncset.done $0x0  }
0x2f7: {  	[sflag:s11] =	ssyncadd.s32 $0xFFFF8000  }
0x2f8: {  	[tilespmem:s13], [sflag:$0x2] =	stream.strided.gather [hbm4b:s20+s8], $0x8000, s13, s8, $0x38;
	[tilespmem:$0x143A0] =	vst v63  }
0x2f9: {  	_ =	swait.ge [sflag:s3], $0x8000  }
0x2fa: {  	[sflag:s3] =	ssyncset.done $0x0  }
0x2fb: {  	[sflag:s3] =	ssyncadd.s32 $0xFFFF8000  }
0x2fc: {  	[tilespmem:s17], [sflag:$0x1] =	stream.strided.gather [hbm4b:s21+s8], $0x8000, s13, s8, $0x38;
	[tilespmem:$0x143A0] =	vst v63  }
0x2fd: {  	_ =	swait.ge [sflag:s11], $0x8000  }
0x2fe: {  	[sflag:s11] =	ssyncset.done $0x0  }
0x2ff: {  	[sflag:s11] =	ssyncadd.s32 $0xFFFF8000  }
0x300: {  	[tilespmem:s13], [sflag:$0x2] =	stream.strided.gather [hbm4b:s22+s8], $0x8000, s13, s8, $0x38;
	[tilespmem:$0x143A0] =	vst v63  }
0x301: {  	_ =	swait.ge [sflag:s3], $0x8000  }
0x302: {  	[sflag:s3] =	ssyncset.done $0x0  }
0x303: {  	[sflag:s3] =	ssyncadd.s32 $0xFFFF8000  }
0x304: {  	[tilespmem:s17], [sflag:$0x1] =	stream.strided.gather [hbm4b:s23+s8], $0x8000, s13, s8, $0x38;
	[tilespmem:$0x143A0] =	vst v63  }
0x305: {  	_ =	swait.ge [sflag:s11], $0x8000  }
0x306: {  	[sflag:s11] =	ssyncset.done $0x0  }
0x307: {  	[sflag:s11] =	ssyncadd.s32 $0xFFFF8000  }
0x308: {  	[tilespmem:s13], [sflag:$0x2] =	stream.strided.gather [hbm4b:s24+s8], $0x8000, s13, s8, $0x38;
	[tilespmem:$0x143A0] =	vst v63  }
0x309: {  	_ =	swait.ge [sflag:s3], $0x8000  }
0x30a: {  	[sflag:s3] =	ssyncset.done $0x0  }
0x30b: {  	[sflag:s3] =	ssyncadd.s32 $0xFFFF8000  }
0x30c: {  	[tilespmem:s17], [sflag:$0x1] =	stream.strided.gather [hbm4b:s25+s8], $0x8000, s13, s8, $0x38;
	[tilespmem:$0x143A0] =	vst v63  }
0x30d: {  	_ =	swait.ge [sflag:s11], $0x8000  }
0x30e: {  	[sflag:s11] =	ssyncset.done $0x0  }
0x30f: {  	[sflag:s11] =	ssyncadd.s32 $0xFFFF8000  }
0x310: {  	[tilespmem:s13], [sflag:$0x2] =	stream.strided.gather [hbm4b:s26+s8], $0x8000, s13, s8, $0x38;
	[tilespmem:$0x143A0] =	vst v63  }
0x311: {  	_ =	swait.ge [sflag:s3], $0x8000  }
0x312: {  	[sflag:s3] =	ssyncset.done $0x0  }
0x313: {  	[sflag:s3] =	ssyncadd.s32 $0xFFFF8000  }
0x314: {  	[tilespmem:s17], [sflag:$0x1] =	stream.strided.gather [hbm4b:s28+s8], $0x8000, s13, s8, $0x38;
	[tilespmem:$0x143A0] =	vst v63  }
0x315: {  	_ =	swait.ge [sflag:s11], $0x8000  }
0x316: {  	[sflag:s11] =	ssyncset.done $0x0  }
0x317: {  	[sflag:s11] =	ssyncadd.s32 $0xFFFF8000  }
0x318: {  	[tilespmem:s13], [sflag:$0x2] =	stream.strided.gather [hbm4b:s29+s8], $0x8000, s13, s8, $0x38;
	[tilespmem:$0x143A0] =	vst v63  }
0x319: {  	_ =	swait.ge [sflag:s3], $0x8000  }
0x31a: {  	[sflag:s3] =	ssyncset.done $0x0  }
0x31b: {  	[sflag:s3] =	ssyncadd.s32 $0xFFFF8000  }
0x31c: {  	[tilespmem:s17], [sflag:$0x1] =	stream.strided.gather [hbm4b:s30+s8], $0x8000, s13, s8, $0x38;
	[tilespmem:$0x143A0] =	vst v63  }
0x31d: {  	_ =	swait.ge [sflag:s11], $0x8000  }
0x31e: {  	[sflag:s11] =	ssyncset.done $0x0  }
0x31f: {  	[sflag:s11] =	ssyncadd.s32 $0xFFFF8000  }
0x320: {  	[tilespmem:s13], [sflag:$0x2] =	stream.strided.gather [hbm4b:s31+s8], $0x8000, s13, s8, $0x38;
	[tilespmem:$0x143A0] =	vst v63  }
0x321: {  	_ =	swait.ge [sflag:s3], $0x8000  }
0x322: {  	[sflag:s3] =	ssyncset.done $0x0  }
0x323: {  	[sflag:s3] =	ssyncadd.s32 $0xFFFF8000  }
.Ltmp19:
0x324: {  	_ =	swait.ge [sflag:s11], $0x8000;
	(pc) =	sbr.rel @p1 .LBB2_37-.Ltmp19, $3  }
0x325: {  	[sflag:s11] =	ssyncset.done $0x0  }
0x326: {  	[sflag:s11] =	ssyncadd.s32 $0xFFFF8000  }
0x327: {  	[bflag:$0x0] =	sbarrier.arrive $0xFFFF;
	_ =	sdelay $0x1  }
0x328: {  	s16 =	rddreg [dreg:$0x4]  }
0x329: {  	[tilespmem:s14], [sflag:$0x3] =	stream.linear.gather [spmem:s16], $0x100, $0x38;
	[tilespmem:$0x143A0] =	vst v63  }
0x32a: {  	_ =	swait.ge [sflag:s12], $0x100  }
0x32b: {  	[sflag:s12] =	ssyncset.done $0x0  }
0x32c: {  	[sflag:s12] =	ssyncadd.s32 $0xFFFFFF00  }
0x32d: {  	s19 =	simm.s32 $0x14200;
	s16 =	rddreg [dreg:$0x5]  }
0x32e: {  	[tilespmem:s19], [sflag:$0x3] =	stream.linear.gather [spmem:s16], $0x100, $0x38;
	[tilespmem:$0x143A0] =	vst v63  }
0x32f: {  	v1 =	vor.u32 $0x40, v0;
	_ =	swait.ge [sflag:s12], $0x100  }
0x330: {  	v2 =	vor.u32 $0x80, v0;
	[sflag:s12] =	ssyncset.done $0x0  }
0x331: {  	v3 =	vor.u32 $0xC0, v0;
	s19 =	rddreg [dreg:$0x1a];
	[sflag:s12] =	ssyncadd.s32 $0xFFFFFF00  }
0x332: {  	v4 =	vld.msk [tilespmem:s19+$0x14200 ss:$0x0], $0xffff  }
0x333: {  	v5 =	vld.idx.msk [tilespmem:v0+s14+$0x0], $0xffff  }
0x334: {  	v1 =	vld.idx.msk [tilespmem:v1+s14+$0x0], $0xffff  }
0x335: {  	v2 =	vld.idx.msk [tilespmem:v2+s14+$0x0], $0xffff  }
0x336: {  	v3 =	vld.idx.msk [tilespmem:v3+s14+$0x0], $0xffff;
	_ =	sdelay $0x3  }
0x337: {  	v5 =	vmul.f32 v5, v4;
	v1 =	vmul.f32 v1, v4  }
0x338: {  	v2 =	vmul.f32 v2, v4;
	v3 =	vmul.f32 v3, v4;
	_ =	sdelay $0x1  }
0x339: {  	v16 =	vmax.f32 v5, v1;
	v6 =	vmax.f32 v2, v3  }
0x33a: {  	v4 =	vmax.f32 v16, v6  }
0x33b: {  	(xrf0) =	vmax.scan.msk.f32 $0xffff, v4;
	_ =	sdelay $0x5  }
0x33c: {  	v4, _, _ =	vpop (xrf0)  }
0x33d: {  	v4 =	vbroadcast v4, $0xF;
	_ =	sdelay $0x1  }
0x33e: {  	v5 =	vsub.f32 v5, v4  }
0x33f: {  	v1 =	vsub.f32 v1, v4  }
0x340: {  	v5 =	vmul.f32 $1.442695020e+00, v5  }
0x341: {  	v2 =	vsub.f32 v2, v4;
	v1 =	vmul.f32 $1.442695020e+00, v1  }
0x342: {  	v18 =	vor.u32 $0xC1, v0;
	(erf) = vpow2.f32 v5  }
0x343: {  	(erf) = vpow2.f32 v1;
	v1 =	vmul.f32 $1.442695020e+00, v2;
	v2 =	vsub.f32 v3, v4  }
0x344: {  	v17 =	vor.u32 $0x41, v0  }
0x345: {  	v3 =	vor.u32 $0x1, v0;
	(erf) = vpow2.f32 v1;
	v1 =	vmul.f32 $1.442695020e+00, v2  }
0x346: {  	s19 =	rddreg [dreg:$0x1b];
	v2 =	vor.u32 $0x81, v0  }
0x347: {  	v19 =	vld.msk [tilespmem:s19+$0x14200 ss:$0x0], $0xffff;
	(erf) = vpow2.f32 v1  }
0x348: {  	v5 =	vld.idx.msk [tilespmem:v18+s14+$0x0], $0xffff  }
0x349: {  	v4 =	vld.idx.msk [tilespmem:v17+s14+$0x0], $0xffff  }
0x34a: {  	v7 =	vld.idx.msk [tilespmem:v3+s14+$0x0], $0xffff  }
0x34b: {  	v8 =	vld.idx.msk [tilespmem:v2+s14+$0x0], $0xffff;
	v1 =	vpop (erf)  }
0x34c: {  	v2 =	vpop (erf)  }
0x34d: {  	v9 =	vadd.f32 v2, v1  }
0x34e: {  	v3 =	vpop (erf)  }
0x34f: {  	v5 =	vmul.f32 v5, v19;
	v4 =	vmul.f32 v4, v19;
	v9 =	vadd.f32 v9, v3  }
0x350: {  	v7 =	vmul.f32 v7, v19;
	v8 =	vmul.f32 v8, v19;
	v10 =	vpop (erf)  }
0x351: {  	v20 =	vadd.f32 v9, v10  }
0x352: {  	v21 =	vmax.f32 v7, v4;
	v11 =	vmax.f32 v8, v5  }
0x353: {  	v22 =	vmax.f32 v21, v11;
	(xrf2) =	vadd.scan.msk.f32 $0xffff, v20  }
0x354: {  	(xrf0) =	vmax.scan.msk.f32 $0xffff, v22;
	_ =	sdelay $0x5  }
0x355: {  	v6, _, _ =	vpop (xrf0)  }
0x356: {  	v6 =	vbroadcast v6, $0xF;
	_ =	sdelay $0x1  }
0x357: {  	v7 =	vsub.f32 v7, v6;
	v23, _, _ =	vpop (xrf2)  }
0x358: {  	v4 =	vsub.f32 v4, v6;
	v9 =	vbroadcast v23, $0xF  }
0x359: {  	v7 =	vmul.f32 $1.442695020e+00, v7  }
0x35a: {  	v24 =	vsub.f32 v8, v6;
	v4 =	vmul.f32 $1.442695020e+00, v4;
	(erf) = vrcp.f32 v9  }
0x35b: {  	v26 =	vor.u32 $0x2, v0;
	(erf) = vpow2.f32 v7  }
0x35c: {  	v5 =	vsub.f32 v5, v6;
	v25 =	vmul.f32 $1.442695020e+00, v24;
	(erf) = vpow2.f32 v4  }
0x35d: {  	v30 =	vor.u32 $0xC2, v0  }
0x35e: {  	v29 =	vor.u32 $0x82, v0;
	v28 =	vmul.f32 $1.442695020e+00, v5;
	(erf) = vpow2.f32 v25  }
0x35f: {  	v27 =	vor.u32 $0x42, v0;
	s19 =	rddreg [dreg:$0x1c]  }
0x360: {  	v31 =	vld.msk [tilespmem:s19+$0x14200 ss:$0x0], $0xffff;
	(erf) = vpow2.f32 v28  }
0x361: {  	v6 =	vld.idx.msk [tilespmem:v26+s14+$0x0], $0xffff  }
0x362: {  	v8 =	vld.idx.msk [tilespmem:v30+s14+$0x0], $0xffff  }
0x363: {  	v5 =	vld.idx.msk [tilespmem:v29+s14+$0x0], $0xffff;
	v9 =	vpop (erf)  }
0x364: {  	v7 =	vld.idx.msk [tilespmem:v27+s14+$0x0], $0xffff;
	v32 =	vpop (erf)  }
0x365: {  	v12 =	vpop (erf)  }
0x366: {  	v13 =	vadd.f32 v12, v32  }
0x367: {  	v14 =	vpop (erf)  }
0x368: {  	v6 =	vmul.f32 v6, v31;
	v4 =	vmul.f32 v8, v31;
	v13 =	vadd.f32 v13, v14  }
0x369: {  	v5 =	vmul.f32 v5, v31;
	v7 =	vmul.f32 v7, v31;
	v15 =	vpop (erf)  }
0x36a: {  	v33 =	vadd.f32 v13, v15  }
0x36b: {  	v16 =	vmax.f32 v5, v4;
	v34 =	vmax.f32 v6, v7  }
0x36c: {  	v35 =	vmax.f32 v34, v16;
	(xrf2) =	vadd.scan.msk.f32 $0xffff, v33  }
0x36d: {  	(xrf0) =	vmax.scan.msk.f32 $0xffff, v35;
	_ =	sdelay $0x5  }
0x36e: {  	v8, _, _ =	vpop (xrf0)  }
0x36f: {  	v8 =	vbroadcast v8, $0xF;
	_ =	sdelay $0x1  }
0x370: {  	v6 =	vsub.f32 v6, v8;
	v36, _, _ =	vpop (xrf2)  }
0x371: {  	v7 =	vsub.f32 v7, v8;
	v13 =	vbroadcast v36, $0xF  }
0x372: {  	v6 =	vmul.f32 $1.442695020e+00, v6  }
0x373: {  	v5 =	vsub.f32 v5, v8;
	v7 =	vmul.f32 $1.442695020e+00, v7;
	(erf) = vrcp.f32 v13  }
0x374: {  	v40 =	vor.u32 $0xC3, v0;
	(erf) = vpow2.f32 v6  }
0x375: {  	v4 =	vsub.f32 v4, v8;
	v5 =	vmul.f32 $1.442695020e+00, v5;
	(erf) = vpow2.f32 v7  }
0x376: {  	v37 =	vor.u32 $0x3, v0  }
0x377: {  	v38 =	vor.u32 $0x43, v0;
	v4 =	vmul.f32 $1.442695020e+00, v4;
	(erf) = vpow2.f32 v5  }
0x378: {  	v39 =	vor.u32 $0x83, v0;
	s19 =	rddreg [dreg:$0x1d]  }
0x379: {  	v41 =	vld.msk [tilespmem:s19+$0x14200 ss:$0x0], $0xffff;
	(erf) = vpow2.f32 v4  }
0x37a: {  	v8 =	vld.idx.msk [tilespmem:v40+s14+$0x0], $0xffff  }
0x37b: {  	v6 =	vld.idx.msk [tilespmem:v37+s14+$0x0], $0xffff  }
0x37c: {  	v7 =	vld.idx.msk [tilespmem:v38+s14+$0x0], $0xffff;
	v13 =	vpop (erf)  }
0x37d: {  	v5 =	vld.idx.msk [tilespmem:v39+s14+$0x0], $0xffff;
	v42 =	vpop (erf)  }
0x37e: {  	v17 =	vpop (erf)  }
0x37f: {  	v18 =	vadd.f32 v17, v42  }
0x380: {  	v19 =	vpop (erf)  }
0x381: {  	v4 =	vmul.f32 v8, v41;
	v6 =	vmul.f32 v6, v41;
	v18 =	vadd.f32 v18, v19  }
0x382: {  	v7 =	vmul.f32 v7, v41;
	v5 =	vmul.f32 v5, v41;
	v20 =	vpop (erf)  }
0x383: {  	v43 =	vadd.f32 v18, v20  }
0x384: {  	v44 =	vmax.f32 v6, v7;
	v21 =	vmax.f32 v5, v4  }
0x385: {  	v45 =	vmax.f32 v44, v21;
	(xrf2) =	vadd.scan.msk.f32 $0xffff, v43  }
0x386: {  	(xrf0) =	vmax.scan.msk.f32 $0xffff, v45;
	_ =	sdelay $0x5  }
0x387: {  	v8, _, _ =	vpop (xrf0)  }
0x388: {  	v8 =	vbroadcast v8, $0xF;
	_ =	sdelay $0x1  }
0x389: {  	v6 =	vsub.f32 v6, v8;
	v46, _, _ =	vpop (xrf2)  }
0x38a: {  	v7 =	vsub.f32 v7, v8;
	v18 =	vbroadcast v46, $0xF  }
0x38b: {  	v6 =	vmul.f32 $1.442695020e+00, v6  }
0x38c: {  	v5 =	vsub.f32 v5, v8;
	v7 =	vmul.f32 $1.442695020e+00, v7;
	(erf) = vrcp.f32 v18  }
0x38d: {  	(erf) = vpow2.f32 v6  }
0x38e: {  	v4 =	vsub.f32 v4, v8;
	v5 =	vmul.f32 $1.442695020e+00, v5;
	(erf) = vpow2.f32 v7;
	_ =	sdelay $0x1  }
0x38f: {  	v4 =	vmul.f32 $1.442695020e+00, v4;
	(erf) = vpow2.f32 v5;
	_ =	sdelay $0x1  }
0x390: {  	(erf) = vpow2.f32 v4;
	_ =	sdelay $0x2  }
0x391: {  	v47 =	vpop (erf)  }
0x392: {  	v48 =	vpop (erf)  }
0x393: {  	v49 =	vpop (erf)  }
0x394: {  	v50 =	vadd.f32 v49, v48  }
0x395: {  	v51 =	vpop (erf)  }
0x396: {  	v7 =	vadd.f32 v50, v51  }
0x397: {  	v52 =	vpop (erf)  }
0x398: {  	v7 =	vadd.f32 v7, v52;
	_ =	sdelay $0x1  }
0x399: {  	(xrf2) =	vadd.scan.msk.f32 $0xffff, v7;
	_ =	sdelay $0x9  }
0x39a: {  	v7, _, _ =	vpop (xrf2)  }
0x39b: {  	v7 =	vbroadcast v7, $0xF;
	_ =	sdelay $0x1  }
0x39c: {  	(erf) = vrcp.f32 v7;
	_ =	sdelay $0x2  }
0x39d: {  	v1 =	vmul.f32 v9, v1;
	v2 =	vmul.f32 v9, v2  }
0x39e: {  	v3 =	vmul.f32 v9, v3  }
0x39f: {  	v1 =	vadd.f32 $0.0e+00, v1;
	v2 =	vadd.f32 $0.0e+00, v2;
	v54 =	vmul.f32 v13, v32  }
0x3a0: {  	v3 =	vadd.f32 $0.0e+00, v3;
	v55 =	vmul.f32 v13, v12;
	v56 =	vmul.f32 v13, v14  }
0x3a1: {  	v53 =	vmul.f32 v9, v10;
	v57 =	vmul.f32 v13, v15;
	v1 =	vadd.f32 v54, v1  }
0x3a2: {  	v2 =	vadd.f32 v55, v2;
	v3 =	vadd.f32 v56, v3;
	v58 =	vmul.f32 v47, v42  }
0x3a3: {  	v59 =	vmul.f32 v47, v17;
	v61 =	vmul.f32 v47, v19;
	v7 =	vadd.f32 $0.0e+00, v53;
	v60 =	vpop (erf)  }
0x3a4: {  	v4 =	vmul.f32 v47, v20;
	v1 =	vadd.f32 v58, v1;
	v5 =	vmul.f32 v60, v48  }
0x3a5: {  	v2 =	vadd.f32 v59, v2;
	v7 =	vadd.f32 v57, v7;
	v6 =	vmul.f32 v60, v49  }
0x3a6: {  	v3 =	vadd.f32 v61, v3;
	v62 =	vmul.f32 v60, v51;
	v1 =	vadd.f32 v5, v1  }
0x3a7: {  	v4 =	vadd.f32 v4, v7;
	v63 =	vmul.f32 v60, v52;
	v2 =	vadd.f32 v6, v2  }
0x3a8: {  	v3 =	vadd.f32 v62, v3;
	[tilespmem:$0x14300] =	vst v1  }
0x3a9: {  	v1 =	vadd.f32 v63, v4;
	[tilespmem:$0x14310] =	vst v2  }
0x3aa: {  	[tilespmem:$0x14320] =	vst v3  }
.Ltmp20:
0x3ab: {  	s16 =	rddreg [dreg:$0x19];
	s19 =	simm.s32 $0x14300;
	[tilespmem:$0x14330] =	vst v1;
	(pc) =	sbr.rel .LBB2_37-.Ltmp20, $4  }
0x3ac: {  	[hbm4b:s16+s17] =	stream.linear.scatter [tilespmem:s19], [sflag:$0x3], $0x40, $0x38;
	[tilespmem:$0x143A0] =	vst v63  }
0x3ad: {  	_ =	swait.ge [sflag:s12], $0x40  }
0x3ae: {  	[sflag:s12] =	ssyncset.done $0x0  }
0x3af: {  	[sflag:s12] =	ssyncadd.s32 $0xFFFFFFC0  }
.LBB2_38:
0x3b0: {  	_ =	sfence.sel $0x180000  }
0x3b1: {  	[bflag:$0x0] =	sbarrier.arrive $0xFFFF  }
0x3b2: {  	_ =	strace $0x90000047  }
0x3b3: {  	[bflag:$0x2] =	sbarrier.arrive $0xFFFF  }
0x3b4: {  	s0 =	rddreg [dreg:$0x6]  }
0x3b5: {  	s0 =	sadd.s32 @!p0 $0x100000, s0  }
0x3b6: {  	[sflag:s0] =	ssyncadd.tile.s32 @!p0 $0x1;
	_ =	shalt  }
.Lfunc_end2:
_tile_overlayer_lowered:
.L_overlay_start_2:
0x3b7: {  	(tag) =	ssettag $0x2  }
0x3b8: {  	s0 =	rddreg [dreg:$0x0];
	s2 =	stileid.u32  }
0x3b9: {  	s1 =	rddreg [dreg:$0x1];
	p0 =	sne.s32 s2, $0x0  }
0x3ba: {  	s3 =	rddreg [dreg:$0x2];
	[bflag:$0x3] =	sbarrier.arrive $0xFFFF;
	s2 =	simm.s32 @!p0 $0x1C03  }
0x3bb: {  	[timem:s3], [sflag:s2] =	dma.local @!p0 [hbm:s0], s1  }
0x3bc: {  	s0 =	simm.s32 @!p0 $0x3  }
0x3bd: {  	_ =	swait.ge @!p0 [sflag:s0], s1  }
0x3be: {  	s1 =	ssub.s32 @!p0 $0x0, s1;
	[sflag:s0] =	ssyncset.done @!p0 $0x0  }
0x3bf: {  	[sflag:s0] =	ssyncadd.s32 @!p0 s1  }
0x3c0: {  	[bflag:$0x3] =	sbarrier.arrive $0xFFFF  }
0x3c1: {  	_ =	shalt  }

// kernel: kernel.8.cloned.1.call-start
scs
__scs_entry_jumppad:
0x0: {  	(pc) =	sbr.rel $0x88, $3  }
0x1: {  	(tag) =	ssettag $0x0;
	lr =	simm.s32 $0x1  }
0x2: {  	[smem:$0x3F9C] =	sst lr;
	_ =	strace $0xD0000000  }
0x3: {  	_ = 	snop  }
0x4: {  	_ = 	snop  }
0x5: {  	_ = 	snop  }
0x6: {  	_ = 	snop  }
0x7: {  	_ = 	snop  }
__scs_overlays_trampoline_lowered:
0x8: {  	[smem:$0x3FAB] =	sst s0  }
0x9: {  	[smem:$0x3FAC] =	sst s1  }
0xa: {  	[smem:$0x3FAD] =	sst s2  }
0xb: {  	[smem:$0x3FAE] =	sst s3  }
0xc: {  	[smem:$0x3FAF] =	sst s4  }
0xd: {  	[smem:$0x3FB0] =	sst s5  }
0xe: {  	[smem:$0x3FB1] =	sst s6  }
0xf: {  	[smem:$0x3FB2] =	sst s7  }
0x10: {  	[smem:$0x3FB3] =	sst s8  }
0x11: {  	[smem:$0x3FB4] =	sst s9;
	s0 =	simm.s32 @!p0 $0x0  }
0x12: {  	s1 =	sld [smem:$0x3F9A];
	s0 =	simm.s32 @p0 $0x1  }
0x13: {  	[smem:$0x3FB5] =	sst s0;
	s0 =	simm.s32 @!p1 $0x0  }
0x14: {  	s2 =	sld [smem:$0x3F99];
	s0 =	simm.s32 @p1 $0x1  }
0x15: {  	[smem:$0x3FB6] =	sst s0;
	s0 =	simm.s32 @!p2 $0x0  }
0x16: {  	s3 =	sld [smem:$0x3FDB];
	s0 =	simm.s32 @p2 $0x1  }
0x17: {  	s4 =	simm.s32 $0x1BF5;
	[smem:$0x3FB8] =	sst s0  }
0x18: {  	s0 =	sld [smem:$0x3F9B];
	_ =	swait.ge [sflag:s4], $0x0  }
0x19: {  	s7 =	sld [smem:$0x3F9C]  }
0x1a: {  	s8 =	sadd.s32 $0xFFFFE003, lr  }
0x1b: {  	s9 =	sadd.s32 $0xFFFFFEF7, lr;
	s5 =	simm.s32 $0xFFFFFFFF;
	p2 =	slt.u32 s8, $0xFFFFF086  }
0x1c: {  	p1 =	slt.u32 s9, $0xF7A;
	s5 =	simm.s32 @!p2 $0x0  }
0x1d: {  	s5 =	simm.s32 @p1 $0x1;
	p0 =	seq.s32 s7, s2  }
0x1e: {  	s7 =	smul.u32 @!p0 $0xF7A, s2;
	p2 =	seq.s32 @!p0 s5, $0x0  }
0x1f: {  	s9 =	smul.u32 $0xF7A, s1;
	s8 =	simm.s32 @!p0 $0x1BF5;
	p2 =	por !p2, p0  }
0x20: {  	[sflag:s8] =	ssyncset.s32 @!p0 $0xFFFFF086;
	s6 =	sadd.s32 @!p0 s3, s7;
	s7 =	simm.s32 @!p0 $0x108  }
0x21: {  	s3 =	sadd.s32 s3, s9;
	s6 =	sadd.s32 @!p0 $0x88, s6;
	s7 =	simm.s32 @p2 $0x1082  }
0x22: {  	[simem:s7], [sflag:s8] =	dma.local @!p0 [hbm:s6], $0xF7A  }
0x23: {  	s9 =	sor.u32 $0xD0000000, s2;
	s6 =	simm.s32 $0x108;
	_ =	swait.ge @!p0 [sflag:s8], $0x0  }
0x24: {  	s3 =	sadd.s32 $0x88, s3;
	s6 =	simm.s32 @!p1 $0x1082;
	[sflag:s4] =	ssyncset.s32 $0xFFFFF086  }
0x25: {  	[simem:s6], [sflag:s4] =	dma.local [hbm:s3], $0xF7A  }
0x26: {  	[smem:$0x3F9C] =	sst s1;
	(tag) =	ssettag s2;
	_ =	strace s9  }
0x27: {  	s1 =	sld [smem:$0x3FAC]  }
0x28: {  	s2 =	sld [smem:$0x3FAD]  }
0x29: {  	s4 =	sld [smem:$0x3FAF]  }
0x2a: {  	p0 =	seq.s32 s5, $0x0;
	s5 =	sld [smem:$0x3FB0]  }
0x2b: {  	s6 =	sld [smem:$0x3FB1]  }
0x2c: {  	s7 =	sld [smem:$0x3FB2]  }
0x2d: {  	s3 =	simm.s32 $0x108;
	s8 =	sld [smem:$0x3FB3]  }
0x2e: {  	s3 =	simm.s32 @!p0 $0x1082;
	s9 =	sld [smem:$0x3FB4]  }
0x2f: {  	lr =	sadd.s32 s0, s3;
	s0 =	sld [smem:$0x3FAB]  }
0x30: {  	s3 =	sld [smem:$0x3FAE]  }
0x31: {  	[smem:$0x3FB7] =	sst s10  }
0x32: {  	s10 =	sld [smem:$0x3FB5];
	_ =	sdelay $0x3  }
0x33: {  	p0 =	seq.s32 s10, $0x1;
	s10 =	sld [smem:$0x3FB7];
	_ =	sdelay $0x3  }
0x34: {  	[smem:$0x3FB7] =	sst s10  }
0x35: {  	s10 =	sld [smem:$0x3FB6];
	_ =	sdelay $0x3  }
0x36: {  	p1 =	seq.s32 s10, $0x1;
	s10 =	sld [smem:$0x3FB7];
	_ =	sdelay $0x3  }
0x37: {  	[smem:$0x3FB7] =	sst s10  }
0x38: {  	s10 =	sld [smem:$0x3FB8]  }
0x39: {  	_ = 	snop;
	(pc) =	sbr.ind lr, $3  }
0x3a: {  	_ = 	snop  }
0x3b: {  	_ = 	snop  }
0x3c: {  	p2 =	seq.s32 s10, $0x1;
	s10 =	sld [smem:$0x3FB7]  }
0x3d: {  	_ =	shalt  }
0x3e: {  	_ =	shalt  }
0x3f: {  	_ =	shalt  }
0x40: {  	_ =	shalt  }
0x41: {  	_ =	shalt  }
0x42: {  	_ =	shalt  }
0x43: {  	_ =	shalt  }
0x44: {  	_ =	shalt  }
0x45: {  	_ =	shalt  }
0x46: {  	_ =	shalt  }
0x47: {  	_ =	shalt  }
0x48: {  	_ =	shalt  }
0x49: {  	_ =	shalt  }
0x4a: {  	_ =	shalt  }
0x4b: {  	_ =	shalt  }
0x4c: {  	_ =	shalt  }
0x4d: {  	_ =	shalt  }
0x4e: {  	_ =	shalt  }
0x4f: {  	_ =	shalt  }
0x50: {  	_ =	shalt  }
0x51: {  	_ =	shalt  }
0x52: {  	_ =	shalt  }
0x53: {  	_ =	shalt  }
0x54: {  	_ =	shalt  }
0x55: {  	_ =	shalt  }
0x56: {  	_ =	shalt  }
0x57: {  	_ =	shalt  }
0x58: {  	_ =	shalt  }
0x59: {  	_ =	shalt  }
0x5a: {  	_ =	shalt  }
0x5b: {  	_ =	shalt  }
0x5c: {  	_ =	shalt  }
0x5d: {  	_ =	shalt  }
0x5e: {  	_ =	shalt  }
0x5f: {  	_ =	shalt  }
0x60: {  	_ =	shalt  }
0x61: {  	_ =	shalt  }
0x62: {  	_ =	shalt  }
0x63: {  	_ =	shalt  }
0x64: {  	_ =	shalt  }
0x65: {  	_ =	shalt  }
0x66: {  	_ =	shalt  }
0x67: {  	_ =	shalt  }
0x68: {  	_ =	shalt  }
0x69: {  	_ =	shalt  }
0x6a: {  	_ =	shalt  }
0x6b: {  	_ =	shalt  }
0x6c: {  	_ =	shalt  }
0x6d: {  	_ =	shalt  }
0x6e: {  	_ =	shalt  }
0x6f: {  	_ =	shalt  }
0x70: {  	_ =	shalt  }
0x71: {  	_ =	shalt  }
0x72: {  	_ =	shalt  }
0x73: {  	_ =	shalt  }
0x74: {  	_ =	shalt  }
0x75: {  	_ =	shalt  }
0x76: {  	_ =	shalt  }
0x77: {  	_ =	shalt  }
0x78: {  	_ =	shalt  }
0x79: {  	_ =	shalt  }
0x7a: {  	_ =	shalt  }
0x7b: {  	_ =	shalt  }
0x7c: {  	_ =	shalt  }
0x7d: {  	_ =	shalt  }
0x7e: {  	_ =	shalt  }
0x7f: {  	_ =	shalt  }
0x80: {  	_ =	shalt  }
0x81: {  	_ =	shalt  }
0x82: {  	_ =	shalt  }
0x83: {  	_ =	shalt  }
0x84: {  	_ =	shalt  }
0x85: {  	_ =	shalt  }
0x86: {  	_ =	shalt  }
0x87: {  	_ =	shalt  }
.Lfunc_end0:
.L_simem_size_0:
called_computation.1_lowered:
.L_overlay_start_0:
0x88: {  	s2 =	sld [smem:$0x3FD9]  }
0x89: {  	s3 =	sld [smem:$0x3FFE];
	_ =	sdelay $0x1  }
0x8a: {  	s1 =	srdreg.scid  }
0x8b: {  	s0 =	sand.u32 $0x1, s1  }
0x8c: {  	s17 =	sshll.u32 s0, $0xA;
	s2 =	sadd.s32 s3, s2  }
0x8d: {  	s2 =	sadd.s32 s2, s17  }
0x8e: {  	[smem:$0x3FC3] =	sst s2  }
0x8f: {  	_ = 	snop  }
0x90: {  	s2 =	sld [smem:$0x3FD0];
	(tm) =	ssettm $0x1  }
0x91: {  	s18 =	sld [smem:$0x3FFB];
	_ =	sdelay $0x3  }
0x92: {  	_ =	strace s18  }
0x93: {  	s3 =	sld [smem:$0x3FFC];
	_ =	sdelay $0x3  }
0x94: {  	_ =	strace s3  }
0x95: {  	s3 =	sld [smem:$0x3FFD];
	_ =	sdelay $0x3  }
0x96: {  	_ =	strace s3  }
0x97: {  	_ =	strace $0x8FFFFFFF  }
0x98: {  	s19 =	sld [smem:$0x3FDB];
	_ =	sdelay $0x1  }
0x99: {  	s4 =	simm.s32 $_scs_section_size  }
0x9a: {  	s5 =	simm.s32 $_size__tile_overlayer_lowered;
	s6 =	simm.s32 $_tile_overlayer_lowered  }
0x9b: {  	s22 =	simm.s32 $0x1BFF;
	s21 =	sshll.u32 s6, $0x1;
	s3 =	sadd.s32 s4, s19  }
0x9c: {  	s7 =	simm.s32 $0x0;
	s20 =	sshll.u32 s5, $0x1;
	s5 =	sadd.s32 s21, s3  }
0x9d: {  	[timem:s7], [sflag:s22] =	dma.local [hbm:s5], s20  }
0x9e: {  	_ =	swait.ge [sflag:s22], s20  }
0x9f: {  	s4 =	ssub.s32 $0x0, s20;
	[sflag:s22] =	ssyncset.done $0x0  }
0xa0: {  	[sflag:s22] =	ssyncadd.s32 s4;
	_ =	sdelay $0x1  }
0xa1: {  	s23 =	simm.s32 $0x1B8B  }
0xa2: {  	_ =	swait.ge [sflag:s23], $0x1  }
0xa3: {  	[sflag:s23] =	ssyncset.done $0x0  }
0xa4: {  	s25 =	simm.s32 $0x1B8E;
	s24 =	sld [smem:$0x3FFE];
	[sflag:s23] =	ssyncadd.s32 $0xFFFFFFFF  }
0xa5: {  	s26 =	simm.s32 $execute0_lowered;
	[smem:$0x3FD2] =	sst s25  }
0xa6: {  	s5 =	sshll.u32 s26, $0x1;
	_ =	strace $0x80000049;
	[dreg:$0x1] =	wrdreg $0xFFFFFFFF  }
0xa7: {  	s28 =	simm.s32 $_size_execute0_lowered;
	s3 =	sadd.s32 s3, s5;
	[dreg:$0x0] =	wrdreg $0x0  }
0xa8: {  	s5 =	sshll.u32 s28, $0x1;
	[dreg:$0x2] =	wrdreg s3  }
0xa9: {  	[dreg:$0x3] =	wrdreg s5  }
0xaa: {  	[dreg:$0x4] =	wrdreg $0xC0  }
0xab: {  	_ =	task [dreg:s7], $0x5FFFF  }
0xac: {  	[dreg:$0x1] =	wrdreg $0xFFFFFFFF  }
0xad: {  	[dreg:$0x0] =	wrdreg $0x60  }
0xae: {  	[dreg:$0x2] =	wrdreg s2  }
0xaf: {  	[dreg:$0x3] =	wrdreg s24  }
0xb0: {  	[dreg:$0x4] =	wrdreg $0x9  }
0xb1: {  	_ =	task.clear_ibuf [dreg:s7], $0x5FFFF;
	_ =	strace $0x90000049  }
0xb2: {  	s29 =	simm.s32 $0x9;
	_ =	strace $0x8000004B  }
0xb3: {  	_ =	swait.ge [sflag:s29], $0x1  }
0xb4: {  	[sflag:s29] =	ssyncadd.s32 $0xFFFFFFFF  }
0xb5: {  	_ =	strace $0x9000004B  }
0xb6: {  	_ =	sfence  }
0xb7: {  	s30 =	sld [smem:$0x0];
	_ =	sdelay $0x2  }
0xb8: {  	s31 =	sshll.u32 s1, $0xD;
	s1 =	sshrl.u32 s1, $0x2  }
0xb9: {  	s3 =	sand.u32 $0x4000, s31;
	s1 =	sadd.s32 s1, s30  }
0xba: {  	s0 =	sor.u32 s3, s0;
	s1 =	sshll.u32 s1, $0x11  }
0xbb: {  	s0 =	sor.u32 s1, s0  }
0xbc: {  	s0 =	sadd.s32 $0x8F2B, s0  }
0xbd: {  	[sflag:s0] =	ssyncadd.remote.s32 $0x1  }
0xbe: {  	_ =	sfence.sel $0xFFFF  }
0xbf: {  	[dreg:$0x0] =	wrdreg $0xFFFFFFFF;
	(pc) =	sbr.abs _section_cstart, $3  }
0xc0: {  	[dreg:$0x1] =	wrdreg $0xFFFFFFFF  }
0xc1: {  	_ =	task.clear_ibuf [dreg:s7], $0x2FFFF;
	_ =	strace $0x9FFFFFFF  }
0xc2: {  	(tm) =	ssettm $0x7FFFFFFF  }
0xc3: {  	_ =	shalt  }
tec
execute0_lowered:
.L_overlay_start_1:
0x0: {  	(tag) =	ssettag $0x1  }
0x1: {  	s0 =	srdreg.scid  }
0x2: {  	s0 =	sand.u32 $0x1, s0  }
0x3: {  	s1 =	stileid.u32;
	p0 =	seq.s32 s0, $0x1  }
0x4: {  	p1 =	sgt.u32 @!p0 s1, $0x3  }
0x5: {  	p0 =	por p0, p1  }
.Ltmp0:
0x6: {  	_ = 	snop;
	(pc) =	sbr.rel @p0 .LBB2_2-.Ltmp0, $4  }
0x7: {  	s4 =	rddreg [dreg:$0x0]  }
0x8: {  	s3 =	rddreg [dreg:$0x1];
	s2 =	simm.s32 $0x0  }
0x9: {  	[smem:$0x7FF] =	sst s2  }
0xa: {  	s0 =	rddreg [dreg:$0x2];
	_ =	strace $0x8000004A  }
0xb: {  	s5 =	sshll.u32 s1, $0x4  }
0xc: {  	s20 =	simm.s32 $0x1;
	s4 =	sadd.s32 s4, s5  }
0xd: {  	[tilespmem:s2], [sflag:$0x1] =	stream.linear.gather [hbm4b:s4+s2], $0x80, $0x38;
	[tilespmem:$0x200] =	vst v63  }
0xe: {  	_ =	swait.ge [sflag:s20], $0x80  }
0xf: {  	s21 =	sadd.s32 $0xE00, s3;
	s6 =	sshll.u32 s1, $0x3;
	[sflag:s20] =	ssyncset.done $0x0  }
0x10: {  	s22 =	simm.s32 $0x80;
	s5 =	sadd.s32 s21, s6;
	[sflag:s20] =	ssyncadd.s32 $0xFFFFFF80  }
0x11: {  	[tilespmem:s22], [sflag:$0x1] =	stream.linear.gather [hbm4b:s5+s2], $0x40, $0x38;
	[tilespmem:$0x200] =	vst v63  }
0x12: {  	_ =	swait.ge [sflag:s20], $0x40  }
0x13: {  	[sflag:s20] =	ssyncset.done $0x0  }
0x14: {  	s23 =	simm.s32 $0x100;
	s5 =	sadd.s32 $0x20, s5;
	[sflag:s20] =	ssyncadd.s32 $0xFFFFFFC0  }
0x15: {  	[tilespmem:s23], [sflag:$0x1] =	stream.linear.gather [hbm4b:s5+s2], $0x40, $0x38;
	[tilespmem:$0x200] =	vst v63  }
0x16: {  	_ =	swait.ge [sflag:s20], $0x40  }
0x17: {  	[sflag:s20] =	ssyncset.done $0x0  }
0x18: {  	[sflag:s20] =	ssyncadd.s32 $0xFFFFFFC0  }
0x19: {  	v0 =	vld [tilespmem:$0x80]  }
0x1a: {  	v1 =	vld [tilespmem:$0x100]  }
0x1b: {  	v2 =	vld [tilespmem:$0x90]  }
0x1c: {  	v3 =	vld [tilespmem:$0x110]  }
0x1d: {  	v4 =	vld [tilespmem:$0xA0]  }
0x1e: {  	v5 =	vld [tilespmem:$0x120]  }
0x1f: {  	v6 =	vld [tilespmem:$0xB0]  }
0x20: {  	v7 =	vld [tilespmem:$0x130];
	_ =	sdelay $0x3  }
0x21: {  	v0 =	vadd.f32 v1, v0;
	v55 =	vadd.f32 v3, v2  }
0x22: {  	v56 =	vadd.f32 v5, v4;
	v57 =	vadd.f32 v7, v6;
	_ =	sdelay $0x1  }
0x23: {  	v58 =	vmax.f32 v0, v55;
	v5 =	vmax.f32 v56, v57  }
0x24: {  	v4 =	vmax.f32 v58, v5  }
0x25: {  	(xrf0) =	vmax.scan.msk.f32 $0xffff, v4;
	_ =	sdelay $0x5  }
0x26: {  	v4, _, _ =	vpop (xrf0)  }
0x27: {  	v4 =	vbroadcast v4, $0xF;
	_ =	sdelay $0x1  }
0x28: {  	v0 =	vsub.f32 v0, v4  }
0x29: {  	v1 =	vsub.f32 v55, v4  }
0x2a: {  	v0 =	vmul.f32 $1.442695020e+00, v0  }
0x2b: {  	v2 =	vsub.f32 v56, v4;
	v1 =	vmul.f32 $1.442695020e+00, v1  }
0x2c: {  	(erf) = vpow2.f32 v0  }
0x2d: {  	v60 =	vsub.f32 v57, v4;
	v59 =	vmul.f32 $1.442695020e+00, v2;
	(erf) = vpow2.f32 v1;
	_ =	sdelay $0x1  }
0x2e: {  	v61 =	vmul.f32 $1.442695020e+00, v60;
	(erf) = vpow2.f32 v59;
	_ =	sdelay $0x1  }
0x2f: {  	(erf) = vpow2.f32 v61;
	_ =	sdelay $0x3  }
0x30: {  	v62 =	vpop (erf)  }
0x31: {  	v63 =	vpop (erf)  }
0x32: {  	v12 =	vadd.f32 v63, v62  }
0x33: {  	v13 =	vpop (erf)  }
0x34: {  	v2 =	vadd.f32 v12, v13  }
0x35: {  	v14 =	vpop (erf)  }
0x36: {  	v2 =	vadd.f32 v2, v14;
	_ =	sdelay $0x1  }
0x37: {  	(xrf2) =	vadd.scan.msk.f32 $0xffff, v2;
	_ =	sdelay $0x9  }
0x38: {  	v2, _, _ =	vpop (xrf2)  }
0x39: {  	v2 =	vbroadcast v2, $0xF;
	_ =	sdelay $0x1  }
0x3a: {  	(erf) = vrcp.f32 v2;
	_ =	sdelay $0x4  }
0x3b: {  	v15 =	vld [tilespmem:$0x0]  }
0x3c: {  	v16 =	vld [tilespmem:$0x10]  }
0x3d: {  	v17 =	vld [tilespmem:$0x20]  }
0x3e: {  	v18 =	vld [tilespmem:$0x30]  }
0x3f: {  	v8 =	vpop (erf)  }
0x40: {  	v0 =	vmul.f32 v8, v62;
	v1 =	vmul.f32 v8, v63  }
0x41: {  	v3 =	vmul.f32 v8, v13;
	v4 =	vmul.f32 v8, v14  }
0x42: {  	v19 =	vadd.f32 v0, v15;
	v9 =	vadd.f32 v1, v16  }
0x43: {  	v10 =	vadd.f32 v3, v17;
	v11 =	vadd.f32 v4, v18;
	_ =	sdelay $0x1  }
0x44: {  	v0 =	vmax.f32 v19, v9;
	v20 =	vmax.f32 v10, v11  }
0x45: {  	v0 =	vmax.f32 v0, v20  }
0x46: {  	(xrf0) =	vmax.scan.msk.f32 $0xffff, v0;
	_ =	sdelay $0x5  }
0x47: {  	v22 =	vlaneseq.u32;
	v21, _, _ =	vpop (xrf0)  }
0x48: {  	v24 =	vmul.u32 $0xFFFFFFFF, v22;
	v23 =	vbroadcast v21, $0xF;
	_ =	sdelay $0x1  }
0x49: {  	v25 =	vadd.s32 $0x7FFFFFD0, v24;
	vm0 =	vge.f32 v11, v23  }
0x4a: {  	v27 =	vadd.s32 $0x7FFFFFE0, v24;
	vm1 =	vge.f32 v10, v23;
	v26 =	vnsel vm0, $0x7FFFFFC0, v25  }
0x4b: {  	v29 =	vadd.s32 $0x7FFFFFF0, v24;
	vm6 =	vge.f32 v9, v23;
	v28 =	vsel vm1, v27, v26  }
0x4c: {  	v30 =	vadd.s32 $0x80000000, v24;
	vm7 =	vge.f32 v19, v23;
	v6 =	vsel vm6, v29, v28  }
0x4d: {  	v5 =	vsel vm7, v30, v6  }
0x4e: {  	(xrf0) =	vmax.scan.msk.u32 $0xffff, v5;
	_ =	sdelay $0x5  }
0x4f: {  	v5, _, _ =	vpop (xrf0)  }
0x50: {  	(v2sf) =	vpush v5, $0xF;
	_ =	sdelay $0xe  }
0x51: {  	s24 =	spop (v2sf)  }
0x52: {  	s5 =	sxor.u32 $0x7FFFFFFF, s24  }
0x53: {  	s5 =	sadd.s32 $0x1, s5  }
0x54: {  	v32 =	vor.u32 $0x10, v22;
	v33 =	vor.u32 $0x20, v22;
	v31 =	vmov s5  }
0x55: {  	v34 =	vor.u32 $0x30, v22;
	vm8 =	veq.s32 v31, v22;
	vm9 =	veq.s32 v31, v32  }
0x56: {  	vm10 =	veq.s32 v31, v33;
	vm2 =	veq.s32 v31, v34;
	v12 =	vsel vm8, $0xF149F2CA, v19  }
0x57: {  	v9 =	vsel vm9, $0xF149F2CA, v9;
	v10 =	vsel vm10, $0xF149F2CA, v10;
	v11 =	vsel vm2, $0xF149F2CA, v11  }
0x58: {  	v13 =	vmax.f32 v12, v9;
	v14 =	vmax.f32 v10, v11  }
0x59: {  	v13 =	vmax.f32 v13, v14  }
0x5a: {  	(xrf0) =	vmax.scan.msk.f32 $0xffff, v13;
	_ =	sdelay $0x5  }
0x5b: {  	v13, _, _ =	vpop (xrf0)  }
0x5c: {  	v13 =	vbroadcast v13, $0xF;
	_ =	sdelay $0x1  }
0x5d: {  	vm11 =	vge.f32 v11, v13  }
0x5e: {  	vm1 =	vge.f32 v10, v13;
	v35 =	vnsel vm11, $0x7FFFFFC0, v25  }
0x5f: {  	vm12 =	vge.f32 v9, v13;
	v14 =	vsel vm1, v27, v35  }
0x60: {  	vm13 =	vge.f32 v12, v13;
	v36 =	vsel vm12, v29, v14  }
0x61: {  	v13 =	vsel vm13, v30, v36  }
0x62: {  	(xrf0) =	vmax.scan.msk.u32 $0xffff, v13;
	_ =	sdelay $0x5  }
0x63: {  	v13, _, _ =	vpop (xrf0)  }
0x64: {  	(v2sf) =	vpush v13, $0xF;
	_ =	sdelay $0xe  }
0x65: {  	s25 =	spop (v2sf)  }
0x66: {  	s5 =	sxor.u32 $0x7FFFFFFF, s25  }
0x67: {  	s5 =	sadd.s32 $0x1, s5  }
0x68: {  	v37 =	vmov s5  }
0x69: {  	vm14 =	veq.s32 v37, v22;
	vm15 =	veq.s32 v37, v32  }
0x6a: {  	vm4 =	veq.s32 v37, v33;
	vm5 =	veq.s32 v37, v34;
	v12 =	vsel vm14, $0xF149F2CA, v12  }
0x6b: {  	v9 =	vsel vm15, $0xF149F2CA, v9;
	v10 =	vsel vm4, $0xF149F2CA, v10;
	v11 =	vsel vm5, $0xF149F2CA, v11  }
0x6c: {  	v38 =	vmax.f32 v12, v9;
	v39 =	vmax.f32 v10, v11  }
0x6d: {  	v13 =	vmax.f32 v38, v39  }
0x6e: {  	(xrf0) =	vmax.scan.msk.f32 $0xffff, v13;
	_ =	sdelay $0x5  }
0x6f: {  	v13, _, _ =	vpop (xrf0)  }
0x70: {  	v13 =	vbroadcast v13, $0xF;
	_ =	sdelay $0x1  }
0x71: {  	vm6 =	vge.f32 v11, v13  }
0x72: {  	vm1 =	vge.f32 v10, v13;
	v40 =	vnsel vm6, $0x7FFFFFC0, v25  }
0x73: {  	vm7 =	vge.f32 v9, v13;
	v14 =	vsel vm1, v27, v40  }
0x74: {  	vm8 =	vge.f32 v12, v13;
	v41 =	vsel vm7, v29, v14  }
0x75: {  	v13 =	vsel vm8, v30, v41  }
0x76: {  	(xrf0) =	vmax.scan.msk.u32 $0xffff, v13;
	_ =	sdelay $0x5  }
0x77: {  	v13, _, _ =	vpop (xrf0)  }
0x78: {  	(v2sf) =	vpush v13, $0xF;
	_ =	sdelay $0xe  }
0x79: {  	s26 =	spop (v2sf)  }
0x7a: {  	s6 =	sxor.u32 $0x7FFFFFFF, s26  }
0x7b: {  	s6 =	sadd.s32 $0x1, s6  }
0x7c: {  	v42 =	vmov s6  }
0x7d: {  	vm9 =	veq.s32 v42, v22;
	vm10 =	veq.s32 v42, v32  }
0x7e: {  	vm11 =	veq.s32 v42, v33;
	vm12 =	veq.s32 v42, v34;
	v12 =	vsel vm9, $0xF149F2CA, v12  }
0x7f: {  	v9 =	vsel vm10, $0xF149F2CA, v9;
	v10 =	vsel vm11, $0xF149F2CA, v10;
	v11 =	vsel vm12, $0xF149F2CA, v11  }
0x80: {  	v43 =	vmax.f32 v12, v9;
	v44 =	vmax.f32 v10, v11  }
0x81: {  	v13 =	vmax.f32 v43, v44  }
0x82: {  	(xrf0) =	vmax.scan.msk.f32 $0xffff, v13;
	_ =	sdelay $0x5  }
0x83: {  	v13, _, _ =	vpop (xrf0)  }
0x84: {  	v13 =	vbroadcast v13, $0xF;
	_ =	sdelay $0x1  }
0x85: {  	vm13 =	vge.f32 v11, v13  }
0x86: {  	vm1 =	vge.f32 v10, v13;
	v45 =	vnsel vm13, $0x7FFFFFC0, v25  }
0x87: {  	vm14 =	vge.f32 v9, v13;
	v14 =	vsel vm1, v27, v45  }
0x88: {  	vm15 =	vge.f32 v12, v13;
	v46 =	vsel vm14, v29, v14  }
0x89: {  	v13 =	vsel vm15, v30, v46  }
0x8a: {  	(xrf0) =	vmax.scan.msk.u32 $0xffff, v13;
	_ =	sdelay $0x5  }
0x8b: {  	v13, _, _ =	vpop (xrf0)  }
0x8c: {  	(v2sf) =	vpush v13, $0xF;
	_ =	sdelay $0xe  }
0x8d: {  	s7 =	spop (v2sf)  }
0x8e: {  	s7 =	sxor.u32 $0x7FFFFFFF, s7  }
0x8f: {  	s7 =	sadd.s32 $0x1, s7  }
0x90: {  	v47 =	vmov s7  }
0x91: {  	vm4 =	veq.s32 v47, v22;
	vm5 =	veq.s32 v47, v32  }
0x92: {  	vm6 =	veq.s32 v47, v33;
	vm7 =	veq.s32 v47, v34;
	v12 =	vsel vm4, $0xF149F2CA, v12  }
0x93: {  	v9 =	vsel vm5, $0xF149F2CA, v9;
	v10 =	vsel vm6, $0xF149F2CA, v10;
	v11 =	vsel vm7, $0xF149F2CA, v11  }
0x94: {  	v48 =	vmax.f32 v12, v9;
	v49 =	vmax.f32 v10, v11  }
0x95: {  	v13 =	vmax.f32 v48, v49  }
0x96: {  	(xrf0) =	vmax.scan.msk.f32 $0xffff, v13;
	_ =	sdelay $0x5  }
0x97: {  	v13, _, _ =	vpop (xrf0)  }
0x98: {  	v13 =	vbroadcast v13, $0xF;
	_ =	sdelay $0x1  }
0x99: {  	vm8 =	vge.f32 v11, v13  }
0x9a: {  	vm1 =	vge.f32 v10, v13;
	v50 =	vnsel vm8, $0x7FFFFFC0, v25  }
0x9b: {  	vm9 =	vge.f32 v9, v13;
	v14 =	vsel vm1, v27, v50  }
0x9c: {  	vm10 =	vge.f32 v12, v13;
	v51 =	vsel vm9, v29, v14  }
0x9d: {  	v13 =	vsel vm10, v30, v51  }
0x9e: {  	(xrf0) =	vmax.scan.msk.u32 $0xffff, v13;
	_ =	sdelay $0x5  }
0x9f: {  	v13, _, _ =	vpop (xrf0)  }
0xa0: {  	(v2sf) =	vpush v13, $0xF;
	_ =	sdelay $0xe  }
0xa1: {  	s8 =	spop (v2sf)  }
0xa2: {  	s8 =	sxor.u32 $0x7FFFFFFF, s8  }
0xa3: {  	s8 =	sadd.s32 $0x1, s8  }
0xa4: {  	v52 =	vmov s8  }
0xa5: {  	vm11 =	veq.s32 v52, v22;
	vm12 =	veq.s32 v52, v32  }
0xa6: {  	vm13 =	veq.s32 v52, v33;
	vm14 =	veq.s32 v52, v34;
	v12 =	vsel vm11, $0xF149F2CA, v12  }
0xa7: {  	v9 =	vsel vm12, $0xF149F2CA, v9;
	v10 =	vsel vm13, $0xF149F2CA, v10;
	v11 =	vsel vm14, $0xF149F2CA, v11  }
0xa8: {  	v53 =	vmax.f32 v12, v9;
	v54 =	vmax.f32 v10, v11  }
0xa9: {  	v13 =	vmax.f32 v53, v54  }
0xaa: {  	(xrf0) =	vmax.scan.msk.f32 $0xffff, v13;
	_ =	sdelay $0x5  }
0xab: {  	v13, _, _ =	vpop (xrf0)  }
0xac: {  	v13 =	vbroadcast v13, $0xF;
	_ =	sdelay $0x1  }
0xad: {  	vm15 =	vge.f32 v11, v13  }
0xae: {  	vm1 =	vge.f32 v10, v13;
	v55 =	vnsel vm15, $0x7FFFFFC0, v25  }
0xaf: {  	vm4 =	vge.f32 v9, v13;
	v14 =	vsel vm1, v27, v55  }
0xb0: {  	vm5 =	vge.f32 v12, v13;
	v56 =	vsel vm4, v29, v14  }
0xb1: {  	v13 =	vsel vm5, v30, v56  }
0xb2: {  	(xrf0) =	vmax.scan.msk.u32 $0xffff, v13;
	_ =	sdelay $0x5  }
0xb3: {  	v13, _, _ =	vpop (xrf0)  }
0xb4: {  	(v2sf) =	vpush v13, $0xF;
	_ =	sdelay $0xe  }
0xb5: {  	s9 =	spop (v2sf)  }
0xb6: {  	s9 =	sxor.u32 $0x7FFFFFFF, s9  }
0xb7: {  	s9 =	sadd.s32 $0x1, s9  }
0xb8: {  	v57 =	vmov s9  }
0xb9: {  	vm6 =	veq.s32 v57, v22;
	vm7 =	veq.s32 v57, v32  }
0xba: {  	vm8 =	veq.s32 v57, v33;
	vm9 =	veq.s32 v57, v34;
	v12 =	vsel vm6, $0xF149F2CA, v12  }
0xbb: {  	v9 =	vsel vm7, $0xF149F2CA, v9;
	v10 =	vsel vm8, $0xF149F2CA, v10;
	v11 =	vsel vm9, $0xF149F2CA, v11  }
0xbc: {  	v58 =	vmax.f32 v12, v9;
	v59 =	vmax.f32 v10, v11  }
0xbd: {  	v13 =	vmax.f32 v58, v59  }
0xbe: {  	(xrf0) =	vmax.scan.msk.f32 $0xffff, v13;
	_ =	sdelay $0x5  }
0xbf: {  	v13, _, _ =	vpop (xrf0)  }
0xc0: {  	v13 =	vbroadcast v13, $0xF;
	_ =	sdelay $0x1  }
0xc1: {  	vm10 =	vge.f32 v11, v13  }
0xc2: {  	vm1 =	vge.f32 v10, v13;
	v60 =	vnsel vm10, $0x7FFFFFC0, v25  }
0xc3: {  	vm11 =	vge.f32 v9, v13;
	v14 =	vsel vm1, v27, v60  }
0xc4: {  	vm12 =	vge.f32 v12, v13;
	v61 =	vsel vm11, v29, v14  }
0xc5: {  	v13 =	vsel vm12, v30, v61  }
0xc6: {  	(xrf0) =	vmax.scan.msk.u32 $0xffff, v13;
	_ =	sdelay $0x5  }
0xc7: {  	v13, _, _ =	vpop (xrf0)  }
0xc8: {  	(v2sf) =	vpush v13, $0xF;
	_ =	sdelay $0xe  }
0xc9: {  	s10 =	spop (v2sf)  }
0xca: {  	s10 =	sxor.u32 $0x7FFFFFFF, s10  }
0xcb: {  	s10 =	sadd.s32 $0x1, s10  }
0xcc: {  	v62 =	vmov s10  }
0xcd: {  	vm13 =	veq.s32 v62, v22;
	vm14 =	veq.s32 v62, v32  }
0xce: {  	vm15 =	veq.s32 v62, v33;
	vm4 =	veq.s32 v62, v34;
	v12 =	vsel vm13, $0xF149F2CA, v12  }
0xcf: {  	v6 =	vsel vm14, $0xF149F2CA, v9;
	v7 =	vsel vm15, $0xF149F2CA, v10;
	v8 =	vsel vm4, $0xF149F2CA, v11  }
0xd0: {  	v9 =	vmax.f32 v12, v6;
	v10 =	vmax.f32 v7, v8  }
0xd1: {  	v9 =	vmax.f32 v9, v10  }
0xd2: {  	(xrf0) =	vmax.scan.msk.f32 $0xffff, v9;
	_ =	sdelay $0x5  }
0xd3: {  	v9, _, _ =	vpop (xrf0)  }
0xd4: {  	v9 =	vbroadcast v9, $0xF;
	_ =	sdelay $0x1  }
0xd5: {  	vm5 =	vge.f32 v8, v9  }
0xd6: {  	vm1 =	vge.f32 v7, v9;
	v1 =	vnsel vm5, $0x7FFFFFC0, v25  }
0xd7: {  	vm6 =	vge.f32 v6, v9;
	v1 =	vsel vm1, v27, v1  }
0xd8: {  	vm7 =	vge.f32 v12, v9;
	v1 =	vsel vm6, v29, v1  }
0xd9: {  	v1 =	vsel vm7, v30, v1  }
0xda: {  	(xrf0) =	vmax.scan.msk.u32 $0xffff, v1;
	_ =	sdelay $0x5  }
0xdb: {  	v1, _, _ =	vpop (xrf0)  }
0xdc: {  	(v2sf) =	vpush v1, $0xF;
	_ =	sdelay $0x9  }
0xdd: {  	vm8 =	vcmask $0x300  }
0xde: {  	vm9 =	vcmask $0x704;
	v63 =	vnsel vm8, $0x0, v31  }
0xdf: {  	vm10 =	vcmask $0x720;
	v1 =	vsel vm9, s5, v63  }
0xe0: {  	vm11 =	vcmask $0xB20;
	v1 =	vnsel vm10, s6, v1  }
0xe1: {  	vm12 =	vcmask $0xF20;
	v1 =	vnsel vm11, s7, v1  }
0xe2: {  	vm13 =	vcmask $0x1320;
	v1 =	vnsel vm12, s8, v1;
	s28 =	spop (v2sf)  }
0xe3: {  	vm14 =	vcmask $0x1720;
	v1 =	vnsel vm13, s9, v1;
	s5 =	sxor.u32 $0x7FFFFFFF, s28  }
0xe4: {  	vm15 =	veq.s32 v22, $0x7;
	v1 =	vnsel vm14, s10, v1;
	s5 =	sadd.s32 $0x1, s5  }
0xe5: {  	s29 =	sadd.s32 $0x1000, s3;
	s30 =	sshll.u32 s1, $0x1;
	v0 =	vsel vm15, s5, v1  }
0xe6: {  	s31 =	simm.s32 $0x180;
	s3 =	sadd.s32 s29, s30;
	[tilespmem:$0x180] =	vst v0  }
0xe7: {  	[hbm4b:s3+s2] =	stream.linear.scatter [tilespmem:s31], [sflag:$0x1], $0x10, $0x38;
	[tilespmem:$0x200] =	vst v63  }
0xe8: {  	_ =	swait.ge [sflag:s20], $0x10  }
0xe9: {  	[sflag:s20] =	ssyncset.done $0x0  }
0xea: {  	[sflag:s20] =	ssyncadd.s32 $0xFFFFFFF0  }
.LBB2_2:
0xeb: {  	_ =	sfence.sel $0x180000  }
0xec: {  	[bflag:$0x0] =	sbarrier.arrive $0xFFFF  }
0xed: {  	p0 =	sne.s32 s1, $0x0;
	_ =	strace $0x9000004A  }
0xee: {  	s0 =	sadd.s32 @!p0 $0x100000, s0;
	[bflag:$0x2] =	sbarrier.arrive $0xFFFF  }
0xef: {  	[sflag:s0] =	ssyncadd.tile.s32 @!p0 $0x1;
	_ =	shalt  }
.Lfunc_end2:
_tile_overlayer_lowered:
.L_overlay_start_2:
0xf0: {  	(tag) =	ssettag $0x2  }
0xf1: {  	s0 =	rddreg [dreg:$0x0];
	s2 =	stileid.u32  }
0xf2: {  	s1 =	rddreg [dreg:$0x1];
	p0 =	sne.s32 s2, $0x0  }
0xf3: {  	s3 =	rddreg [dreg:$0x2];
	[bflag:$0x3] =	sbarrier.arrive $0xFFFF;
	s2 =	simm.s32 @!p0 $0x1C01  }
0xf4: {  	[timem:s3], [sflag:s2] =	dma.local @!p0 [hbm:s0], s1  }
0xf5: {  	s0 =	simm.s32 @!p0 $0x1  }
0xf6: {  	_ =	swait.ge @!p0 [sflag:s0], s1  }
0xf7: {  	s1 =	ssub.s32 @!p0 $0x0, s1;
	[sflag:s0] =	ssyncset.done @!p0 $0x0  }
0xf8: {  	[sflag:s0] =	ssyncadd.s32 @!p0 s1  }
0xf9: {  	[bflag:$0x3] =	sbarrier.arrive $0xFFFF  }
0xfa: {  	_ =	shalt  }

</sc_bundles>
